<compile_context>
chip_gen: v7x
topology: tpu7x:2x2x1
jax: 0.10.2.dev20260603
libtpu: 0.0.44.dev20260713+nightly
codegen_flags: <defaults>
</compile_context>

<pallas_src>
import functools

import jax
import jax.numpy as jnp
from jax import lax
from jax.experimental import pallas as pl
from jax.experimental.pallas import tpu as pltpu
from jax.experimental.pallas import tpu_sc as plsc

NUM_TOKENS = 1000000
EMBED_DIM = 32
B = 16384
L = 50

NW = 32
CHUNK = 512
SUB = 128
NSUB = CHUNK // SUB
TOTAL = B * L
LH = 10
TOTAL_H = B * LH
PER_W = TOTAL_H // NW
NCHUNK = PER_W // CHUNK
NPAIR = NCHUNK // 2

BBR = 4096
NGB = B // (4 * BBR)


def _fire(table_hbm, idx_v, rows_v, buf, sem):
    for j in range(NSUB):
        pltpu.async_copy(
            table_hbm.at[idx_v.at[buf, pl.ds(j * SUB, SUB)]],
            rows_v.at[buf, pl.ds(j * SUB, SUB)],
            sem)


def _drain(table_hbm, idx_v, rows_v, buf, sem):
    for j in range(NSUB):
        pltpu.make_async_copy(
            table_hbm.at[idx_v.at[buf, pl.ds(j * SUB, SUB)]],
            rows_v.at[buf, pl.ds(j * SUB, SUB)],
            sem).wait()


def _sc_body(table_hbm, x_hbm, out_hbm, idx_v, rows_v, sem0, sem1):
    wid = lax.axis_index("s") * 2 + lax.axis_index("c")
    base = wid * PER_W

    def store(buf, c):
        p0 = base + c * CHUNK
        li = p0 >> 14
        r = p0 & (B - 1)
        m = r >> 12
        k0 = r & (B // 4 - 1)
        pltpu.sync_copy(rows_v.at[buf],
                        out_hbm.at[li, pl.ds(k0, CHUNK), m])

    pltpu.sync_copy(x_hbm.at[wid, 0], idx_v.at[0])
    _fire(table_hbm, idx_v, rows_v, 0, sem0)

    def pair(q, _):
        c1 = 2 * q + 1
        pltpu.sync_copy(x_hbm.at[wid, c1], idx_v.at[1])
        _fire(table_hbm, idx_v, rows_v, 1, sem1)
        _drain(table_hbm, idx_v, rows_v, 0, sem0)
        store(0, c1 - 1)

        if NCHUNK % 2 == 1:
            pltpu.sync_copy(x_hbm.at[wid, c1 + 1], idx_v.at[0])
            _fire(table_hbm, idx_v, rows_v, 0, sem0)
        else:
            @pl.when(q < NPAIR - 1)
            def _():
                pltpu.sync_copy(x_hbm.at[wid, c1 + 1], idx_v.at[0])
                _fire(table_hbm, idx_v, rows_v, 0, sem0)

        _drain(table_hbm, idx_v, rows_v, 1, sem1)
        store(1, c1)
        return 0

    lax.fori_loop(0, NPAIR, pair, 0)
    if NCHUNK % 2 == 1:
        _drain(table_hbm, idx_v, rows_v, 0, sem0)
        store(0, NCHUNK - 1)


def _sc_gather(table, x_r):
    mesh = plsc.VectorSubcoreMesh(core_axis_name="c", subcore_axis_name="s")
    return pl.kernel(
        _sc_body,
        out_type=jax.ShapeDtypeStruct((LH, B // 4, 4, EMBED_DIM), jnp.float32),
        mesh=mesh,
        scratch_types=[
            pltpu.VMEM((2, CHUNK), jnp.int32),
            pltpu.VMEM((2, CHUNK, EMBED_DIM), jnp.float32),
            pltpu.SemaphoreType.DMA,
            pltpu.SemaphoreType.DMA,
        ],
        compiler_params=pltpu.CompilerParams(use_tc_tiling_on_sc=False),
    )(table, x_r)


WT = 16384
BRT = WT // 4
NWT = -(-NUM_TOKENS // WT)
PAD_TOKENS = NWT * WT


def _tc0_body(in_ref, out_ref, scratch):
    x = in_ref[...]
    for m in range(4):
        scratch[m * EMBED_DIM:(m + 1) * EMBED_DIM, :] = (
            x[:, m * BRT:(m + 1) * BRT])
    out_ref[...] = scratch[...].T


def _tc_relayout_table(table_t):
    return pl.pallas_call(
        _tc0_body,
        grid=(NWT,),
        in_specs=[pl.BlockSpec((EMBED_DIM, WT), lambda w: (0, w))],
        out_specs=pl.BlockSpec((BRT, 128), lambda w: (w, 0)),
        out_shape=jax.ShapeDtypeStruct((PAD_TOKENS // 4, 128), jnp.float32),
        scratch_shapes=[pltpu.VMEM((128, BRT), jnp.float32)],
    )(table_t)


def _tc_tanh_t(rows2, l_off, prev=None):
    def body(*refs):
        in_ref, out_ref = refs[0], refs[-1]
        y = jnp.tanh(in_ref[...]).T
        for m in range(4):
            out_ref[0, :, m * BBR:(m + 1) * BBR] = (
                y[m * EMBED_DIM:(m + 1) * EMBED_DIM, :])

    in_specs = [pl.BlockSpec((BBR, 128), lambda l, g: (l * NGB + g, 0))]
    args = [rows2]
    aliases = {}
    if prev is not None:
        in_specs.append(pl.BlockSpec(memory_space=pl.ANY))
        args.append(prev)
        aliases = {1: 0}
    return pl.pallas_call(
        body,
        grid=(LH, NGB),
        in_specs=in_specs,
        out_specs=pl.BlockSpec((1, EMBED_DIM, 4 * BBR),
                               lambda l, g: (l + l_off, 0, g)),
        out_shape=jax.ShapeDtypeStruct((L, EMBED_DIM, B), jnp.float32),
        input_output_aliases=aliases,
    )(*args)


@jax.jit
def kernel(x, table):
    xt = x.T
    rem = xt & (WT - 1)
    xt = (xt - rem) + ((rem & (BRT - 1)) << 2) + (rem >> (BRT.bit_length() - 1))
    table_rm = _tc_relayout_table(table.T).reshape(PAD_TOKENS, EMBED_DIM)
    t = None
    for h in range(L // LH):
        x_h = xt[h * LH:(h + 1) * LH].reshape(NW, NCHUNK, CHUNK)
        rows = _sc_gather(table_rm, x_h)
        t = _tc_tanh_t(rows.reshape(TOTAL_H * EMBED_DIM // 128, 128),
                       h * LH, t)
    return t.transpose(2, 0, 1)

# --- scband reference (transcript-rebuilt; emitter-appended) ---
"""Pipeline reference for scband-token-embedding-26199300506013 (READ-ONLY COPY).

The authoritative reference and input builder live on the scoring server;
editing this copy changes nothing except your own understanding.
"""

import jax, jax.numpy as jnp
import numpy as np

NUM_TOKENS = 1000000
EMBED_DIM = 32
B = 16384
L = 50

def setup_inputs(seed: int = 0) -> dict:
    key = jax.random.key(seed)
    k_idx, k_tab = jax.random.split(key)
    x = jax.random.randint(k_idx, (B, L), 0, NUM_TOKENS, dtype=jnp.int64 if jax.config.jax_enable_x64 else jnp.int32)
    table = jax.random.normal(k_tab, (NUM_TOKENS, EMBED_DIM), dtype=jnp.float32)
    return {"x": x, "table": table}

def reference(x, table):
    # TokenEmbedding.forward: tanh(embedding(x))
    emb = jnp.take(table, x, axis=0)
    return jnp.tanh(emb)

if __name__ == "__main__":
    import jax
    _d = setup_inputs()
    print(jax.jit(kernel)(*tuple(_d.values())))

</pallas_src>

<mosaic_0001>
#map = affine_map<(d0, d1) -> (0, 0)>
#map1 = affine_map<(d0, d1) -> (0, 0, 0)>
#map2 = affine_map<(d0, d1) -> (0, 0, 0, 0)>
module attributes {stable_mosaic.version = 14 : i64} {
  func.func @_sc_body(%arg0: i32, %arg1: i32, %arg2: memref<1015808x32xf32, #tpu.memory_space<hbm>>, %arg3: memref<32x10x512xi32, #tpu.memory_space<hbm>>, %arg4: memref<10x4096x4x32xf32, #tpu.memory_space<hbm>>, %arg5: memref<2x512xi32, #tpu.memory_space<vmem>>, %arg6: memref<2x512x32xf32, #tpu.memory_space<vmem>>, %arg7: memref<!tpu.dma_semaphore, #tpu.memory_space<semaphore_mem>>, %arg8: memref<!tpu.dma_semaphore, #tpu.memory_space<semaphore_mem>>) attributes {dimension_semantics = [#tpu.dimension_semantics<core_parallel>, #tpu.dimension_semantics<subcore_parallel>], iteration_bounds = array<i64: 2, 16>, scalar_prefetch = 0 : i64, scratch_operands = 4 : i64, tpu.core_type = #tpu.core_type<sc_vector_subcore>, window_params = [{transform_indices = #map}, {transform_indices = #map1}, {transform_indices = #map2}]} {
    %mul3A = arith.constant 2 : i32
    %mul3A_0 = arith.muli %arg1, %mul3A : i32
    %add3A = arith.addi %mul3A_0, %arg0 : i32
    %mul3A_1 = arith.constant 5120 : i32
    %mul3A_2 = arith.muli %add3A, %mul3A_1 : i32
    %run_scoped3A = arith.constant 0 : i32
    %run_scoped3A_3 = arith.constant 0 : i32
    "tpu.region"() ({
      %run_scoped3A_57 = tpu.sem_alloc : memref<!tpu.dma_semaphore, #tpu.memory_space<semaphore_mem>>
      %dma_start3A_58 = arith.constant 0 : i32
      %dma_start3A_59 = tpu.memref_slice %arg5[%run_scoped3A_3, %dma_start3A_58] : memref<2x512xi32, #tpu.memory_space<vmem>> -> memref<1x512xi32, #tpu.memory_space<vmem>>
      %dma_start3A_60 = tpu.memref_squeeze %dma_start3A_59 : memref<1x512xi32, #tpu.memory_space<vmem>> -> memref<512xi32, #tpu.memory_space<vmem>>
      %dma_start3A_61 = arith.constant 0 : i32
      %dma_start3A_62 = tpu.memref_slice %arg3[%add3A, %run_scoped3A, %dma_start3A_61] : memref<32x10x512xi32, #tpu.memory_space<hbm>> -> memref<1x1x512xi32, #tpu.memory_space<hbm>>
      %dma_start3A_63 = tpu.memref_squeeze %dma_start3A_62 : memref<1x1x512xi32, #tpu.memory_space<hbm>> -> memref<512xi32, #tpu.memory_space<hbm>>
      %dma_start3A_64 = arith.constant 0 : i32
      %dma_start3A_65 = tpu.memref_slice %arg5[%run_scoped3A_3, %dma_start3A_64] : memref<2x512xi32, #tpu.memory_space<vmem>> -> memref<1x512xi32, #tpu.memory_space<vmem>>
      %dma_start3A_66 = tpu.memref_squeeze %dma_start3A_65 : memref<1x512xi32, #tpu.memory_space<vmem>> -> memref<512xi32, #tpu.memory_space<vmem>>
      %dma_start3A_67 = arith.constant 0 : i32
      %dma_start3A_68 = tpu.memref_slice %arg3[%add3A, %run_scoped3A, %dma_start3A_67] : memref<32x10x512xi32, #tpu.memory_space<hbm>> -> memref<1x1x512xi32, #tpu.memory_space<hbm>>
      %dma_start3A_69 = tpu.memref_squeeze %dma_start3A_68 : memref<1x1x512xi32, #tpu.memory_space<hbm>> -> memref<512xi32, #tpu.memory_space<hbm>>
      tpu.enqueue_dma source(%dma_start3A_69 : memref<512xi32, #tpu.memory_space<hbm>>) target(%dma_start3A_66 : memref<512xi32, #tpu.memory_space<vmem>>) target_semaphore(%run_scoped3A_57 : memref<!tpu.dma_semaphore, #tpu.memory_space<semaphore_mem>>)
      %dma_wait3A = arith.constant 0 : i32
      %dma_wait3A_70 = tpu.memref_slice %arg5[%run_scoped3A_3, %dma_wait3A] : memref<2x512xi32, #tpu.memory_space<vmem>> -> memref<1x512xi32, #tpu.memory_space<vmem>>
      %dma_wait3A_71 = tpu.memref_squeeze %dma_wait3A_70 : memref<1x512xi32, #tpu.memory_space<vmem>> -> memref<512xi32, #tpu.memory_space<vmem>>
      %dma_wait3A_72 = arith.constant 0 : i32
      %dma_wait3A_73 = tpu.memref_slice %arg3[%add3A, %run_scoped3A, %dma_wait3A_72] : memref<32x10x512xi32, #tpu.memory_space<hbm>> -> memref<1x1x512xi32, #tpu.memory_space<hbm>>
      %dma_wait3A_74 = tpu.memref_squeeze %dma_wait3A_73 : memref<1x1x512xi32, #tpu.memory_space<hbm>> -> memref<512xi32, #tpu.memory_space<hbm>>
      %dma_wait3A_75 = arith.constant 0 : i32
      %dma_wait3A_76 = tpu.memref_slice %arg5[%run_scoped3A_3, %dma_wait3A_75] : memref<2x512xi32, #tpu.memory_space<vmem>> -> memref<1x512xi32, #tpu.memory_space<vmem>>
      %dma_wait3A_77 = tpu.memref_squeeze %dma_wait3A_76 : memref<1x512xi32, #tpu.memory_space<vmem>> -> memref<512xi32, #tpu.memory_space<vmem>>
      %dma_wait3A_78 = arith.constant 0 : i32
      %dma_wait3A_79 = tpu.memref_slice %arg3[%add3A, %run_scoped3A, %dma_wait3A_78] : memref<32x10x512xi32, #tpu.memory_space<hbm>> -> memref<1x1x512xi32, #tpu.memory_space<hbm>>
      %dma_wait3A_80 = tpu.memref_squeeze %dma_wait3A_79 : memref<1x1x512xi32, #tpu.memory_space<hbm>> -> memref<512xi32, #tpu.memory_space<hbm>>
      tpu.wait_dma2 semaphore(%run_scoped3A_57 : memref<!tpu.dma_semaphore, #tpu.memory_space<semaphore_mem>>) src(%dma_wait3A_80 : memref<512xi32, #tpu.memory_space<hbm>>) dst(%dma_wait3A_77 : memref<512xi32, #tpu.memory_space<vmem>>)
      tpu.yield
    }) : () -> ()
    %dma_start3A = arith.constant 0 : i32
    %dma_start3A_4 = arith.constant 0 : i32
    %dma_start3A_5 = arith.constant 0 : i32
    %dma_start3A_6 = arith.constant 0 : i32
    %dma_start3A_7 = tpu.memref_slice %arg6[%dma_start3A_4, %dma_start3A_5, %dma_start3A_6] : memref<2x512x32xf32, #tpu.memory_space<vmem>> -> memref<1x128x32xf32, #tpu.memory_space<vmem>>
    %dma_start3A_8 = tpu.memref_squeeze %dma_start3A_7 : memref<1x128x32xf32, #tpu.memory_space<vmem>> -> memref<128x32xf32, #tpu.memory_space<vmem>>
    %dma_start3A_9 = arith.constant 0 : i32
    %dma_start3A_10 = tpu.memref_slice %arg5[%dma_start3A, %dma_start3A_9] : memref<2x512xi32, #tpu.memory_space<vmem>> -> memref<1x128xi32, #tpu.memory_space<vmem>>
    %dma_start3A_11 = tpu.memref_squeeze %dma_start3A_10 : memref<1x128xi32, #tpu.memory_space<vmem>> -> memref<128xi32, #tpu.memory_space<vmem>>
    %dma_start3A_12 = arith.constant 0 : i32
    %dma_start3A_13 = arith.constant 0 : i32
    %dma_start3A_14 = tpu.memref_slice %arg2[%dma_start3A_12, %dma_start3A_13] : memref<1015808x32xf32, #tpu.memory_space<hbm>> -> memref<1015808x32xf32, #tpu.memory_space<hbm>>
    tpu.enqueue_indirect_dma source(%dma_start3A_14 : memref<1015808x32xf32, #tpu.memory_space<hbm>>) target(%dma_start3A_8 : memref<128x32xf32, #tpu.memory_space<vmem>>) offsets(%dma_start3A_11 : memref<128xi32, #tpu.memory_space<vmem>>) semaphore(%arg7 : memref<!tpu.dma_semaphore, #tpu.memory_space<semaphore_mem>>)
    %dma_start3A_15 = arith.constant 0 : i32
    %dma_start3A_16 = arith.constant 0 : i32
    %dma_start3A_17 = arith.constant 128 : i32
    %dma_start3A_18 = arith.constant 0 : i32
    %dma_start3A_19 = tpu.memref_slice %arg6[%dma_start3A_16, %dma_start3A_17, %dma_start3A_18] : memref<2x512x32xf32, #tpu.memory_space<vmem>> -> memref<1x128x32xf32, #tpu.memory_space<vmem>>
    %dma_start3A_20 = tpu.memref_squeeze %dma_start3A_19 : memref<1x128x32xf32, #tpu.memory_space<vmem>> -> memref<128x32xf32, #tpu.memory_space<vmem>>
    %dma_start3A_21 = arith.constant 128 : i32
    %dma_start3A_22 = tpu.memref_slice %arg5[%dma_start3A_15, %dma_start3A_21] : memref<2x512xi32, #tpu.memory_space<vmem>> -> memref<1x128xi32, #tpu.memory_space<vmem>>
    %dma_start3A_23 = tpu.memref_squeeze %dma_start3A_22 : memref<1x128xi32, #tpu.memory_space<vmem>> -> memref<128xi32, #tpu.memory_space<vmem>>
    %dma_start3A_24 = arith.constant 0 : i32
    %dma_start3A_25 = arith.constant 0 : i32
    %dma_start3A_26 = tpu.memref_slice %arg2[%dma_start3A_24, %dma_start3A_25] : memref<1015808x32xf32, #tpu.memory_space<hbm>> -> memref<1015808x32xf32, #tpu.memory_space<hbm>>
    tpu.enqueue_indirect_dma source(%dma_start3A_26 : memref<1015808x32xf32, #tpu.memory_space<hbm>>) target(%dma_start3A_20 : memref<128x32xf32, #tpu.memory_space<vmem>>) offsets(%dma_start3A_23 : memref<128xi32, #tpu.memory_space<vmem>>) semaphore(%arg7 : memref<!tpu.dma_semaphore, #tpu.memory_space<semaphore_mem>>)
    %dma_start3A_27 = arith.constant 0 : i32
    %dma_start3A_28 = arith.constant 0 : i32
    %dma_start3A_29 = arith.constant 256 : i32
    %dma_start3A_30 = arith.constant 0 : i32
    %dma_start3A_31 = tpu.memref_slice %arg6[%dma_start3A_28, %dma_start3A_29, %dma_start3A_30] : memref<2x512x32xf32, #tpu.memory_space<vmem>> -> memref<1x128x32xf32, #tpu.memory_space<vmem>>
    %dma_start3A_32 = tpu.memref_squeeze %dma_start3A_31 : memref<1x128x32xf32, #tpu.memory_space<vmem>> -> memref<128x32xf32, #tpu.memory_space<vmem>>
    %dma_start3A_33 = arith.constant 256 : i32
    %dma_start3A_34 = tpu.memref_slice %arg5[%dma_start3A_27, %dma_start3A_33] : memref<2x512xi32, #tpu.memory_space<vmem>> -> memref<1x128xi32, #tpu.memory_space<vmem>>
    %dma_start3A_35 = tpu.memref_squeeze %dma_start3A_34 : memref<1x128xi32, #tpu.memory_space<vmem>> -> memref<128xi32, #tpu.memory_space<vmem>>
    %dma_start3A_36 = arith.constant 0 : i32
    %dma_start3A_37 = arith.constant 0 : i32
    %dma_start3A_38 = tpu.memref_slice %arg2[%dma_start3A_36, %dma_start3A_37] : memref<1015808x32xf32, #tpu.memory_space<hbm>> -> memref<1015808x32xf32, #tpu.memory_space<hbm>>
    tpu.enqueue_indirect_dma source(%dma_start3A_38 : memref<1015808x32xf32, #tpu.memory_space<hbm>>) target(%dma_start3A_32 : memref<128x32xf32, #tpu.memory_space<vmem>>) offsets(%dma_start3A_35 : memref<128xi32, #tpu.memory_space<vmem>>) semaphore(%arg7 : memref<!tpu.dma_semaphore, #tpu.memory_space<semaphore_mem>>)
    %dma_start3A_39 = arith.constant 0 : i32
    %dma_start3A_40 = arith.constant 0 : i32
    %dma_start3A_41 = arith.constant 384 : i32
    %dma_start3A_42 = arith.constant 0 : i32
    %dma_start3A_43 = tpu.memref_slice %arg6[%dma_start3A_40, %dma_start3A_41, %dma_start3A_42] : memref<2x512x32xf32, #tpu.memory_space<vmem>> -> memref<1x128x32xf32, #tpu.memory_space<vmem>>
    %dma_start3A_44 = tpu.memref_squeeze %dma_start3A_43 : memref<1x128x32xf32, #tpu.memory_space<vmem>> -> memref<128x32xf32, #tpu.memory_space<vmem>>
    %dma_start3A_45 = arith.constant 384 : i32
    %dma_start3A_46 = tpu.memref_slice %arg5[%dma_start3A_39, %dma_start3A_45] : memref<2x512xi32, #tpu.memory_space<vmem>> -> memref<1x128xi32, #tpu.memory_space<vmem>>
    %dma_start3A_47 = tpu.memref_squeeze %dma_start3A_46 : memref<1x128xi32, #tpu.memory_space<vmem>> -> memref<128xi32, #tpu.memory_space<vmem>>
    %dma_start3A_48 = arith.constant 0 : i32
    %dma_start3A_49 = arith.constant 0 : i32
    %dma_start3A_50 = tpu.memref_slice %arg2[%dma_start3A_48, %dma_start3A_49] : memref<1015808x32xf32, #tpu.memory_space<hbm>> -> memref<1015808x32xf32, #tpu.memory_space<hbm>>
    tpu.enqueue_indirect_dma source(%dma_start3A_50 : memref<1015808x32xf32, #tpu.memory_space<hbm>>) target(%dma_start3A_44 : memref<128x32xf32, #tpu.memory_space<vmem>>) offsets(%dma_start3A_47 : memref<128xi32, #tpu.memory_space<vmem>>) semaphore(%arg7 : memref<!tpu.dma_semaphore, #tpu.memory_space<semaphore_mem>>)
    %scan3A = arith.constant 0 : i32
    %scan3A_51 = arith.constant 0 : i32
    %scan3A_52 = arith.constant 5 : i32
    %scan3A_53 = arith.addi %scan3A_51, %scan3A_52 : i32
    %scan3A_54 = arith.constant 1 : i32
    %scan3A_55 = scf.for %scan3A_57 = %scan3A_51 to %scan3A_53 step %scan3A_54 iter_args(%scan3A_58 = %scan3A) -> (i32)  : i32 {
      %mul3A_59 = arith.constant 2 : i32
      %mul3A_60 = arith.muli %mul3A_59, %scan3A_57 : i32
      %add3A_61 = arith.constant 1 : i32
      %add3A_62 = arith.addi %mul3A_60, %add3A_61 : i32
      %run_scoped3A_63 = arith.constant 1 : i32
      "tpu.region"() ({
        %run_scoped3A_233 = tpu.sem_alloc : memref<!tpu.dma_semaphore, #tpu.memory_space<semaphore_mem>>
        %dma_start3A_234 = arith.constant 0 : i32
        %dma_start3A_235 = tpu.memref_slice %arg5[%run_scoped3A_63, %dma_start3A_234] : memref<2x512xi32, #tpu.memory_space<vmem>> -> memref<1x512xi32, #tpu.memory_space<vmem>>
        %dma_start3A_236 = tpu.memref_squeeze %dma_start3A_235 : memref<1x512xi32, #tpu.memory_space<vmem>> -> memref<512xi32, #tpu.memory_space<vmem>>
        %dma_start3A_237 = arith.constant 0 : i32
        %dma_start3A_238 = tpu.memref_slice %arg3[%add3A, %add3A_62, %dma_start3A_237] : memref<32x10x512xi32, #tpu.memory_space<hbm>> -> memref<1x1x512xi32, #tpu.memory_space<hbm>>
        %dma_start3A_239 = tpu.memref_squeeze %dma_start3A_238 : memref<1x1x512xi32, #tpu.memory_space<hbm>> -> memref<512xi32, #tpu.memory_space<hbm>>
        %dma_start3A_240 = arith.constant 0 : i32
        %dma_start3A_241 = tpu.memref_slice %arg5[%run_scoped3A_63, %dma_start3A_240] : memref<2x512xi32, #tpu.memory_space<vmem>> -> memref<1x512xi32, #tpu.memory_space<vmem>>
        %dma_start3A_242 = tpu.memref_squeeze %dma_start3A_241 : memref<1x512xi32, #tpu.memory_space<vmem>> -> memref<512xi32, #tpu.memory_space<vmem>>
        %dma_start3A_243 = arith.constant 0 : i32
        %dma_start3A_244 = tpu.memref_slice %arg3[%add3A, %add3A_62, %dma_start3A_243] : memref<32x10x512xi32, #tpu.memory_space<hbm>> -> memref<1x1x512xi32, #tpu.memory_space<hbm>>
        %dma_start3A_245 = tpu.memref_squeeze %dma_start3A_244 : memref<1x1x512xi32, #tpu.memory_space<hbm>> -> memref<512xi32, #tpu.memory_space<hbm>>
        tpu.enqueue_dma source(%dma_start3A_245 : memref<512xi32, #tpu.memory_space<hbm>>) target(%dma_start3A_242 : memref<512xi32, #tpu.memory_space<vmem>>) target_semaphore(%run_scoped3A_233 : memref<!tpu.dma_semaphore, #tpu.memory_space<semaphore_mem>>)
        %dma_wait3A_246 = arith.constant 0 : i32
        %dma_wait3A_247 = tpu.memref_slice %arg5[%run_scoped3A_63, %dma_wait3A_246] : memref<2x512xi32, #tpu.memory_space<vmem>> -> memref<1x512xi32, #tpu.memory_space<vmem>>
        %dma_wait3A_248 = tpu.memref_squeeze %dma_wait3A_247 : memref<1x512xi32, #tpu.memory_space<vmem>> -> memref<512xi32, #tpu.memory_space<vmem>>
        %dma_wait3A_249 = arith.constant 0 : i32
        %dma_wait3A_250 = tpu.memref_slice %arg3[%add3A, %add3A_62, %dma_wait3A_249] : memref<32x10x512xi32, #tpu.memory_space<hbm>> -> memref<1x1x512xi32, #tpu.memory_space<hbm>>
        %dma_wait3A_251 = tpu.memref_squeeze %dma_wait3A_250 : memref<1x1x512xi32, #tpu.memory_space<hbm>> -> memref<512xi32, #tpu.memory_space<hbm>>
        %dma_wait3A_252 = arith.constant 0 : i32
        %dma_wait3A_253 = tpu.memref_slice %arg5[%run_scoped3A_63, %dma_wait3A_252] : memref<2x512xi32, #tpu.memory_space<vmem>> -> memref<1x512xi32, #tpu.memory_space<vmem>>
        %dma_wait3A_254 = tpu.memref_squeeze %dma_wait3A_253 : memref<1x512xi32, #tpu.memory_space<vmem>> -> memref<512xi32, #tpu.memory_space<vmem>>
        %dma_wait3A_255 = arith.constant 0 : i32
        %dma_wait3A_256 = tpu.memref_slice %arg3[%add3A, %add3A_62, %dma_wait3A_255] : memref<32x10x512xi32, #tpu.memory_space<hbm>> -> memref<1x1x512xi32, #tpu.memory_space<hbm>>
        %dma_wait3A_257 = tpu.memref_squeeze %dma_wait3A_256 : memref<1x1x512xi32, #tpu.memory_space<hbm>> -> memref<512xi32, #tpu.memory_space<hbm>>
        tpu.wait_dma2 semaphore(%run_scoped3A_233 : memref<!tpu.dma_semaphore, #tpu.memory_space<semaphore_mem>>) src(%dma_wait3A_257 : memref<512xi32, #tpu.memory_space<hbm>>) dst(%dma_wait3A_254 : memref<512xi32, #tpu.memory_space<vmem>>)
        tpu.yield
      }) : () -> ()
      %dma_start3A_64 = arith.constant 1 : i32
      %dma_start3A_65 = arith.constant 1 : i32
      %dma_start3A_66 = arith.constant 0 : i32
      %dma_start3A_67 = arith.constant 0 : i32
      %dma_start3A_68 = tpu.memref_slice %arg6[%dma_start3A_65, %dma_start3A_66, %dma_start3A_67] : memref<2x512x32xf32, #tpu.memory_space<vmem>> -> memref<1x128x32xf32, #tpu.memory_space<vmem>>
      %dma_start3A_69 = tpu.memref_squeeze %dma_start3A_68 : memref<1x128x32xf32, #tpu.memory_space<vmem>> -> memref<128x32xf32, #tpu.memory_space<vmem>>
      %dma_start3A_70 = arith.constant 0 : i32
      %dma_start3A_71 = tpu.memref_slice %arg5[%dma_start3A_64, %dma_start3A_70] : memref<2x512xi32, #tpu.memory_space<vmem>> -> memref<1x128xi32, #tpu.memory_space<vmem>>
      %dma_start3A_72 = tpu.memref_squeeze %dma_start3A_71 : memref<1x128xi32, #tpu.memory_space<vmem>> -> memref<128xi32, #tpu.memory_space<vmem>>
      %dma_start3A_73 = arith.constant 0 : i32
      %dma_start3A_74 = arith.constant 0 : i32
      %dma_start3A_75 = tpu.memref_slice %arg2[%dma_start3A_73, %dma_start3A_74] : memref<1015808x32xf32, #tpu.memory_space<hbm>> -> memref<1015808x32xf32, #tpu.memory_space<hbm>>
      tpu.enqueue_indirect_dma source(%dma_start3A_75 : memref<1015808x32xf32, #tpu.memory_space<hbm>>) target(%dma_start3A_69 : memref<128x32xf32, #tpu.memory_space<vmem>>) offsets(%dma_start3A_72 : memref<128xi32, #tpu.memory_space<vmem>>) semaphore(%arg8 : memref<!tpu.dma_semaphore, #tpu.memory_space<semaphore_mem>>)
      %dma_start3A_76 = arith.constant 1 : i32
      %dma_start3A_77 = arith.constant 1 : i32
      %dma_start3A_78 = arith.constant 128 : i32
      %dma_start3A_79 = arith.constant 0 : i32
      %dma_start3A_80 = tpu.memref_slice %arg6[%dma_start3A_77, %dma_start3A_78, %dma_start3A_79] : memref<2x512x32xf32, #tpu.memory_space<vmem>> -> memref<1x128x32xf32, #tpu.memory_space<vmem>>
      %dma_start3A_81 = tpu.memref_squeeze %dma_start3A_80 : memref<1x128x32xf32, #tpu.memory_space<vmem>> -> memref<128x32xf32, #tpu.memory_space<vmem>>
      %dma_start3A_82 = arith.constant 128 : i32
      %dma_start3A_83 = tpu.memref_slice %arg5[%dma_start3A_76, %dma_start3A_82] : memref<2x512xi32, #tpu.memory_space<vmem>> -> memref<1x128xi32, #tpu.memory_space<vmem>>
      %dma_start3A_84 = tpu.memref_squeeze %dma_start3A_83 : memref<1x128xi32, #tpu.memory_space<vmem>> -> memref<128xi32, #tpu.memory_space<vmem>>
      %dma_start3A_85 = arith.constant 0 : i32
      %dma_start3A_86 = arith.constant 0 : i32
      %dma_start3A_87 = tpu.memref_slice %arg2[%dma_start3A_85, %dma_start3A_86] : memref<1015808x32xf32, #tpu.memory_space<hbm>> -> memref<1015808x32xf32, #tpu.memory_space<hbm>>
      tpu.enqueue_indirect_dma source(%dma_start3A_87 : memref<1015808x32xf32, #tpu.memory_space<hbm>>) target(%dma_start3A_81 : memref<128x32xf32, #tpu.memory_space<vmem>>) offsets(%dma_start3A_84 : memref<128xi32, #tpu.memory_space<vmem>>) semaphore(%arg8 : memref<!tpu.dma_semaphore, #tpu.memory_space<semaphore_mem>>)
      %dma_start3A_88 = arith.constant 1 : i32
      %dma_start3A_89 = arith.constant 1 : i32
      %dma_start3A_90 = arith.constant 256 : i32
      %dma_start3A_91 = arith.constant 0 : i32
      %dma_start3A_92 = tpu.memref_slice %arg6[%dma_start3A_89, %dma_start3A_90, %dma_start3A_91] : memref<2x512x32xf32, #tpu.memory_space<vmem>> -> memref<1x128x32xf32, #tpu.memory_space<vmem>>
      %dma_start3A_93 = tpu.memref_squeeze %dma_start3A_92 : memref<1x128x32xf32, #tpu.memory_space<vmem>> -> memref<128x32xf32, #tpu.memory_space<vmem>>
      %dma_start3A_94 = arith.constant 256 : i32
      %dma_start3A_95 = tpu.memref_slice %arg5[%dma_start3A_88, %dma_start3A_94] : memref<2x512xi32, #tpu.memory_space<vmem>> -> memref<1x128xi32, #tpu.memory_space<vmem>>
      %dma_start3A_96 = tpu.memref_squeeze %dma_start3A_95 : memref<1x128xi32, #tpu.memory_space<vmem>> -> memref<128xi32, #tpu.memory_space<vmem>>
      %dma_start3A_97 = arith.constant 0 : i32
      %dma_start3A_98 = arith.constant 0 : i32
      %dma_start3A_99 = tpu.memref_slice %arg2[%dma_start3A_97, %dma_start3A_98] : memref<1015808x32xf32, #tpu.memory_space<hbm>> -> memref<1015808x32xf32, #tpu.memory_space<hbm>>
      tpu.enqueue_indirect_dma source(%dma_start3A_99 : memref<1015808x32xf32, #tpu.memory_space<hbm>>) target(%dma_start3A_93 : memref<128x32xf32, #tpu.memory_space<vmem>>) offsets(%dma_start3A_96 : memref<128xi32, #tpu.memory_space<vmem>>) semaphore(%arg8 : memref<!tpu.dma_semaphore, #tpu.memory_space<semaphore_mem>>)
      %dma_start3A_100 = arith.constant 1 : i32
      %dma_start3A_101 = arith.constant 1 : i32
      %dma_start3A_102 = arith.constant 384 : i32
      %dma_start3A_103 = arith.constant 0 : i32
      %dma_start3A_104 = tpu.memref_slice %arg6[%dma_start3A_101, %dma_start3A_102, %dma_start3A_103] : memref<2x512x32xf32, #tpu.memory_space<vmem>> -> memref<1x128x32xf32, #tpu.memory_space<vmem>>
      %dma_start3A_105 = tpu.memref_squeeze %dma_start3A_104 : memref<1x128x32xf32, #tpu.memory_space<vmem>> -> memref<128x32xf32, #tpu.memory_space<vmem>>
      %dma_start3A_106 = arith.constant 384 : i32
      %dma_start3A_107 = tpu.memref_slice %arg5[%dma_start3A_100, %dma_start3A_106] : memref<2x512xi32, #tpu.memory_space<vmem>> -> memref<1x128xi32, #tpu.memory_space<vmem>>
      %dma_start3A_108 = tpu.memref_squeeze %dma_start3A_107 : memref<1x128xi32, #tpu.memory_space<vmem>> -> memref<128xi32, #tpu.memory_space<vmem>>
      %dma_start3A_109 = arith.constant 0 : i32
      %dma_start3A_110 = arith.constant 0 : i32
      %dma_start3A_111 = tpu.memref_slice %arg2[%dma_start3A_109, %dma_start3A_110] : memref<1015808x32xf32, #tpu.memory_space<hbm>> -> memref<1015808x32xf32, #tpu.memory_space<hbm>>
      tpu.enqueue_indirect_dma source(%dma_start3A_111 : memref<1015808x32xf32, #tpu.memory_space<hbm>>) target(%dma_start3A_105 : memref<128x32xf32, #tpu.memory_space<vmem>>) offsets(%dma_start3A_108 : memref<128xi32, #tpu.memory_space<vmem>>) semaphore(%arg8 : memref<!tpu.dma_semaphore, #tpu.memory_space<semaphore_mem>>)
      %dma_wait3A = arith.constant 0 : i32
      %dma_wait3A_112 = arith.constant 0 : i32
      %dma_wait3A_113 = arith.constant 0 : i32
      %dma_wait3A_114 = arith.constant 0 : i32
      %dma_wait3A_115 = tpu.memref_slice %arg6[%dma_wait3A_112, %dma_wait3A_113, %dma_wait3A_114] : memref<2x512x32xf32, #tpu.memory_space<vmem>> -> memref<1x128x32xf32, #tpu.memory_space<vmem>>
      %dma_wait3A_116 = tpu.memref_squeeze %dma_wait3A_115 : memref<1x128x32xf32, #tpu.memory_space<vmem>> -> memref<128x32xf32, #tpu.memory_space<vmem>>
      %dma_wait3A_117 = arith.constant 0 : i32
      %dma_wait3A_118 = tpu.memref_slice %arg5[%dma_wait3A, %dma_wait3A_117] : memref<2x512xi32, #tpu.memory_space<vmem>> -> memref<1x128xi32, #tpu.memory_space<vmem>>
      %dma_wait3A_119 = tpu.memref_squeeze %dma_wait3A_118 : memref<1x128xi32, #tpu.memory_space<vmem>> -> memref<128xi32, #tpu.memory_space<vmem>>
      %dma_wait3A_120 = arith.constant 0 : i32
      %dma_wait3A_121 = arith.constant 0 : i32
      %dma_wait3A_122 = tpu.memref_slice %arg2[%dma_wait3A_120, %dma_wait3A_121] : memref<1015808x32xf32, #tpu.memory_space<hbm>> -> memref<1015808x32xf32, #tpu.memory_space<hbm>>
      tpu.wait_indirect_dma semaphore(%arg7 : memref<!tpu.dma_semaphore, #tpu.memory_space<semaphore_mem>>) src(%dma_wait3A_122 : memref<1015808x32xf32, #tpu.memory_space<hbm>>) dst(%dma_wait3A_116 : memref<128x32xf32, #tpu.memory_space<vmem>>)
      %dma_wait3A_123 = arith.constant 0 : i32
      %dma_wait3A_124 = arith.constant 0 : i32
      %dma_wait3A_125 = arith.constant 128 : i32
      %dma_wait3A_126 = arith.constant 0 : i32
      %dma_wait3A_127 = tpu.memref_slice %arg6[%dma_wait3A_124, %dma_wait3A_125, %dma_wait3A_126] : memref<2x512x32xf32, #tpu.memory_space<vmem>> -> memref<1x128x32xf32, #tpu.memory_space<vmem>>
      %dma_wait3A_128 = tpu.memref_squeeze %dma_wait3A_127 : memref<1x128x32xf32, #tpu.memory_space<vmem>> -> memref<128x32xf32, #tpu.memory_space<vmem>>
      %dma_wait3A_129 = arith.constant 128 : i32
      %dma_wait3A_130 = tpu.memref_slice %arg5[%dma_wait3A_123, %dma_wait3A_129] : memref<2x512xi32, #tpu.memory_space<vmem>> -> memref<1x128xi32, #tpu.memory_space<vmem>>
      %dma_wait3A_131 = tpu.memref_squeeze %dma_wait3A_130 : memref<1x128xi32, #tpu.memory_space<vmem>> -> memref<128xi32, #tpu.memory_space<vmem>>
      %dma_wait3A_132 = arith.constant 0 : i32
      %dma_wait3A_133 = arith.constant 0 : i32
      %dma_wait3A_134 = tpu.memref_slice %arg2[%dma_wait3A_132, %dma_wait3A_133] : memref<1015808x32xf32, #tpu.memory_space<hbm>> -> memref<1015808x32xf32, #tpu.memory_space<hbm>>
      tpu.wait_indirect_dma semaphore(%arg7 : memref<!tpu.dma_semaphore, #tpu.memory_space<semaphore_mem>>) src(%dma_wait3A_134 : memref<1015808x32xf32, #tpu.memory_space<hbm>>) dst(%dma_wait3A_128 : memref<128x32xf32, #tpu.memory_space<vmem>>)
      %dma_wait3A_135 = arith.constant 0 : i32
      %dma_wait3A_136 = arith.constant 0 : i32
      %dma_wait3A_137 = arith.constant 256 : i32
      %dma_wait3A_138 = arith.constant 0 : i32
      %dma_wait3A_139 = tpu.memref_slice %arg6[%dma_wait3A_136, %dma_wait3A_137, %dma_wait3A_138] : memref<2x512x32xf32, #tpu.memory_space<vmem>> -> memref<1x128x32xf32, #tpu.memory_space<vmem>>
      %dma_wait3A_140 = tpu.memref_squeeze %dma_wait3A_139 : memref<1x128x32xf32, #tpu.memory_space<vmem>> -> memref<128x32xf32, #tpu.memory_space<vmem>>
      %dma_wait3A_141 = arith.constant 256 : i32
      %dma_wait3A_142 = tpu.memref_slice %arg5[%dma_wait3A_135, %dma_wait3A_141] : memref<2x512xi32, #tpu.memory_space<vmem>> -> memref<1x128xi32, #tpu.memory_space<vmem>>
      %dma_wait3A_143 = tpu.memref_squeeze %dma_wait3A_142 : memref<1x128xi32, #tpu.memory_space<vmem>> -> memref<128xi32, #tpu.memory_space<vmem>>
      %dma_wait3A_144 = arith.constant 0 : i32
      %dma_wait3A_145 = arith.constant 0 : i32
      %dma_wait3A_146 = tpu.memref_slice %arg2[%dma_wait3A_144, %dma_wait3A_145] : memref<1015808x32xf32, #tpu.memory_space<hbm>> -> memref<1015808x32xf32, #tpu.memory_space<hbm>>
      tpu.wait_indirect_dma semaphore(%arg7 : memref<!tpu.dma_semaphore, #tpu.memory_space<semaphore_mem>>) src(%dma_wait3A_146 : memref<1015808x32xf32, #tpu.memory_space<hbm>>) dst(%dma_wait3A_140 : memref<128x32xf32, #tpu.memory_space<vmem>>)
      %dma_wait3A_147 = arith.constant 0 : i32
      %dma_wait3A_148 = arith.constant 0 : i32
      %dma_wait3A_149 = arith.constant 384 : i32
      %dma_wait3A_150 = arith.constant 0 : i32
      %dma_wait3A_151 = tpu.memref_slice %arg6[%dma_wait3A_148, %dma_wait3A_149, %dma_wait3A_150] : memref<2x512x32xf32, #tpu.memory_space<vmem>> -> memref<1x128x32xf32, #tpu.memory_space<vmem>>
      %dma_wait3A_152 = tpu.memref_squeeze %dma_wait3A_151 : memref<1x128x32xf32, #tpu.memory_space<vmem>> -> memref<128x32xf32, #tpu.memory_space<vmem>>
      %dma_wait3A_153 = arith.constant 384 : i32
      %dma_wait3A_154 = tpu.memref_slice %arg5[%dma_wait3A_147, %dma_wait3A_153] : memref<2x512xi32, #tpu.memory_space<vmem>> -> memref<1x128xi32, #tpu.memory_space<vmem>>
      %dma_wait3A_155 = tpu.memref_squeeze %dma_wait3A_154 : memref<1x128xi32, #tpu.memory_space<vmem>> -> memref<128xi32, #tpu.memory_space<vmem>>
      %dma_wait3A_156 = arith.constant 0 : i32
      %dma_wait3A_157 = arith.constant 0 : i32
      %dma_wait3A_158 = tpu.memref_slice %arg2[%dma_wait3A_156, %dma_wait3A_157] : memref<1015808x32xf32, #tpu.memory_space<hbm>> -> memref<1015808x32xf32, #tpu.memory_space<hbm>>
      tpu.wait_indirect_dma semaphore(%arg7 : memref<!tpu.dma_semaphore, #tpu.memory_space<semaphore_mem>>) src(%dma_wait3A_158 : memref<1015808x32xf32, #tpu.memory_space<hbm>>) dst(%dma_wait3A_152 : memref<128x32xf32, #tpu.memory_space<vmem>>)
      %sub3A = arith.constant 1 : i32
      %sub3A_159 = arith.subi %add3A_62, %sub3A : i32
      %mul3A_160 = arith.constant 512 : i32
      %mul3A_161 = arith.muli %sub3A_159, %mul3A_160 : i32
      %add3A_162 = arith.addi %mul3A_2, %mul3A_161 : i32
      %shift_right_arithmetic3A = arith.constant 14 : i32
      %shift_right_arithmetic3A_163 = arith.shrsi %add3A_162, %shift_right_arithmetic3A : i32
      %and3A = arith.constant 16383 : i32
      %and3A_164 = arith.andi %add3A_162, %and3A : i32
      %shift_right_arithmetic3A_165 = arith.constant 12 : i32
      %shift_right_arithmetic3A_166 = arith.shrsi %and3A_164, %shift_right_arithmetic3A_165 : i32
      %and3A_167 = arith.constant 4095 : i32
      %and3A_168 = arith.andi %and3A_164, %and3A_167 : i32
      %run_scoped3A_169 = arith.constant 0 : i32
      "tpu.region"() ({
        %run_scoped3A_233 = tpu.sem_alloc : memref<!tpu.dma_semaphore, #tpu.memory_space<semaphore_mem>>
        %dma_start3A_234 = arith.constant 0 : i32
        %dma_start3A_235 = arith.constant 0 : i32
        %dma_start3A_236 = tpu.memref_slice %arg6[%run_scoped3A_169, %dma_start3A_234, %dma_start3A_235] : memref<2x512x32xf32, #tpu.memory_space<vmem>> -> memref<1x512x32xf32, #tpu.memory_space<vmem>>
        %dma_start3A_237 = tpu.memref_squeeze %dma_start3A_236 : memref<1x512x32xf32, #tpu.memory_space<vmem>> -> memref<512x32xf32, #tpu.memory_space<vmem>>
        %dma_start3A_238 = arith.constant 0 : i32
        %dma_start3A_239 = tpu.memref_slice %arg4[%shift_right_arithmetic3A_163, %and3A_168, %shift_right_arithmetic3A_166, %dma_start3A_238] : memref<10x4096x4x32xf32, #tpu.memory_space<hbm>> -> memref<1x512x1x32xf32, #tpu.memory_space<hbm>>
        %dma_start3A_240 = tpu.memref_squeeze %dma_start3A_239 : memref<1x512x1x32xf32, #tpu.memory_space<hbm>> -> memref<512x32xf32, #tpu.memory_space<hbm>>
        %dma_start3A_241 = arith.constant 0 : i32
        %dma_start3A_242 = tpu.memref_slice %arg4[%shift_right_arithmetic3A_163, %and3A_168, %shift_right_arithmetic3A_166, %dma_start3A_241] : memref<10x4096x4x32xf32, #tpu.memory_space<hbm>> -> memref<1x512x1x32xf32, #tpu.memory_space<hbm>>
        %dma_start3A_243 = tpu.memref_squeeze %dma_start3A_242 : memref<1x512x1x32xf32, #tpu.memory_space<hbm>> -> memref<512x32xf32, #tpu.memory_space<hbm>>
        %dma_start3A_244 = arith.constant 0 : i32
        %dma_start3A_245 = arith.constant 0 : i32
        %dma_start3A_246 = tpu.memref_slice %arg6[%run_scoped3A_169, %dma_start3A_244, %dma_start3A_245] : memref<2x512x32xf32, #tpu.memory_space<vmem>> -> memref<1x512x32xf32, #tpu.memory_space<vmem>>
        %dma_start3A_247 = tpu.memref_squeeze %dma_start3A_246 : memref<1x512x32xf32, #tpu.memory_space<vmem>> -> memref<512x32xf32, #tpu.memory_space<vmem>>
        tpu.enqueue_dma source(%dma_start3A_247 : memref<512x32xf32, #tpu.memory_space<vmem>>) target(%dma_start3A_243 : memref<512x32xf32, #tpu.memory_space<hbm>>) target_semaphore(%run_scoped3A_233 : memref<!tpu.dma_semaphore, #tpu.memory_space<semaphore_mem>>)
        %dma_wait3A_248 = arith.constant 0 : i32
        %dma_wait3A_249 = arith.constant 0 : i32
        %dma_wait3A_250 = tpu.memref_slice %arg6[%run_scoped3A_169, %dma_wait3A_248, %dma_wait3A_249] : memref<2x512x32xf32, #tpu.memory_space<vmem>> -> memref<1x512x32xf32, #tpu.memory_space<vmem>>
        %dma_wait3A_251 = tpu.memref_squeeze %dma_wait3A_250 : memref<1x512x32xf32, #tpu.memory_space<vmem>> -> memref<512x32xf32, #tpu.memory_space<vmem>>
        %dma_wait3A_252 = arith.constant 0 : i32
        %dma_wait3A_253 = tpu.memref_slice %arg4[%shift_right_arithmetic3A_163, %and3A_168, %shift_right_arithmetic3A_166, %dma_wait3A_252] : memref<10x4096x4x32xf32, #tpu.memory_space<hbm>> -> memref<1x512x1x32xf32, #tpu.memory_space<hbm>>
        %dma_wait3A_254 = tpu.memref_squeeze %dma_wait3A_253 : memref<1x512x1x32xf32, #tpu.memory_space<hbm>> -> memref<512x32xf32, #tpu.memory_space<hbm>>
        %dma_wait3A_255 = arith.constant 0 : i32
        %dma_wait3A_256 = tpu.memref_slice %arg4[%shift_right_arithmetic3A_163, %and3A_168, %shift_right_arithmetic3A_166, %dma_wait3A_255] : memref<10x4096x4x32xf32, #tpu.memory_space<hbm>> -> memref<1x512x1x32xf32, #tpu.memory_space<hbm>>
        %dma_wait3A_257 = tpu.memref_squeeze %dma_wait3A_256 : memref<1x512x1x32xf32, #tpu.memory_space<hbm>> -> memref<512x32xf32, #tpu.memory_space<hbm>>
        %dma_wait3A_258 = arith.constant 0 : i32
        %dma_wait3A_259 = arith.constant 0 : i32
        %dma_wait3A_260 = tpu.memref_slice %arg6[%run_scoped3A_169, %dma_wait3A_258, %dma_wait3A_259] : memref<2x512x32xf32, #tpu.memory_space<vmem>> -> memref<1x512x32xf32, #tpu.memory_space<vmem>>
        %dma_wait3A_261 = tpu.memref_squeeze %dma_wait3A_260 : memref<1x512x32xf32, #tpu.memory_space<vmem>> -> memref<512x32xf32, #tpu.memory_space<vmem>>
        tpu.wait_dma2 semaphore(%run_scoped3A_233 : memref<!tpu.dma_semaphore, #tpu.memory_space<semaphore_mem>>) src(%dma_wait3A_261 : memref<512x32xf32, #tpu.memory_space<vmem>>) dst(%dma_wait3A_257 : memref<512x32xf32, #tpu.memory_space<hbm>>)
        tpu.yield
      }) : () -> ()
      %lt3A = arith.constant 4 : i32
      %lt3A_170 = arith.cmpi slt, %scan3A_57, %lt3A : i32
      %convert_element_type3A = arith.extui %lt3A_170 : i1 to i32
      %cond3A = arith.constant 0 : i32
      %cond3A_171 = arith.cmpi ne, %convert_element_type3A, %cond3A : i32
      scf.if %cond3A_171 {
        %add3A_233 = arith.constant 1 : i32
        %add3A_234 = arith.addi %add3A_62, %add3A_233 : i32
        %run_scoped3A_235 = arith.constant 0 : i32
        "tpu.region"() ({
          %run_scoped3A_284 = tpu.sem_alloc : memref<!tpu.dma_semaphore, #tpu.memory_space<semaphore_mem>>
          %dma_start3A_285 = arith.constant 0 : i32
          %dma_start3A_286 = tpu.memref_slice %arg5[%run_scoped3A_235, %dma_start3A_285] : memref<2x512xi32, #tpu.memory_space<vmem>> -> memref<1x512xi32, #tpu.memory_space<vmem>>
          %dma_start3A_287 = tpu.memref_squeeze %dma_start3A_286 : memref<1x512xi32, #tpu.memory_space<vmem>> -> memref<512xi32, #tpu.memory_space<vmem>>
          %dma_start3A_288 = arith.constant 0 : i32
          %dma_start3A_289 = tpu.memref_slice %arg3[%add3A, %add3A_234, %dma_start3A_288] : memref<32x10x512xi32, #tpu.memory_space<hbm>> -> memref<1x1x512xi32, #tpu.memory_space<hbm>>
          %dma_start3A_290 = tpu.memref_squeeze %dma_start3A_289 : memref<1x1x512xi32, #tpu.memory_space<hbm>> -> memref<512xi32, #tpu.memory_space<hbm>>
          %dma_start3A_291 = arith.constant 0 : i32
          %dma_start3A_292 = tpu.memref_slice %arg5[%run_scoped3A_235, %dma_start3A_291] : memref<2x512xi32, #tpu.memory_space<vmem>> -> memref<1x512xi32, #tpu.memory_space<vmem>>
          %dma_start3A_293 = tpu.memref_squeeze %dma_start3A_292 : memref<1x512xi32, #tpu.memory_space<vmem>> -> memref<512xi32, #tpu.memory_space<vmem>>
          %dma_start3A_294 = arith.constant 0 : i32
          %dma_start3A_295 = tpu.memref_slice %arg3[%add3A, %add3A_234, %dma_start3A_294] : memref<32x10x512xi32, #tpu.memory_space<hbm>> -> memref<1x1x512xi32, #tpu.memory_space<hbm>>
          %dma_start3A_296 = tpu.memref_squeeze %dma_start3A_295 : memref<1x1x512xi32, #tpu.memory_space<hbm>> -> memref<512xi32, #tpu.memory_space<hbm>>
          tpu.enqueue_dma source(%dma_start3A_296 : memref<512xi32, #tpu.memory_space<hbm>>) target(%dma_start3A_293 : memref<512xi32, #tpu.memory_space<vmem>>) target_semaphore(%run_scoped3A_284 : memref<!tpu.dma_semaphore, #tpu.memory_space<semaphore_mem>>)
          %dma_wait3A_297 = arith.constant 0 : i32
          %dma_wait3A_298 = tpu.memref_slice %arg5[%run_scoped3A_235, %dma_wait3A_297] : memref<2x512xi32, #tpu.memory_space<vmem>> -> memref<1x512xi32, #tpu.memory_space<vmem>>
          %dma_wait3A_299 = tpu.memref_squeeze %dma_wait3A_298 : memref<1x512xi32, #tpu.memory_space<vmem>> -> memref<512xi32, #tpu.memory_space<vmem>>
          %dma_wait3A_300 = arith.constant 0 : i32
          %dma_wait3A_301 = tpu.memref_slice %arg3[%add3A, %add3A_234, %dma_wait3A_300] : memref<32x10x512xi32, #tpu.memory_space<hbm>> -> memref<1x1x512xi32, #tpu.memory_space<hbm>>
          %dma_wait3A_302 = tpu.memref_squeeze %dma_wait3A_301 : memref<1x1x512xi32, #tpu.memory_space<hbm>> -> memref<512xi32, #tpu.memory_space<hbm>>
          %dma_wait3A_303 = arith.constant 0 : i32
          %dma_wait3A_304 = tpu.memref_slice %arg5[%run_scoped3A_235, %dma_wait3A_303] : memref<2x512xi32, #tpu.memory_space<vmem>> -> memref<1x512xi32, #tpu.memory_space<vmem>>
          %dma_wait3A_305 = tpu.memref_squeeze %dma_wait3A_304 : memref<1x512xi32, #tpu.memory_space<vmem>> -> memref<512xi32, #tpu.memory_space<vmem>>
          %dma_wait3A_306 = arith.constant 0 : i32
          %dma_wait3A_307 = tpu.memref_slice %arg3[%add3A, %add3A_234, %dma_wait3A_306] : memref<32x10x512xi32, #tpu.memory_space<hbm>> -> memref<1x1x512xi32, #tpu.memory_space<hbm>>
          %dma_wait3A_308 = tpu.memref_squeeze %dma_wait3A_307 : memref<1x1x512xi32, #tpu.memory_space<hbm>> -> memref<512xi32, #tpu.memory_space<hbm>>
          tpu.wait_dma2 semaphore(%run_scoped3A_284 : memref<!tpu.dma_semaphore, #tpu.memory_space<semaphore_mem>>) src(%dma_wait3A_308 : memref<512xi32, #tpu.memory_space<hbm>>) dst(%dma_wait3A_305 : memref<512xi32, #tpu.memory_space<vmem>>)
          tpu.yield
        }) : () -> ()
        %dma_start3A_236 = arith.constant 0 : i32
        %dma_start3A_237 = arith.constant 0 : i32
        %dma_start3A_238 = arith.constant 0 : i32
        %dma_start3A_239 = arith.constant 0 : i32
        %dma_start3A_240 = tpu.memref_slice %arg6[%dma_start3A_237, %dma_start3A_238, %dma_start3A_239] : memref<2x512x32xf32, #tpu.memory_space<vmem>> -> memref<1x128x32xf32, #tpu.memory_space<vmem>>
        %dma_start3A_241 = tpu.memref_squeeze %dma_start3A_240 : memref<1x128x32xf32, #tpu.memory_space<vmem>> -> memref<128x32xf32, #tpu.memory_space<vmem>>
        %dma_start3A_242 = arith.constant 0 : i32
        %dma_start3A_243 = tpu.memref_slice %arg5[%dma_start3A_236, %dma_start3A_242] : memref<2x512xi32, #tpu.memory_space<vmem>> -> memref<1x128xi32, #tpu.memory_space<vmem>>
        %dma_start3A_244 = tpu.memref_squeeze %dma_start3A_243 : memref<1x128xi32, #tpu.memory_space<vmem>> -> memref<128xi32, #tpu.memory_space<vmem>>
        %dma_start3A_245 = arith.constant 0 : i32
        %dma_start3A_246 = arith.constant 0 : i32
        %dma_start3A_247 = tpu.memref_slice %arg2[%dma_start3A_245, %dma_start3A_246] : memref<1015808x32xf32, #tpu.memory_space<hbm>> -> memref<1015808x32xf32, #tpu.memory_space<hbm>>
        tpu.enqueue_indirect_dma source(%dma_start3A_247 : memref<1015808x32xf32, #tpu.memory_space<hbm>>) target(%dma_start3A_241 : memref<128x32xf32, #tpu.memory_space<vmem>>) offsets(%dma_start3A_244 : memref<128xi32, #tpu.memory_space<vmem>>) semaphore(%arg7 : memref<!tpu.dma_semaphore, #tpu.memory_space<semaphore_mem>>)
        %dma_start3A_248 = arith.constant 0 : i32
        %dma_start3A_249 = arith.constant 0 : i32
        %dma_start3A_250 = arith.constant 128 : i32
        %dma_start3A_251 = arith.constant 0 : i32
        %dma_start3A_252 = tpu.memref_slice %arg6[%dma_start3A_249, %dma_start3A_250, %dma_start3A_251] : memref<2x512x32xf32, #tpu.memory_space<vmem>> -> memref<1x128x32xf32, #tpu.memory_space<vmem>>
        %dma_start3A_253 = tpu.memref_squeeze %dma_start3A_252 : memref<1x128x32xf32, #tpu.memory_space<vmem>> -> memref<128x32xf32, #tpu.memory_space<vmem>>
        %dma_start3A_254 = arith.constant 128 : i32
        %dma_start3A_255 = tpu.memref_slice %arg5[%dma_start3A_248, %dma_start3A_254] : memref<2x512xi32, #tpu.memory_space<vmem>> -> memref<1x128xi32, #tpu.memory_space<vmem>>
        %dma_start3A_256 = tpu.memref_squeeze %dma_start3A_255 : memref<1x128xi32, #tpu.memory_space<vmem>> -> memref<128xi32, #tpu.memory_space<vmem>>
        %dma_start3A_257 = arith.constant 0 : i32
        %dma_start3A_258 = arith.constant 0 : i32
        %dma_start3A_259 = tpu.memref_slice %arg2[%dma_start3A_257, %dma_start3A_258] : memref<1015808x32xf32, #tpu.memory_space<hbm>> -> memref<1015808x32xf32, #tpu.memory_space<hbm>>
        tpu.enqueue_indirect_dma source(%dma_start3A_259 : memref<1015808x32xf32, #tpu.memory_space<hbm>>) target(%dma_start3A_253 : memref<128x32xf32, #tpu.memory_space<vmem>>) offsets(%dma_start3A_256 : memref<128xi32, #tpu.memory_space<vmem>>) semaphore(%arg7 : memref<!tpu.dma_semaphore, #tpu.memory_space<semaphore_mem>>)
        %dma_start3A_260 = arith.constant 0 : i32
        %dma_start3A_261 = arith.constant 0 : i32
        %dma_start3A_262 = arith.constant 256 : i32
        %dma_start3A_263 = arith.constant 0 : i32
        %dma_start3A_264 = tpu.memref_slice %arg6[%dma_start3A_261, %dma_start3A_262, %dma_start3A_263] : memref<2x512x32xf32, #tpu.memory_space<vmem>> -> memref<1x128x32xf32, #tpu.memory_space<vmem>>
        %dma_start3A_265 = tpu.memref_squeeze %dma_start3A_264 : memref<1x128x32xf32, #tpu.memory_space<vmem>> -> memref<128x32xf32, #tpu.memory_space<vmem>>
        %dma_start3A_266 = arith.constant 256 : i32
        %dma_start3A_267 = tpu.memref_slice %arg5[%dma_start3A_260, %dma_start3A_266] : memref<2x512xi32, #tpu.memory_space<vmem>> -> memref<1x128xi32, #tpu.memory_space<vmem>>
        %dma_start3A_268 = tpu.memref_squeeze %dma_start3A_267 : memref<1x128xi32, #tpu.memory_space<vmem>> -> memref<128xi32, #tpu.memory_space<vmem>>
        %dma_start3A_269 = arith.constant 0 : i32
        %dma_start3A_270 = arith.constant 0 : i32
        %dma_start3A_271 = tpu.memref_slice %arg2[%dma_start3A_269, %dma_start3A_270] : memref<1015808x32xf32, #tpu.memory_space<hbm>> -> memref<1015808x32xf32, #tpu.memory_space<hbm>>
        tpu.enqueue_indirect_dma source(%dma_start3A_271 : memref<1015808x32xf32, #tpu.memory_space<hbm>>) target(%dma_start3A_265 : memref<128x32xf32, #tpu.memory_space<vmem>>) offsets(%dma_start3A_268 : memref<128xi32, #tpu.memory_space<vmem>>) semaphore(%arg7 : memref<!tpu.dma_semaphore, #tpu.memory_space<semaphore_mem>>)
        %dma_start3A_272 = arith.constant 0 : i32
        %dma_start3A_273 = arith.constant 0 : i32
        %dma_start3A_274 = arith.constant 384 : i32
        %dma_start3A_275 = arith.constant 0 : i32
        %dma_start3A_276 = tpu.memref_slice %arg6[%dma_start3A_273, %dma_start3A_274, %dma_start3A_275] : memref<2x512x32xf32, #tpu.memory_space<vmem>> -> memref<1x128x32xf32, #tpu.memory_space<vmem>>
        %dma_start3A_277 = tpu.memref_squeeze %dma_start3A_276 : memref<1x128x32xf32, #tpu.memory_space<vmem>> -> memref<128x32xf32, #tpu.memory_space<vmem>>
        %dma_start3A_278 = arith.constant 384 : i32
        %dma_start3A_279 = tpu.memref_slice %arg5[%dma_start3A_272, %dma_start3A_278] : memref<2x512xi32, #tpu.memory_space<vmem>> -> memref<1x128xi32, #tpu.memory_space<vmem>>
        %dma_start3A_280 = tpu.memref_squeeze %dma_start3A_279 : memref<1x128xi32, #tpu.memory_space<vmem>> -> memref<128xi32, #tpu.memory_space<vmem>>
        %dma_start3A_281 = arith.constant 0 : i32
        %dma_start3A_282 = arith.constant 0 : i32
        %dma_start3A_283 = tpu.memref_slice %arg2[%dma_start3A_281, %dma_start3A_282] : memref<1015808x32xf32, #tpu.memory_space<hbm>> -> memref<1015808x32xf32, #tpu.memory_space<hbm>>
        tpu.enqueue_indirect_dma source(%dma_start3A_283 : memref<1015808x32xf32, #tpu.memory_space<hbm>>) target(%dma_start3A_277 : memref<128x32xf32, #tpu.memory_space<vmem>>) offsets(%dma_start3A_280 : memref<128xi32, #tpu.memory_space<vmem>>) semaphore(%arg7 : memref<!tpu.dma_semaphore, #tpu.memory_space<semaphore_mem>>)
      } else {
      }
      %dma_wait3A_172 = arith.constant 1 : i32
      %dma_wait3A_173 = arith.constant 1 : i32
      %dma_wait3A_174 = arith.constant 0 : i32
      %dma_wait3A_175 = arith.constant 0 : i32
      %dma_wait3A_176 = tpu.memref_slice %arg6[%dma_wait3A_173, %dma_wait3A_174, %dma_wait3A_175] : memref<2x512x32xf32, #tpu.memory_space<vmem>> -> memref<1x128x32xf32, #tpu.memory_space<vmem>>
      %dma_wait3A_177 = tpu.memref_squeeze %dma_wait3A_176 : memref<1x128x32xf32, #tpu.memory_space<vmem>> -> memref<128x32xf32, #tpu.memory_space<vmem>>
      %dma_wait3A_178 = arith.constant 0 : i32
      %dma_wait3A_179 = tpu.memref_slice %arg5[%dma_wait3A_172, %dma_wait3A_178] : memref<2x512xi32, #tpu.memory_space<vmem>> -> memref<1x128xi32, #tpu.memory_space<vmem>>
      %dma_wait3A_180 = tpu.memref_squeeze %dma_wait3A_179 : memref<1x128xi32, #tpu.memory_space<vmem>> -> memref<128xi32, #tpu.memory_space<vmem>>
      %dma_wait3A_181 = arith.constant 0 : i32
      %dma_wait3A_182 = arith.constant 0 : i32
      %dma_wait3A_183 = tpu.memref_slice %arg2[%dma_wait3A_181, %dma_wait3A_182] : memref<1015808x32xf32, #tpu.memory_space<hbm>> -> memref<1015808x32xf32, #tpu.memory_space<hbm>>
      tpu.wait_indirect_dma semaphore(%arg8 : memref<!tpu.dma_semaphore, #tpu.memory_space<semaphore_mem>>) src(%dma_wait3A_183 : memref<1015808x32xf32, #tpu.memory_space<hbm>>) dst(%dma_wait3A_177 : memref<128x32xf32, #tpu.memory_space<vmem>>)
      %dma_wait3A_184 = arith.constant 1 : i32
      %dma_wait3A_185 = arith.constant 1 : i32
      %dma_wait3A_186 = arith.constant 128 : i32
      %dma_wait3A_187 = arith.constant 0 : i32
      %dma_wait3A_188 = tpu.memref_slice %arg6[%dma_wait3A_185, %dma_wait3A_186, %dma_wait3A_187] : memref<2x512x32xf32, #tpu.memory_space<vmem>> -> memref<1x128x32xf32, #tpu.memory_space<vmem>>
      %dma_wait3A_189 = tpu.memref_squeeze %dma_wait3A_188 : memref<1x128x32xf32, #tpu.memory_space<vmem>> -> memref<128x32xf32, #tpu.memory_space<vmem>>
      %dma_wait3A_190 = arith.constant 128 : i32
      %dma_wait3A_191 = tpu.memref_slice %arg5[%dma_wait3A_184, %dma_wait3A_190] : memref<2x512xi32, #tpu.memory_space<vmem>> -> memref<1x128xi32, #tpu.memory_space<vmem>>
      %dma_wait3A_192 = tpu.memref_squeeze %dma_wait3A_191 : memref<1x128xi32, #tpu.memory_space<vmem>> -> memref<128xi32, #tpu.memory_space<vmem>>
      %dma_wait3A_193 = arith.constant 0 : i32
      %dma_wait3A_194 = arith.constant 0 : i32
      %dma_wait3A_195 = tpu.memref_slice %arg2[%dma_wait3A_193, %dma_wait3A_194] : memref<1015808x32xf32, #tpu.memory_space<hbm>> -> memref<1015808x32xf32, #tpu.memory_space<hbm>>
      tpu.wait_indirect_dma semaphore(%arg8 : memref<!tpu.dma_semaphore, #tpu.memory_space<semaphore_mem>>) src(%dma_wait3A_195 : memref<1015808x32xf32, #tpu.memory_space<hbm>>) dst(%dma_wait3A_189 : memref<128x32xf32, #tpu.memory_space<vmem>>)
      %dma_wait3A_196 = arith.constant 1 : i32
      %dma_wait3A_197 = arith.constant 1 : i32
      %dma_wait3A_198 = arith.constant 256 : i32
      %dma_wait3A_199 = arith.constant 0 : i32
      %dma_wait3A_200 = tpu.memref_slice %arg6[%dma_wait3A_197, %dma_wait3A_198, %dma_wait3A_199] : memref<2x512x32xf32, #tpu.memory_space<vmem>> -> memref<1x128x32xf32, #tpu.memory_space<vmem>>
      %dma_wait3A_201 = tpu.memref_squeeze %dma_wait3A_200 : memref<1x128x32xf32, #tpu.memory_space<vmem>> -> memref<128x32xf32, #tpu.memory_space<vmem>>
      %dma_wait3A_202 = arith.constant 256 : i32
      %dma_wait3A_203 = tpu.memref_slice %arg5[%dma_wait3A_196, %dma_wait3A_202] : memref<2x512xi32, #tpu.memory_space<vmem>> -> memref<1x128xi32, #tpu.memory_space<vmem>>
      %dma_wait3A_204 = tpu.memref_squeeze %dma_wait3A_203 : memref<1x128xi32, #tpu.memory_space<vmem>> -> memref<128xi32, #tpu.memory_space<vmem>>
      %dma_wait3A_205 = arith.constant 0 : i32
      %dma_wait3A_206 = arith.constant 0 : i32
      %dma_wait3A_207 = tpu.memref_slice %arg2[%dma_wait3A_205, %dma_wait3A_206] : memref<1015808x32xf32, #tpu.memory_space<hbm>> -> memref<1015808x32xf32, #tpu.memory_space<hbm>>
      tpu.wait_indirect_dma semaphore(%arg8 : memref<!tpu.dma_semaphore, #tpu.memory_space<semaphore_mem>>) src(%dma_wait3A_207 : memref<1015808x32xf32, #tpu.memory_space<hbm>>) dst(%dma_wait3A_201 : memref<128x32xf32, #tpu.memory_space<vmem>>)
      %dma_wait3A_208 = arith.constant 1 : i32
      %dma_wait3A_209 = arith.constant 1 : i32
      %dma_wait3A_210 = arith.constant 384 : i32
      %dma_wait3A_211 = arith.constant 0 : i32
      %dma_wait3A_212 = tpu.memref_slice %arg6[%dma_wait3A_209, %dma_wait3A_210, %dma_wait3A_211] : memref<2x512x32xf32, #tpu.memory_space<vmem>> -> memref<1x128x32xf32, #tpu.memory_space<vmem>>
      %dma_wait3A_213 = tpu.memref_squeeze %dma_wait3A_212 : memref<1x128x32xf32, #tpu.memory_space<vmem>> -> memref<128x32xf32, #tpu.memory_space<vmem>>
      %dma_wait3A_214 = arith.constant 384 : i32
      %dma_wait3A_215 = tpu.memref_slice %arg5[%dma_wait3A_208, %dma_wait3A_214] : memref<2x512xi32, #tpu.memory_space<vmem>> -> memref<1x128xi32, #tpu.memory_space<vmem>>
      %dma_wait3A_216 = tpu.memref_squeeze %dma_wait3A_215 : memref<1x128xi32, #tpu.memory_space<vmem>> -> memref<128xi32, #tpu.memory_space<vmem>>
      %dma_wait3A_217 = arith.constant 0 : i32
      %dma_wait3A_218 = arith.constant 0 : i32
      %dma_wait3A_219 = tpu.memref_slice %arg2[%dma_wait3A_217, %dma_wait3A_218] : memref<1015808x32xf32, #tpu.memory_space<hbm>> -> memref<1015808x32xf32, #tpu.memory_space<hbm>>
      tpu.wait_indirect_dma semaphore(%arg8 : memref<!tpu.dma_semaphore, #tpu.memory_space<semaphore_mem>>) src(%dma_wait3A_219 : memref<1015808x32xf32, #tpu.memory_space<hbm>>) dst(%dma_wait3A_213 : memref<128x32xf32, #tpu.memory_space<vmem>>)
      %mul3A_220 = arith.constant 512 : i32
      %mul3A_221 = arith.muli %add3A_62, %mul3A_220 : i32
      %add3A_222 = arith.addi %mul3A_2, %mul3A_221 : i32
      %shift_right_arithmetic3A_223 = arith.constant 14 : i32
      %shift_right_arithmetic3A_224 = arith.shrsi %add3A_222, %shift_right_arithmetic3A_223 : i32
      %and3A_225 = arith.constant 16383 : i32
      %and3A_226 = arith.andi %add3A_222, %and3A_225 : i32
      %shift_right_arithmetic3A_227 = arith.constant 12 : i32
      %shift_right_arithmetic3A_228 = arith.shrsi %and3A_226, %shift_right_arithmetic3A_227 : i32
      %and3A_229 = arith.constant 4095 : i32
      %and3A_230 = arith.andi %and3A_226, %and3A_229 : i32
      %run_scoped3A_231 = arith.constant 1 : i32
      "tpu.region"() ({
        %run_scoped3A_233 = tpu.sem_alloc : memref<!tpu.dma_semaphore, #tpu.memory_space<semaphore_mem>>
        %dma_start3A_234 = arith.constant 0 : i32
        %dma_start3A_235 = arith.constant 0 : i32
        %dma_start3A_236 = tpu.memref_slice %arg6[%run_scoped3A_231, %dma_start3A_234, %dma_start3A_235] : memref<2x512x32xf32, #tpu.memory_space<vmem>> -> memref<1x512x32xf32, #tpu.memory_space<vmem>>
        %dma_start3A_237 = tpu.memref_squeeze %dma_start3A_236 : memref<1x512x32xf32, #tpu.memory_space<vmem>> -> memref<512x32xf32, #tpu.memory_space<vmem>>
        %dma_start3A_238 = arith.constant 0 : i32
        %dma_start3A_239 = tpu.memref_slice %arg4[%shift_right_arithmetic3A_224, %and3A_230, %shift_right_arithmetic3A_228, %dma_start3A_238] : memref<10x4096x4x32xf32, #tpu.memory_space<hbm>> -> memref<1x512x1x32xf32, #tpu.memory_space<hbm>>
        %dma_start3A_240 = tpu.memref_squeeze %dma_start3A_239 : memref<1x512x1x32xf32, #tpu.memory_space<hbm>> -> memref<512x32xf32, #tpu.memory_space<hbm>>
        %dma_start3A_241 = arith.constant 0 : i32
        %dma_start3A_242 = tpu.memref_slice %arg4[%shift_right_arithmetic3A_224, %and3A_230, %shift_right_arithmetic3A_228, %dma_start3A_241] : memref<10x4096x4x32xf32, #tpu.memory_space<hbm>> -> memref<1x512x1x32xf32, #tpu.memory_space<hbm>>
        %dma_start3A_243 = tpu.memref_squeeze %dma_start3A_242 : memref<1x512x1x32xf32, #tpu.memory_space<hbm>> -> memref<512x32xf32, #tpu.memory_space<hbm>>
        %dma_start3A_244 = arith.constant 0 : i32
        %dma_start3A_245 = arith.constant 0 : i32
        %dma_start3A_246 = tpu.memref_slice %arg6[%run_scoped3A_231, %dma_start3A_244, %dma_start3A_245] : memref<2x512x32xf32, #tpu.memory_space<vmem>> -> memref<1x512x32xf32, #tpu.memory_space<vmem>>
        %dma_start3A_247 = tpu.memref_squeeze %dma_start3A_246 : memref<1x512x32xf32, #tpu.memory_space<vmem>> -> memref<512x32xf32, #tpu.memory_space<vmem>>
        tpu.enqueue_dma source(%dma_start3A_247 : memref<512x32xf32, #tpu.memory_space<vmem>>) target(%dma_start3A_243 : memref<512x32xf32, #tpu.memory_space<hbm>>) target_semaphore(%run_scoped3A_233 : memref<!tpu.dma_semaphore, #tpu.memory_space<semaphore_mem>>)
        %dma_wait3A_248 = arith.constant 0 : i32
        %dma_wait3A_249 = arith.constant 0 : i32
        %dma_wait3A_250 = tpu.memref_slice %arg6[%run_scoped3A_231, %dma_wait3A_248, %dma_wait3A_249] : memref<2x512x32xf32, #tpu.memory_space<vmem>> -> memref<1x512x32xf32, #tpu.memory_space<vmem>>
        %dma_wait3A_251 = tpu.memref_squeeze %dma_wait3A_250 : memref<1x512x32xf32, #tpu.memory_space<vmem>> -> memref<512x32xf32, #tpu.memory_space<vmem>>
        %dma_wait3A_252 = arith.constant 0 : i32
        %dma_wait3A_253 = tpu.memref_slice %arg4[%shift_right_arithmetic3A_224, %and3A_230, %shift_right_arithmetic3A_228, %dma_wait3A_252] : memref<10x4096x4x32xf32, #tpu.memory_space<hbm>> -> memref<1x512x1x32xf32, #tpu.memory_space<hbm>>
        %dma_wait3A_254 = tpu.memref_squeeze %dma_wait3A_253 : memref<1x512x1x32xf32, #tpu.memory_space<hbm>> -> memref<512x32xf32, #tpu.memory_space<hbm>>
        %dma_wait3A_255 = arith.constant 0 : i32
        %dma_wait3A_256 = tpu.memref_slice %arg4[%shift_right_arithmetic3A_224, %and3A_230, %shift_right_arithmetic3A_228, %dma_wait3A_255] : memref<10x4096x4x32xf32, #tpu.memory_space<hbm>> -> memref<1x512x1x32xf32, #tpu.memory_space<hbm>>
        %dma_wait3A_257 = tpu.memref_squeeze %dma_wait3A_256 : memref<1x512x1x32xf32, #tpu.memory_space<hbm>> -> memref<512x32xf32, #tpu.memory_space<hbm>>
        %dma_wait3A_258 = arith.constant 0 : i32
        %dma_wait3A_259 = arith.constant 0 : i32
        %dma_wait3A_260 = tpu.memref_slice %arg6[%run_scoped3A_231, %dma_wait3A_258, %dma_wait3A_259] : memref<2x512x32xf32, #tpu.memory_space<vmem>> -> memref<1x512x32xf32, #tpu.memory_space<vmem>>
        %dma_wait3A_261 = tpu.memref_squeeze %dma_wait3A_260 : memref<1x512x32xf32, #tpu.memory_space<vmem>> -> memref<512x32xf32, #tpu.memory_space<vmem>>
        tpu.wait_dma2 semaphore(%run_scoped3A_233 : memref<!tpu.dma_semaphore, #tpu.memory_space<semaphore_mem>>) src(%dma_wait3A_261 : memref<512x32xf32, #tpu.memory_space<vmem>>) dst(%dma_wait3A_257 : memref<512x32xf32, #tpu.memory_space<hbm>>)
        tpu.yield
      }) : () -> ()
      %scan3A_232 = arith.constant 0 : i32
      scf.yield %scan3A_232 : i32
    }
    %scan3A_56 = arith.constant 5 : i32
    return
  }
}

#map = affine_map<(d0, d1) -> (0, 0)>
#map1 = affine_map<(d0, d1) -> (0, 0, 0)>
#map2 = affine_map<(d0, d1) -> (0, 0, 0, 0)>
module attributes {stable_mosaic.version = 14 : i64} {
  func.func @_sc_body(%arg0: i32, %arg1: i32, %arg2: memref<1015808x32xf32, #tpu.memory_space<hbm>>, %arg3: memref<32x10x512xi32, #tpu.memory_space<hbm>>, %arg4: memref<10x4096x4x32xf32, #tpu.memory_space<hbm>>, %arg5: memref<2x512xi32, #tpu.memory_space<vmem>>, %arg6: memref<2x512x32xf32, #tpu.memory_space<vmem>>, %arg7: memref<!tpu.dma_semaphore, #tpu.memory_space<semaphore_mem>>, %arg8: memref<!tpu.dma_semaphore, #tpu.memory_space<semaphore_mem>>) attributes {dimension_semantics = [#tpu.dimension_semantics<core_parallel>, #tpu.dimension_semantics<subcore_parallel>], iteration_bounds = array<i64: 2, 16>, scalar_prefetch = 0 : i64, scratch_operands = 4 : i64, tpu.core_type = #tpu.core_type<sc_vector_subcore>, window_params = [{transform_indices = #map}, {transform_indices = #map1}, {transform_indices = #map2}]} {
    %mul3A = arith.constant 2 : i32
    %mul3A_0 = arith.muli %arg1, %mul3A : i32
    %add3A = arith.addi %mul3A_0, %arg0 : i32
    %mul3A_1 = arith.constant 5120 : i32
    %mul3A_2 = arith.muli %add3A, %mul3A_1 : i32
    %run_scoped3A = arith.constant 0 : i32
    %run_scoped3A_3 = arith.constant 0 : i32
    "tpu.region"() ({
      %run_scoped3A_57 = tpu.sem_alloc : memref<!tpu.dma_semaphore, #tpu.memory_space<semaphore_mem>>
      %dma_start3A_58 = arith.constant 0 : i32
      %dma_start3A_59 = tpu.memref_slice %arg5[%run_scoped3A_3, %dma_start3A_58] : memref<2x512xi32, #tpu.memory_space<vmem>> -> memref<1x512xi32, #tpu.memory_space<vmem>>
      %dma_start3A_60 = tpu.memref_squeeze %dma_start3A_59 : memref<1x512xi32, #tpu.memory_space<vmem>> -> memref<512xi32, #tpu.memory_space<vmem>>
      %dma_start3A_61 = arith.constant 0 : i32
      %dma_start3A_62 = tpu.memref_slice %arg3[%add3A, %run_scoped3A, %dma_start3A_61] : memref<32x10x512xi32, #tpu.memory_space<hbm>> -> memref<1x1x512xi32, #tpu.memory_space<hbm>>
      %dma_start3A_63 = tpu.memref_squeeze %dma_start3A_62 : memref<1x1x512xi32, #tpu.memory_space<hbm>> -> memref<512xi32, #tpu.memory_space<hbm>>
      %dma_start3A_64 = arith.constant 0 : i32
      %dma_start3A_65 = tpu.memref_slice %arg5[%run_scoped3A_3, %dma_start3A_64] : memref<2x512xi32, #tpu.memory_space<vmem>> -> memref<1x512xi32, #tpu.memory_space<vmem>>
      %dma_start3A_66 = tpu.memref_squeeze %dma_start3A_65 : memref<1x512xi32, #tpu.memory_space<vmem>> -> memref<512xi32, #tpu.memory_space<vmem>>
      %dma_start3A_67 = arith.constant 0 : i32
      %dma_start3A_68 = tpu.memref_slice %arg3[%add3A, %run_scoped3A, %dma_start3A_67] : memref<32x10x512xi32, #tpu.memory_space<hbm>> -> memref<1x1x512xi32, #tpu.memory_space<hbm>>
      %dma_start3A_69 = tpu.memref_squeeze %dma_start3A_68 : memref<1x1x512xi32, #tpu.memory_space<hbm>> -> memref<512xi32, #tpu.memory_space<hbm>>
      tpu.enqueue_dma source(%dma_start3A_69 : memref<512xi32, #tpu.memory_space<hbm>>) target(%dma_start3A_66 : memref<512xi32, #tpu.memory_space<vmem>>) target_semaphore(%run_scoped3A_57 : memref<!tpu.dma_semaphore, #tpu.memory_space<semaphore_mem>>)
      %dma_wait3A = arith.constant 0 : i32
      %dma_wait3A_70 = tpu.memref_slice %arg5[%run_scoped3A_3, %dma_wait3A] : memref<2x512xi32, #tpu.memory_space<vmem>> -> memref<1x512xi32, #tpu.memory_space<vmem>>
      %dma_wait3A_71 = tpu.memref_squeeze %dma_wait3A_70 : memref<1x512xi32, #tpu.memory_space<vmem>> -> memref<512xi32, #tpu.memory_space<vmem>>
      %dma_wait3A_72 = arith.constant 0 : i32
      %dma_wait3A_73 = tpu.memref_slice %arg3[%add3A, %run_scoped3A, %dma_wait3A_72] : memref<32x10x512xi32, #tpu.memory_space<hbm>> -> memref<1x1x512xi32, #tpu.memory_space<hbm>>
      %dma_wait3A_74 = tpu.memref_squeeze %dma_wait3A_73 : memref<1x1x512xi32, #tpu.memory_space<hbm>> -> memref<512xi32, #tpu.memory_space<hbm>>
      %dma_wait3A_75 = arith.constant 0 : i32
      %dma_wait3A_76 = tpu.memref_slice %arg5[%run_scoped3A_3, %dma_wait3A_75] : memref<2x512xi32, #tpu.memory_space<vmem>> -> memref<1x512xi32, #tpu.memory_space<vmem>>
      %dma_wait3A_77 = tpu.memref_squeeze %dma_wait3A_76 : memref<1x512xi32, #tpu.memory_space<vmem>> -> memref<512xi32, #tpu.memory_space<vmem>>
      %dma_wait3A_78 = arith.constant 0 : i32
      %dma_wait3A_79 = tpu.memref_slice %arg3[%add3A, %run_scoped3A, %dma_wait3A_78] : memref<32x10x512xi32, #tpu.memory_space<hbm>> -> memref<1x1x512xi32, #tpu.memory_space<hbm>>
      %dma_wait3A_80 = tpu.memref_squeeze %dma_wait3A_79 : memref<1x1x512xi32, #tpu.memory_space<hbm>> -> memref<512xi32, #tpu.memory_space<hbm>>
      tpu.wait_dma2 semaphore(%run_scoped3A_57 : memref<!tpu.dma_semaphore, #tpu.memory_space<semaphore_mem>>) src(%dma_wait3A_80 : memref<512xi32, #tpu.memory_space<hbm>>) dst(%dma_wait3A_77 : memref<512xi32, #tpu.memory_space<vmem>>)
      tpu.yield
    }) : () -> ()
    %dma_start3A = arith.constant 0 : i32
    %dma_start3A_4 = arith.constant 0 : i32
    %dma_start3A_5 = arith.constant 0 : i32
    %dma_start3A_6 = arith.constant 0 : i32
    %dma_start3A_7 = tpu.memref_slice %arg6[%dma_start3A_4, %dma_start3A_5, %dma_start3A_6] : memref<2x512x32xf32, #tpu.memory_space<vmem>> -> memref<1x128x32xf32, #tpu.memory_space<vmem>>
    %dma_start3A_8 = tpu.memref_squeeze %dma_start3A_7 : memref<1x128x32xf32, #tpu.memory_space<vmem>> -> memref<128x32xf32, #tpu.memory_space<vmem>>
    %dma_start3A_9 = arith.constant 0 : i32
    %dma_start3A_10 = tpu.memref_slice %arg5[%dma_start3A, %dma_start3A_9] : memref<2x512xi32, #tpu.memory_space<vmem>> -> memref<1x128xi32, #tpu.memory_space<vmem>>
    %dma_start3A_11 = tpu.memref_squeeze %dma_start3A_10 : memref<1x128xi32, #tpu.memory_space<vmem>> -> memref<128xi32, #tpu.memory_space<vmem>>
    %dma_start3A_12 = arith.constant 0 : i32
    %dma_start3A_13 = arith.constant 0 : i32
    %dma_start3A_14 = tpu.memref_slice %arg2[%dma_start3A_12, %dma_start3A_13] : memref<1015808x32xf32, #tpu.memory_space<hbm>> -> memref<1015808x32xf32, #tpu.memory_space<hbm>>
    tpu.enqueue_indirect_dma source(%dma_start3A_14 : memref<1015808x32xf32, #tpu.memory_space<hbm>>) target(%dma_start3A_8 : memref<128x32xf32, #tpu.memory_space<vmem>>) offsets(%dma_start3A_11 : memref<128xi32, #tpu.memory_space<vmem>>) semaphore(%arg7 : memref<!tpu.dma_semaphore, #tpu.memory_space<semaphore_mem>>)
    %dma_start3A_15 = arith.constant 0 : i32
    %dma_start3A_16 = arith.constant 0 : i32
    %dma_start3A_17 = arith.constant 128 : i32
    %dma_start3A_18 = arith.constant 0 : i32
    %dma_start3A_19 = tpu.memref_slice %arg6[%dma_start3A_16, %dma_start3A_17, %dma_start3A_18] : memref<2x512x32xf32, #tpu.memory_space<vmem>> -> memref<1x128x32xf32, #tpu.memory_space<vmem>>
    %dma_start3A_20 = tpu.memref_squeeze %dma_start3A_19 : memref<1x128x32xf32, #tpu.memory_space<vmem>> -> memref<128x32xf32, #tpu.memory_space<vmem>>
    %dma_start3A_21 = arith.constant 128 : i32
    %dma_start3A_22 = tpu.memref_slice %arg5[%dma_start3A_15, %dma_start3A_21] : memref<2x512xi32, #tpu.memory_space<vmem>> -> memref<1x128xi32, #tpu.memory_space<vmem>>
    %dma_start3A_23 = tpu.memref_squeeze %dma_start3A_22 : memref<1x128xi32, #tpu.memory_space<vmem>> -> memref<128xi32, #tpu.memory_space<vmem>>
    %dma_start3A_24 = arith.constant 0 : i32
    %dma_start3A_25 = arith.constant 0 : i32
    %dma_start3A_26 = tpu.memref_slice %arg2[%dma_start3A_24, %dma_start3A_25] : memref<1015808x32xf32, #tpu.memory_space<hbm>> -> memref<1015808x32xf32, #tpu.memory_space<hbm>>
    tpu.enqueue_indirect_dma source(%dma_start3A_26 : memref<1015808x32xf32, #tpu.memory_space<hbm>>) target(%dma_start3A_20 : memref<128x32xf32, #tpu.memory_space<vmem>>) offsets(%dma_start3A_23 : memref<128xi32, #tpu.memory_space<vmem>>) semaphore(%arg7 : memref<!tpu.dma_semaphore, #tpu.memory_space<semaphore_mem>>)
    %dma_start3A_27 = arith.constant 0 : i32
    %dma_start3A_28 = arith.constant 0 : i32
    %dma_start3A_29 = arith.constant 256 : i32
    %dma_start3A_30 = arith.constant 0 : i32
    %dma_start3A_31 = tpu.memref_slice %arg6[%dma_start3A_28, %dma_start3A_29, %dma_start3A_30] : memref<2x512x32xf32, #tpu.memory_space<vmem>> -> memref<1x128x32xf32, #tpu.memory_space<vmem>>
    %dma_start3A_32 = tpu.memref_squeeze %dma_start3A_31 : memref<1x128x32xf32, #tpu.memory_space<vmem>> -> memref<128x32xf32, #tpu.memory_space<vmem>>
    %dma_start3A_33 = arith.constant 256 : i32
    %dma_start3A_34 = tpu.memref_slice %arg5[%dma_start3A_27, %dma_start3A_33] : memref<2x512xi32, #tpu.memory_space<vmem>> -> memref<1x128xi32, #tpu.memory_space<vmem>>
    %dma_start3A_35 = tpu.memref_squeeze %dma_start3A_34 : memref<1x128xi32, #tpu.memory_space<vmem>> -> memref<128xi32, #tpu.memory_space<vmem>>
    %dma_start3A_36 = arith.constant 0 : i32
    %dma_start3A_37 = arith.constant 0 : i32
    %dma_start3A_38 = tpu.memref_slice %arg2[%dma_start3A_36, %dma_start3A_37] : memref<1015808x32xf32, #tpu.memory_space<hbm>> -> memref<1015808x32xf32, #tpu.memory_space<hbm>>
    tpu.enqueue_indirect_dma source(%dma_start3A_38 : memref<1015808x32xf32, #tpu.memory_space<hbm>>) target(%dma_start3A_32 : memref<128x32xf32, #tpu.memory_space<vmem>>) offsets(%dma_start3A_35 : memref<128xi32, #tpu.memory_space<vmem>>) semaphore(%arg7 : memref<!tpu.dma_semaphore, #tpu.memory_space<semaphore_mem>>)
    %dma_start3A_39 = arith.constant 0 : i32
    %dma_start3A_40 = arith.constant 0 : i32
    %dma_start3A_41 = arith.constant 384 : i32
    %dma_start3A_42 = arith.constant 0 : i32
    %dma_start3A_43 = tpu.memref_slice %arg6[%dma_start3A_40, %dma_start3A_41, %dma_start3A_42] : memref<2x512x32xf32, #tpu.memory_space<vmem>> -> memref<1x128x32xf32, #tpu.memory_space<vmem>>
    %dma_start3A_44 = tpu.memref_squeeze %dma_start3A_43 : memref<1x128x32xf32, #tpu.memory_space<vmem>> -> memref<128x32xf32, #tpu.memory_space<vmem>>
    %dma_start3A_45 = arith.constant 384 : i32
    %dma_start3A_46 = tpu.memref_slice %arg5[%dma_start3A_39, %dma_start3A_45] : memref<2x512xi32, #tpu.memory_space<vmem>> -> memref<1x128xi32, #tpu.memory_space<vmem>>
    %dma_start3A_47 = tpu.memref_squeeze %dma_start3A_46 : memref<1x128xi32, #tpu.memory_space<vmem>> -> memref<128xi32, #tpu.memory_space<vmem>>
    %dma_start3A_48 = arith.constant 0 : i32
    %dma_start3A_49 = arith.constant 0 : i32
    %dma_start3A_50 = tpu.memref_slice %arg2[%dma_start3A_48, %dma_start3A_49] : memref<1015808x32xf32, #tpu.memory_space<hbm>> -> memref<1015808x32xf32, #tpu.memory_space<hbm>>
    tpu.enqueue_indirect_dma source(%dma_start3A_50 : memref<1015808x32xf32, #tpu.memory_space<hbm>>) target(%dma_start3A_44 : memref<128x32xf32, #tpu.memory_space<vmem>>) offsets(%dma_start3A_47 : memref<128xi32, #tpu.memory_space<vmem>>) semaphore(%arg7 : memref<!tpu.dma_semaphore, #tpu.memory_space<semaphore_mem>>)
    %scan3A = arith.constant 0 : i32
    %scan3A_51 = arith.constant 0 : i32
    %scan3A_52 = arith.constant 5 : i32
    %scan3A_53 = arith.addi %scan3A_51, %scan3A_52 : i32
    %scan3A_54 = arith.constant 1 : i32
    %scan3A_55 = scf.for %scan3A_57 = %scan3A_51 to %scan3A_53 step %scan3A_54 iter_args(%scan3A_58 = %scan3A) -> (i32)  : i32 {
      %mul3A_59 = arith.constant 2 : i32
      %mul3A_60 = arith.muli %mul3A_59, %scan3A_57 : i32
      %add3A_61 = arith.constant 1 : i32
      %add3A_62 = arith.addi %mul3A_60, %add3A_61 : i32
      %run_scoped3A_63 = arith.constant 1 : i32
      "tpu.region"() ({
        %run_scoped3A_233 = tpu.sem_alloc : memref<!tpu.dma_semaphore, #tpu.memory_space<semaphore_mem>>
        %dma_start3A_234 = arith.constant 0 : i32
        %dma_start3A_235 = tpu.memref_slice %arg5[%run_scoped3A_63, %dma_start3A_234] : memref<2x512xi32, #tpu.memory_space<vmem>> -> memref<1x512xi32, #tpu.memory_space<vmem>>
        %dma_start3A_236 = tpu.memref_squeeze %dma_start3A_235 : memref<1x512xi32, #tpu.memory_space<vmem>> -> memref<512xi32, #tpu.memory_space<vmem>>
        %dma_start3A_237 = arith.constant 0 : i32
        %dma_start3A_238 = tpu.memref_slice %arg3[%add3A, %add3A_62, %dma_start3A_237] : memref<32x10x512xi32, #tpu.memory_space<hbm>> -> memref<1x1x512xi32, #tpu.memory_space<hbm>>
        %dma_start3A_239 = tpu.memref_squeeze %dma_start3A_238 : memref<1x1x512xi32, #tpu.memory_space<hbm>> -> memref<512xi32, #tpu.memory_space<hbm>>
        %dma_start3A_240 = arith.constant 0 : i32
        %dma_start3A_241 = tpu.memref_slice %arg5[%run_scoped3A_63, %dma_start3A_240] : memref<2x512xi32, #tpu.memory_space<vmem>> -> memref<1x512xi32, #tpu.memory_space<vmem>>
        %dma_start3A_242 = tpu.memref_squeeze %dma_start3A_241 : memref<1x512xi32, #tpu.memory_space<vmem>> -> memref<512xi32, #tpu.memory_space<vmem>>
        %dma_start3A_243 = arith.constant 0 : i32
        %dma_start3A_244 = tpu.memref_slice %arg3[%add3A, %add3A_62, %dma_start3A_243] : memref<32x10x512xi32, #tpu.memory_space<hbm>> -> memref<1x1x512xi32, #tpu.memory_space<hbm>>
        %dma_start3A_245 = tpu.memref_squeeze %dma_start3A_244 : memref<1x1x512xi32, #tpu.memory_space<hbm>> -> memref<512xi32, #tpu.memory_space<hbm>>
        tpu.enqueue_dma source(%dma_start3A_245 : memref<512xi32, #tpu.memory_space<hbm>>) target(%dma_start3A_242 : memref<512xi32, #tpu.memory_space<vmem>>) target_semaphore(%run_scoped3A_233 : memref<!tpu.dma_semaphore, #tpu.memory_space<semaphore_mem>>)
        %dma_wait3A_246 = arith.constant 0 : i32
        %dma_wait3A_247 = tpu.memref_slice %arg5[%run_scoped3A_63, %dma_wait3A_246] : memref<2x512xi32, #tpu.memory_space<vmem>> -> memref<1x512xi32, #tpu.memory_space<vmem>>
        %dma_wait3A_248 = tpu.memref_squeeze %dma_wait3A_247 : memref<1x512xi32, #tpu.memory_space<vmem>> -> memref<512xi32, #tpu.memory_space<vmem>>
        %dma_wait3A_249 = arith.constant 0 : i32
        %dma_wait3A_250 = tpu.memref_slice %arg3[%add3A, %add3A_62, %dma_wait3A_249] : memref<32x10x512xi32, #tpu.memory_space<hbm>> -> memref<1x1x512xi32, #tpu.memory_space<hbm>>
        %dma_wait3A_251 = tpu.memref_squeeze %dma_wait3A_250 : memref<1x1x512xi32, #tpu.memory_space<hbm>> -> memref<512xi32, #tpu.memory_space<hbm>>
        %dma_wait3A_252 = arith.constant 0 : i32
        %dma_wait3A_253 = tpu.memref_slice %arg5[%run_scoped3A_63, %dma_wait3A_252] : memref<2x512xi32, #tpu.memory_space<vmem>> -> memref<1x512xi32, #tpu.memory_space<vmem>>
        %dma_wait3A_254 = tpu.memref_squeeze %dma_wait3A_253 : memref<1x512xi32, #tpu.memory_space<vmem>> -> memref<512xi32, #tpu.memory_space<vmem>>
        %dma_wait3A_255 = arith.constant 0 : i32
        %dma_wait3A_256 = tpu.memref_slice %arg3[%add3A, %add3A_62, %dma_wait3A_255] : memref<32x10x512xi32, #tpu.memory_space<hbm>> -> memref<1x1x512xi32, #tpu.memory_space<hbm>>
        %dma_wait3A_257 = tpu.memref_squeeze %dma_wait3A_256 : memref<1x1x512xi32, #tpu.memory_space<hbm>> -> memref<512xi32, #tpu.memory_space<hbm>>
        tpu.wait_dma2 semaphore(%run_scoped3A_233 : memref<!tpu.dma_semaphore, #tpu.memory_space<semaphore_mem>>) src(%dma_wait3A_257 : memref<512xi32, #tpu.memory_space<hbm>>) dst(%dma_wait3A_254 : memref<512xi32, #tpu.memory_space<vmem>>)
        tpu.yield
      }) : () -> ()
      %dma_start3A_64 = arith.constant 1 : i32
      %dma_start3A_65 = arith.constant 1 : i32
      %dma_start3A_66 = arith.constant 0 : i32
      %dma_start3A_67 = arith.constant 0 : i32
      %dma_start3A_68 = tpu.memref_slice %arg6[%dma_start3A_65, %dma_start3A_66, %dma_start3A_67] : memref<2x512x32xf32, #tpu.memory_space<vmem>> -> memref<1x128x32xf32, #tpu.memory_space<vmem>>
      %dma_start3A_69 = tpu.memref_squeeze %dma_start3A_68 : memref<1x128x32xf32, #tpu.memory_space<vmem>> -> memref<128x32xf32, #tpu.memory_space<vmem>>
      %dma_start3A_70 = arith.constant 0 : i32
      %dma_start3A_71 = tpu.memref_slice %arg5[%dma_start3A_64, %dma_start3A_70] : memref<2x512xi32, #tpu.memory_space<vmem>> -> memref<1x128xi32, #tpu.memory_space<vmem>>
      %dma_start3A_72 = tpu.memref_squeeze %dma_start3A_71 : memref<1x128xi32, #tpu.memory_space<vmem>> -> memref<128xi32, #tpu.memory_space<vmem>>
      %dma_start3A_73 = arith.constant 0 : i32
      %dma_start3A_74 = arith.constant 0 : i32
      %dma_start3A_75 = tpu.memref_slice %arg2[%dma_start3A_73, %dma_start3A_74] : memref<1015808x32xf32, #tpu.memory_space<hbm>> -> memref<1015808x32xf32, #tpu.memory_space<hbm>>
      tpu.enqueue_indirect_dma source(%dma_start3A_75 : memref<1015808x32xf32, #tpu.memory_space<hbm>>) target(%dma_start3A_69 : memref<128x32xf32, #tpu.memory_space<vmem>>) offsets(%dma_start3A_72 : memref<128xi32, #tpu.memory_space<vmem>>) semaphore(%arg8 : memref<!tpu.dma_semaphore, #tpu.memory_space<semaphore_mem>>)
      %dma_start3A_76 = arith.constant 1 : i32
      %dma_start3A_77 = arith.constant 1 : i32
      %dma_start3A_78 = arith.constant 128 : i32
      %dma_start3A_79 = arith.constant 0 : i32
      %dma_start3A_80 = tpu.memref_slice %arg6[%dma_start3A_77, %dma_start3A_78, %dma_start3A_79] : memref<2x512x32xf32, #tpu.memory_space<vmem>> -> memref<1x128x32xf32, #tpu.memory_space<vmem>>
      %dma_start3A_81 = tpu.memref_squeeze %dma_start3A_80 : memref<1x128x32xf32, #tpu.memory_space<vmem>> -> memref<128x32xf32, #tpu.memory_space<vmem>>
      %dma_start3A_82 = arith.constant 128 : i32
      %dma_start3A_83 = tpu.memref_slice %arg5[%dma_start3A_76, %dma_start3A_82] : memref<2x512xi32, #tpu.memory_space<vmem>> -> memref<1x128xi32, #tpu.memory_space<vmem>>
      %dma_start3A_84 = tpu.memref_squeeze %dma_start3A_83 : memref<1x128xi32, #tpu.memory_space<vmem>> -> memref<128xi32, #tpu.memory_space<vmem>>
      %dma_start3A_85 = arith.constant 0 : i32
      %dma_start3A_86 = arith.constant 0 : i32
      %dma_start3A_87 = tpu.memref_slice %arg2[%dma_start3A_85, %dma_start3A_86] : memref<1015808x32xf32, #tpu.memory_space<hbm>> -> memref<1015808x32xf32, #tpu.memory_space<hbm>>
      tpu.enqueue_indirect_dma source(%dma_start3A_87 : memref<1015808x32xf32, #tpu.memory_space<hbm>>) target(%dma_start3A_81 : memref<128x32xf32, #tpu.memory_space<vmem>>) offsets(%dma_start3A_84 : memref<128xi32, #tpu.memory_space<vmem>>) semaphore(%arg8 : memref<!tpu.dma_semaphore, #tpu.memory_space<semaphore_mem>>)
      %dma_start3A_88 = arith.constant 1 : i32
      %dma_start3A_89 = arith.constant 1 : i32
      %dma_start3A_90 = arith.constant 256 : i32
      %dma_start3A_91 = arith.constant 0 : i32
      %dma_start3A_92 = tpu.memref_slice %arg6[%dma_start3A_89, %dma_start3A_90, %dma_start3A_91] : memref<2x512x32xf32, #tpu.memory_space<vmem>> -> memref<1x128x32xf32, #tpu.memory_space<vmem>>
      %dma_start3A_93 = tpu.memref_squeeze %dma_start3A_92 : memref<1x128x32xf32, #tpu.memory_space<vmem>> -> memref<128x32xf32, #tpu.memory_space<vmem>>
      %dma_start3A_94 = arith.constant 256 : i32
      %dma_start3A_95 = tpu.memref_slice %arg5[%dma_start3A_88, %dma_start3A_94] : memref<2x512xi32, #tpu.memory_space<vmem>> -> memref<1x128xi32, #tpu.memory_space<vmem>>
      %dma_start3A_96 = tpu.memref_squeeze %dma_start3A_95 : memref<1x128xi32, #tpu.memory_space<vmem>> -> memref<128xi32, #tpu.memory_space<vmem>>
      %dma_start3A_97 = arith.constant 0 : i32
      %dma_start3A_98 = arith.constant 0 : i32
      %dma_start3A_99 = tpu.memref_slice %arg2[%dma_start3A_97, %dma_start3A_98] : memref<1015808x32xf32, #tpu.memory_space<hbm>> -> memref<1015808x32xf32, #tpu.memory_space<hbm>>
      tpu.enqueue_indirect_dma source(%dma_start3A_99 : memref<1015808x32xf32, #tpu.memory_space<hbm>>) target(%dma_start3A_93 : memref<128x32xf32, #tpu.memory_space<vmem>>) offsets(%dma_start3A_96 : memref<128xi32, #tpu.memory_space<vmem>>) semaphore(%arg8 : memref<!tpu.dma_semaphore, #tpu.memory_space<semaphore_mem>>)
      %dma_start3A_100 = arith.constant 1 : i32
      %dma_start3A_101 = arith.constant 1 : i32
      %dma_start3A_102 = arith.constant 384 : i32
      %dma_start3A_103 = arith.constant 0 : i32
      %dma_start3A_104 = tpu.memref_slice %arg6[%dma_start3A_101, %dma_start3A_102, %dma_start3A_103] : memref<2x512x32xf32, #tpu.memory_space<vmem>> -> memref<1x128x32xf32, #tpu.memory_space<vmem>>
      %dma_start3A_105 = tpu.memref_squeeze %dma_start3A_104 : memref<1x128x32xf32, #tpu.memory_space<vmem>> -> memref<128x32xf32, #tpu.memory_space<vmem>>
      %dma_start3A_106 = arith.constant 384 : i32
      %dma_start3A_107 = tpu.memref_slice %arg5[%dma_start3A_100, %dma_start3A_106] : memref<2x512xi32, #tpu.memory_space<vmem>> -> memref<1x128xi32, #tpu.memory_space<vmem>>
      %dma_start3A_108 = tpu.memref_squeeze %dma_start3A_107 : memref<1x128xi32, #tpu.memory_space<vmem>> -> memref<128xi32, #tpu.memory_space<vmem>>
      %dma_start3A_109 = arith.constant 0 : i32
      %dma_start3A_110 = arith.constant 0 : i32
      %dma_start3A_111 = tpu.memref_slice %arg2[%dma_start3A_109, %dma_start3A_110] : memref<1015808x32xf32, #tpu.memory_space<hbm>> -> memref<1015808x32xf32, #tpu.memory_space<hbm>>
      tpu.enqueue_indirect_dma source(%dma_start3A_111 : memref<1015808x32xf32, #tpu.memory_space<hbm>>) target(%dma_start3A_105 : memref<128x32xf32, #tpu.memory_space<vmem>>) offsets(%dma_start3A_108 : memref<128xi32, #tpu.memory_space<vmem>>) semaphore(%arg8 : memref<!tpu.dma_semaphore, #tpu.memory_space<semaphore_mem>>)
      %dma_wait3A = arith.constant 0 : i32
      %dma_wait3A_112 = arith.constant 0 : i32
      %dma_wait3A_113 = arith.constant 0 : i32
      %dma_wait3A_114 = arith.constant 0 : i32
      %dma_wait3A_115 = tpu.memref_slice %arg6[%dma_wait3A_112, %dma_wait3A_113, %dma_wait3A_114] : memref<2x512x32xf32, #tpu.memory_space<vmem>> -> memref<1x128x32xf32, #tpu.memory_space<vmem>>
      %dma_wait3A_116 = tpu.memref_squeeze %dma_wait3A_115 : memref<1x128x32xf32, #tpu.memory_space<vmem>> -> memref<128x32xf32, #tpu.memory_space<vmem>>
      %dma_wait3A_117 = arith.constant 0 : i32
      %dma_wait3A_118 = tpu.memref_slice %arg5[%dma_wait3A, %dma_wait3A_117] : memref<2x512xi32, #tpu.memory_space<vmem>> -> memref<1x128xi32, #tpu.memory_space<vmem>>
      %dma_wait3A_119 = tpu.memref_squeeze %dma_wait3A_118 : memref<1x128xi32, #tpu.memory_space<vmem>> -> memref<128xi32, #tpu.memory_space<vmem>>
      %dma_wait3A_120 = arith.constant 0 : i32
      %dma_wait3A_121 = arith.constant 0 : i32
      %dma_wait3A_122 = tpu.memref_slice %arg2[%dma_wait3A_120, %dma_wait3A_121] : memref<1015808x32xf32, #tpu.memory_space<hbm>> -> memref<1015808x32xf32, #tpu.memory_space<hbm>>
      tpu.wait_indirect_dma semaphore(%arg7 : memref<!tpu.dma_semaphore, #tpu.memory_space<semaphore_mem>>) src(%dma_wait3A_122 : memref<1015808x32xf32, #tpu.memory_space<hbm>>) dst(%dma_wait3A_116 : memref<128x32xf32, #tpu.memory_space<vmem>>)
      %dma_wait3A_123 = arith.constant 0 : i32
      %dma_wait3A_124 = arith.constant 0 : i32
      %dma_wait3A_125 = arith.constant 128 : i32
      %dma_wait3A_126 = arith.constant 0 : i32
      %dma_wait3A_127 = tpu.memref_slice %arg6[%dma_wait3A_124, %dma_wait3A_125, %dma_wait3A_126] : memref<2x512x32xf32, #tpu.memory_space<vmem>> -> memref<1x128x32xf32, #tpu.memory_space<vmem>>
      %dma_wait3A_128 = tpu.memref_squeeze %dma_wait3A_127 : memref<1x128x32xf32, #tpu.memory_space<vmem>> -> memref<128x32xf32, #tpu.memory_space<vmem>>
      %dma_wait3A_129 = arith.constant 128 : i32
      %dma_wait3A_130 = tpu.memref_slice %arg5[%dma_wait3A_123, %dma_wait3A_129] : memref<2x512xi32, #tpu.memory_space<vmem>> -> memref<1x128xi32, #tpu.memory_space<vmem>>
      %dma_wait3A_131 = tpu.memref_squeeze %dma_wait3A_130 : memref<1x128xi32, #tpu.memory_space<vmem>> -> memref<128xi32, #tpu.memory_space<vmem>>
      %dma_wait3A_132 = arith.constant 0 : i32
      %dma_wait3A_133 = arith.constant 0 : i32
      %dma_wait3A_134 = tpu.memref_slice %arg2[%dma_wait3A_132, %dma_wait3A_133] : memref<1015808x32xf32, #tpu.memory_space<hbm>> -> memref<1015808x32xf32, #tpu.memory_space<hbm>>
      tpu.wait_indirect_dma semaphore(%arg7 : memref<!tpu.dma_semaphore, #tpu.memory_space<semaphore_mem>>) src(%dma_wait3A_134 : memref<1015808x32xf32, #tpu.memory_space<hbm>>) dst(%dma_wait3A_128 : memref<128x32xf32, #tpu.memory_space<vmem>>)
      %dma_wait3A_135 = arith.constant 0 : i32
      %dma_wait3A_136 = arith.constant 0 : i32
      %dma_wait3A_137 = arith.constant 256 : i32
      %dma_wait3A_138 = arith.constant 0 : i32
      %dma_wait3A_139 = tpu.memref_slice %arg6[%dma_wait3A_136, %dma_wait3A_137, %dma_wait3A_138] : memref<2x512x32xf32, #tpu.memory_space<vmem>> -> memref<1x128x32xf32, #tpu.memory_space<vmem>>
      %dma_wait3A_140 = tpu.memref_squeeze %dma_wait3A_139 : memref<1x128x32xf32, #tpu.memory_space<vmem>> -> memref<128x32xf32, #tpu.memory_space<vmem>>
      %dma_wait3A_141 = arith.constant 256 : i32
      %dma_wait3A_142 = tpu.memref_slice %arg5[%dma_wait3A_135, %dma_wait3A_141] : memref<2x512xi32, #tpu.memory_space<vmem>> -> memref<1x128xi32, #tpu.memory_space<vmem>>
      %dma_wait3A_143 = tpu.memref_squeeze %dma_wait3A_142 : memref<1x128xi32, #tpu.memory_space<vmem>> -> memref<128xi32, #tpu.memory_space<vmem>>
      %dma_wait3A_144 = arith.constant 0 : i32
      %dma_wait3A_145 = arith.constant 0 : i32
      %dma_wait3A_146 = tpu.memref_slice %arg2[%dma_wait3A_144, %dma_wait3A_145] : memref<1015808x32xf32, #tpu.memory_space<hbm>> -> memref<1015808x32xf32, #tpu.memory_space<hbm>>
      tpu.wait_indirect_dma semaphore(%arg7 : memref<!tpu.dma_semaphore, #tpu.memory_space<semaphore_mem>>) src(%dma_wait3A_146 : memref<1015808x32xf32, #tpu.memory_space<hbm>>) dst(%dma_wait3A_140 : memref<128x32xf32, #tpu.memory_space<vmem>>)
      %dma_wait3A_147 = arith.constant 0 : i32
      %dma_wait3A_148 = arith.constant 0 : i32
      %dma_wait3A_149 = arith.constant 384 : i32
      %dma_wait3A_150 = arith.constant 0 : i32
      %dma_wait3A_151 = tpu.memref_slice %arg6[%dma_wait3A_148, %dma_wait3A_149, %dma_wait3A_150] : memref<2x512x32xf32, #tpu.memory_space<vmem>> -> memref<1x128x32xf32, #tpu.memory_space<vmem>>
      %dma_wait3A_152 = tpu.memref_squeeze %dma_wait3A_151 : memref<1x128x32xf32, #tpu.memory_space<vmem>> -> memref<128x32xf32, #tpu.memory_space<vmem>>
      %dma_wait3A_153 = arith.constant 384 : i32
      %dma_wait3A_154 = tpu.memref_slice %arg5[%dma_wait3A_147, %dma_wait3A_153] : memref<2x512xi32, #tpu.memory_space<vmem>> -> memref<1x128xi32, #tpu.memory_space<vmem>>
      %dma_wait3A_155 = tpu.memref_squeeze %dma_wait3A_154 : memref<1x128xi32, #tpu.memory_space<vmem>> -> memref<128xi32, #tpu.memory_space<vmem>>
      %dma_wait3A_156 = arith.constant 0 : i32
      %dma_wait3A_157 = arith.constant 0 : i32
      %dma_wait3A_158 = tpu.memref_slice %arg2[%dma_wait3A_156, %dma_wait3A_157] : memref<1015808x32xf32, #tpu.memory_space<hbm>> -> memref<1015808x32xf32, #tpu.memory_space<hbm>>
      tpu.wait_indirect_dma semaphore(%arg7 : memref<!tpu.dma_semaphore, #tpu.memory_space<semaphore_mem>>) src(%dma_wait3A_158 : memref<1015808x32xf32, #tpu.memory_space<hbm>>) dst(%dma_wait3A_152 : memref<128x32xf32, #tpu.memory_space<vmem>>)
      %sub3A = arith.constant 1 : i32
      %sub3A_159 = arith.subi %add3A_62, %sub3A : i32
      %mul3A_160 = arith.constant 512 : i32
      %mul3A_161 = arith.muli %sub3A_159, %mul3A_160 : i32
      %add3A_162 = arith.addi %mul3A_2, %mul3A_161 : i32
      %shift_right_arithmetic3A = arith.constant 14 : i32
      %shift_right_arithmetic3A_163 = arith.shrsi %add3A_162, %shift_right_arithmetic3A : i32
      %and3A = arith.constant 16383 : i32
      %and3A_164 = arith.andi %add3A_162, %and3A : i32
      %shift_right_arithmetic3A_165 = arith.constant 12 : i32
      %shift_right_arithmetic3A_166 = arith.shrsi %and3A_164, %shift_right_arithmetic3A_165 : i32
      %and3A_167 = arith.constant 4095 : i32
      %and3A_168 = arith.andi %and3A_164, %and3A_167 : i32
      %run_scoped3A_169 = arith.constant 0 : i32
      "tpu.region"() ({
        %run_scoped3A_233 = tpu.sem_alloc : memref<!tpu.dma_semaphore, #tpu.memory_space<semaphore_mem>>
        %dma_start3A_234 = arith.constant 0 : i32
        %dma_start3A_235 = arith.constant 0 : i32
        %dma_start3A_236 = tpu.memref_slice %arg6[%run_scoped3A_169, %dma_start3A_234, %dma_start3A_235] : memref<2x512x32xf32, #tpu.memory_space<vmem>> -> memref<1x512x32xf32, #tpu.memory_space<vmem>>
        %dma_start3A_237 = tpu.memref_squeeze %dma_start3A_236 : memref<1x512x32xf32, #tpu.memory_space<vmem>> -> memref<512x32xf32, #tpu.memory_space<vmem>>
        %dma_start3A_238 = arith.constant 0 : i32
        %dma_start3A_239 = tpu.memref_slice %arg4[%shift_right_arithmetic3A_163, %and3A_168, %shift_right_arithmetic3A_166, %dma_start3A_238] : memref<10x4096x4x32xf32, #tpu.memory_space<hbm>> -> memref<1x512x1x32xf32, #tpu.memory_space<hbm>>
        %dma_start3A_240 = tpu.memref_squeeze %dma_start3A_239 : memref<1x512x1x32xf32, #tpu.memory_space<hbm>> -> memref<512x32xf32, #tpu.memory_space<hbm>>
        %dma_start3A_241 = arith.constant 0 : i32
        %dma_start3A_242 = tpu.memref_slice %arg4[%shift_right_arithmetic3A_163, %and3A_168, %shift_right_arithmetic3A_166, %dma_start3A_241] : memref<10x4096x4x32xf32, #tpu.memory_space<hbm>> -> memref<1x512x1x32xf32, #tpu.memory_space<hbm>>
        %dma_start3A_243 = tpu.memref_squeeze %dma_start3A_242 : memref<1x512x1x32xf32, #tpu.memory_space<hbm>> -> memref<512x32xf32, #tpu.memory_space<hbm>>
        %dma_start3A_244 = arith.constant 0 : i32
        %dma_start3A_245 = arith.constant 0 : i32
        %dma_start3A_246 = tpu.memref_slice %arg6[%run_scoped3A_169, %dma_start3A_244, %dma_start3A_245] : memref<2x512x32xf32, #tpu.memory_space<vmem>> -> memref<1x512x32xf32, #tpu.memory_space<vmem>>
        %dma_start3A_247 = tpu.memref_squeeze %dma_start3A_246 : memref<1x512x32xf32, #tpu.memory_space<vmem>> -> memref<512x32xf32, #tpu.memory_space<vmem>>
        tpu.enqueue_dma source(%dma_start3A_247 : memref<512x32xf32, #tpu.memory_space<vmem>>) target(%dma_start3A_243 : memref<512x32xf32, #tpu.memory_space<hbm>>) target_semaphore(%run_scoped3A_233 : memref<!tpu.dma_semaphore, #tpu.memory_space<semaphore_mem>>)
        %dma_wait3A_248 = arith.constant 0 : i32
        %dma_wait3A_249 = arith.constant 0 : i32
        %dma_wait3A_250 = tpu.memref_slice %arg6[%run_scoped3A_169, %dma_wait3A_248, %dma_wait3A_249] : memref<2x512x32xf32, #tpu.memory_space<vmem>> -> memref<1x512x32xf32, #tpu.memory_space<vmem>>
        %dma_wait3A_251 = tpu.memref_squeeze %dma_wait3A_250 : memref<1x512x32xf32, #tpu.memory_space<vmem>> -> memref<512x32xf32, #tpu.memory_space<vmem>>
        %dma_wait3A_252 = arith.constant 0 : i32
        %dma_wait3A_253 = tpu.memref_slice %arg4[%shift_right_arithmetic3A_163, %and3A_168, %shift_right_arithmetic3A_166, %dma_wait3A_252] : memref<10x4096x4x32xf32, #tpu.memory_space<hbm>> -> memref<1x512x1x32xf32, #tpu.memory_space<hbm>>
        %dma_wait3A_254 = tpu.memref_squeeze %dma_wait3A_253 : memref<1x512x1x32xf32, #tpu.memory_space<hbm>> -> memref<512x32xf32, #tpu.memory_space<hbm>>
        %dma_wait3A_255 = arith.constant 0 : i32
        %dma_wait3A_256 = tpu.memref_slice %arg4[%shift_right_arithmetic3A_163, %and3A_168, %shift_right_arithmetic3A_166, %dma_wait3A_255] : memref<10x4096x4x32xf32, #tpu.memory_space<hbm>> -> memref<1x512x1x32xf32, #tpu.memory_space<hbm>>
        %dma_wait3A_257 = tpu.memref_squeeze %dma_wait3A_256 : memref<1x512x1x32xf32, #tpu.memory_space<hbm>> -> memref<512x32xf32, #tpu.memory_space<hbm>>
        %dma_wait3A_258 = arith.constant 0 : i32
        %dma_wait3A_259 = arith.constant 0 : i32
        %dma_wait3A_260 = tpu.memref_slice %arg6[%run_scoped3A_169, %dma_wait3A_258, %dma_wait3A_259] : memref<2x512x32xf32, #tpu.memory_space<vmem>> -> memref<1x512x32xf32, #tpu.memory_space<vmem>>
        %dma_wait3A_261 = tpu.memref_squeeze %dma_wait3A_260 : memref<1x512x32xf32, #tpu.memory_space<vmem>> -> memref<512x32xf32, #tpu.memory_space<vmem>>
        tpu.wait_dma2 semaphore(%run_scoped3A_233 : memref<!tpu.dma_semaphore, #tpu.memory_space<semaphore_mem>>) src(%dma_wait3A_261 : memref<512x32xf32, #tpu.memory_space<vmem>>) dst(%dma_wait3A_257 : memref<512x32xf32, #tpu.memory_space<hbm>>)
        tpu.yield
      }) : () -> ()
      %lt3A = arith.constant 4 : i32
      %lt3A_170 = arith.cmpi slt, %scan3A_57, %lt3A : i32
      %convert_element_type3A = arith.extui %lt3A_170 : i1 to i32
      %cond3A = arith.constant 0 : i32
      %cond3A_171 = arith.cmpi ne, %convert_element_type3A, %cond3A : i32
      scf.if %cond3A_171 {
        %add3A_233 = arith.constant 1 : i32
        %add3A_234 = arith.addi %add3A_62, %add3A_233 : i32
        %run_scoped3A_235 = arith.constant 0 : i32
        "tpu.region"() ({
          %run_scoped3A_284 = tpu.sem_alloc : memref<!tpu.dma_semaphore, #tpu.memory_space<semaphore_mem>>
          %dma_start3A_285 = arith.constant 0 : i32
          %dma_start3A_286 = tpu.memref_slice %arg5[%run_scoped3A_235, %dma_start3A_285] : memref<2x512xi32, #tpu.memory_space<vmem>> -> memref<1x512xi32, #tpu.memory_space<vmem>>
          %dma_start3A_287 = tpu.memref_squeeze %dma_start3A_286 : memref<1x512xi32, #tpu.memory_space<vmem>> -> memref<512xi32, #tpu.memory_space<vmem>>
          %dma_start3A_288 = arith.constant 0 : i32
          %dma_start3A_289 = tpu.memref_slice %arg3[%add3A, %add3A_234, %dma_start3A_288] : memref<32x10x512xi32, #tpu.memory_space<hbm>> -> memref<1x1x512xi32, #tpu.memory_space<hbm>>
          %dma_start3A_290 = tpu.memref_squeeze %dma_start3A_289 : memref<1x1x512xi32, #tpu.memory_space<hbm>> -> memref<512xi32, #tpu.memory_space<hbm>>
          %dma_start3A_291 = arith.constant 0 : i32
          %dma_start3A_292 = tpu.memref_slice %arg5[%run_scoped3A_235, %dma_start3A_291] : memref<2x512xi32, #tpu.memory_space<vmem>> -> memref<1x512xi32, #tpu.memory_space<vmem>>
          %dma_start3A_293 = tpu.memref_squeeze %dma_start3A_292 : memref<1x512xi32, #tpu.memory_space<vmem>> -> memref<512xi32, #tpu.memory_space<vmem>>
          %dma_start3A_294 = arith.constant 0 : i32
          %dma_start3A_295 = tpu.memref_slice %arg3[%add3A, %add3A_234, %dma_start3A_294] : memref<32x10x512xi32, #tpu.memory_space<hbm>> -> memref<1x1x512xi32, #tpu.memory_space<hbm>>
          %dma_start3A_296 = tpu.memref_squeeze %dma_start3A_295 : memref<1x1x512xi32, #tpu.memory_space<hbm>> -> memref<512xi32, #tpu.memory_space<hbm>>
          tpu.enqueue_dma source(%dma_start3A_296 : memref<512xi32, #tpu.memory_space<hbm>>) target(%dma_start3A_293 : memref<512xi32, #tpu.memory_space<vmem>>) target_semaphore(%run_scoped3A_284 : memref<!tpu.dma_semaphore, #tpu.memory_space<semaphore_mem>>)
          %dma_wait3A_297 = arith.constant 0 : i32
          %dma_wait3A_298 = tpu.memref_slice %arg5[%run_scoped3A_235, %dma_wait3A_297] : memref<2x512xi32, #tpu.memory_space<vmem>> -> memref<1x512xi32, #tpu.memory_space<vmem>>
          %dma_wait3A_299 = tpu.memref_squeeze %dma_wait3A_298 : memref<1x512xi32, #tpu.memory_space<vmem>> -> memref<512xi32, #tpu.memory_space<vmem>>
          %dma_wait3A_300 = arith.constant 0 : i32
          %dma_wait3A_301 = tpu.memref_slice %arg3[%add3A, %add3A_234, %dma_wait3A_300] : memref<32x10x512xi32, #tpu.memory_space<hbm>> -> memref<1x1x512xi32, #tpu.memory_space<hbm>>
          %dma_wait3A_302 = tpu.memref_squeeze %dma_wait3A_301 : memref<1x1x512xi32, #tpu.memory_space<hbm>> -> memref<512xi32, #tpu.memory_space<hbm>>
          %dma_wait3A_303 = arith.constant 0 : i32
          %dma_wait3A_304 = tpu.memref_slice %arg5[%run_scoped3A_235, %dma_wait3A_303] : memref<2x512xi32, #tpu.memory_space<vmem>> -> memref<1x512xi32, #tpu.memory_space<vmem>>
          %dma_wait3A_305 = tpu.memref_squeeze %dma_wait3A_304 : memref<1x512xi32, #tpu.memory_space<vmem>> -> memref<512xi32, #tpu.memory_space<vmem>>
          %dma_wait3A_306 = arith.constant 0 : i32
          %dma_wait3A_307 = tpu.memref_slice %arg3[%add3A, %add3A_234, %dma_wait3A_306] : memref<32x10x512xi32, #tpu.memory_space<hbm>> -> memref<1x1x512xi32, #tpu.memory_space<hbm>>
          %dma_wait3A_308 = tpu.memref_squeeze %dma_wait3A_307 : memref<1x1x512xi32, #tpu.memory_space<hbm>> -> memref<512xi32, #tpu.memory_space<hbm>>
          tpu.wait_dma2 semaphore(%run_scoped3A_284 : memref<!tpu.dma_semaphore, #tpu.memory_space<semaphore_mem>>) src(%dma_wait3A_308 : memref<512xi32, #tpu.memory_space<hbm>>) dst(%dma_wait3A_305 : memref<512xi32, #tpu.memory_space<vmem>>)
          tpu.yield
        }) : () -> ()
        %dma_start3A_236 = arith.constant 0 : i32
        %dma_start3A_237 = arith.constant 0 : i32
        %dma_start3A_238 = arith.constant 0 : i32
        %dma_start3A_239 = arith.constant 0 : i32
        %dma_start3A_240 = tpu.memref_slice %arg6[%dma_start3A_237, %dma_start3A_238, %dma_start3A_239] : memref<2x512x32xf32, #tpu.memory_space<vmem>> -> memref<1x128x32xf32, #tpu.memory_space<vmem>>
        %dma_start3A_241 = tpu.memref_squeeze %dma_start3A_240 : memref<1x128x32xf32, #tpu.memory_space<vmem>> -> memref<128x32xf32, #tpu.memory_space<vmem>>
        %dma_start3A_242 = arith.constant 0 : i32
        %dma_start3A_243 = tpu.memref_slice %arg5[%dma_start3A_236, %dma_start3A_242] : memref<2x512xi32, #tpu.memory_space<vmem>> -> memref<1x128xi32, #tpu.memory_space<vmem>>
        %dma_start3A_244 = tpu.memref_squeeze %dma_start3A_243 : memref<1x128xi32, #tpu.memory_space<vmem>> -> memref<128xi32, #tpu.memory_space<vmem>>
        %dma_start3A_245 = arith.constant 0 : i32
        %dma_start3A_246 = arith.constant 0 : i32
        %dma_start3A_247 = tpu.memref_slice %arg2[%dma_start3A_245, %dma_start3A_246] : memref<1015808x32xf32, #tpu.memory_space<hbm>> -> memref<1015808x32xf32, #tpu.memory_space<hbm>>
        tpu.enqueue_indirect_dma source(%dma_start3A_247 : memref<1015808x32xf32, #tpu.memory_space<hbm>>) target(%dma_start3A_241 : memref<128x32xf32, #tpu.memory_space<vmem>>) offsets(%dma_start3A_244 : memref<128xi32, #tpu.memory_space<vmem>>) semaphore(%arg7 : memref<!tpu.dma_semaphore, #tpu.memory_space<semaphore_mem>>)
        %dma_start3A_248 = arith.constant 0 : i32
        %dma_start3A_249 = arith.constant 0 : i32
        %dma_start3A_250 = arith.constant 128 : i32
        %dma_start3A_251 = arith.constant 0 : i32
        %dma_start3A_252 = tpu.memref_slice %arg6[%dma_start3A_249, %dma_start3A_250, %dma_start3A_251] : memref<2x512x32xf32, #tpu.memory_space<vmem>> -> memref<1x128x32xf32, #tpu.memory_space<vmem>>
        %dma_start3A_253 = tpu.memref_squeeze %dma_start3A_252 : memref<1x128x32xf32, #tpu.memory_space<vmem>> -> memref<128x32xf32, #tpu.memory_space<vmem>>
        %dma_start3A_254 = arith.constant 128 : i32
        %dma_start3A_255 = tpu.memref_slice %arg5[%dma_start3A_248, %dma_start3A_254] : memref<2x512xi32, #tpu.memory_space<vmem>> -> memref<1x128xi32, #tpu.memory_space<vmem>>
        %dma_start3A_256 = tpu.memref_squeeze %dma_start3A_255 : memref<1x128xi32, #tpu.memory_space<vmem>> -> memref<128xi32, #tpu.memory_space<vmem>>
        %dma_start3A_257 = arith.constant 0 : i32
        %dma_start3A_258 = arith.constant 0 : i32
        %dma_start3A_259 = tpu.memref_slice %arg2[%dma_start3A_257, %dma_start3A_258] : memref<1015808x32xf32, #tpu.memory_space<hbm>> -> memref<1015808x32xf32, #tpu.memory_space<hbm>>
        tpu.enqueue_indirect_dma source(%dma_start3A_259 : memref<1015808x32xf32, #tpu.memory_space<hbm>>) target(%dma_start3A_253 : memref<128x32xf32, #tpu.memory_space<vmem>>) offsets(%dma_start3A_256 : memref<128xi32, #tpu.memory_space<vmem>>) semaphore(%arg7 : memref<!tpu.dma_semaphore, #tpu.memory_space<semaphore_mem>>)
        %dma_start3A_260 = arith.constant 0 : i32
        %dma_start3A_261 = arith.constant 0 : i32
        %dma_start3A_262 = arith.constant 256 : i32
        %dma_start3A_263 = arith.constant 0 : i32
        %dma_start3A_264 = tpu.memref_slice %arg6[%dma_start3A_261, %dma_start3A_262, %dma_start3A_263] : memref<2x512x32xf32, #tpu.memory_space<vmem>> -> memref<1x128x32xf32, #tpu.memory_space<vmem>>
        %dma_start3A_265 = tpu.memref_squeeze %dma_start3A_264 : memref<1x128x32xf32, #tpu.memory_space<vmem>> -> memref<128x32xf32, #tpu.memory_space<vmem>>
        %dma_start3A_266 = arith.constant 256 : i32
        %dma_start3A_267 = tpu.memref_slice %arg5[%dma_start3A_260, %dma_start3A_266] : memref<2x512xi32, #tpu.memory_space<vmem>> -> memref<1x128xi32, #tpu.memory_space<vmem>>
        %dma_start3A_268 = tpu.memref_squeeze %dma_start3A_267 : memref<1x128xi32, #tpu.memory_space<vmem>> -> memref<128xi32, #tpu.memory_space<vmem>>
        %dma_start3A_269 = arith.constant 0 : i32
        %dma_start3A_270 = arith.constant 0 : i32
        %dma_start3A_271 = tpu.memref_slice %arg2[%dma_start3A_269, %dma_start3A_270] : memref<1015808x32xf32, #tpu.memory_space<hbm>> -> memref<1015808x32xf32, #tpu.memory_space<hbm>>
        tpu.enqueue_indirect_dma source(%dma_start3A_271 : memref<1015808x32xf32, #tpu.memory_space<hbm>>) target(%dma_start3A_265 : memref<128x32xf32, #tpu.memory_space<vmem>>) offsets(%dma_start3A_268 : memref<128xi32, #tpu.memory_space<vmem>>) semaphore(%arg7 : memref<!tpu.dma_semaphore, #tpu.memory_space<semaphore_mem>>)
        %dma_start3A_272 = arith.constant 0 : i32
        %dma_start3A_273 = arith.constant 0 : i32
        %dma_start3A_274 = arith.constant 384 : i32
        %dma_start3A_275 = arith.constant 0 : i32
        %dma_start3A_276 = tpu.memref_slice %arg6[%dma_start3A_273, %dma_start3A_274, %dma_start3A_275] : memref<2x512x32xf32, #tpu.memory_space<vmem>> -> memref<1x128x32xf32, #tpu.memory_space<vmem>>
        %dma_start3A_277 = tpu.memref_squeeze %dma_start3A_276 : memref<1x128x32xf32, #tpu.memory_space<vmem>> -> memref<128x32xf32, #tpu.memory_space<vmem>>
        %dma_start3A_278 = arith.constant 384 : i32
        %dma_start3A_279 = tpu.memref_slice %arg5[%dma_start3A_272, %dma_start3A_278] : memref<2x512xi32, #tpu.memory_space<vmem>> -> memref<1x128xi32, #tpu.memory_space<vmem>>
        %dma_start3A_280 = tpu.memref_squeeze %dma_start3A_279 : memref<1x128xi32, #tpu.memory_space<vmem>> -> memref<128xi32, #tpu.memory_space<vmem>>
        %dma_start3A_281 = arith.constant 0 : i32
        %dma_start3A_282 = arith.constant 0 : i32
        %dma_start3A_283 = tpu.memref_slice %arg2[%dma_start3A_281, %dma_start3A_282] : memref<1015808x32xf32, #tpu.memory_space<hbm>> -> memref<1015808x32xf32, #tpu.memory_space<hbm>>
        tpu.enqueue_indirect_dma source(%dma_start3A_283 : memref<1015808x32xf32, #tpu.memory_space<hbm>>) target(%dma_start3A_277 : memref<128x32xf32, #tpu.memory_space<vmem>>) offsets(%dma_start3A_280 : memref<128xi32, #tpu.memory_space<vmem>>) semaphore(%arg7 : memref<!tpu.dma_semaphore, #tpu.memory_space<semaphore_mem>>)
      } else {
      }
      %dma_wait3A_172 = arith.constant 1 : i32
      %dma_wait3A_173 = arith.constant 1 : i32
      %dma_wait3A_174 = arith.constant 0 : i32
      %dma_wait3A_175 = arith.constant 0 : i32
      %dma_wait3A_176 = tpu.memref_slice %arg6[%dma_wait3A_173, %dma_wait3A_174, %dma_wait3A_175] : memref<2x512x32xf32, #tpu.memory_space<vmem>> -> memref<1x128x32xf32, #tpu.memory_space<vmem>>
      %dma_wait3A_177 = tpu.memref_squeeze %dma_wait3A_176 : memref<1x128x32xf32, #tpu.memory_space<vmem>> -> memref<128x32xf32, #tpu.memory_space<vmem>>
      %dma_wait3A_178 = arith.constant 0 : i32
      %dma_wait3A_179 = tpu.memref_slice %arg5[%dma_wait3A_172, %dma_wait3A_178] : memref<2x512xi32, #tpu.memory_space<vmem>> -> memref<1x128xi32, #tpu.memory_space<vmem>>
      %dma_wait3A_180 = tpu.memref_squeeze %dma_wait3A_179 : memref<1x128xi32, #tpu.memory_space<vmem>> -> memref<128xi32, #tpu.memory_space<vmem>>
      %dma_wait3A_181 = arith.constant 0 : i32
      %dma_wait3A_182 = arith.constant 0 : i32
      %dma_wait3A_183 = tpu.memref_slice %arg2[%dma_wait3A_181, %dma_wait3A_182] : memref<1015808x32xf32, #tpu.memory_space<hbm>> -> memref<1015808x32xf32, #tpu.memory_space<hbm>>
      tpu.wait_indirect_dma semaphore(%arg8 : memref<!tpu.dma_semaphore, #tpu.memory_space<semaphore_mem>>) src(%dma_wait3A_183 : memref<1015808x32xf32, #tpu.memory_space<hbm>>) dst(%dma_wait3A_177 : memref<128x32xf32, #tpu.memory_space<vmem>>)
      %dma_wait3A_184 = arith.constant 1 : i32
      %dma_wait3A_185 = arith.constant 1 : i32
      %dma_wait3A_186 = arith.constant 128 : i32
      %dma_wait3A_187 = arith.constant 0 : i32
      %dma_wait3A_188 = tpu.memref_slice %arg6[%dma_wait3A_185, %dma_wait3A_186, %dma_wait3A_187] : memref<2x512x32xf32, #tpu.memory_space<vmem>> -> memref<1x128x32xf32, #tpu.memory_space<vmem>>
      %dma_wait3A_189 = tpu.memref_squeeze %dma_wait3A_188 : memref<1x128x32xf32, #tpu.memory_space<vmem>> -> memref<128x32xf32, #tpu.memory_space<vmem>>
      %dma_wait3A_190 = arith.constant 128 : i32
      %dma_wait3A_191 = tpu.memref_slice %arg5[%dma_wait3A_184, %dma_wait3A_190] : memref<2x512xi32, #tpu.memory_space<vmem>> -> memref<1x128xi32, #tpu.memory_space<vmem>>
      %dma_wait3A_192 = tpu.memref_squeeze %dma_wait3A_191 : memref<1x128xi32, #tpu.memory_space<vmem>> -> memref<128xi32, #tpu.memory_space<vmem>>
      %dma_wait3A_193 = arith.constant 0 : i32
      %dma_wait3A_194 = arith.constant 0 : i32
      %dma_wait3A_195 = tpu.memref_slice %arg2[%dma_wait3A_193, %dma_wait3A_194] : memref<1015808x32xf32, #tpu.memory_space<hbm>> -> memref<1015808x32xf32, #tpu.memory_space<hbm>>
      tpu.wait_indirect_dma semaphore(%arg8 : memref<!tpu.dma_semaphore, #tpu.memory_space<semaphore_mem>>) src(%dma_wait3A_195 : memref<1015808x32xf32, #tpu.memory_space<hbm>>) dst(%dma_wait3A_189 : memref<128x32xf32, #tpu.memory_space<vmem>>)
      %dma_wait3A_196 = arith.constant 1 : i32
      %dma_wait3A_197 = arith.constant 1 : i32
      %dma_wait3A_198 = arith.constant 256 : i32
      %dma_wait3A_199 = arith.constant 0 : i32
      %dma_wait3A_200 = tpu.memref_slice %arg6[%dma_wait3A_197, %dma_wait3A_198, %dma_wait3A_199] : memref<2x512x32xf32, #tpu.memory_space<vmem>> -> memref<1x128x32xf32, #tpu.memory_space<vmem>>
      %dma_wait3A_201 = tpu.memref_squeeze %dma_wait3A_200 : memref<1x128x32xf32, #tpu.memory_space<vmem>> -> memref<128x32xf32, #tpu.memory_space<vmem>>
      %dma_wait3A_202 = arith.constant 256 : i32
      %dma_wait3A_203 = tpu.memref_slice %arg5[%dma_wait3A_196, %dma_wait3A_202] : memref<2x512xi32, #tpu.memory_space<vmem>> -> memref<1x128xi32, #tpu.memory_space<vmem>>
      %dma_wait3A_204 = tpu.memref_squeeze %dma_wait3A_203 : memref<1x128xi32, #tpu.memory_space<vmem>> -> memref<128xi32, #tpu.memory_space<vmem>>
      %dma_wait3A_205 = arith.constant 0 : i32
      %dma_wait3A_206 = arith.constant 0 : i32
      %dma_wait3A_207 = tpu.memref_slice %arg2[%dma_wait3A_205, %dma_wait3A_206] : memref<1015808x32xf32, #tpu.memory_space<hbm>> -> memref<1015808x32xf32, #tpu.memory_space<hbm>>
      tpu.wait_indirect_dma semaphore(%arg8 : memref<!tpu.dma_semaphore, #tpu.memory_space<semaphore_mem>>) src(%dma_wait3A_207 : memref<1015808x32xf32, #tpu.memory_space<hbm>>) dst(%dma_wait3A_201 : memref<128x32xf32, #tpu.memory_space<vmem>>)
      %dma_wait3A_208 = arith.constant 1 : i32
      %dma_wait3A_209 = arith.constant 1 : i32
      %dma_wait3A_210 = arith.constant 384 : i32
      %dma_wait3A_211 = arith.constant 0 : i32
      %dma_wait3A_212 = tpu.memref_slice %arg6[%dma_wait3A_209, %dma_wait3A_210, %dma_wait3A_211] : memref<2x512x32xf32, #tpu.memory_space<vmem>> -> memref<1x128x32xf32, #tpu.memory_space<vmem>>
      %dma_wait3A_213 = tpu.memref_squeeze %dma_wait3A_212 : memref<1x128x32xf32, #tpu.memory_space<vmem>> -> memref<128x32xf32, #tpu.memory_space<vmem>>
      %dma_wait3A_214 = arith.constant 384 : i32
      %dma_wait3A_215 = tpu.memref_slice %arg5[%dma_wait3A_208, %dma_wait3A_214] : memref<2x512xi32, #tpu.memory_space<vmem>> -> memref<1x128xi32, #tpu.memory_space<vmem>>
      %dma_wait3A_216 = tpu.memref_squeeze %dma_wait3A_215 : memref<1x128xi32, #tpu.memory_space<vmem>> -> memref<128xi32, #tpu.memory_space<vmem>>
      %dma_wait3A_217 = arith.constant 0 : i32
      %dma_wait3A_218 = arith.constant 0 : i32
      %dma_wait3A_219 = tpu.memref_slice %arg2[%dma_wait3A_217, %dma_wait3A_218] : memref<1015808x32xf32, #tpu.memory_space<hbm>> -> memref<1015808x32xf32, #tpu.memory_space<hbm>>
      tpu.wait_indirect_dma semaphore(%arg8 : memref<!tpu.dma_semaphore, #tpu.memory_space<semaphore_mem>>) src(%dma_wait3A_219 : memref<1015808x32xf32, #tpu.memory_space<hbm>>) dst(%dma_wait3A_213 : memref<128x32xf32, #tpu.memory_space<vmem>>)
      %mul3A_220 = arith.constant 512 : i32
      %mul3A_221 = arith.muli %add3A_62, %mul3A_220 : i32
      %add3A_222 = arith.addi %mul3A_2, %mul3A_221 : i32
      %shift_right_arithmetic3A_223 = arith.constant 14 : i32
      %shift_right_arithmetic3A_224 = arith.shrsi %add3A_222, %shift_right_arithmetic3A_223 : i32
      %and3A_225 = arith.constant 16383 : i32
      %and3A_226 = arith.andi %add3A_222, %and3A_225 : i32
      %shift_right_arithmetic3A_227 = arith.constant 12 : i32
      %shift_right_arithmetic3A_228 = arith.shrsi %and3A_226, %shift_right_arithmetic3A_227 : i32
      %and3A_229 = arith.constant 4095 : i32
      %and3A_230 = arith.andi %and3A_226, %and3A_229 : i32
      %run_scoped3A_231 = arith.constant 1 : i32
      "tpu.region"() ({
        %run_scoped3A_233 = tpu.sem_alloc : memref<!tpu.dma_semaphore, #tpu.memory_space<semaphore_mem>>
        %dma_start3A_234 = arith.constant 0 : i32
        %dma_start3A_235 = arith.constant 0 : i32
        %dma_start3A_236 = tpu.memref_slice %arg6[%run_scoped3A_231, %dma_start3A_234, %dma_start3A_235] : memref<2x512x32xf32, #tpu.memory_space<vmem>> -> memref<1x512x32xf32, #tpu.memory_space<vmem>>
        %dma_start3A_237 = tpu.memref_squeeze %dma_start3A_236 : memref<1x512x32xf32, #tpu.memory_space<vmem>> -> memref<512x32xf32, #tpu.memory_space<vmem>>
        %dma_start3A_238 = arith.constant 0 : i32
        %dma_start3A_239 = tpu.memref_slice %arg4[%shift_right_arithmetic3A_224, %and3A_230, %shift_right_arithmetic3A_228, %dma_start3A_238] : memref<10x4096x4x32xf32, #tpu.memory_space<hbm>> -> memref<1x512x1x32xf32, #tpu.memory_space<hbm>>
        %dma_start3A_240 = tpu.memref_squeeze %dma_start3A_239 : memref<1x512x1x32xf32, #tpu.memory_space<hbm>> -> memref<512x32xf32, #tpu.memory_space<hbm>>
        %dma_start3A_241 = arith.constant 0 : i32
        %dma_start3A_242 = tpu.memref_slice %arg4[%shift_right_arithmetic3A_224, %and3A_230, %shift_right_arithmetic3A_228, %dma_start3A_241] : memref<10x4096x4x32xf32, #tpu.memory_space<hbm>> -> memref<1x512x1x32xf32, #tpu.memory_space<hbm>>
        %dma_start3A_243 = tpu.memref_squeeze %dma_start3A_242 : memref<1x512x1x32xf32, #tpu.memory_space<hbm>> -> memref<512x32xf32, #tpu.memory_space<hbm>>
        %dma_start3A_244 = arith.constant 0 : i32
        %dma_start3A_245 = arith.constant 0 : i32
        %dma_start3A_246 = tpu.memref_slice %arg6[%run_scoped3A_231, %dma_start3A_244, %dma_start3A_245] : memref<2x512x32xf32, #tpu.memory_space<vmem>> -> memref<1x512x32xf32, #tpu.memory_space<vmem>>
        %dma_start3A_247 = tpu.memref_squeeze %dma_start3A_246 : memref<1x512x32xf32, #tpu.memory_space<vmem>> -> memref<512x32xf32, #tpu.memory_space<vmem>>
        tpu.enqueue_dma source(%dma_start3A_247 : memref<512x32xf32, #tpu.memory_space<vmem>>) target(%dma_start3A_243 : memref<512x32xf32, #tpu.memory_space<hbm>>) target_semaphore(%run_scoped3A_233 : memref<!tpu.dma_semaphore, #tpu.memory_space<semaphore_mem>>)
        %dma_wait3A_248 = arith.constant 0 : i32
        %dma_wait3A_249 = arith.constant 0 : i32
        %dma_wait3A_250 = tpu.memref_slice %arg6[%run_scoped3A_231, %dma_wait3A_248, %dma_wait3A_249] : memref<2x512x32xf32, #tpu.memory_space<vmem>> -> memref<1x512x32xf32, #tpu.memory_space<vmem>>
        %dma_wait3A_251 = tpu.memref_squeeze %dma_wait3A_250 : memref<1x512x32xf32, #tpu.memory_space<vmem>> -> memref<512x32xf32, #tpu.memory_space<vmem>>
        %dma_wait3A_252 = arith.constant 0 : i32
        %dma_wait3A_253 = tpu.memref_slice %arg4[%shift_right_arithmetic3A_224, %and3A_230, %shift_right_arithmetic3A_228, %dma_wait3A_252] : memref<10x4096x4x32xf32, #tpu.memory_space<hbm>> -> memref<1x512x1x32xf32, #tpu.memory_space<hbm>>
        %dma_wait3A_254 = tpu.memref_squeeze %dma_wait3A_253 : memref<1x512x1x32xf32, #tpu.memory_space<hbm>> -> memref<512x32xf32, #tpu.memory_space<hbm>>
        %dma_wait3A_255 = arith.constant 0 : i32
        %dma_wait3A_256 = tpu.memref_slice %arg4[%shift_right_arithmetic3A_224, %and3A_230, %shift_right_arithmetic3A_228, %dma_wait3A_255] : memref<10x4096x4x32xf32, #tpu.memory_space<hbm>> -> memref<1x512x1x32xf32, #tpu.memory_space<hbm>>
        %dma_wait3A_257 = tpu.memref_squeeze %dma_wait3A_256 : memref<1x512x1x32xf32, #tpu.memory_space<hbm>> -> memref<512x32xf32, #tpu.memory_space<hbm>>
        %dma_wait3A_258 = arith.constant 0 : i32
        %dma_wait3A_259 = arith.constant 0 : i32
        %dma_wait3A_260 = tpu.memref_slice %arg6[%run_scoped3A_231, %dma_wait3A_258, %dma_wait3A_259] : memref<2x512x32xf32, #tpu.memory_space<vmem>> -> memref<1x512x32xf32, #tpu.memory_space<vmem>>
        %dma_wait3A_261 = tpu.memref_squeeze %dma_wait3A_260 : memref<1x512x32xf32, #tpu.memory_space<vmem>> -> memref<512x32xf32, #tpu.memory_space<vmem>>
        tpu.wait_dma2 semaphore(%run_scoped3A_233 : memref<!tpu.dma_semaphore, #tpu.memory_space<semaphore_mem>>) src(%dma_wait3A_261 : memref<512x32xf32, #tpu.memory_space<vmem>>) dst(%dma_wait3A_257 : memref<512x32xf32, #tpu.memory_space<hbm>>)
        tpu.yield
      }) : () -> ()
      %scan3A_232 = arith.constant 0 : i32
      scf.yield %scan3A_232 : i32
    }
    %scan3A_56 = arith.constant 5 : i32
    return
  }
}

#map = affine_map<(d0, d1) -> (0, 0)>
#map1 = affine_map<(d0, d1) -> (0, 0, 0)>
#map2 = affine_map<(d0, d1) -> (0, 0, 0, 0)>
module attributes {stable_mosaic.version = 14 : i64} {
  func.func @_sc_body(%arg0: i32, %arg1: i32, %arg2: memref<1015808x32xf32, #tpu.memory_space<hbm>>, %arg3: memref<32x10x512xi32, #tpu.memory_space<hbm>>, %arg4: memref<10x4096x4x32xf32, #tpu.memory_space<hbm>>, %arg5: memref<2x512xi32, #tpu.memory_space<vmem>>, %arg6: memref<2x512x32xf32, #tpu.memory_space<vmem>>, %arg7: memref<!tpu.dma_semaphore, #tpu.memory_space<semaphore_mem>>, %arg8: memref<!tpu.dma_semaphore, #tpu.memory_space<semaphore_mem>>) attributes {dimension_semantics = [#tpu.dimension_semantics<core_parallel>, #tpu.dimension_semantics<subcore_parallel>], iteration_bounds = array<i64: 2, 16>, scalar_prefetch = 0 : i64, scratch_operands = 4 : i64, tpu.core_type = #tpu.core_type<sc_vector_subcore>, window_params = [{transform_indices = #map}, {transform_indices = #map1}, {transform_indices = #map2}]} {
    %mul3A = arith.constant 2 : i32
    %mul3A_0 = arith.muli %arg1, %mul3A : i32
    %add3A = arith.addi %mul3A_0, %arg0 : i32
    %mul3A_1 = arith.constant 5120 : i32
    %mul3A_2 = arith.muli %add3A, %mul3A_1 : i32
    %run_scoped3A = arith.constant 0 : i32
    %run_scoped3A_3 = arith.constant 0 : i32
    "tpu.region"() ({
      %run_scoped3A_57 = tpu.sem_alloc : memref<!tpu.dma_semaphore, #tpu.memory_space<semaphore_mem>>
      %dma_start3A_58 = arith.constant 0 : i32
      %dma_start3A_59 = tpu.memref_slice %arg5[%run_scoped3A_3, %dma_start3A_58] : memref<2x512xi32, #tpu.memory_space<vmem>> -> memref<1x512xi32, #tpu.memory_space<vmem>>
      %dma_start3A_60 = tpu.memref_squeeze %dma_start3A_59 : memref<1x512xi32, #tpu.memory_space<vmem>> -> memref<512xi32, #tpu.memory_space<vmem>>
      %dma_start3A_61 = arith.constant 0 : i32
      %dma_start3A_62 = tpu.memref_slice %arg3[%add3A, %run_scoped3A, %dma_start3A_61] : memref<32x10x512xi32, #tpu.memory_space<hbm>> -> memref<1x1x512xi32, #tpu.memory_space<hbm>>
      %dma_start3A_63 = tpu.memref_squeeze %dma_start3A_62 : memref<1x1x512xi32, #tpu.memory_space<hbm>> -> memref<512xi32, #tpu.memory_space<hbm>>
      %dma_start3A_64 = arith.constant 0 : i32
      %dma_start3A_65 = tpu.memref_slice %arg5[%run_scoped3A_3, %dma_start3A_64] : memref<2x512xi32, #tpu.memory_space<vmem>> -> memref<1x512xi32, #tpu.memory_space<vmem>>
      %dma_start3A_66 = tpu.memref_squeeze %dma_start3A_65 : memref<1x512xi32, #tpu.memory_space<vmem>> -> memref<512xi32, #tpu.memory_space<vmem>>
      %dma_start3A_67 = arith.constant 0 : i32
      %dma_start3A_68 = tpu.memref_slice %arg3[%add3A, %run_scoped3A, %dma_start3A_67] : memref<32x10x512xi32, #tpu.memory_space<hbm>> -> memref<1x1x512xi32, #tpu.memory_space<hbm>>
      %dma_start3A_69 = tpu.memref_squeeze %dma_start3A_68 : memref<1x1x512xi32, #tpu.memory_space<hbm>> -> memref<512xi32, #tpu.memory_space<hbm>>
      tpu.enqueue_dma source(%dma_start3A_69 : memref<512xi32, #tpu.memory_space<hbm>>) target(%dma_start3A_66 : memref<512xi32, #tpu.memory_space<vmem>>) target_semaphore(%run_scoped3A_57 : memref<!tpu.dma_semaphore, #tpu.memory_space<semaphore_mem>>)
      %dma_wait3A = arith.constant 0 : i32
      %dma_wait3A_70 = tpu.memref_slice %arg5[%run_scoped3A_3, %dma_wait3A] : memref<2x512xi32, #tpu.memory_space<vmem>> -> memref<1x512xi32, #tpu.memory_space<vmem>>
      %dma_wait3A_71 = tpu.memref_squeeze %dma_wait3A_70 : memref<1x512xi32, #tpu.memory_space<vmem>> -> memref<512xi32, #tpu.memory_space<vmem>>
      %dma_wait3A_72 = arith.constant 0 : i32
      %dma_wait3A_73 = tpu.memref_slice %arg3[%add3A, %run_scoped3A, %dma_wait3A_72] : memref<32x10x512xi32, #tpu.memory_space<hbm>> -> memref<1x1x512xi32, #tpu.memory_space<hbm>>
      %dma_wait3A_74 = tpu.memref_squeeze %dma_wait3A_73 : memref<1x1x512xi32, #tpu.memory_space<hbm>> -> memref<512xi32, #tpu.memory_space<hbm>>
      %dma_wait3A_75 = arith.constant 0 : i32
      %dma_wait3A_76 = tpu.memref_slice %arg5[%run_scoped3A_3, %dma_wait3A_75] : memref<2x512xi32, #tpu.memory_space<vmem>> -> memref<1x512xi32, #tpu.memory_space<vmem>>
      %dma_wait3A_77 = tpu.memref_squeeze %dma_wait3A_76 : memref<1x512xi32, #tpu.memory_space<vmem>> -> memref<512xi32, #tpu.memory_space<vmem>>
      %dma_wait3A_78 = arith.constant 0 : i32
      %dma_wait3A_79 = tpu.memref_slice %arg3[%add3A, %run_scoped3A, %dma_wait3A_78] : memref<32x10x512xi32, #tpu.memory_space<hbm>> -> memref<1x1x512xi32, #tpu.memory_space<hbm>>
      %dma_wait3A_80 = tpu.memref_squeeze %dma_wait3A_79 : memref<1x1x512xi32, #tpu.memory_space<hbm>> -> memref<512xi32, #tpu.memory_space<hbm>>
      tpu.wait_dma2 semaphore(%run_scoped3A_57 : memref<!tpu.dma_semaphore, #tpu.memory_space<semaphore_mem>>) src(%dma_wait3A_80 : memref<512xi32, #tpu.memory_space<hbm>>) dst(%dma_wait3A_77 : memref<512xi32, #tpu.memory_space<vmem>>)
      tpu.yield
    }) : () -> ()
    %dma_start3A = arith.constant 0 : i32
    %dma_start3A_4 = arith.constant 0 : i32
    %dma_start3A_5 = arith.constant 0 : i32
    %dma_start3A_6 = arith.constant 0 : i32
    %dma_start3A_7 = tpu.memref_slice %arg6[%dma_start3A_4, %dma_start3A_5, %dma_start3A_6] : memref<2x512x32xf32, #tpu.memory_space<vmem>> -> memref<1x128x32xf32, #tpu.memory_space<vmem>>
    %dma_start3A_8 = tpu.memref_squeeze %dma_start3A_7 : memref<1x128x32xf32, #tpu.memory_space<vmem>> -> memref<128x32xf32, #tpu.memory_space<vmem>>
    %dma_start3A_9 = arith.constant 0 : i32
    %dma_start3A_10 = tpu.memref_slice %arg5[%dma_start3A, %dma_start3A_9] : memref<2x512xi32, #tpu.memory_space<vmem>> -> memref<1x128xi32, #tpu.memory_space<vmem>>
    %dma_start3A_11 = tpu.memref_squeeze %dma_start3A_10 : memref<1x128xi32, #tpu.memory_space<vmem>> -> memref<128xi32, #tpu.memory_space<vmem>>
    %dma_start3A_12 = arith.constant 0 : i32
    %dma_start3A_13 = arith.constant 0 : i32
    %dma_start3A_14 = tpu.memref_slice %arg2[%dma_start3A_12, %dma_start3A_13] : memref<1015808x32xf32, #tpu.memory_space<hbm>> -> memref<1015808x32xf32, #tpu.memory_space<hbm>>
    tpu.enqueue_indirect_dma source(%dma_start3A_14 : memref<1015808x32xf32, #tpu.memory_space<hbm>>) target(%dma_start3A_8 : memref<128x32xf32, #tpu.memory_space<vmem>>) offsets(%dma_start3A_11 : memref<128xi32, #tpu.memory_space<vmem>>) semaphore(%arg7 : memref<!tpu.dma_semaphore, #tpu.memory_space<semaphore_mem>>)
    %dma_start3A_15 = arith.constant 0 : i32
    %dma_start3A_16 = arith.constant 0 : i32
    %dma_start3A_17 = arith.constant 128 : i32
    %dma_start3A_18 = arith.constant 0 : i32
    %dma_start3A_19 = tpu.memref_slice %arg6[%dma_start3A_16, %dma_start3A_17, %dma_start3A_18] : memref<2x512x32xf32, #tpu.memory_space<vmem>> -> memref<1x128x32xf32, #tpu.memory_space<vmem>>
    %dma_start3A_20 = tpu.memref_squeeze %dma_start3A_19 : memref<1x128x32xf32, #tpu.memory_space<vmem>> -> memref<128x32xf32, #tpu.memory_space<vmem>>
    %dma_start3A_21 = arith.constant 128 : i32
    %dma_start3A_22 = tpu.memref_slice %arg5[%dma_start3A_15, %dma_start3A_21] : memref<2x512xi32, #tpu.memory_space<vmem>> -> memref<1x128xi32, #tpu.memory_space<vmem>>
    %dma_start3A_23 = tpu.memref_squeeze %dma_start3A_22 : memref<1x128xi32, #tpu.memory_space<vmem>> -> memref<128xi32, #tpu.memory_space<vmem>>
    %dma_start3A_24 = arith.constant 0 : i32
    %dma_start3A_25 = arith.constant 0 : i32
    %dma_start3A_26 = tpu.memref_slice %arg2[%dma_start3A_24, %dma_start3A_25] : memref<1015808x32xf32, #tpu.memory_space<hbm>> -> memref<1015808x32xf32, #tpu.memory_space<hbm>>
    tpu.enqueue_indirect_dma source(%dma_start3A_26 : memref<1015808x32xf32, #tpu.memory_space<hbm>>) target(%dma_start3A_20 : memref<128x32xf32, #tpu.memory_space<vmem>>) offsets(%dma_start3A_23 : memref<128xi32, #tpu.memory_space<vmem>>) semaphore(%arg7 : memref<!tpu.dma_semaphore, #tpu.memory_space<semaphore_mem>>)
    %dma_start3A_27 = arith.constant 0 : i32
    %dma_start3A_28 = arith.constant 0 : i32
    %dma_start3A_29 = arith.constant 256 : i32
    %dma_start3A_30 = arith.constant 0 : i32
    %dma_start3A_31 = tpu.memref_slice %arg6[%dma_start3A_28, %dma_start3A_29, %dma_start3A_30] : memref<2x512x32xf32, #tpu.memory_space<vmem>> -> memref<1x128x32xf32, #tpu.memory_space<vmem>>
    %dma_start3A_32 = tpu.memref_squeeze %dma_start3A_31 : memref<1x128x32xf32, #tpu.memory_space<vmem>> -> memref<128x32xf32, #tpu.memory_space<vmem>>
    %dma_start3A_33 = arith.constant 256 : i32
    %dma_start3A_34 = tpu.memref_slice %arg5[%dma_start3A_27, %dma_start3A_33] : memref<2x512xi32, #tpu.memory_space<vmem>> -> memref<1x128xi32, #tpu.memory_space<vmem>>
    %dma_start3A_35 = tpu.memref_squeeze %dma_start3A_34 : memref<1x128xi32, #tpu.memory_space<vmem>> -> memref<128xi32, #tpu.memory_space<vmem>>
    %dma_start3A_36 = arith.constant 0 : i32
    %dma_start3A_37 = arith.constant 0 : i32
    %dma_start3A_38 = tpu.memref_slice %arg2[%dma_start3A_36, %dma_start3A_37] : memref<1015808x32xf32, #tpu.memory_space<hbm>> -> memref<1015808x32xf32, #tpu.memory_space<hbm>>
    tpu.enqueue_indirect_dma source(%dma_start3A_38 : memref<1015808x32xf32, #tpu.memory_space<hbm>>) target(%dma_start3A_32 : memref<128x32xf32, #tpu.memory_space<vmem>>) offsets(%dma_start3A_35 : memref<128xi32, #tpu.memory_space<vmem>>) semaphore(%arg7 : memref<!tpu.dma_semaphore, #tpu.memory_space<semaphore_mem>>)
    %dma_start3A_39 = arith.constant 0 : i32
    %dma_start3A_40 = arith.constant 0 : i32
    %dma_start3A_41 = arith.constant 384 : i32
    %dma_start3A_42 = arith.constant 0 : i32
    %dma_start3A_43 = tpu.memref_slice %arg6[%dma_start3A_40, %dma_start3A_41, %dma_start3A_42] : memref<2x512x32xf32, #tpu.memory_space<vmem>> -> memref<1x128x32xf32, #tpu.memory_space<vmem>>
    %dma_start3A_44 = tpu.memref_squeeze %dma_start3A_43 : memref<1x128x32xf32, #tpu.memory_space<vmem>> -> memref<128x32xf32, #tpu.memory_space<vmem>>
    %dma_start3A_45 = arith.constant 384 : i32
    %dma_start3A_46 = tpu.memref_slice %arg5[%dma_start3A_39, %dma_start3A_45] : memref<2x512xi32, #tpu.memory_space<vmem>> -> memref<1x128xi32, #tpu.memory_space<vmem>>
    %dma_start3A_47 = tpu.memref_squeeze %dma_start3A_46 : memref<1x128xi32, #tpu.memory_space<vmem>> -> memref<128xi32, #tpu.memory_space<vmem>>
    %dma_start3A_48 = arith.constant 0 : i32
    %dma_start3A_49 = arith.constant 0 : i32
    %dma_start3A_50 = tpu.memref_slice %arg2[%dma_start3A_48, %dma_start3A_49] : memref<1015808x32xf32, #tpu.memory_space<hbm>> -> memref<1015808x32xf32, #tpu.memory_space<hbm>>
    tpu.enqueue_indirect_dma source(%dma_start3A_50 : memref<1015808x32xf32, #tpu.memory_space<hbm>>) target(%dma_start3A_44 : memref<128x32xf32, #tpu.memory_space<vmem>>) offsets(%dma_start3A_47 : memref<128xi32, #tpu.memory_space<vmem>>) semaphore(%arg7 : memref<!tpu.dma_semaphore, #tpu.memory_space<semaphore_mem>>)
    %scan3A = arith.constant 0 : i32
    %scan3A_51 = arith.constant 0 : i32
    %scan3A_52 = arith.constant 5 : i32
    %scan3A_53 = arith.addi %scan3A_51, %scan3A_52 : i32
    %scan3A_54 = arith.constant 1 : i32
    %scan3A_55 = scf.for %scan3A_57 = %scan3A_51 to %scan3A_53 step %scan3A_54 iter_args(%scan3A_58 = %scan3A) -> (i32)  : i32 {
      %mul3A_59 = arith.constant 2 : i32
      %mul3A_60 = arith.muli %mul3A_59, %scan3A_57 : i32
      %add3A_61 = arith.constant 1 : i32
      %add3A_62 = arith.addi %mul3A_60, %add3A_61 : i32
      %run_scoped3A_63 = arith.constant 1 : i32
      "tpu.region"() ({
        %run_scoped3A_233 = tpu.sem_alloc : memref<!tpu.dma_semaphore, #tpu.memory_space<semaphore_mem>>
        %dma_start3A_234 = arith.constant 0 : i32
        %dma_start3A_235 = tpu.memref_slice %arg5[%run_scoped3A_63, %dma_start3A_234] : memref<2x512xi32, #tpu.memory_space<vmem>> -> memref<1x512xi32, #tpu.memory_space<vmem>>
        %dma_start3A_236 = tpu.memref_squeeze %dma_start3A_235 : memref<1x512xi32, #tpu.memory_space<vmem>> -> memref<512xi32, #tpu.memory_space<vmem>>
        %dma_start3A_237 = arith.constant 0 : i32
        %dma_start3A_238 = tpu.memref_slice %arg3[%add3A, %add3A_62, %dma_start3A_237] : memref<32x10x512xi32, #tpu.memory_space<hbm>> -> memref<1x1x512xi32, #tpu.memory_space<hbm>>
        %dma_start3A_239 = tpu.memref_squeeze %dma_start3A_238 : memref<1x1x512xi32, #tpu.memory_space<hbm>> -> memref<512xi32, #tpu.memory_space<hbm>>
        %dma_start3A_240 = arith.constant 0 : i32
        %dma_start3A_241 = tpu.memref_slice %arg5[%run_scoped3A_63, %dma_start3A_240] : memref<2x512xi32, #tpu.memory_space<vmem>> -> memref<1x512xi32, #tpu.memory_space<vmem>>
        %dma_start3A_242 = tpu.memref_squeeze %dma_start3A_241 : memref<1x512xi32, #tpu.memory_space<vmem>> -> memref<512xi32, #tpu.memory_space<vmem>>
        %dma_start3A_243 = arith.constant 0 : i32
        %dma_start3A_244 = tpu.memref_slice %arg3[%add3A, %add3A_62, %dma_start3A_243] : memref<32x10x512xi32, #tpu.memory_space<hbm>> -> memref<1x1x512xi32, #tpu.memory_space<hbm>>
        %dma_start3A_245 = tpu.memref_squeeze %dma_start3A_244 : memref<1x1x512xi32, #tpu.memory_space<hbm>> -> memref<512xi32, #tpu.memory_space<hbm>>
        tpu.enqueue_dma source(%dma_start3A_245 : memref<512xi32, #tpu.memory_space<hbm>>) target(%dma_start3A_242 : memref<512xi32, #tpu.memory_space<vmem>>) target_semaphore(%run_scoped3A_233 : memref<!tpu.dma_semaphore, #tpu.memory_space<semaphore_mem>>)
        %dma_wait3A_246 = arith.constant 0 : i32
        %dma_wait3A_247 = tpu.memref_slice %arg5[%run_scoped3A_63, %dma_wait3A_246] : memref<2x512xi32, #tpu.memory_space<vmem>> -> memref<1x512xi32, #tpu.memory_space<vmem>>
        %dma_wait3A_248 = tpu.memref_squeeze %dma_wait3A_247 : memref<1x512xi32, #tpu.memory_space<vmem>> -> memref<512xi32, #tpu.memory_space<vmem>>
        %dma_wait3A_249 = arith.constant 0 : i32
        %dma_wait3A_250 = tpu.memref_slice %arg3[%add3A, %add3A_62, %dma_wait3A_249] : memref<32x10x512xi32, #tpu.memory_space<hbm>> -> memref<1x1x512xi32, #tpu.memory_space<hbm>>
        %dma_wait3A_251 = tpu.memref_squeeze %dma_wait3A_250 : memref<1x1x512xi32, #tpu.memory_space<hbm>> -> memref<512xi32, #tpu.memory_space<hbm>>
        %dma_wait3A_252 = arith.constant 0 : i32
        %dma_wait3A_253 = tpu.memref_slice %arg5[%run_scoped3A_63, %dma_wait3A_252] : memref<2x512xi32, #tpu.memory_space<vmem>> -> memref<1x512xi32, #tpu.memory_space<vmem>>
        %dma_wait3A_254 = tpu.memref_squeeze %dma_wait3A_253 : memref<1x512xi32, #tpu.memory_space<vmem>> -> memref<512xi32, #tpu.memory_space<vmem>>
        %dma_wait3A_255 = arith.constant 0 : i32
        %dma_wait3A_256 = tpu.memref_slice %arg3[%add3A, %add3A_62, %dma_wait3A_255] : memref<32x10x512xi32, #tpu.memory_space<hbm>> -> memref<1x1x512xi32, #tpu.memory_space<hbm>>
        %dma_wait3A_257 = tpu.memref_squeeze %dma_wait3A_256 : memref<1x1x512xi32, #tpu.memory_space<hbm>> -> memref<512xi32, #tpu.memory_space<hbm>>
        tpu.wait_dma2 semaphore(%run_scoped3A_233 : memref<!tpu.dma_semaphore, #tpu.memory_space<semaphore_mem>>) src(%dma_wait3A_257 : memref<512xi32, #tpu.memory_space<hbm>>) dst(%dma_wait3A_254 : memref<512xi32, #tpu.memory_space<vmem>>)
        tpu.yield
      }) : () -> ()
      %dma_start3A_64 = arith.constant 1 : i32
      %dma_start3A_65 = arith.constant 1 : i32
      %dma_start3A_66 = arith.constant 0 : i32
      %dma_start3A_67 = arith.constant 0 : i32
      %dma_start3A_68 = tpu.memref_slice %arg6[%dma_start3A_65, %dma_start3A_66, %dma_start3A_67] : memref<2x512x32xf32, #tpu.memory_space<vmem>> -> memref<1x128x32xf32, #tpu.memory_space<vmem>>
      %dma_start3A_69 = tpu.memref_squeeze %dma_start3A_68 : memref<1x128x32xf32, #tpu.memory_space<vmem>> -> memref<128x32xf32, #tpu.memory_space<vmem>>
      %dma_start3A_70 = arith.constant 0 : i32
      %dma_start3A_71 = tpu.memref_slice %arg5[%dma_start3A_64, %dma_start3A_70] : memref<2x512xi32, #tpu.memory_space<vmem>> -> memref<1x128xi32, #tpu.memory_space<vmem>>
      %dma_start3A_72 = tpu.memref_squeeze %dma_start3A_71 : memref<1x128xi32, #tpu.memory_space<vmem>> -> memref<128xi32, #tpu.memory_space<vmem>>
      %dma_start3A_73 = arith.constant 0 : i32
      %dma_start3A_74 = arith.constant 0 : i32
      %dma_start3A_75 = tpu.memref_slice %arg2[%dma_start3A_73, %dma_start3A_74] : memref<1015808x32xf32, #tpu.memory_space<hbm>> -> memref<1015808x32xf32, #tpu.memory_space<hbm>>
      tpu.enqueue_indirect_dma source(%dma_start3A_75 : memref<1015808x32xf32, #tpu.memory_space<hbm>>) target(%dma_start3A_69 : memref<128x32xf32, #tpu.memory_space<vmem>>) offsets(%dma_start3A_72 : memref<128xi32, #tpu.memory_space<vmem>>) semaphore(%arg8 : memref<!tpu.dma_semaphore, #tpu.memory_space<semaphore_mem>>)
      %dma_start3A_76 = arith.constant 1 : i32
      %dma_start3A_77 = arith.constant 1 : i32
      %dma_start3A_78 = arith.constant 128 : i32
      %dma_start3A_79 = arith.constant 0 : i32
      %dma_start3A_80 = tpu.memref_slice %arg6[%dma_start3A_77, %dma_start3A_78, %dma_start3A_79] : memref<2x512x32xf32, #tpu.memory_space<vmem>> -> memref<1x128x32xf32, #tpu.memory_space<vmem>>
      %dma_start3A_81 = tpu.memref_squeeze %dma_start3A_80 : memref<1x128x32xf32, #tpu.memory_space<vmem>> -> memref<128x32xf32, #tpu.memory_space<vmem>>
      %dma_start3A_82 = arith.constant 128 : i32
      %dma_start3A_83 = tpu.memref_slice %arg5[%dma_start3A_76, %dma_start3A_82] : memref<2x512xi32, #tpu.memory_space<vmem>> -> memref<1x128xi32, #tpu.memory_space<vmem>>
      %dma_start3A_84 = tpu.memref_squeeze %dma_start3A_83 : memref<1x128xi32, #tpu.memory_space<vmem>> -> memref<128xi32, #tpu.memory_space<vmem>>
      %dma_start3A_85 = arith.constant 0 : i32
      %dma_start3A_86 = arith.constant 0 : i32
      %dma_start3A_87 = tpu.memref_slice %arg2[%dma_start3A_85, %dma_start3A_86] : memref<1015808x32xf32, #tpu.memory_space<hbm>> -> memref<1015808x32xf32, #tpu.memory_space<hbm>>
      tpu.enqueue_indirect_dma source(%dma_start3A_87 : memref<1015808x32xf32, #tpu.memory_space<hbm>>) target(%dma_start3A_81 : memref<128x32xf32, #tpu.memory_space<vmem>>) offsets(%dma_start3A_84 : memref<128xi32, #tpu.memory_space<vmem>>) semaphore(%arg8 : memref<!tpu.dma_semaphore, #tpu.memory_space<semaphore_mem>>)
      %dma_start3A_88 = arith.constant 1 : i32
      %dma_start3A_89 = arith.constant 1 : i32
      %dma_start3A_90 = arith.constant 256 : i32
      %dma_start3A_91 = arith.constant 0 : i32
      %dma_start3A_92 = tpu.memref_slice %arg6[%dma_start3A_89, %dma_start3A_90, %dma_start3A_91] : memref<2x512x32xf32, #tpu.memory_space<vmem>> -> memref<1x128x32xf32, #tpu.memory_space<vmem>>
      %dma_start3A_93 = tpu.memref_squeeze %dma_start3A_92 : memref<1x128x32xf32, #tpu.memory_space<vmem>> -> memref<128x32xf32, #tpu.memory_space<vmem>>
      %dma_start3A_94 = arith.constant 256 : i32
      %dma_start3A_95 = tpu.memref_slice %arg5[%dma_start3A_88, %dma_start3A_94] : memref<2x512xi32, #tpu.memory_space<vmem>> -> memref<1x128xi32, #tpu.memory_space<vmem>>
      %dma_start3A_96 = tpu.memref_squeeze %dma_start3A_95 : memref<1x128xi32, #tpu.memory_space<vmem>> -> memref<128xi32, #tpu.memory_space<vmem>>
      %dma_start3A_97 = arith.constant 0 : i32
      %dma_start3A_98 = arith.constant 0 : i32
      %dma_start3A_99 = tpu.memref_slice %arg2[%dma_start3A_97, %dma_start3A_98] : memref<1015808x32xf32, #tpu.memory_space<hbm>> -> memref<1015808x32xf32, #tpu.memory_space<hbm>>
      tpu.enqueue_indirect_dma source(%dma_start3A_99 : memref<1015808x32xf32, #tpu.memory_space<hbm>>) target(%dma_start3A_93 : memref<128x32xf32, #tpu.memory_space<vmem>>) offsets(%dma_start3A_96 : memref<128xi32, #tpu.memory_space<vmem>>) semaphore(%arg8 : memref<!tpu.dma_semaphore, #tpu.memory_space<semaphore_mem>>)
      %dma_start3A_100 = arith.constant 1 : i32
      %dma_start3A_101 = arith.constant 1 : i32
      %dma_start3A_102 = arith.constant 384 : i32
      %dma_start3A_103 = arith.constant 0 : i32
      %dma_start3A_104 = tpu.memref_slice %arg6[%dma_start3A_101, %dma_start3A_102, %dma_start3A_103] : memref<2x512x32xf32, #tpu.memory_space<vmem>> -> memref<1x128x32xf32, #tpu.memory_space<vmem>>
      %dma_start3A_105 = tpu.memref_squeeze %dma_start3A_104 : memref<1x128x32xf32, #tpu.memory_space<vmem>> -> memref<128x32xf32, #tpu.memory_space<vmem>>
      %dma_start3A_106 = arith.constant 384 : i32
      %dma_start3A_107 = tpu.memref_slice %arg5[%dma_start3A_100, %dma_start3A_106] : memref<2x512xi32, #tpu.memory_space<vmem>> -> memref<1x128xi32, #tpu.memory_space<vmem>>
      %dma_start3A_108 = tpu.memref_squeeze %dma_start3A_107 : memref<1x128xi32, #tpu.memory_space<vmem>> -> memref<128xi32, #tpu.memory_space<vmem>>
      %dma_start3A_109 = arith.constant 0 : i32
      %dma_start3A_110 = arith.constant 0 : i32
      %dma_start3A_111 = tpu.memref_slice %arg2[%dma_start3A_109, %dma_start3A_110] : memref<1015808x32xf32, #tpu.memory_space<hbm>> -> memref<1015808x32xf32, #tpu.memory_space<hbm>>
      tpu.enqueue_indirect_dma source(%dma_start3A_111 : memref<1015808x32xf32, #tpu.memory_space<hbm>>) target(%dma_start3A_105 : memref<128x32xf32, #tpu.memory_space<vmem>>) offsets(%dma_start3A_108 : memref<128xi32, #tpu.memory_space<vmem>>) semaphore(%arg8 : memref<!tpu.dma_semaphore, #tpu.memory_space<semaphore_mem>>)
      %dma_wait3A = arith.constant 0 : i32
      %dma_wait3A_112 = arith.constant 0 : i32
      %dma_wait3A_113 = arith.constant 0 : i32
      %dma_wait3A_114 = arith.constant 0 : i32
      %dma_wait3A_115 = tpu.memref_slice %arg6[%dma_wait3A_112, %dma_wait3A_113, %dma_wait3A_114] : memref<2x512x32xf32, #tpu.memory_space<vmem>> -> memref<1x128x32xf32, #tpu.memory_space<vmem>>
      %dma_wait3A_116 = tpu.memref_squeeze %dma_wait3A_115 : memref<1x128x32xf32, #tpu.memory_space<vmem>> -> memref<128x32xf32, #tpu.memory_space<vmem>>
      %dma_wait3A_117 = arith.constant 0 : i32
      %dma_wait3A_118 = tpu.memref_slice %arg5[%dma_wait3A, %dma_wait3A_117] : memref<2x512xi32, #tpu.memory_space<vmem>> -> memref<1x128xi32, #tpu.memory_space<vmem>>
      %dma_wait3A_119 = tpu.memref_squeeze %dma_wait3A_118 : memref<1x128xi32, #tpu.memory_space<vmem>> -> memref<128xi32, #tpu.memory_space<vmem>>
      %dma_wait3A_120 = arith.constant 0 : i32
      %dma_wait3A_121 = arith.constant 0 : i32
      %dma_wait3A_122 = tpu.memref_slice %arg2[%dma_wait3A_120, %dma_wait3A_121] : memref<1015808x32xf32, #tpu.memory_space<hbm>> -> memref<1015808x32xf32, #tpu.memory_space<hbm>>
      tpu.wait_indirect_dma semaphore(%arg7 : memref<!tpu.dma_semaphore, #tpu.memory_space<semaphore_mem>>) src(%dma_wait3A_122 : memref<1015808x32xf32, #tpu.memory_space<hbm>>) dst(%dma_wait3A_116 : memref<128x32xf32, #tpu.memory_space<vmem>>)
      %dma_wait3A_123 = arith.constant 0 : i32
      %dma_wait3A_124 = arith.constant 0 : i32
      %dma_wait3A_125 = arith.constant 128 : i32
      %dma_wait3A_126 = arith.constant 0 : i32
      %dma_wait3A_127 = tpu.memref_slice %arg6[%dma_wait3A_124, %dma_wait3A_125, %dma_wait3A_126] : memref<2x512x32xf32, #tpu.memory_space<vmem>> -> memref<1x128x32xf32, #tpu.memory_space<vmem>>
      %dma_wait3A_128 = tpu.memref_squeeze %dma_wait3A_127 : memref<1x128x32xf32, #tpu.memory_space<vmem>> -> memref<128x32xf32, #tpu.memory_space<vmem>>
      %dma_wait3A_129 = arith.constant 128 : i32
      %dma_wait3A_130 = tpu.memref_slice %arg5[%dma_wait3A_123, %dma_wait3A_129] : memref<2x512xi32, #tpu.memory_space<vmem>> -> memref<1x128xi32, #tpu.memory_space<vmem>>
      %dma_wait3A_131 = tpu.memref_squeeze %dma_wait3A_130 : memref<1x128xi32, #tpu.memory_space<vmem>> -> memref<128xi32, #tpu.memory_space<vmem>>
      %dma_wait3A_132 = arith.constant 0 : i32
      %dma_wait3A_133 = arith.constant 0 : i32
      %dma_wait3A_134 = tpu.memref_slice %arg2[%dma_wait3A_132, %dma_wait3A_133] : memref<1015808x32xf32, #tpu.memory_space<hbm>> -> memref<1015808x32xf32, #tpu.memory_space<hbm>>
      tpu.wait_indirect_dma semaphore(%arg7 : memref<!tpu.dma_semaphore, #tpu.memory_space<semaphore_mem>>) src(%dma_wait3A_134 : memref<1015808x32xf32, #tpu.memory_space<hbm>>) dst(%dma_wait3A_128 : memref<128x32xf32, #tpu.memory_space<vmem>>)
      %dma_wait3A_135 = arith.constant 0 : i32
      %dma_wait3A_136 = arith.constant 0 : i32
      %dma_wait3A_137 = arith.constant 256 : i32
      %dma_wait3A_138 = arith.constant 0 : i32
      %dma_wait3A_139 = tpu.memref_slice %arg6[%dma_wait3A_136, %dma_wait3A_137, %dma_wait3A_138] : memref<2x512x32xf32, #tpu.memory_space<vmem>> -> memref<1x128x32xf32, #tpu.memory_space<vmem>>
      %dma_wait3A_140 = tpu.memref_squeeze %dma_wait3A_139 : memref<1x128x32xf32, #tpu.memory_space<vmem>> -> memref<128x32xf32, #tpu.memory_space<vmem>>
      %dma_wait3A_141 = arith.constant 256 : i32
      %dma_wait3A_142 = tpu.memref_slice %arg5[%dma_wait3A_135, %dma_wait3A_141] : memref<2x512xi32, #tpu.memory_space<vmem>> -> memref<1x128xi32, #tpu.memory_space<vmem>>
      %dma_wait3A_143 = tpu.memref_squeeze %dma_wait3A_142 : memref<1x128xi32, #tpu.memory_space<vmem>> -> memref<128xi32, #tpu.memory_space<vmem>>
      %dma_wait3A_144 = arith.constant 0 : i32
      %dma_wait3A_145 = arith.constant 0 : i32
      %dma_wait3A_146 = tpu.memref_slice %arg2[%dma_wait3A_144, %dma_wait3A_145] : memref<1015808x32xf32, #tpu.memory_space<hbm>> -> memref<1015808x32xf32, #tpu.memory_space<hbm>>
      tpu.wait_indirect_dma semaphore(%arg7 : memref<!tpu.dma_semaphore, #tpu.memory_space<semaphore_mem>>) src(%dma_wait3A_146 : memref<1015808x32xf32, #tpu.memory_space<hbm>>) dst(%dma_wait3A_140 : memref<128x32xf32, #tpu.memory_space<vmem>>)
      %dma_wait3A_147 = arith.constant 0 : i32
      %dma_wait3A_148 = arith.constant 0 : i32
      %dma_wait3A_149 = arith.constant 384 : i32
      %dma_wait3A_150 = arith.constant 0 : i32
      %dma_wait3A_151 = tpu.memref_slice %arg6[%dma_wait3A_148, %dma_wait3A_149, %dma_wait3A_150] : memref<2x512x32xf32, #tpu.memory_space<vmem>> -> memref<1x128x32xf32, #tpu.memory_space<vmem>>
      %dma_wait3A_152 = tpu.memref_squeeze %dma_wait3A_151 : memref<1x128x32xf32, #tpu.memory_space<vmem>> -> memref<128x32xf32, #tpu.memory_space<vmem>>
      %dma_wait3A_153 = arith.constant 384 : i32
      %dma_wait3A_154 = tpu.memref_slice %arg5[%dma_wait3A_147, %dma_wait3A_153] : memref<2x512xi32, #tpu.memory_space<vmem>> -> memref<1x128xi32, #tpu.memory_space<vmem>>
      %dma_wait3A_155 = tpu.memref_squeeze %dma_wait3A_154 : memref<1x128xi32, #tpu.memory_space<vmem>> -> memref<128xi32, #tpu.memory_space<vmem>>
      %dma_wait3A_156 = arith.constant 0 : i32
      %dma_wait3A_157 = arith.constant 0 : i32
      %dma_wait3A_158 = tpu.memref_slice %arg2[%dma_wait3A_156, %dma_wait3A_157] : memref<1015808x32xf32, #tpu.memory_space<hbm>> -> memref<1015808x32xf32, #tpu.memory_space<hbm>>
      tpu.wait_indirect_dma semaphore(%arg7 : memref<!tpu.dma_semaphore, #tpu.memory_space<semaphore_mem>>) src(%dma_wait3A_158 : memref<1015808x32xf32, #tpu.memory_space<hbm>>) dst(%dma_wait3A_152 : memref<128x32xf32, #tpu.memory_space<vmem>>)
      %sub3A = arith.constant 1 : i32
      %sub3A_159 = arith.subi %add3A_62, %sub3A : i32
      %mul3A_160 = arith.constant 512 : i32
      %mul3A_161 = arith.muli %sub3A_159, %mul3A_160 : i32
      %add3A_162 = arith.addi %mul3A_2, %mul3A_161 : i32
      %shift_right_arithmetic3A = arith.constant 14 : i32
      %shift_right_arithmetic3A_163 = arith.shrsi %add3A_162, %shift_right_arithmetic3A : i32
      %and3A = arith.constant 16383 : i32
      %and3A_164 = arith.andi %add3A_162, %and3A : i32
      %shift_right_arithmetic3A_165 = arith.constant 12 : i32
      %shift_right_arithmetic3A_166 = arith.shrsi %and3A_164, %shift_right_arithmetic3A_165 : i32
      %and3A_167 = arith.constant 4095 : i32
      %and3A_168 = arith.andi %and3A_164, %and3A_167 : i32
      %run_scoped3A_169 = arith.constant 0 : i32
      "tpu.region"() ({
        %run_scoped3A_233 = tpu.sem_alloc : memref<!tpu.dma_semaphore, #tpu.memory_space<semaphore_mem>>
        %dma_start3A_234 = arith.constant 0 : i32
        %dma_start3A_235 = arith.constant 0 : i32
        %dma_start3A_236 = tpu.memref_slice %arg6[%run_scoped3A_169, %dma_start3A_234, %dma_start3A_235] : memref<2x512x32xf32, #tpu.memory_space<vmem>> -> memref<1x512x32xf32, #tpu.memory_space<vmem>>
        %dma_start3A_237 = tpu.memref_squeeze %dma_start3A_236 : memref<1x512x32xf32, #tpu.memory_space<vmem>> -> memref<512x32xf32, #tpu.memory_space<vmem>>
        %dma_start3A_238 = arith.constant 0 : i32
        %dma_start3A_239 = tpu.memref_slice %arg4[%shift_right_arithmetic3A_163, %and3A_168, %shift_right_arithmetic3A_166, %dma_start3A_238] : memref<10x4096x4x32xf32, #tpu.memory_space<hbm>> -> memref<1x512x1x32xf32, #tpu.memory_space<hbm>>
        %dma_start3A_240 = tpu.memref_squeeze %dma_start3A_239 : memref<1x512x1x32xf32, #tpu.memory_space<hbm>> -> memref<512x32xf32, #tpu.memory_space<hbm>>
        %dma_start3A_241 = arith.constant 0 : i32
        %dma_start3A_242 = tpu.memref_slice %arg4[%shift_right_arithmetic3A_163, %and3A_168, %shift_right_arithmetic3A_166, %dma_start3A_241] : memref<10x4096x4x32xf32, #tpu.memory_space<hbm>> -> memref<1x512x1x32xf32, #tpu.memory_space<hbm>>
        %dma_start3A_243 = tpu.memref_squeeze %dma_start3A_242 : memref<1x512x1x32xf32, #tpu.memory_space<hbm>> -> memref<512x32xf32, #tpu.memory_space<hbm>>
        %dma_start3A_244 = arith.constant 0 : i32
        %dma_start3A_245 = arith.constant 0 : i32
        %dma_start3A_246 = tpu.memref_slice %arg6[%run_scoped3A_169, %dma_start3A_244, %dma_start3A_245] : memref<2x512x32xf32, #tpu.memory_space<vmem>> -> memref<1x512x32xf32, #tpu.memory_space<vmem>>
        %dma_start3A_247 = tpu.memref_squeeze %dma_start3A_246 : memref<1x512x32xf32, #tpu.memory_space<vmem>> -> memref<512x32xf32, #tpu.memory_space<vmem>>
        tpu.enqueue_dma source(%dma_start3A_247 : memref<512x32xf32, #tpu.memory_space<vmem>>) target(%dma_start3A_243 : memref<512x32xf32, #tpu.memory_space<hbm>>) target_semaphore(%run_scoped3A_233 : memref<!tpu.dma_semaphore, #tpu.memory_space<semaphore_mem>>)
        %dma_wait3A_248 = arith.constant 0 : i32
        %dma_wait3A_249 = arith.constant 0 : i32
        %dma_wait3A_250 = tpu.memref_slice %arg6[%run_scoped3A_169, %dma_wait3A_248, %dma_wait3A_249] : memref<2x512x32xf32, #tpu.memory_space<vmem>> -> memref<1x512x32xf32, #tpu.memory_space<vmem>>
        %dma_wait3A_251 = tpu.memref_squeeze %dma_wait3A_250 : memref<1x512x32xf32, #tpu.memory_space<vmem>> -> memref<512x32xf32, #tpu.memory_space<vmem>>
        %dma_wait3A_252 = arith.constant 0 : i32
        %dma_wait3A_253 = tpu.memref_slice %arg4[%shift_right_arithmetic3A_163, %and3A_168, %shift_right_arithmetic3A_166, %dma_wait3A_252] : memref<10x4096x4x32xf32, #tpu.memory_space<hbm>> -> memref<1x512x1x32xf32, #tpu.memory_space<hbm>>
        %dma_wait3A_254 = tpu.memref_squeeze %dma_wait3A_253 : memref<1x512x1x32xf32, #tpu.memory_space<hbm>> -> memref<512x32xf32, #tpu.memory_space<hbm>>
        %dma_wait3A_255 = arith.constant 0 : i32
        %dma_wait3A_256 = tpu.memref_slice %arg4[%shift_right_arithmetic3A_163, %and3A_168, %shift_right_arithmetic3A_166, %dma_wait3A_255] : memref<10x4096x4x32xf32, #tpu.memory_space<hbm>> -> memref<1x512x1x32xf32, #tpu.memory_space<hbm>>
        %dma_wait3A_257 = tpu.memref_squeeze %dma_wait3A_256 : memref<1x512x1x32xf32, #tpu.memory_space<hbm>> -> memref<512x32xf32, #tpu.memory_space<hbm>>
        %dma_wait3A_258 = arith.constant 0 : i32
        %dma_wait3A_259 = arith.constant 0 : i32
        %dma_wait3A_260 = tpu.memref_slice %arg6[%run_scoped3A_169, %dma_wait3A_258, %dma_wait3A_259] : memref<2x512x32xf32, #tpu.memory_space<vmem>> -> memref<1x512x32xf32, #tpu.memory_space<vmem>>
        %dma_wait3A_261 = tpu.memref_squeeze %dma_wait3A_260 : memref<1x512x32xf32, #tpu.memory_space<vmem>> -> memref<512x32xf32, #tpu.memory_space<vmem>>
        tpu.wait_dma2 semaphore(%run_scoped3A_233 : memref<!tpu.dma_semaphore, #tpu.memory_space<semaphore_mem>>) src(%dma_wait3A_261 : memref<512x32xf32, #tpu.memory_space<vmem>>) dst(%dma_wait3A_257 : memref<512x32xf32, #tpu.memory_space<hbm>>)
        tpu.yield
      }) : () -> ()
      %lt3A = arith.constant 4 : i32
      %lt3A_170 = arith.cmpi slt, %scan3A_57, %lt3A : i32
      %convert_element_type3A = arith.extui %lt3A_170 : i1 to i32
      %cond3A = arith.constant 0 : i32
      %cond3A_171 = arith.cmpi ne, %convert_element_type3A, %cond3A : i32
      scf.if %cond3A_171 {
        %add3A_233 = arith.constant 1 : i32
        %add3A_234 = arith.addi %add3A_62, %add3A_233 : i32
        %run_scoped3A_235 = arith.constant 0 : i32
        "tpu.region"() ({
          %run_scoped3A_284 = tpu.sem_alloc : memref<!tpu.dma_semaphore, #tpu.memory_space<semaphore_mem>>
          %dma_start3A_285 = arith.constant 0 : i32
          %dma_start3A_286 = tpu.memref_slice %arg5[%run_scoped3A_235, %dma_start3A_285] : memref<2x512xi32, #tpu.memory_space<vmem>> -> memref<1x512xi32, #tpu.memory_space<vmem>>
          %dma_start3A_287 = tpu.memref_squeeze %dma_start3A_286 : memref<1x512xi32, #tpu.memory_space<vmem>> -> memref<512xi32, #tpu.memory_space<vmem>>
          %dma_start3A_288 = arith.constant 0 : i32
          %dma_start3A_289 = tpu.memref_slice %arg3[%add3A, %add3A_234, %dma_start3A_288] : memref<32x10x512xi32, #tpu.memory_space<hbm>> -> memref<1x1x512xi32, #tpu.memory_space<hbm>>
          %dma_start3A_290 = tpu.memref_squeeze %dma_start3A_289 : memref<1x1x512xi32, #tpu.memory_space<hbm>> -> memref<512xi32, #tpu.memory_space<hbm>>
          %dma_start3A_291 = arith.constant 0 : i32
          %dma_start3A_292 = tpu.memref_slice %arg5[%run_scoped3A_235, %dma_start3A_291] : memref<2x512xi32, #tpu.memory_space<vmem>> -> memref<1x512xi32, #tpu.memory_space<vmem>>
          %dma_start3A_293 = tpu.memref_squeeze %dma_start3A_292 : memref<1x512xi32, #tpu.memory_space<vmem>> -> memref<512xi32, #tpu.memory_space<vmem>>
          %dma_start3A_294 = arith.constant 0 : i32
          %dma_start3A_295 = tpu.memref_slice %arg3[%add3A, %add3A_234, %dma_start3A_294] : memref<32x10x512xi32, #tpu.memory_space<hbm>> -> memref<1x1x512xi32, #tpu.memory_space<hbm>>
          %dma_start3A_296 = tpu.memref_squeeze %dma_start3A_295 : memref<1x1x512xi32, #tpu.memory_space<hbm>> -> memref<512xi32, #tpu.memory_space<hbm>>
          tpu.enqueue_dma source(%dma_start3A_296 : memref<512xi32, #tpu.memory_space<hbm>>) target(%dma_start3A_293 : memref<512xi32, #tpu.memory_space<vmem>>) target_semaphore(%run_scoped3A_284 : memref<!tpu.dma_semaphore, #tpu.memory_space<semaphore_mem>>)
          %dma_wait3A_297 = arith.constant 0 : i32
          %dma_wait3A_298 = tpu.memref_slice %arg5[%run_scoped3A_235, %dma_wait3A_297] : memref<2x512xi32, #tpu.memory_space<vmem>> -> memref<1x512xi32, #tpu.memory_space<vmem>>
          %dma_wait3A_299 = tpu.memref_squeeze %dma_wait3A_298 : memref<1x512xi32, #tpu.memory_space<vmem>> -> memref<512xi32, #tpu.memory_space<vmem>>
          %dma_wait3A_300 = arith.constant 0 : i32
          %dma_wait3A_301 = tpu.memref_slice %arg3[%add3A, %add3A_234, %dma_wait3A_300] : memref<32x10x512xi32, #tpu.memory_space<hbm>> -> memref<1x1x512xi32, #tpu.memory_space<hbm>>
          %dma_wait3A_302 = tpu.memref_squeeze %dma_wait3A_301 : memref<1x1x512xi32, #tpu.memory_space<hbm>> -> memref<512xi32, #tpu.memory_space<hbm>>
          %dma_wait3A_303 = arith.constant 0 : i32
          %dma_wait3A_304 = tpu.memref_slice %arg5[%run_scoped3A_235, %dma_wait3A_303] : memref<2x512xi32, #tpu.memory_space<vmem>> -> memref<1x512xi32, #tpu.memory_space<vmem>>
          %dma_wait3A_305 = tpu.memref_squeeze %dma_wait3A_304 : memref<1x512xi32, #tpu.memory_space<vmem>> -> memref<512xi32, #tpu.memory_space<vmem>>
          %dma_wait3A_306 = arith.constant 0 : i32
          %dma_wait3A_307 = tpu.memref_slice %arg3[%add3A, %add3A_234, %dma_wait3A_306] : memref<32x10x512xi32, #tpu.memory_space<hbm>> -> memref<1x1x512xi32, #tpu.memory_space<hbm>>
          %dma_wait3A_308 = tpu.memref_squeeze %dma_wait3A_307 : memref<1x1x512xi32, #tpu.memory_space<hbm>> -> memref<512xi32, #tpu.memory_space<hbm>>
          tpu.wait_dma2 semaphore(%run_scoped3A_284 : memref<!tpu.dma_semaphore, #tpu.memory_space<semaphore_mem>>) src(%dma_wait3A_308 : memref<512xi32, #tpu.memory_space<hbm>>) dst(%dma_wait3A_305 : memref<512xi32, #tpu.memory_space<vmem>>)
          tpu.yield
        }) : () -> ()
        %dma_start3A_236 = arith.constant 0 : i32
        %dma_start3A_237 = arith.constant 0 : i32
        %dma_start3A_238 = arith.constant 0 : i32
        %dma_start3A_239 = arith.constant 0 : i32
        %dma_start3A_240 = tpu.memref_slice %arg6[%dma_start3A_237, %dma_start3A_238, %dma_start3A_239] : memref<2x512x32xf32, #tpu.memory_space<vmem>> -> memref<1x128x32xf32, #tpu.memory_space<vmem>>
        %dma_start3A_241 = tpu.memref_squeeze %dma_start3A_240 : memref<1x128x32xf32, #tpu.memory_space<vmem>> -> memref<128x32xf32, #tpu.memory_space<vmem>>
        %dma_start3A_242 = arith.constant 0 : i32
        %dma_start3A_243 = tpu.memref_slice %arg5[%dma_start3A_236, %dma_start3A_242] : memref<2x512xi32, #tpu.memory_space<vmem>> -> memref<1x128xi32, #tpu.memory_space<vmem>>
        %dma_start3A_244 = tpu.memref_squeeze %dma_start3A_243 : memref<1x128xi32, #tpu.memory_space<vmem>> -> memref<128xi32, #tpu.memory_space<vmem>>
        %dma_start3A_245 = arith.constant 0 : i32
        %dma_start3A_246 = arith.constant 0 : i32
        %dma_start3A_247 = tpu.memref_slice %arg2[%dma_start3A_245, %dma_start3A_246] : memref<1015808x32xf32, #tpu.memory_space<hbm>> -> memref<1015808x32xf32, #tpu.memory_space<hbm>>
        tpu.enqueue_indirect_dma source(%dma_start3A_247 : memref<1015808x32xf32, #tpu.memory_space<hbm>>) target(%dma_start3A_241 : memref<128x32xf32, #tpu.memory_space<vmem>>) offsets(%dma_start3A_244 : memref<128xi32, #tpu.memory_space<vmem>>) semaphore(%arg7 : memref<!tpu.dma_semaphore, #tpu.memory_space<semaphore_mem>>)
        %dma_start3A_248 = arith.constant 0 : i32
        %dma_start3A_249 = arith.constant 0 : i32
        %dma_start3A_250 = arith.constant 128 : i32
        %dma_start3A_251 = arith.constant 0 : i32
        %dma_start3A_252 = tpu.memref_slice %arg6[%dma_start3A_249, %dma_start3A_250, %dma_start3A_251] : memref<2x512x32xf32, #tpu.memory_space<vmem>> -> memref<1x128x32xf32, #tpu.memory_space<vmem>>
        %dma_start3A_253 = tpu.memref_squeeze %dma_start3A_252 : memref<1x128x32xf32, #tpu.memory_space<vmem>> -> memref<128x32xf32, #tpu.memory_space<vmem>>
        %dma_start3A_254 = arith.constant 128 : i32
        %dma_start3A_255 = tpu.memref_slice %arg5[%dma_start3A_248, %dma_start3A_254] : memref<2x512xi32, #tpu.memory_space<vmem>> -> memref<1x128xi32, #tpu.memory_space<vmem>>
        %dma_start3A_256 = tpu.memref_squeeze %dma_start3A_255 : memref<1x128xi32, #tpu.memory_space<vmem>> -> memref<128xi32, #tpu.memory_space<vmem>>
        %dma_start3A_257 = arith.constant 0 : i32
        %dma_start3A_258 = arith.constant 0 : i32
        %dma_start3A_259 = tpu.memref_slice %arg2[%dma_start3A_257, %dma_start3A_258] : memref<1015808x32xf32, #tpu.memory_space<hbm>> -> memref<1015808x32xf32, #tpu.memory_space<hbm>>
        tpu.enqueue_indirect_dma source(%dma_start3A_259 : memref<1015808x32xf32, #tpu.memory_space<hbm>>) target(%dma_start3A_253 : memref<128x32xf32, #tpu.memory_space<vmem>>) offsets(%dma_start3A_256 : memref<128xi32, #tpu.memory_space<vmem>>) semaphore(%arg7 : memref<!tpu.dma_semaphore, #tpu.memory_space<semaphore_mem>>)
        %dma_start3A_260 = arith.constant 0 : i32
        %dma_start3A_261 = arith.constant 0 : i32
        %dma_start3A_262 = arith.constant 256 : i32
        %dma_start3A_263 = arith.constant 0 : i32
        %dma_start3A_264 = tpu.memref_slice %arg6[%dma_start3A_261, %dma_start3A_262, %dma_start3A_263] : memref<2x512x32xf32, #tpu.memory_space<vmem>> -> memref<1x128x32xf32, #tpu.memory_space<vmem>>
        %dma_start3A_265 = tpu.memref_squeeze %dma_start3A_264 : memref<1x128x32xf32, #tpu.memory_space<vmem>> -> memref<128x32xf32, #tpu.memory_space<vmem>>
        %dma_start3A_266 = arith.constant 256 : i32
        %dma_start3A_267 = tpu.memref_slice %arg5[%dma_start3A_260, %dma_start3A_266] : memref<2x512xi32, #tpu.memory_space<vmem>> -> memref<1x128xi32, #tpu.memory_space<vmem>>
        %dma_start3A_268 = tpu.memref_squeeze %dma_start3A_267 : memref<1x128xi32, #tpu.memory_space<vmem>> -> memref<128xi32, #tpu.memory_space<vmem>>
        %dma_start3A_269 = arith.constant 0 : i32
        %dma_start3A_270 = arith.constant 0 : i32
        %dma_start3A_271 = tpu.memref_slice %arg2[%dma_start3A_269, %dma_start3A_270] : memref<1015808x32xf32, #tpu.memory_space<hbm>> -> memref<1015808x32xf32, #tpu.memory_space<hbm>>
        tpu.enqueue_indirect_dma source(%dma_start3A_271 : memref<1015808x32xf32, #tpu.memory_space<hbm>>) target(%dma_start3A_265 : memref<128x32xf32, #tpu.memory_space<vmem>>) offsets(%dma_start3A_268 : memref<128xi32, #tpu.memory_space<vmem>>) semaphore(%arg7 : memref<!tpu.dma_semaphore, #tpu.memory_space<semaphore_mem>>)
        %dma_start3A_272 = arith.constant 0 : i32
        %dma_start3A_273 = arith.constant 0 : i32
        %dma_start3A_274 = arith.constant 384 : i32
        %dma_start3A_275 = arith.constant 0 : i32
        %dma_start3A_276 = tpu.memref_slice %arg6[%dma_start3A_273, %dma_start3A_274, %dma_start3A_275] : memref<2x512x32xf32, #tpu.memory_space<vmem>> -> memref<1x128x32xf32, #tpu.memory_space<vmem>>
        %dma_start3A_277 = tpu.memref_squeeze %dma_start3A_276 : memref<1x128x32xf32, #tpu.memory_space<vmem>> -> memref<128x32xf32, #tpu.memory_space<vmem>>
        %dma_start3A_278 = arith.constant 384 : i32
        %dma_start3A_279 = tpu.memref_slice %arg5[%dma_start3A_272, %dma_start3A_278] : memref<2x512xi32, #tpu.memory_space<vmem>> -> memref<1x128xi32, #tpu.memory_space<vmem>>
        %dma_start3A_280 = tpu.memref_squeeze %dma_start3A_279 : memref<1x128xi32, #tpu.memory_space<vmem>> -> memref<128xi32, #tpu.memory_space<vmem>>
        %dma_start3A_281 = arith.constant 0 : i32
        %dma_start3A_282 = arith.constant 0 : i32
        %dma_start3A_283 = tpu.memref_slice %arg2[%dma_start3A_281, %dma_start3A_282] : memref<1015808x32xf32, #tpu.memory_space<hbm>> -> memref<1015808x32xf32, #tpu.memory_space<hbm>>
        tpu.enqueue_indirect_dma source(%dma_start3A_283 : memref<1015808x32xf32, #tpu.memory_space<hbm>>) target(%dma_start3A_277 : memref<128x32xf32, #tpu.memory_space<vmem>>) offsets(%dma_start3A_280 : memref<128xi32, #tpu.memory_space<vmem>>) semaphore(%arg7 : memref<!tpu.dma_semaphore, #tpu.memory_space<semaphore_mem>>)
      } else {
      }
      %dma_wait3A_172 = arith.constant 1 : i32
      %dma_wait3A_173 = arith.constant 1 : i32
      %dma_wait3A_174 = arith.constant 0 : i32
      %dma_wait3A_175 = arith.constant 0 : i32
      %dma_wait3A_176 = tpu.memref_slice %arg6[%dma_wait3A_173, %dma_wait3A_174, %dma_wait3A_175] : memref<2x512x32xf32, #tpu.memory_space<vmem>> -> memref<1x128x32xf32, #tpu.memory_space<vmem>>
      %dma_wait3A_177 = tpu.memref_squeeze %dma_wait3A_176 : memref<1x128x32xf32, #tpu.memory_space<vmem>> -> memref<128x32xf32, #tpu.memory_space<vmem>>
      %dma_wait3A_178 = arith.constant 0 : i32
      %dma_wait3A_179 = tpu.memref_slice %arg5[%dma_wait3A_172, %dma_wait3A_178] : memref<2x512xi32, #tpu.memory_space<vmem>> -> memref<1x128xi32, #tpu.memory_space<vmem>>
      %dma_wait3A_180 = tpu.memref_squeeze %dma_wait3A_179 : memref<1x128xi32, #tpu.memory_space<vmem>> -> memref<128xi32, #tpu.memory_space<vmem>>
      %dma_wait3A_181 = arith.constant 0 : i32
      %dma_wait3A_182 = arith.constant 0 : i32
      %dma_wait3A_183 = tpu.memref_slice %arg2[%dma_wait3A_181, %dma_wait3A_182] : memref<1015808x32xf32, #tpu.memory_space<hbm>> -> memref<1015808x32xf32, #tpu.memory_space<hbm>>
      tpu.wait_indirect_dma semaphore(%arg8 : memref<!tpu.dma_semaphore, #tpu.memory_space<semaphore_mem>>) src(%dma_wait3A_183 : memref<1015808x32xf32, #tpu.memory_space<hbm>>) dst(%dma_wait3A_177 : memref<128x32xf32, #tpu.memory_space<vmem>>)
      %dma_wait3A_184 = arith.constant 1 : i32
      %dma_wait3A_185 = arith.constant 1 : i32
      %dma_wait3A_186 = arith.constant 128 : i32
      %dma_wait3A_187 = arith.constant 0 : i32
      %dma_wait3A_188 = tpu.memref_slice %arg6[%dma_wait3A_185, %dma_wait3A_186, %dma_wait3A_187] : memref<2x512x32xf32, #tpu.memory_space<vmem>> -> memref<1x128x32xf32, #tpu.memory_space<vmem>>
      %dma_wait3A_189 = tpu.memref_squeeze %dma_wait3A_188 : memref<1x128x32xf32, #tpu.memory_space<vmem>> -> memref<128x32xf32, #tpu.memory_space<vmem>>
      %dma_wait3A_190 = arith.constant 128 : i32
      %dma_wait3A_191 = tpu.memref_slice %arg5[%dma_wait3A_184, %dma_wait3A_190] : memref<2x512xi32, #tpu.memory_space<vmem>> -> memref<1x128xi32, #tpu.memory_space<vmem>>
      %dma_wait3A_192 = tpu.memref_squeeze %dma_wait3A_191 : memref<1x128xi32, #tpu.memory_space<vmem>> -> memref<128xi32, #tpu.memory_space<vmem>>
      %dma_wait3A_193 = arith.constant 0 : i32
      %dma_wait3A_194 = arith.constant 0 : i32
      %dma_wait3A_195 = tpu.memref_slice %arg2[%dma_wait3A_193, %dma_wait3A_194] : memref<1015808x32xf32, #tpu.memory_space<hbm>> -> memref<1015808x32xf32, #tpu.memory_space<hbm>>
      tpu.wait_indirect_dma semaphore(%arg8 : memref<!tpu.dma_semaphore, #tpu.memory_space<semaphore_mem>>) src(%dma_wait3A_195 : memref<1015808x32xf32, #tpu.memory_space<hbm>>) dst(%dma_wait3A_189 : memref<128x32xf32, #tpu.memory_space<vmem>>)
      %dma_wait3A_196 = arith.constant 1 : i32
      %dma_wait3A_197 = arith.constant 1 : i32
      %dma_wait3A_198 = arith.constant 256 : i32
      %dma_wait3A_199 = arith.constant 0 : i32
      %dma_wait3A_200 = tpu.memref_slice %arg6[%dma_wait3A_197, %dma_wait3A_198, %dma_wait3A_199] : memref<2x512x32xf32, #tpu.memory_space<vmem>> -> memref<1x128x32xf32, #tpu.memory_space<vmem>>
      %dma_wait3A_201 = tpu.memref_squeeze %dma_wait3A_200 : memref<1x128x32xf32, #tpu.memory_space<vmem>> -> memref<128x32xf32, #tpu.memory_space<vmem>>
      %dma_wait3A_202 = arith.constant 256 : i32
      %dma_wait3A_203 = tpu.memref_slice %arg5[%dma_wait3A_196, %dma_wait3A_202] : memref<2x512xi32, #tpu.memory_space<vmem>> -> memref<1x128xi32, #tpu.memory_space<vmem>>
      %dma_wait3A_204 = tpu.memref_squeeze %dma_wait3A_203 : memref<1x128xi32, #tpu.memory_space<vmem>> -> memref<128xi32, #tpu.memory_space<vmem>>
      %dma_wait3A_205 = arith.constant 0 : i32
      %dma_wait3A_206 = arith.constant 0 : i32
      %dma_wait3A_207 = tpu.memref_slice %arg2[%dma_wait3A_205, %dma_wait3A_206] : memref<1015808x32xf32, #tpu.memory_space<hbm>> -> memref<1015808x32xf32, #tpu.memory_space<hbm>>
      tpu.wait_indirect_dma semaphore(%arg8 : memref<!tpu.dma_semaphore, #tpu.memory_space<semaphore_mem>>) src(%dma_wait3A_207 : memref<1015808x32xf32, #tpu.memory_space<hbm>>) dst(%dma_wait3A_201 : memref<128x32xf32, #tpu.memory_space<vmem>>)
      %dma_wait3A_208 = arith.constant 1 : i32
      %dma_wait3A_209 = arith.constant 1 : i32
      %dma_wait3A_210 = arith.constant 384 : i32
      %dma_wait3A_211 = arith.constant 0 : i32
      %dma_wait3A_212 = tpu.memref_slice %arg6[%dma_wait3A_209, %dma_wait3A_210, %dma_wait3A_211] : memref<2x512x32xf32, #tpu.memory_space<vmem>> -> memref<1x128x32xf32, #tpu.memory_space<vmem>>
      %dma_wait3A_213 = tpu.memref_squeeze %dma_wait3A_212 : memref<1x128x32xf32, #tpu.memory_space<vmem>> -> memref<128x32xf32, #tpu.memory_space<vmem>>
      %dma_wait3A_214 = arith.constant 384 : i32
      %dma_wait3A_215 = tpu.memref_slice %arg5[%dma_wait3A_208, %dma_wait3A_214] : memref<2x512xi32, #tpu.memory_space<vmem>> -> memref<1x128xi32, #tpu.memory_space<vmem>>
      %dma_wait3A_216 = tpu.memref_squeeze %dma_wait3A_215 : memref<1x128xi32, #tpu.memory_space<vmem>> -> memref<128xi32, #tpu.memory_space<vmem>>
      %dma_wait3A_217 = arith.constant 0 : i32
      %dma_wait3A_218 = arith.constant 0 : i32
      %dma_wait3A_219 = tpu.memref_slice %arg2[%dma_wait3A_217, %dma_wait3A_218] : memref<1015808x32xf32, #tpu.memory_space<hbm>> -> memref<1015808x32xf32, #tpu.memory_space<hbm>>
      tpu.wait_indirect_dma semaphore(%arg8 : memref<!tpu.dma_semaphore, #tpu.memory_space<semaphore_mem>>) src(%dma_wait3A_219 : memref<1015808x32xf32, #tpu.memory_space<hbm>>) dst(%dma_wait3A_213 : memref<128x32xf32, #tpu.memory_space<vmem>>)
      %mul3A_220 = arith.constant 512 : i32
      %mul3A_221 = arith.muli %add3A_62, %mul3A_220 : i32
      %add3A_222 = arith.addi %mul3A_2, %mul3A_221 : i32
      %shift_right_arithmetic3A_223 = arith.constant 14 : i32
      %shift_right_arithmetic3A_224 = arith.shrsi %add3A_222, %shift_right_arithmetic3A_223 : i32
      %and3A_225 = arith.constant 16383 : i32
      %and3A_226 = arith.andi %add3A_222, %and3A_225 : i32
      %shift_right_arithmetic3A_227 = arith.constant 12 : i32
      %shift_right_arithmetic3A_228 = arith.shrsi %and3A_226, %shift_right_arithmetic3A_227 : i32
      %and3A_229 = arith.constant 4095 : i32
      %and3A_230 = arith.andi %and3A_226, %and3A_229 : i32
      %run_scoped3A_231 = arith.constant 1 : i32
      "tpu.region"() ({
        %run_scoped3A_233 = tpu.sem_alloc : memref<!tpu.dma_semaphore, #tpu.memory_space<semaphore_mem>>
        %dma_start3A_234 = arith.constant 0 : i32
        %dma_start3A_235 = arith.constant 0 : i32
        %dma_start3A_236 = tpu.memref_slice %arg6[%run_scoped3A_231, %dma_start3A_234, %dma_start3A_235] : memref<2x512x32xf32, #tpu.memory_space<vmem>> -> memref<1x512x32xf32, #tpu.memory_space<vmem>>
        %dma_start3A_237 = tpu.memref_squeeze %dma_start3A_236 : memref<1x512x32xf32, #tpu.memory_space<vmem>> -> memref<512x32xf32, #tpu.memory_space<vmem>>
        %dma_start3A_238 = arith.constant 0 : i32
        %dma_start3A_239 = tpu.memref_slice %arg4[%shift_right_arithmetic3A_224, %and3A_230, %shift_right_arithmetic3A_228, %dma_start3A_238] : memref<10x4096x4x32xf32, #tpu.memory_space<hbm>> -> memref<1x512x1x32xf32, #tpu.memory_space<hbm>>
        %dma_start3A_240 = tpu.memref_squeeze %dma_start3A_239 : memref<1x512x1x32xf32, #tpu.memory_space<hbm>> -> memref<512x32xf32, #tpu.memory_space<hbm>>
        %dma_start3A_241 = arith.constant 0 : i32
        %dma_start3A_242 = tpu.memref_slice %arg4[%shift_right_arithmetic3A_224, %and3A_230, %shift_right_arithmetic3A_228, %dma_start3A_241] : memref<10x4096x4x32xf32, #tpu.memory_space<hbm>> -> memref<1x512x1x32xf32, #tpu.memory_space<hbm>>
        %dma_start3A_243 = tpu.memref_squeeze %dma_start3A_242 : memref<1x512x1x32xf32, #tpu.memory_space<hbm>> -> memref<512x32xf32, #tpu.memory_space<hbm>>
        %dma_start3A_244 = arith.constant 0 : i32
        %dma_start3A_245 = arith.constant 0 : i32
        %dma_start3A_246 = tpu.memref_slice %arg6[%run_scoped3A_231, %dma_start3A_244, %dma_start3A_245] : memref<2x512x32xf32, #tpu.memory_space<vmem>> -> memref<1x512x32xf32, #tpu.memory_space<vmem>>
        %dma_start3A_247 = tpu.memref_squeeze %dma_start3A_246 : memref<1x512x32xf32, #tpu.memory_space<vmem>> -> memref<512x32xf32, #tpu.memory_space<vmem>>
        tpu.enqueue_dma source(%dma_start3A_247 : memref<512x32xf32, #tpu.memory_space<vmem>>) target(%dma_start3A_243 : memref<512x32xf32, #tpu.memory_space<hbm>>) target_semaphore(%run_scoped3A_233 : memref<!tpu.dma_semaphore, #tpu.memory_space<semaphore_mem>>)
        %dma_wait3A_248 = arith.constant 0 : i32
        %dma_wait3A_249 = arith.constant 0 : i32
        %dma_wait3A_250 = tpu.memref_slice %arg6[%run_scoped3A_231, %dma_wait3A_248, %dma_wait3A_249] : memref<2x512x32xf32, #tpu.memory_space<vmem>> -> memref<1x512x32xf32, #tpu.memory_space<vmem>>
        %dma_wait3A_251 = tpu.memref_squeeze %dma_wait3A_250 : memref<1x512x32xf32, #tpu.memory_space<vmem>> -> memref<512x32xf32, #tpu.memory_space<vmem>>
        %dma_wait3A_252 = arith.constant 0 : i32
        %dma_wait3A_253 = tpu.memref_slice %arg4[%shift_right_arithmetic3A_224, %and3A_230, %shift_right_arithmetic3A_228, %dma_wait3A_252] : memref<10x4096x4x32xf32, #tpu.memory_space<hbm>> -> memref<1x512x1x32xf32, #tpu.memory_space<hbm>>
        %dma_wait3A_254 = tpu.memref_squeeze %dma_wait3A_253 : memref<1x512x1x32xf32, #tpu.memory_space<hbm>> -> memref<512x32xf32, #tpu.memory_space<hbm>>
        %dma_wait3A_255 = arith.constant 0 : i32
        %dma_wait3A_256 = tpu.memref_slice %arg4[%shift_right_arithmetic3A_224, %and3A_230, %shift_right_arithmetic3A_228, %dma_wait3A_255] : memref<10x4096x4x32xf32, #tpu.memory_space<hbm>> -> memref<1x512x1x32xf32, #tpu.memory_space<hbm>>
        %dma_wait3A_257 = tpu.memref_squeeze %dma_wait3A_256 : memref<1x512x1x32xf32, #tpu.memory_space<hbm>> -> memref<512x32xf32, #tpu.memory_space<hbm>>
        %dma_wait3A_258 = arith.constant 0 : i32
        %dma_wait3A_259 = arith.constant 0 : i32
        %dma_wait3A_260 = tpu.memref_slice %arg6[%run_scoped3A_231, %dma_wait3A_258, %dma_wait3A_259] : memref<2x512x32xf32, #tpu.memory_space<vmem>> -> memref<1x512x32xf32, #tpu.memory_space<vmem>>
        %dma_wait3A_261 = tpu.memref_squeeze %dma_wait3A_260 : memref<1x512x32xf32, #tpu.memory_space<vmem>> -> memref<512x32xf32, #tpu.memory_space<vmem>>
        tpu.wait_dma2 semaphore(%run_scoped3A_233 : memref<!tpu.dma_semaphore, #tpu.memory_space<semaphore_mem>>) src(%dma_wait3A_261 : memref<512x32xf32, #tpu.memory_space<vmem>>) dst(%dma_wait3A_257 : memref<512x32xf32, #tpu.memory_space<hbm>>)
        tpu.yield
      }) : () -> ()
      %scan3A_232 = arith.constant 0 : i32
      scf.yield %scan3A_232 : i32
    }
    %scan3A_56 = arith.constant 5 : i32
    return
  }
}

#map = affine_map<(d0, d1) -> (0, 0)>
#map1 = affine_map<(d0, d1) -> (0, 0, 0)>
#map2 = affine_map<(d0, d1) -> (0, 0, 0, 0)>
module attributes {stable_mosaic.version = 14 : i64} {
  func.func @_sc_body(%arg0: i32, %arg1: i32, %arg2: memref<1015808x32xf32, #tpu.memory_space<hbm>>, %arg3: memref<32x10x512xi32, #tpu.memory_space<hbm>>, %arg4: memref<10x4096x4x32xf32, #tpu.memory_space<hbm>>, %arg5: memref<2x512xi32, #tpu.memory_space<vmem>>, %arg6: memref<2x512x32xf32, #tpu.memory_space<vmem>>, %arg7: memref<!tpu.dma_semaphore, #tpu.memory_space<semaphore_mem>>, %arg8: memref<!tpu.dma_semaphore, #tpu.memory_space<semaphore_mem>>) attributes {dimension_semantics = [#tpu.dimension_semantics<core_parallel>, #tpu.dimension_semantics<subcore_parallel>], iteration_bounds = array<i64: 2, 16>, scalar_prefetch = 0 : i64, scratch_operands = 4 : i64, tpu.core_type = #tpu.core_type<sc_vector_subcore>, window_params = [{transform_indices = #map}, {transform_indices = #map1}, {transform_indices = #map2}]} {
    %mul3A = arith.constant 2 : i32
    %mul3A_0 = arith.muli %arg1, %mul3A : i32
    %add3A = arith.addi %mul3A_0, %arg0 : i32
    %mul3A_1 = arith.constant 5120 : i32
    %mul3A_2 = arith.muli %add3A, %mul3A_1 : i32
    %run_scoped3A = arith.constant 0 : i32
    %run_scoped3A_3 = arith.constant 0 : i32
    "tpu.region"() ({
      %run_scoped3A_57 = tpu.sem_alloc : memref<!tpu.dma_semaphore, #tpu.memory_space<semaphore_mem>>
      %dma_start3A_58 = arith.constant 0 : i32
      %dma_start3A_59 = tpu.memref_slice %arg5[%run_scoped3A_3, %dma_start3A_58] : memref<2x512xi32, #tpu.memory_space<vmem>> -> memref<1x512xi32, #tpu.memory_space<vmem>>
      %dma_start3A_60 = tpu.memref_squeeze %dma_start3A_59 : memref<1x512xi32, #tpu.memory_space<vmem>> -> memref<512xi32, #tpu.memory_space<vmem>>
      %dma_start3A_61 = arith.constant 0 : i32
      %dma_start3A_62 = tpu.memref_slice %arg3[%add3A, %run_scoped3A, %dma_start3A_61] : memref<32x10x512xi32, #tpu.memory_space<hbm>> -> memref<1x1x512xi32, #tpu.memory_space<hbm>>
      %dma_start3A_63 = tpu.memref_squeeze %dma_start3A_62 : memref<1x1x512xi32, #tpu.memory_space<hbm>> -> memref<512xi32, #tpu.memory_space<hbm>>
      %dma_start3A_64 = arith.constant 0 : i32
      %dma_start3A_65 = tpu.memref_slice %arg5[%run_scoped3A_3, %dma_start3A_64] : memref<2x512xi32, #tpu.memory_space<vmem>> -> memref<1x512xi32, #tpu.memory_space<vmem>>
      %dma_start3A_66 = tpu.memref_squeeze %dma_start3A_65 : memref<1x512xi32, #tpu.memory_space<vmem>> -> memref<512xi32, #tpu.memory_space<vmem>>
      %dma_start3A_67 = arith.constant 0 : i32
      %dma_start3A_68 = tpu.memref_slice %arg3[%add3A, %run_scoped3A, %dma_start3A_67] : memref<32x10x512xi32, #tpu.memory_space<hbm>> -> memref<1x1x512xi32, #tpu.memory_space<hbm>>
      %dma_start3A_69 = tpu.memref_squeeze %dma_start3A_68 : memref<1x1x512xi32, #tpu.memory_space<hbm>> -> memref<512xi32, #tpu.memory_space<hbm>>
      tpu.enqueue_dma source(%dma_start3A_69 : memref<512xi32, #tpu.memory_space<hbm>>) target(%dma_start3A_66 : memref<512xi32, #tpu.memory_space<vmem>>) target_semaphore(%run_scoped3A_57 : memref<!tpu.dma_semaphore, #tpu.memory_space<semaphore_mem>>)
      %dma_wait3A = arith.constant 0 : i32
      %dma_wait3A_70 = tpu.memref_slice %arg5[%run_scoped3A_3, %dma_wait3A] : memref<2x512xi32, #tpu.memory_space<vmem>> -> memref<1x512xi32, #tpu.memory_space<vmem>>
      %dma_wait3A_71 = tpu.memref_squeeze %dma_wait3A_70 : memref<1x512xi32, #tpu.memory_space<vmem>> -> memref<512xi32, #tpu.memory_space<vmem>>
      %dma_wait3A_72 = arith.constant 0 : i32
      %dma_wait3A_73 = tpu.memref_slice %arg3[%add3A, %run_scoped3A, %dma_wait3A_72] : memref<32x10x512xi32, #tpu.memory_space<hbm>> -> memref<1x1x512xi32, #tpu.memory_space<hbm>>
      %dma_wait3A_74 = tpu.memref_squeeze %dma_wait3A_73 : memref<1x1x512xi32, #tpu.memory_space<hbm>> -> memref<512xi32, #tpu.memory_space<hbm>>
      %dma_wait3A_75 = arith.constant 0 : i32
      %dma_wait3A_76 = tpu.memref_slice %arg5[%run_scoped3A_3, %dma_wait3A_75] : memref<2x512xi32, #tpu.memory_space<vmem>> -> memref<1x512xi32, #tpu.memory_space<vmem>>
      %dma_wait3A_77 = tpu.memref_squeeze %dma_wait3A_76 : memref<1x512xi32, #tpu.memory_space<vmem>> -> memref<512xi32, #tpu.memory_space<vmem>>
      %dma_wait3A_78 = arith.constant 0 : i32
      %dma_wait3A_79 = tpu.memref_slice %arg3[%add3A, %run_scoped3A, %dma_wait3A_78] : memref<32x10x512xi32, #tpu.memory_space<hbm>> -> memref<1x1x512xi32, #tpu.memory_space<hbm>>
      %dma_wait3A_80 = tpu.memref_squeeze %dma_wait3A_79 : memref<1x1x512xi32, #tpu.memory_space<hbm>> -> memref<512xi32, #tpu.memory_space<hbm>>
      tpu.wait_dma2 semaphore(%run_scoped3A_57 : memref<!tpu.dma_semaphore, #tpu.memory_space<semaphore_mem>>) src(%dma_wait3A_80 : memref<512xi32, #tpu.memory_space<hbm>>) dst(%dma_wait3A_77 : memref<512xi32, #tpu.memory_space<vmem>>)
      tpu.yield
    }) : () -> ()
    %dma_start3A = arith.constant 0 : i32
    %dma_start3A_4 = arith.constant 0 : i32
    %dma_start3A_5 = arith.constant 0 : i32
    %dma_start3A_6 = arith.constant 0 : i32
    %dma_start3A_7 = tpu.memref_slice %arg6[%dma_start3A_4, %dma_start3A_5, %dma_start3A_6] : memref<2x512x32xf32, #tpu.memory_space<vmem>> -> memref<1x128x32xf32, #tpu.memory_space<vmem>>
    %dma_start3A_8 = tpu.memref_squeeze %dma_start3A_7 : memref<1x128x32xf32, #tpu.memory_space<vmem>> -> memref<128x32xf32, #tpu.memory_space<vmem>>
    %dma_start3A_9 = arith.constant 0 : i32
    %dma_start3A_10 = tpu.memref_slice %arg5[%dma_start3A, %dma_start3A_9] : memref<2x512xi32, #tpu.memory_space<vmem>> -> memref<1x128xi32, #tpu.memory_space<vmem>>
    %dma_start3A_11 = tpu.memref_squeeze %dma_start3A_10 : memref<1x128xi32, #tpu.memory_space<vmem>> -> memref<128xi32, #tpu.memory_space<vmem>>
    %dma_start3A_12 = arith.constant 0 : i32
    %dma_start3A_13 = arith.constant 0 : i32
    %dma_start3A_14 = tpu.memref_slice %arg2[%dma_start3A_12, %dma_start3A_13] : memref<1015808x32xf32, #tpu.memory_space<hbm>> -> memref<1015808x32xf32, #tpu.memory_space<hbm>>
    tpu.enqueue_indirect_dma source(%dma_start3A_14 : memref<1015808x32xf32, #tpu.memory_space<hbm>>) target(%dma_start3A_8 : memref<128x32xf32, #tpu.memory_space<vmem>>) offsets(%dma_start3A_11 : memref<128xi32, #tpu.memory_space<vmem>>) semaphore(%arg7 : memref<!tpu.dma_semaphore, #tpu.memory_space<semaphore_mem>>)
    %dma_start3A_15 = arith.constant 0 : i32
    %dma_start3A_16 = arith.constant 0 : i32
    %dma_start3A_17 = arith.constant 128 : i32
    %dma_start3A_18 = arith.constant 0 : i32
    %dma_start3A_19 = tpu.memref_slice %arg6[%dma_start3A_16, %dma_start3A_17, %dma_start3A_18] : memref<2x512x32xf32, #tpu.memory_space<vmem>> -> memref<1x128x32xf32, #tpu.memory_space<vmem>>
    %dma_start3A_20 = tpu.memref_squeeze %dma_start3A_19 : memref<1x128x32xf32, #tpu.memory_space<vmem>> -> memref<128x32xf32, #tpu.memory_space<vmem>>
    %dma_start3A_21 = arith.constant 128 : i32
    %dma_start3A_22 = tpu.memref_slice %arg5[%dma_start3A_15, %dma_start3A_21] : memref<2x512xi32, #tpu.memory_space<vmem>> -> memref<1x128xi32, #tpu.memory_space<vmem>>
    %dma_start3A_23 = tpu.memref_squeeze %dma_start3A_22 : memref<1x128xi32, #tpu.memory_space<vmem>> -> memref<128xi32, #tpu.memory_space<vmem>>
    %dma_start3A_24 = arith.constant 0 : i32
    %dma_start3A_25 = arith.constant 0 : i32
    %dma_start3A_26 = tpu.memref_slice %arg2[%dma_start3A_24, %dma_start3A_25] : memref<1015808x32xf32, #tpu.memory_space<hbm>> -> memref<1015808x32xf32, #tpu.memory_space<hbm>>
    tpu.enqueue_indirect_dma source(%dma_start3A_26 : memref<1015808x32xf32, #tpu.memory_space<hbm>>) target(%dma_start3A_20 : memref<128x32xf32, #tpu.memory_space<vmem>>) offsets(%dma_start3A_23 : memref<128xi32, #tpu.memory_space<vmem>>) semaphore(%arg7 : memref<!tpu.dma_semaphore, #tpu.memory_space<semaphore_mem>>)
    %dma_start3A_27 = arith.constant 0 : i32
    %dma_start3A_28 = arith.constant 0 : i32
    %dma_start3A_29 = arith.constant 256 : i32
    %dma_start3A_30 = arith.constant 0 : i32
    %dma_start3A_31 = tpu.memref_slice %arg6[%dma_start3A_28, %dma_start3A_29, %dma_start3A_30] : memref<2x512x32xf32, #tpu.memory_space<vmem>> -> memref<1x128x32xf32, #tpu.memory_space<vmem>>
    %dma_start3A_32 = tpu.memref_squeeze %dma_start3A_31 : memref<1x128x32xf32, #tpu.memory_space<vmem>> -> memref<128x32xf32, #tpu.memory_space<vmem>>
    %dma_start3A_33 = arith.constant 256 : i32
    %dma_start3A_34 = tpu.memref_slice %arg5[%dma_start3A_27, %dma_start3A_33] : memref<2x512xi32, #tpu.memory_space<vmem>> -> memref<1x128xi32, #tpu.memory_space<vmem>>
    %dma_start3A_35 = tpu.memref_squeeze %dma_start3A_34 : memref<1x128xi32, #tpu.memory_space<vmem>> -> memref<128xi32, #tpu.memory_space<vmem>>
    %dma_start3A_36 = arith.constant 0 : i32
    %dma_start3A_37 = arith.constant 0 : i32
    %dma_start3A_38 = tpu.memref_slice %arg2[%dma_start3A_36, %dma_start3A_37] : memref<1015808x32xf32, #tpu.memory_space<hbm>> -> memref<1015808x32xf32, #tpu.memory_space<hbm>>
    tpu.enqueue_indirect_dma source(%dma_start3A_38 : memref<1015808x32xf32, #tpu.memory_space<hbm>>) target(%dma_start3A_32 : memref<128x32xf32, #tpu.memory_space<vmem>>) offsets(%dma_start3A_35 : memref<128xi32, #tpu.memory_space<vmem>>) semaphore(%arg7 : memref<!tpu.dma_semaphore, #tpu.memory_space<semaphore_mem>>)
    %dma_start3A_39 = arith.constant 0 : i32
    %dma_start3A_40 = arith.constant 0 : i32
    %dma_start3A_41 = arith.constant 384 : i32
    %dma_start3A_42 = arith.constant 0 : i32
    %dma_start3A_43 = tpu.memref_slice %arg6[%dma_start3A_40, %dma_start3A_41, %dma_start3A_42] : memref<2x512x32xf32, #tpu.memory_space<vmem>> -> memref<1x128x32xf32, #tpu.memory_space<vmem>>
    %dma_start3A_44 = tpu.memref_squeeze %dma_start3A_43 : memref<1x128x32xf32, #tpu.memory_space<vmem>> -> memref<128x32xf32, #tpu.memory_space<vmem>>
    %dma_start3A_45 = arith.constant 384 : i32
    %dma_start3A_46 = tpu.memref_slice %arg5[%dma_start3A_39, %dma_start3A_45] : memref<2x512xi32, #tpu.memory_space<vmem>> -> memref<1x128xi32, #tpu.memory_space<vmem>>
    %dma_start3A_47 = tpu.memref_squeeze %dma_start3A_46 : memref<1x128xi32, #tpu.memory_space<vmem>> -> memref<128xi32, #tpu.memory_space<vmem>>
    %dma_start3A_48 = arith.constant 0 : i32
    %dma_start3A_49 = arith.constant 0 : i32
    %dma_start3A_50 = tpu.memref_slice %arg2[%dma_start3A_48, %dma_start3A_49] : memref<1015808x32xf32, #tpu.memory_space<hbm>> -> memref<1015808x32xf32, #tpu.memory_space<hbm>>
    tpu.enqueue_indirect_dma source(%dma_start3A_50 : memref<1015808x32xf32, #tpu.memory_space<hbm>>) target(%dma_start3A_44 : memref<128x32xf32, #tpu.memory_space<vmem>>) offsets(%dma_start3A_47 : memref<128xi32, #tpu.memory_space<vmem>>) semaphore(%arg7 : memref<!tpu.dma_semaphore, #tpu.memory_space<semaphore_mem>>)
    %scan3A = arith.constant 0 : i32
    %scan3A_51 = arith.constant 0 : i32
    %scan3A_52 = arith.constant 5 : i32
    %scan3A_53 = arith.addi %scan3A_51, %scan3A_52 : i32
    %scan3A_54 = arith.constant 1 : i32
    %scan3A_55 = scf.for %scan3A_57 = %scan3A_51 to %scan3A_53 step %scan3A_54 iter_args(%scan3A_58 = %scan3A) -> (i32)  : i32 {
      %mul3A_59 = arith.constant 2 : i32
      %mul3A_60 = arith.muli %mul3A_59, %scan3A_57 : i32
      %add3A_61 = arith.constant 1 : i32
      %add3A_62 = arith.addi %mul3A_60, %add3A_61 : i32
      %run_scoped3A_63 = arith.constant 1 : i32
      "tpu.region"() ({
        %run_scoped3A_233 = tpu.sem_alloc : memref<!tpu.dma_semaphore, #tpu.memory_space<semaphore_mem>>
        %dma_start3A_234 = arith.constant 0 : i32
        %dma_start3A_235 = tpu.memref_slice %arg5[%run_scoped3A_63, %dma_start3A_234] : memref<2x512xi32, #tpu.memory_space<vmem>> -> memref<1x512xi32, #tpu.memory_space<vmem>>
        %dma_start3A_236 = tpu.memref_squeeze %dma_start3A_235 : memref<1x512xi32, #tpu.memory_space<vmem>> -> memref<512xi32, #tpu.memory_space<vmem>>
        %dma_start3A_237 = arith.constant 0 : i32
        %dma_start3A_238 = tpu.memref_slice %arg3[%add3A, %add3A_62, %dma_start3A_237] : memref<32x10x512xi32, #tpu.memory_space<hbm>> -> memref<1x1x512xi32, #tpu.memory_space<hbm>>
        %dma_start3A_239 = tpu.memref_squeeze %dma_start3A_238 : memref<1x1x512xi32, #tpu.memory_space<hbm>> -> memref<512xi32, #tpu.memory_space<hbm>>
        %dma_start3A_240 = arith.constant 0 : i32
        %dma_start3A_241 = tpu.memref_slice %arg5[%run_scoped3A_63, %dma_start3A_240] : memref<2x512xi32, #tpu.memory_space<vmem>> -> memref<1x512xi32, #tpu.memory_space<vmem>>
        %dma_start3A_242 = tpu.memref_squeeze %dma_start3A_241 : memref<1x512xi32, #tpu.memory_space<vmem>> -> memref<512xi32, #tpu.memory_space<vmem>>
        %dma_start3A_243 = arith.constant 0 : i32
        %dma_start3A_244 = tpu.memref_slice %arg3[%add3A, %add3A_62, %dma_start3A_243] : memref<32x10x512xi32, #tpu.memory_space<hbm>> -> memref<1x1x512xi32, #tpu.memory_space<hbm>>
        %dma_start3A_245 = tpu.memref_squeeze %dma_start3A_244 : memref<1x1x512xi32, #tpu.memory_space<hbm>> -> memref<512xi32, #tpu.memory_space<hbm>>
        tpu.enqueue_dma source(%dma_start3A_245 : memref<512xi32, #tpu.memory_space<hbm>>) target(%dma_start3A_242 : memref<512xi32, #tpu.memory_space<vmem>>) target_semaphore(%run_scoped3A_233 : memref<!tpu.dma_semaphore, #tpu.memory_space<semaphore_mem>>)
        %dma_wait3A_246 = arith.constant 0 : i32
        %dma_wait3A_247 = tpu.memref_slice %arg5[%run_scoped3A_63, %dma_wait3A_246] : memref<2x512xi32, #tpu.memory_space<vmem>> -> memref<1x512xi32, #tpu.memory_space<vmem>>
        %dma_wait3A_248 = tpu.memref_squeeze %dma_wait3A_247 : memref<1x512xi32, #tpu.memory_space<vmem>> -> memref<512xi32, #tpu.memory_space<vmem>>
        %dma_wait3A_249 = arith.constant 0 : i32
        %dma_wait3A_250 = tpu.memref_slice %arg3[%add3A, %add3A_62, %dma_wait3A_249] : memref<32x10x512xi32, #tpu.memory_space<hbm>> -> memref<1x1x512xi32, #tpu.memory_space<hbm>>
        %dma_wait3A_251 = tpu.memref_squeeze %dma_wait3A_250 : memref<1x1x512xi32, #tpu.memory_space<hbm>> -> memref<512xi32, #tpu.memory_space<hbm>>
        %dma_wait3A_252 = arith.constant 0 : i32
        %dma_wait3A_253 = tpu.memref_slice %arg5[%run_scoped3A_63, %dma_wait3A_252] : memref<2x512xi32, #tpu.memory_space<vmem>> -> memref<1x512xi32, #tpu.memory_space<vmem>>
        %dma_wait3A_254 = tpu.memref_squeeze %dma_wait3A_253 : memref<1x512xi32, #tpu.memory_space<vmem>> -> memref<512xi32, #tpu.memory_space<vmem>>
        %dma_wait3A_255 = arith.constant 0 : i32
        %dma_wait3A_256 = tpu.memref_slice %arg3[%add3A, %add3A_62, %dma_wait3A_255] : memref<32x10x512xi32, #tpu.memory_space<hbm>> -> memref<1x1x512xi32, #tpu.memory_space<hbm>>
        %dma_wait3A_257 = tpu.memref_squeeze %dma_wait3A_256 : memref<1x1x512xi32, #tpu.memory_space<hbm>> -> memref<512xi32, #tpu.memory_space<hbm>>
        tpu.wait_dma2 semaphore(%run_scoped3A_233 : memref<!tpu.dma_semaphore, #tpu.memory_space<semaphore_mem>>) src(%dma_wait3A_257 : memref<512xi32, #tpu.memory_space<hbm>>) dst(%dma_wait3A_254 : memref<512xi32, #tpu.memory_space<vmem>>)
        tpu.yield
      }) : () -> ()
      %dma_start3A_64 = arith.constant 1 : i32
      %dma_start3A_65 = arith.constant 1 : i32
      %dma_start3A_66 = arith.constant 0 : i32
      %dma_start3A_67 = arith.constant 0 : i32
      %dma_start3A_68 = tpu.memref_slice %arg6[%dma_start3A_65, %dma_start3A_66, %dma_start3A_67] : memref<2x512x32xf32, #tpu.memory_space<vmem>> -> memref<1x128x32xf32, #tpu.memory_space<vmem>>
      %dma_start3A_69 = tpu.memref_squeeze %dma_start3A_68 : memref<1x128x32xf32, #tpu.memory_space<vmem>> -> memref<128x32xf32, #tpu.memory_space<vmem>>
      %dma_start3A_70 = arith.constant 0 : i32
      %dma_start3A_71 = tpu.memref_slice %arg5[%dma_start3A_64, %dma_start3A_70] : memref<2x512xi32, #tpu.memory_space<vmem>> -> memref<1x128xi32, #tpu.memory_space<vmem>>
      %dma_start3A_72 = tpu.memref_squeeze %dma_start3A_71 : memref<1x128xi32, #tpu.memory_space<vmem>> -> memref<128xi32, #tpu.memory_space<vmem>>
      %dma_start3A_73 = arith.constant 0 : i32
      %dma_start3A_74 = arith.constant 0 : i32
      %dma_start3A_75 = tpu.memref_slice %arg2[%dma_start3A_73, %dma_start3A_74] : memref<1015808x32xf32, #tpu.memory_space<hbm>> -> memref<1015808x32xf32, #tpu.memory_space<hbm>>
      tpu.enqueue_indirect_dma source(%dma_start3A_75 : memref<1015808x32xf32, #tpu.memory_space<hbm>>) target(%dma_start3A_69 : memref<128x32xf32, #tpu.memory_space<vmem>>) offsets(%dma_start3A_72 : memref<128xi32, #tpu.memory_space<vmem>>) semaphore(%arg8 : memref<!tpu.dma_semaphore, #tpu.memory_space<semaphore_mem>>)
      %dma_start3A_76 = arith.constant 1 : i32
      %dma_start3A_77 = arith.constant 1 : i32
      %dma_start3A_78 = arith.constant 128 : i32
      %dma_start3A_79 = arith.constant 0 : i32
      %dma_start3A_80 = tpu.memref_slice %arg6[%dma_start3A_77, %dma_start3A_78, %dma_start3A_79] : memref<2x512x32xf32, #tpu.memory_space<vmem>> -> memref<1x128x32xf32, #tpu.memory_space<vmem>>
      %dma_start3A_81 = tpu.memref_squeeze %dma_start3A_80 : memref<1x128x32xf32, #tpu.memory_space<vmem>> -> memref<128x32xf32, #tpu.memory_space<vmem>>
      %dma_start3A_82 = arith.constant 128 : i32
      %dma_start3A_83 = tpu.memref_slice %arg5[%dma_start3A_76, %dma_start3A_82] : memref<2x512xi32, #tpu.memory_space<vmem>> -> memref<1x128xi32, #tpu.memory_space<vmem>>
      %dma_start3A_84 = tpu.memref_squeeze %dma_start3A_83 : memref<1x128xi32, #tpu.memory_space<vmem>> -> memref<128xi32, #tpu.memory_space<vmem>>
      %dma_start3A_85 = arith.constant 0 : i32
      %dma_start3A_86 = arith.constant 0 : i32
      %dma_start3A_87 = tpu.memref_slice %arg2[%dma_start3A_85, %dma_start3A_86] : memref<1015808x32xf32, #tpu.memory_space<hbm>> -> memref<1015808x32xf32, #tpu.memory_space<hbm>>
      tpu.enqueue_indirect_dma source(%dma_start3A_87 : memref<1015808x32xf32, #tpu.memory_space<hbm>>) target(%dma_start3A_81 : memref<128x32xf32, #tpu.memory_space<vmem>>) offsets(%dma_start3A_84 : memref<128xi32, #tpu.memory_space<vmem>>) semaphore(%arg8 : memref<!tpu.dma_semaphore, #tpu.memory_space<semaphore_mem>>)
      %dma_start3A_88 = arith.constant 1 : i32
      %dma_start3A_89 = arith.constant 1 : i32
      %dma_start3A_90 = arith.constant 256 : i32
      %dma_start3A_91 = arith.constant 0 : i32
      %dma_start3A_92 = tpu.memref_slice %arg6[%dma_start3A_89, %dma_start3A_90, %dma_start3A_91] : memref<2x512x32xf32, #tpu.memory_space<vmem>> -> memref<1x128x32xf32, #tpu.memory_space<vmem>>
      %dma_start3A_93 = tpu.memref_squeeze %dma_start3A_92 : memref<1x128x32xf32, #tpu.memory_space<vmem>> -> memref<128x32xf32, #tpu.memory_space<vmem>>
      %dma_start3A_94 = arith.constant 256 : i32
      %dma_start3A_95 = tpu.memref_slice %arg5[%dma_start3A_88, %dma_start3A_94] : memref<2x512xi32, #tpu.memory_space<vmem>> -> memref<1x128xi32, #tpu.memory_space<vmem>>
      %dma_start3A_96 = tpu.memref_squeeze %dma_start3A_95 : memref<1x128xi32, #tpu.memory_space<vmem>> -> memref<128xi32, #tpu.memory_space<vmem>>
      %dma_start3A_97 = arith.constant 0 : i32
      %dma_start3A_98 = arith.constant 0 : i32
      %dma_start3A_99 = tpu.memref_slice %arg2[%dma_start3A_97, %dma_start3A_98] : memref<1015808x32xf32, #tpu.memory_space<hbm>> -> memref<1015808x32xf32, #tpu.memory_space<hbm>>
      tpu.enqueue_indirect_dma source(%dma_start3A_99 : memref<1015808x32xf32, #tpu.memory_space<hbm>>) target(%dma_start3A_93 : memref<128x32xf32, #tpu.memory_space<vmem>>) offsets(%dma_start3A_96 : memref<128xi32, #tpu.memory_space<vmem>>) semaphore(%arg8 : memref<!tpu.dma_semaphore, #tpu.memory_space<semaphore_mem>>)
      %dma_start3A_100 = arith.constant 1 : i32
      %dma_start3A_101 = arith.constant 1 : i32
      %dma_start3A_102 = arith.constant 384 : i32
      %dma_start3A_103 = arith.constant 0 : i32
      %dma_start3A_104 = tpu.memref_slice %arg6[%dma_start3A_101, %dma_start3A_102, %dma_start3A_103] : memref<2x512x32xf32, #tpu.memory_space<vmem>> -> memref<1x128x32xf32, #tpu.memory_space<vmem>>
      %dma_start3A_105 = tpu.memref_squeeze %dma_start3A_104 : memref<1x128x32xf32, #tpu.memory_space<vmem>> -> memref<128x32xf32, #tpu.memory_space<vmem>>
      %dma_start3A_106 = arith.constant 384 : i32
      %dma_start3A_107 = tpu.memref_slice %arg5[%dma_start3A_100, %dma_start3A_106] : memref<2x512xi32, #tpu.memory_space<vmem>> -> memref<1x128xi32, #tpu.memory_space<vmem>>
      %dma_start3A_108 = tpu.memref_squeeze %dma_start3A_107 : memref<1x128xi32, #tpu.memory_space<vmem>> -> memref<128xi32, #tpu.memory_space<vmem>>
      %dma_start3A_109 = arith.constant 0 : i32
      %dma_start3A_110 = arith.constant 0 : i32
      %dma_start3A_111 = tpu.memref_slice %arg2[%dma_start3A_109, %dma_start3A_110] : memref<1015808x32xf32, #tpu.memory_space<hbm>> -> memref<1015808x32xf32, #tpu.memory_space<hbm>>
      tpu.enqueue_indirect_dma source(%dma_start3A_111 : memref<1015808x32xf32, #tpu.memory_space<hbm>>) target(%dma_start3A_105 : memref<128x32xf32, #tpu.memory_space<vmem>>) offsets(%dma_start3A_108 : memref<128xi32, #tpu.memory_space<vmem>>) semaphore(%arg8 : memref<!tpu.dma_semaphore, #tpu.memory_space<semaphore_mem>>)
      %dma_wait3A = arith.constant 0 : i32
      %dma_wait3A_112 = arith.constant 0 : i32
      %dma_wait3A_113 = arith.constant 0 : i32
      %dma_wait3A_114 = arith.constant 0 : i32
      %dma_wait3A_115 = tpu.memref_slice %arg6[%dma_wait3A_112, %dma_wait3A_113, %dma_wait3A_114] : memref<2x512x32xf32, #tpu.memory_space<vmem>> -> memref<1x128x32xf32, #tpu.memory_space<vmem>>
      %dma_wait3A_116 = tpu.memref_squeeze %dma_wait3A_115 : memref<1x128x32xf32, #tpu.memory_space<vmem>> -> memref<128x32xf32, #tpu.memory_space<vmem>>
      %dma_wait3A_117 = arith.constant 0 : i32
      %dma_wait3A_118 = tpu.memref_slice %arg5[%dma_wait3A, %dma_wait3A_117] : memref<2x512xi32, #tpu.memory_space<vmem>> -> memref<1x128xi32, #tpu.memory_space<vmem>>
      %dma_wait3A_119 = tpu.memref_squeeze %dma_wait3A_118 : memref<1x128xi32, #tpu.memory_space<vmem>> -> memref<128xi32, #tpu.memory_space<vmem>>
      %dma_wait3A_120 = arith.constant 0 : i32
      %dma_wait3A_121 = arith.constant 0 : i32
      %dma_wait3A_122 = tpu.memref_slice %arg2[%dma_wait3A_120, %dma_wait3A_121] : memref<1015808x32xf32, #tpu.memory_space<hbm>> -> memref<1015808x32xf32, #tpu.memory_space<hbm>>
      tpu.wait_indirect_dma semaphore(%arg7 : memref<!tpu.dma_semaphore, #tpu.memory_space<semaphore_mem>>) src(%dma_wait3A_122 : memref<1015808x32xf32, #tpu.memory_space<hbm>>) dst(%dma_wait3A_116 : memref<128x32xf32, #tpu.memory_space<vmem>>)
      %dma_wait3A_123 = arith.constant 0 : i32
      %dma_wait3A_124 = arith.constant 0 : i32
      %dma_wait3A_125 = arith.constant 128 : i32
      %dma_wait3A_126 = arith.constant 0 : i32
      %dma_wait3A_127 = tpu.memref_slice %arg6[%dma_wait3A_124, %dma_wait3A_125, %dma_wait3A_126] : memref<2x512x32xf32, #tpu.memory_space<vmem>> -> memref<1x128x32xf32, #tpu.memory_space<vmem>>
      %dma_wait3A_128 = tpu.memref_squeeze %dma_wait3A_127 : memref<1x128x32xf32, #tpu.memory_space<vmem>> -> memref<128x32xf32, #tpu.memory_space<vmem>>
      %dma_wait3A_129 = arith.constant 128 : i32
      %dma_wait3A_130 = tpu.memref_slice %arg5[%dma_wait3A_123, %dma_wait3A_129] : memref<2x512xi32, #tpu.memory_space<vmem>> -> memref<1x128xi32, #tpu.memory_space<vmem>>
      %dma_wait3A_131 = tpu.memref_squeeze %dma_wait3A_130 : memref<1x128xi32, #tpu.memory_space<vmem>> -> memref<128xi32, #tpu.memory_space<vmem>>
      %dma_wait3A_132 = arith.constant 0 : i32
      %dma_wait3A_133 = arith.constant 0 : i32
      %dma_wait3A_134 = tpu.memref_slice %arg2[%dma_wait3A_132, %dma_wait3A_133] : memref<1015808x32xf32, #tpu.memory_space<hbm>> -> memref<1015808x32xf32, #tpu.memory_space<hbm>>
      tpu.wait_indirect_dma semaphore(%arg7 : memref<!tpu.dma_semaphore, #tpu.memory_space<semaphore_mem>>) src(%dma_wait3A_134 : memref<1015808x32xf32, #tpu.memory_space<hbm>>) dst(%dma_wait3A_128 : memref<128x32xf32, #tpu.memory_space<vmem>>)
      %dma_wait3A_135 = arith.constant 0 : i32
      %dma_wait3A_136 = arith.constant 0 : i32
      %dma_wait3A_137 = arith.constant 256 : i32
      %dma_wait3A_138 = arith.constant 0 : i32
      %dma_wait3A_139 = tpu.memref_slice %arg6[%dma_wait3A_136, %dma_wait3A_137, %dma_wait3A_138] : memref<2x512x32xf32, #tpu.memory_space<vmem>> -> memref<1x128x32xf32, #tpu.memory_space<vmem>>
      %dma_wait3A_140 = tpu.memref_squeeze %dma_wait3A_139 : memref<1x128x32xf32, #tpu.memory_space<vmem>> -> memref<128x32xf32, #tpu.memory_space<vmem>>
      %dma_wait3A_141 = arith.constant 256 : i32
      %dma_wait3A_142 = tpu.memref_slice %arg5[%dma_wait3A_135, %dma_wait3A_141] : memref<2x512xi32, #tpu.memory_space<vmem>> -> memref<1x128xi32, #tpu.memory_space<vmem>>
      %dma_wait3A_143 = tpu.memref_squeeze %dma_wait3A_142 : memref<1x128xi32, #tpu.memory_space<vmem>> -> memref<128xi32, #tpu.memory_space<vmem>>
      %dma_wait3A_144 = arith.constant 0 : i32
      %dma_wait3A_145 = arith.constant 0 : i32
      %dma_wait3A_146 = tpu.memref_slice %arg2[%dma_wait3A_144, %dma_wait3A_145] : memref<1015808x32xf32, #tpu.memory_space<hbm>> -> memref<1015808x32xf32, #tpu.memory_space<hbm>>
      tpu.wait_indirect_dma semaphore(%arg7 : memref<!tpu.dma_semaphore, #tpu.memory_space<semaphore_mem>>) src(%dma_wait3A_146 : memref<1015808x32xf32, #tpu.memory_space<hbm>>) dst(%dma_wait3A_140 : memref<128x32xf32, #tpu.memory_space<vmem>>)
      %dma_wait3A_147 = arith.constant 0 : i32
      %dma_wait3A_148 = arith.constant 0 : i32
      %dma_wait3A_149 = arith.constant 384 : i32
      %dma_wait3A_150 = arith.constant 0 : i32
      %dma_wait3A_151 = tpu.memref_slice %arg6[%dma_wait3A_148, %dma_wait3A_149, %dma_wait3A_150] : memref<2x512x32xf32, #tpu.memory_space<vmem>> -> memref<1x128x32xf32, #tpu.memory_space<vmem>>
      %dma_wait3A_152 = tpu.memref_squeeze %dma_wait3A_151 : memref<1x128x32xf32, #tpu.memory_space<vmem>> -> memref<128x32xf32, #tpu.memory_space<vmem>>
      %dma_wait3A_153 = arith.constant 384 : i32
      %dma_wait3A_154 = tpu.memref_slice %arg5[%dma_wait3A_147, %dma_wait3A_153] : memref<2x512xi32, #tpu.memory_space<vmem>> -> memref<1x128xi32, #tpu.memory_space<vmem>>
      %dma_wait3A_155 = tpu.memref_squeeze %dma_wait3A_154 : memref<1x128xi32, #tpu.memory_space<vmem>> -> memref<128xi32, #tpu.memory_space<vmem>>
      %dma_wait3A_156 = arith.constant 0 : i32
      %dma_wait3A_157 = arith.constant 0 : i32
      %dma_wait3A_158 = tpu.memref_slice %arg2[%dma_wait3A_156, %dma_wait3A_157] : memref<1015808x32xf32, #tpu.memory_space<hbm>> -> memref<1015808x32xf32, #tpu.memory_space<hbm>>
      tpu.wait_indirect_dma semaphore(%arg7 : memref<!tpu.dma_semaphore, #tpu.memory_space<semaphore_mem>>) src(%dma_wait3A_158 : memref<1015808x32xf32, #tpu.memory_space<hbm>>) dst(%dma_wait3A_152 : memref<128x32xf32, #tpu.memory_space<vmem>>)
      %sub3A = arith.constant 1 : i32
      %sub3A_159 = arith.subi %add3A_62, %sub3A : i32
      %mul3A_160 = arith.constant 512 : i32
      %mul3A_161 = arith.muli %sub3A_159, %mul3A_160 : i32
      %add3A_162 = arith.addi %mul3A_2, %mul3A_161 : i32
      %shift_right_arithmetic3A = arith.constant 14 : i32
      %shift_right_arithmetic3A_163 = arith.shrsi %add3A_162, %shift_right_arithmetic3A : i32
      %and3A = arith.constant 16383 : i32
      %and3A_164 = arith.andi %add3A_162, %and3A : i32
      %shift_right_arithmetic3A_165 = arith.constant 12 : i32
      %shift_right_arithmetic3A_166 = arith.shrsi %and3A_164, %shift_right_arithmetic3A_165 : i32
      %and3A_167 = arith.constant 4095 : i32
      %and3A_168 = arith.andi %and3A_164, %and3A_167 : i32
      %run_scoped3A_169 = arith.constant 0 : i32
      "tpu.region"() ({
        %run_scoped3A_233 = tpu.sem_alloc : memref<!tpu.dma_semaphore, #tpu.memory_space<semaphore_mem>>
        %dma_start3A_234 = arith.constant 0 : i32
        %dma_start3A_235 = arith.constant 0 : i32
        %dma_start3A_236 = tpu.memref_slice %arg6[%run_scoped3A_169, %dma_start3A_234, %dma_start3A_235] : memref<2x512x32xf32, #tpu.memory_space<vmem>> -> memref<1x512x32xf32, #tpu.memory_space<vmem>>
        %dma_start3A_237 = tpu.memref_squeeze %dma_start3A_236 : memref<1x512x32xf32, #tpu.memory_space<vmem>> -> memref<512x32xf32, #tpu.memory_space<vmem>>
        %dma_start3A_238 = arith.constant 0 : i32
        %dma_start3A_239 = tpu.memref_slice %arg4[%shift_right_arithmetic3A_163, %and3A_168, %shift_right_arithmetic3A_166, %dma_start3A_238] : memref<10x4096x4x32xf32, #tpu.memory_space<hbm>> -> memref<1x512x1x32xf32, #tpu.memory_space<hbm>>
        %dma_start3A_240 = tpu.memref_squeeze %dma_start3A_239 : memref<1x512x1x32xf32, #tpu.memory_space<hbm>> -> memref<512x32xf32, #tpu.memory_space<hbm>>
        %dma_start3A_241 = arith.constant 0 : i32
        %dma_start3A_242 = tpu.memref_slice %arg4[%shift_right_arithmetic3A_163, %and3A_168, %shift_right_arithmetic3A_166, %dma_start3A_241] : memref<10x4096x4x32xf32, #tpu.memory_space<hbm>> -> memref<1x512x1x32xf32, #tpu.memory_space<hbm>>
        %dma_start3A_243 = tpu.memref_squeeze %dma_start3A_242 : memref<1x512x1x32xf32, #tpu.memory_space<hbm>> -> memref<512x32xf32, #tpu.memory_space<hbm>>
        %dma_start3A_244 = arith.constant 0 : i32
        %dma_start3A_245 = arith.constant 0 : i32
        %dma_start3A_246 = tpu.memref_slice %arg6[%run_scoped3A_169, %dma_start3A_244, %dma_start3A_245] : memref<2x512x32xf32, #tpu.memory_space<vmem>> -> memref<1x512x32xf32, #tpu.memory_space<vmem>>
        %dma_start3A_247 = tpu.memref_squeeze %dma_start3A_246 : memref<1x512x32xf32, #tpu.memory_space<vmem>> -> memref<512x32xf32, #tpu.memory_space<vmem>>
        tpu.enqueue_dma source(%dma_start3A_247 : memref<512x32xf32, #tpu.memory_space<vmem>>) target(%dma_start3A_243 : memref<512x32xf32, #tpu.memory_space<hbm>>) target_semaphore(%run_scoped3A_233 : memref<!tpu.dma_semaphore, #tpu.memory_space<semaphore_mem>>)
        %dma_wait3A_248 = arith.constant 0 : i32
        %dma_wait3A_249 = arith.constant 0 : i32
        %dma_wait3A_250 = tpu.memref_slice %arg6[%run_scoped3A_169, %dma_wait3A_248, %dma_wait3A_249] : memref<2x512x32xf32, #tpu.memory_space<vmem>> -> memref<1x512x32xf32, #tpu.memory_space<vmem>>
        %dma_wait3A_251 = tpu.memref_squeeze %dma_wait3A_250 : memref<1x512x32xf32, #tpu.memory_space<vmem>> -> memref<512x32xf32, #tpu.memory_space<vmem>>
        %dma_wait3A_252 = arith.constant 0 : i32
        %dma_wait3A_253 = tpu.memref_slice %arg4[%shift_right_arithmetic3A_163, %and3A_168, %shift_right_arithmetic3A_166, %dma_wait3A_252] : memref<10x4096x4x32xf32, #tpu.memory_space<hbm>> -> memref<1x512x1x32xf32, #tpu.memory_space<hbm>>
        %dma_wait3A_254 = tpu.memref_squeeze %dma_wait3A_253 : memref<1x512x1x32xf32, #tpu.memory_space<hbm>> -> memref<512x32xf32, #tpu.memory_space<hbm>>
        %dma_wait3A_255 = arith.constant 0 : i32
        %dma_wait3A_256 = tpu.memref_slice %arg4[%shift_right_arithmetic3A_163, %and3A_168, %shift_right_arithmetic3A_166, %dma_wait3A_255] : memref<10x4096x4x32xf32, #tpu.memory_space<hbm>> -> memref<1x512x1x32xf32, #tpu.memory_space<hbm>>
        %dma_wait3A_257 = tpu.memref_squeeze %dma_wait3A_256 : memref<1x512x1x32xf32, #tpu.memory_space<hbm>> -> memref<512x32xf32, #tpu.memory_space<hbm>>
        %dma_wait3A_258 = arith.constant 0 : i32
        %dma_wait3A_259 = arith.constant 0 : i32
        %dma_wait3A_260 = tpu.memref_slice %arg6[%run_scoped3A_169, %dma_wait3A_258, %dma_wait3A_259] : memref<2x512x32xf32, #tpu.memory_space<vmem>> -> memref<1x512x32xf32, #tpu.memory_space<vmem>>
        %dma_wait3A_261 = tpu.memref_squeeze %dma_wait3A_260 : memref<1x512x32xf32, #tpu.memory_space<vmem>> -> memref<512x32xf32, #tpu.memory_space<vmem>>
        tpu.wait_dma2 semaphore(%run_scoped3A_233 : memref<!tpu.dma_semaphore, #tpu.memory_space<semaphore_mem>>) src(%dma_wait3A_261 : memref<512x32xf32, #tpu.memory_space<vmem>>) dst(%dma_wait3A_257 : memref<512x32xf32, #tpu.memory_space<hbm>>)
        tpu.yield
      }) : () -> ()
      %lt3A = arith.constant 4 : i32
      %lt3A_170 = arith.cmpi slt, %scan3A_57, %lt3A : i32
      %convert_element_type3A = arith.extui %lt3A_170 : i1 to i32
      %cond3A = arith.constant 0 : i32
      %cond3A_171 = arith.cmpi ne, %convert_element_type3A, %cond3A : i32
      scf.if %cond3A_171 {
        %add3A_233 = arith.constant 1 : i32
        %add3A_234 = arith.addi %add3A_62, %add3A_233 : i32
        %run_scoped3A_235 = arith.constant 0 : i32
        "tpu.region"() ({
          %run_scoped3A_284 = tpu.sem_alloc : memref<!tpu.dma_semaphore, #tpu.memory_space<semaphore_mem>>
          %dma_start3A_285 = arith.constant 0 : i32
          %dma_start3A_286 = tpu.memref_slice %arg5[%run_scoped3A_235, %dma_start3A_285] : memref<2x512xi32, #tpu.memory_space<vmem>> -> memref<1x512xi32, #tpu.memory_space<vmem>>
          %dma_start3A_287 = tpu.memref_squeeze %dma_start3A_286 : memref<1x512xi32, #tpu.memory_space<vmem>> -> memref<512xi32, #tpu.memory_space<vmem>>
          %dma_start3A_288 = arith.constant 0 : i32
          %dma_start3A_289 = tpu.memref_slice %arg3[%add3A, %add3A_234, %dma_start3A_288] : memref<32x10x512xi32, #tpu.memory_space<hbm>> -> memref<1x1x512xi32, #tpu.memory_space<hbm>>
          %dma_start3A_290 = tpu.memref_squeeze %dma_start3A_289 : memref<1x1x512xi32, #tpu.memory_space<hbm>> -> memref<512xi32, #tpu.memory_space<hbm>>
          %dma_start3A_291 = arith.constant 0 : i32
          %dma_start3A_292 = tpu.memref_slice %arg5[%run_scoped3A_235, %dma_start3A_291] : memref<2x512xi32, #tpu.memory_space<vmem>> -> memref<1x512xi32, #tpu.memory_space<vmem>>
          %dma_start3A_293 = tpu.memref_squeeze %dma_start3A_292 : memref<1x512xi32, #tpu.memory_space<vmem>> -> memref<512xi32, #tpu.memory_space<vmem>>
          %dma_start3A_294 = arith.constant 0 : i32
          %dma_start3A_295 = tpu.memref_slice %arg3[%add3A, %add3A_234, %dma_start3A_294] : memref<32x10x512xi32, #tpu.memory_space<hbm>> -> memref<1x1x512xi32, #tpu.memory_space<hbm>>
          %dma_start3A_296 = tpu.memref_squeeze %dma_start3A_295 : memref<1x1x512xi32, #tpu.memory_space<hbm>> -> memref<512xi32, #tpu.memory_space<hbm>>
          tpu.enqueue_dma source(%dma_start3A_296 : memref<512xi32, #tpu.memory_space<hbm>>) target(%dma_start3A_293 : memref<512xi32, #tpu.memory_space<vmem>>) target_semaphore(%run_scoped3A_284 : memref<!tpu.dma_semaphore, #tpu.memory_space<semaphore_mem>>)
          %dma_wait3A_297 = arith.constant 0 : i32
          %dma_wait3A_298 = tpu.memref_slice %arg5[%run_scoped3A_235, %dma_wait3A_297] : memref<2x512xi32, #tpu.memory_space<vmem>> -> memref<1x512xi32, #tpu.memory_space<vmem>>
          %dma_wait3A_299 = tpu.memref_squeeze %dma_wait3A_298 : memref<1x512xi32, #tpu.memory_space<vmem>> -> memref<512xi32, #tpu.memory_space<vmem>>
          %dma_wait3A_300 = arith.constant 0 : i32
          %dma_wait3A_301 = tpu.memref_slice %arg3[%add3A, %add3A_234, %dma_wait3A_300] : memref<32x10x512xi32, #tpu.memory_space<hbm>> -> memref<1x1x512xi32, #tpu.memory_space<hbm>>
          %dma_wait3A_302 = tpu.memref_squeeze %dma_wait3A_301 : memref<1x1x512xi32, #tpu.memory_space<hbm>> -> memref<512xi32, #tpu.memory_space<hbm>>
          %dma_wait3A_303 = arith.constant 0 : i32
          %dma_wait3A_304 = tpu.memref_slice %arg5[%run_scoped3A_235, %dma_wait3A_303] : memref<2x512xi32, #tpu.memory_space<vmem>> -> memref<1x512xi32, #tpu.memory_space<vmem>>
          %dma_wait3A_305 = tpu.memref_squeeze %dma_wait3A_304 : memref<1x512xi32, #tpu.memory_space<vmem>> -> memref<512xi32, #tpu.memory_space<vmem>>
          %dma_wait3A_306 = arith.constant 0 : i32
          %dma_wait3A_307 = tpu.memref_slice %arg3[%add3A, %add3A_234, %dma_wait3A_306] : memref<32x10x512xi32, #tpu.memory_space<hbm>> -> memref<1x1x512xi32, #tpu.memory_space<hbm>>
          %dma_wait3A_308 = tpu.memref_squeeze %dma_wait3A_307 : memref<1x1x512xi32, #tpu.memory_space<hbm>> -> memref<512xi32, #tpu.memory_space<hbm>>
          tpu.wait_dma2 semaphore(%run_scoped3A_284 : memref<!tpu.dma_semaphore, #tpu.memory_space<semaphore_mem>>) src(%dma_wait3A_308 : memref<512xi32, #tpu.memory_space<hbm>>) dst(%dma_wait3A_305 : memref<512xi32, #tpu.memory_space<vmem>>)
          tpu.yield
        }) : () -> ()
        %dma_start3A_236 = arith.constant 0 : i32
        %dma_start3A_237 = arith.constant 0 : i32
        %dma_start3A_238 = arith.constant 0 : i32
        %dma_start3A_239 = arith.constant 0 : i32
        %dma_start3A_240 = tpu.memref_slice %arg6[%dma_start3A_237, %dma_start3A_238, %dma_start3A_239] : memref<2x512x32xf32, #tpu.memory_space<vmem>> -> memref<1x128x32xf32, #tpu.memory_space<vmem>>
        %dma_start3A_241 = tpu.memref_squeeze %dma_start3A_240 : memref<1x128x32xf32, #tpu.memory_space<vmem>> -> memref<128x32xf32, #tpu.memory_space<vmem>>
        %dma_start3A_242 = arith.constant 0 : i32
        %dma_start3A_243 = tpu.memref_slice %arg5[%dma_start3A_236, %dma_start3A_242] : memref<2x512xi32, #tpu.memory_space<vmem>> -> memref<1x128xi32, #tpu.memory_space<vmem>>
        %dma_start3A_244 = tpu.memref_squeeze %dma_start3A_243 : memref<1x128xi32, #tpu.memory_space<vmem>> -> memref<128xi32, #tpu.memory_space<vmem>>
        %dma_start3A_245 = arith.constant 0 : i32
        %dma_start3A_246 = arith.constant 0 : i32
        %dma_start3A_247 = tpu.memref_slice %arg2[%dma_start3A_245, %dma_start3A_246] : memref<1015808x32xf32, #tpu.memory_space<hbm>> -> memref<1015808x32xf32, #tpu.memory_space<hbm>>
        tpu.enqueue_indirect_dma source(%dma_start3A_247 : memref<1015808x32xf32, #tpu.memory_space<hbm>>) target(%dma_start3A_241 : memref<128x32xf32, #tpu.memory_space<vmem>>) offsets(%dma_start3A_244 : memref<128xi32, #tpu.memory_space<vmem>>) semaphore(%arg7 : memref<!tpu.dma_semaphore, #tpu.memory_space<semaphore_mem>>)
        %dma_start3A_248 = arith.constant 0 : i32
        %dma_start3A_249 = arith.constant 0 : i32
        %dma_start3A_250 = arith.constant 128 : i32
        %dma_start3A_251 = arith.constant 0 : i32
        %dma_start3A_252 = tpu.memref_slice %arg6[%dma_start3A_249, %dma_start3A_250, %dma_start3A_251] : memref<2x512x32xf32, #tpu.memory_space<vmem>> -> memref<1x128x32xf32, #tpu.memory_space<vmem>>
        %dma_start3A_253 = tpu.memref_squeeze %dma_start3A_252 : memref<1x128x32xf32, #tpu.memory_space<vmem>> -> memref<128x32xf32, #tpu.memory_space<vmem>>
        %dma_start3A_254 = arith.constant 128 : i32
        %dma_start3A_255 = tpu.memref_slice %arg5[%dma_start3A_248, %dma_start3A_254] : memref<2x512xi32, #tpu.memory_space<vmem>> -> memref<1x128xi32, #tpu.memory_space<vmem>>
        %dma_start3A_256 = tpu.memref_squeeze %dma_start3A_255 : memref<1x128xi32, #tpu.memory_space<vmem>> -> memref<128xi32, #tpu.memory_space<vmem>>
        %dma_start3A_257 = arith.constant 0 : i32
        %dma_start3A_258 = arith.constant 0 : i32
        %dma_start3A_259 = tpu.memref_slice %arg2[%dma_start3A_257, %dma_start3A_258] : memref<1015808x32xf32, #tpu.memory_space<hbm>> -> memref<1015808x32xf32, #tpu.memory_space<hbm>>
        tpu.enqueue_indirect_dma source(%dma_start3A_259 : memref<1015808x32xf32, #tpu.memory_space<hbm>>) target(%dma_start3A_253 : memref<128x32xf32, #tpu.memory_space<vmem>>) offsets(%dma_start3A_256 : memref<128xi32, #tpu.memory_space<vmem>>) semaphore(%arg7 : memref<!tpu.dma_semaphore, #tpu.memory_space<semaphore_mem>>)
        %dma_start3A_260 = arith.constant 0 : i32
        %dma_start3A_261 = arith.constant 0 : i32
        %dma_start3A_262 = arith.constant 256 : i32
        %dma_start3A_263 = arith.constant 0 : i32
        %dma_start3A_264 = tpu.memref_slice %arg6[%dma_start3A_261, %dma_start3A_262, %dma_start3A_263] : memref<2x512x32xf32, #tpu.memory_space<vmem>> -> memref<1x128x32xf32, #tpu.memory_space<vmem>>
        %dma_start3A_265 = tpu.memref_squeeze %dma_start3A_264 : memref<1x128x32xf32, #tpu.memory_space<vmem>> -> memref<128x32xf32, #tpu.memory_space<vmem>>
        %dma_start3A_266 = arith.constant 256 : i32
        %dma_start3A_267 = tpu.memref_slice %arg5[%dma_start3A_260, %dma_start3A_266] : memref<2x512xi32, #tpu.memory_space<vmem>> -> memref<1x128xi32, #tpu.memory_space<vmem>>
        %dma_start3A_268 = tpu.memref_squeeze %dma_start3A_267 : memref<1x128xi32, #tpu.memory_space<vmem>> -> memref<128xi32, #tpu.memory_space<vmem>>
        %dma_start3A_269 = arith.constant 0 : i32
        %dma_start3A_270 = arith.constant 0 : i32
        %dma_start3A_271 = tpu.memref_slice %arg2[%dma_start3A_269, %dma_start3A_270] : memref<1015808x32xf32, #tpu.memory_space<hbm>> -> memref<1015808x32xf32, #tpu.memory_space<hbm>>
        tpu.enqueue_indirect_dma source(%dma_start3A_271 : memref<1015808x32xf32, #tpu.memory_space<hbm>>) target(%dma_start3A_265 : memref<128x32xf32, #tpu.memory_space<vmem>>) offsets(%dma_start3A_268 : memref<128xi32, #tpu.memory_space<vmem>>) semaphore(%arg7 : memref<!tpu.dma_semaphore, #tpu.memory_space<semaphore_mem>>)
        %dma_start3A_272 = arith.constant 0 : i32
        %dma_start3A_273 = arith.constant 0 : i32
        %dma_start3A_274 = arith.constant 384 : i32
        %dma_start3A_275 = arith.constant 0 : i32
        %dma_start3A_276 = tpu.memref_slice %arg6[%dma_start3A_273, %dma_start3A_274, %dma_start3A_275] : memref<2x512x32xf32, #tpu.memory_space<vmem>> -> memref<1x128x32xf32, #tpu.memory_space<vmem>>
        %dma_start3A_277 = tpu.memref_squeeze %dma_start3A_276 : memref<1x128x32xf32, #tpu.memory_space<vmem>> -> memref<128x32xf32, #tpu.memory_space<vmem>>
        %dma_start3A_278 = arith.constant 384 : i32
        %dma_start3A_279 = tpu.memref_slice %arg5[%dma_start3A_272, %dma_start3A_278] : memref<2x512xi32, #tpu.memory_space<vmem>> -> memref<1x128xi32, #tpu.memory_space<vmem>>
        %dma_start3A_280 = tpu.memref_squeeze %dma_start3A_279 : memref<1x128xi32, #tpu.memory_space<vmem>> -> memref<128xi32, #tpu.memory_space<vmem>>
        %dma_start3A_281 = arith.constant 0 : i32
        %dma_start3A_282 = arith.constant 0 : i32
        %dma_start3A_283 = tpu.memref_slice %arg2[%dma_start3A_281, %dma_start3A_282] : memref<1015808x32xf32, #tpu.memory_space<hbm>> -> memref<1015808x32xf32, #tpu.memory_space<hbm>>
        tpu.enqueue_indirect_dma source(%dma_start3A_283 : memref<1015808x32xf32, #tpu.memory_space<hbm>>) target(%dma_start3A_277 : memref<128x32xf32, #tpu.memory_space<vmem>>) offsets(%dma_start3A_280 : memref<128xi32, #tpu.memory_space<vmem>>) semaphore(%arg7 : memref<!tpu.dma_semaphore, #tpu.memory_space<semaphore_mem>>)
      } else {
      }
      %dma_wait3A_172 = arith.constant 1 : i32
      %dma_wait3A_173 = arith.constant 1 : i32
      %dma_wait3A_174 = arith.constant 0 : i32
      %dma_wait3A_175 = arith.constant 0 : i32
      %dma_wait3A_176 = tpu.memref_slice %arg6[%dma_wait3A_173, %dma_wait3A_174, %dma_wait3A_175] : memref<2x512x32xf32, #tpu.memory_space<vmem>> -> memref<1x128x32xf32, #tpu.memory_space<vmem>>
      %dma_wait3A_177 = tpu.memref_squeeze %dma_wait3A_176 : memref<1x128x32xf32, #tpu.memory_space<vmem>> -> memref<128x32xf32, #tpu.memory_space<vmem>>
      %dma_wait3A_178 = arith.constant 0 : i32
      %dma_wait3A_179 = tpu.memref_slice %arg5[%dma_wait3A_172, %dma_wait3A_178] : memref<2x512xi32, #tpu.memory_space<vmem>> -> memref<1x128xi32, #tpu.memory_space<vmem>>
      %dma_wait3A_180 = tpu.memref_squeeze %dma_wait3A_179 : memref<1x128xi32, #tpu.memory_space<vmem>> -> memref<128xi32, #tpu.memory_space<vmem>>
      %dma_wait3A_181 = arith.constant 0 : i32
      %dma_wait3A_182 = arith.constant 0 : i32
      %dma_wait3A_183 = tpu.memref_slice %arg2[%dma_wait3A_181, %dma_wait3A_182] : memref<1015808x32xf32, #tpu.memory_space<hbm>> -> memref<1015808x32xf32, #tpu.memory_space<hbm>>
      tpu.wait_indirect_dma semaphore(%arg8 : memref<!tpu.dma_semaphore, #tpu.memory_space<semaphore_mem>>) src(%dma_wait3A_183 : memref<1015808x32xf32, #tpu.memory_space<hbm>>) dst(%dma_wait3A_177 : memref<128x32xf32, #tpu.memory_space<vmem>>)
      %dma_wait3A_184 = arith.constant 1 : i32
      %dma_wait3A_185 = arith.constant 1 : i32
      %dma_wait3A_186 = arith.constant 128 : i32
      %dma_wait3A_187 = arith.constant 0 : i32
      %dma_wait3A_188 = tpu.memref_slice %arg6[%dma_wait3A_185, %dma_wait3A_186, %dma_wait3A_187] : memref<2x512x32xf32, #tpu.memory_space<vmem>> -> memref<1x128x32xf32, #tpu.memory_space<vmem>>
      %dma_wait3A_189 = tpu.memref_squeeze %dma_wait3A_188 : memref<1x128x32xf32, #tpu.memory_space<vmem>> -> memref<128x32xf32, #tpu.memory_space<vmem>>
      %dma_wait3A_190 = arith.constant 128 : i32
      %dma_wait3A_191 = tpu.memref_slice %arg5[%dma_wait3A_184, %dma_wait3A_190] : memref<2x512xi32, #tpu.memory_space<vmem>> -> memref<1x128xi32, #tpu.memory_space<vmem>>
      %dma_wait3A_192 = tpu.memref_squeeze %dma_wait3A_191 : memref<1x128xi32, #tpu.memory_space<vmem>> -> memref<128xi32, #tpu.memory_space<vmem>>
      %dma_wait3A_193 = arith.constant 0 : i32
      %dma_wait3A_194 = arith.constant 0 : i32
      %dma_wait3A_195 = tpu.memref_slice %arg2[%dma_wait3A_193, %dma_wait3A_194] : memref<1015808x32xf32, #tpu.memory_space<hbm>> -> memref<1015808x32xf32, #tpu.memory_space<hbm>>
      tpu.wait_indirect_dma semaphore(%arg8 : memref<!tpu.dma_semaphore, #tpu.memory_space<semaphore_mem>>) src(%dma_wait3A_195 : memref<1015808x32xf32, #tpu.memory_space<hbm>>) dst(%dma_wait3A_189 : memref<128x32xf32, #tpu.memory_space<vmem>>)
      %dma_wait3A_196 = arith.constant 1 : i32
      %dma_wait3A_197 = arith.constant 1 : i32
      %dma_wait3A_198 = arith.constant 256 : i32
      %dma_wait3A_199 = arith.constant 0 : i32
      %dma_wait3A_200 = tpu.memref_slice %arg6[%dma_wait3A_197, %dma_wait3A_198, %dma_wait3A_199] : memref<2x512x32xf32, #tpu.memory_space<vmem>> -> memref<1x128x32xf32, #tpu.memory_space<vmem>>
      %dma_wait3A_201 = tpu.memref_squeeze %dma_wait3A_200 : memref<1x128x32xf32, #tpu.memory_space<vmem>> -> memref<128x32xf32, #tpu.memory_space<vmem>>
      %dma_wait3A_202 = arith.constant 256 : i32
      %dma_wait3A_203 = tpu.memref_slice %arg5[%dma_wait3A_196, %dma_wait3A_202] : memref<2x512xi32, #tpu.memory_space<vmem>> -> memref<1x128xi32, #tpu.memory_space<vmem>>
      %dma_wait3A_204 = tpu.memref_squeeze %dma_wait3A_203 : memref<1x128xi32, #tpu.memory_space<vmem>> -> memref<128xi32, #tpu.memory_space<vmem>>
      %dma_wait3A_205 = arith.constant 0 : i32
      %dma_wait3A_206 = arith.constant 0 : i32
      %dma_wait3A_207 = tpu.memref_slice %arg2[%dma_wait3A_205, %dma_wait3A_206] : memref<1015808x32xf32, #tpu.memory_space<hbm>> -> memref<1015808x32xf32, #tpu.memory_space<hbm>>
      tpu.wait_indirect_dma semaphore(%arg8 : memref<!tpu.dma_semaphore, #tpu.memory_space<semaphore_mem>>) src(%dma_wait3A_207 : memref<1015808x32xf32, #tpu.memory_space<hbm>>) dst(%dma_wait3A_201 : memref<128x32xf32, #tpu.memory_space<vmem>>)
      %dma_wait3A_208 = arith.constant 1 : i32
      %dma_wait3A_209 = arith.constant 1 : i32
      %dma_wait3A_210 = arith.constant 384 : i32
      %dma_wait3A_211 = arith.constant 0 : i32
      %dma_wait3A_212 = tpu.memref_slice %arg6[%dma_wait3A_209, %dma_wait3A_210, %dma_wait3A_211] : memref<2x512x32xf32, #tpu.memory_space<vmem>> -> memref<1x128x32xf32, #tpu.memory_space<vmem>>
      %dma_wait3A_213 = tpu.memref_squeeze %dma_wait3A_212 : memref<1x128x32xf32, #tpu.memory_space<vmem>> -> memref<128x32xf32, #tpu.memory_space<vmem>>
      %dma_wait3A_214 = arith.constant 384 : i32
      %dma_wait3A_215 = tpu.memref_slice %arg5[%dma_wait3A_208, %dma_wait3A_214] : memref<2x512xi32, #tpu.memory_space<vmem>> -> memref<1x128xi32, #tpu.memory_space<vmem>>
      %dma_wait3A_216 = tpu.memref_squeeze %dma_wait3A_215 : memref<1x128xi32, #tpu.memory_space<vmem>> -> memref<128xi32, #tpu.memory_space<vmem>>
      %dma_wait3A_217 = arith.constant 0 : i32
      %dma_wait3A_218 = arith.constant 0 : i32
      %dma_wait3A_219 = tpu.memref_slice %arg2[%dma_wait3A_217, %dma_wait3A_218] : memref<1015808x32xf32, #tpu.memory_space<hbm>> -> memref<1015808x32xf32, #tpu.memory_space<hbm>>
      tpu.wait_indirect_dma semaphore(%arg8 : memref<!tpu.dma_semaphore, #tpu.memory_space<semaphore_mem>>) src(%dma_wait3A_219 : memref<1015808x32xf32, #tpu.memory_space<hbm>>) dst(%dma_wait3A_213 : memref<128x32xf32, #tpu.memory_space<vmem>>)
      %mul3A_220 = arith.constant 512 : i32
      %mul3A_221 = arith.muli %add3A_62, %mul3A_220 : i32
      %add3A_222 = arith.addi %mul3A_2, %mul3A_221 : i32
      %shift_right_arithmetic3A_223 = arith.constant 14 : i32
      %shift_right_arithmetic3A_224 = arith.shrsi %add3A_222, %shift_right_arithmetic3A_223 : i32
      %and3A_225 = arith.constant 16383 : i32
      %and3A_226 = arith.andi %add3A_222, %and3A_225 : i32
      %shift_right_arithmetic3A_227 = arith.constant 12 : i32
      %shift_right_arithmetic3A_228 = arith.shrsi %and3A_226, %shift_right_arithmetic3A_227 : i32
      %and3A_229 = arith.constant 4095 : i32
      %and3A_230 = arith.andi %and3A_226, %and3A_229 : i32
      %run_scoped3A_231 = arith.constant 1 : i32
      "tpu.region"() ({
        %run_scoped3A_233 = tpu.sem_alloc : memref<!tpu.dma_semaphore, #tpu.memory_space<semaphore_mem>>
        %dma_start3A_234 = arith.constant 0 : i32
        %dma_start3A_235 = arith.constant 0 : i32
        %dma_start3A_236 = tpu.memref_slice %arg6[%run_scoped3A_231, %dma_start3A_234, %dma_start3A_235] : memref<2x512x32xf32, #tpu.memory_space<vmem>> -> memref<1x512x32xf32, #tpu.memory_space<vmem>>
        %dma_start3A_237 = tpu.memref_squeeze %dma_start3A_236 : memref<1x512x32xf32, #tpu.memory_space<vmem>> -> memref<512x32xf32, #tpu.memory_space<vmem>>
        %dma_start3A_238 = arith.constant 0 : i32
        %dma_start3A_239 = tpu.memref_slice %arg4[%shift_right_arithmetic3A_224, %and3A_230, %shift_right_arithmetic3A_228, %dma_start3A_238] : memref<10x4096x4x32xf32, #tpu.memory_space<hbm>> -> memref<1x512x1x32xf32, #tpu.memory_space<hbm>>
        %dma_start3A_240 = tpu.memref_squeeze %dma_start3A_239 : memref<1x512x1x32xf32, #tpu.memory_space<hbm>> -> memref<512x32xf32, #tpu.memory_space<hbm>>
        %dma_start3A_241 = arith.constant 0 : i32
        %dma_start3A_242 = tpu.memref_slice %arg4[%shift_right_arithmetic3A_224, %and3A_230, %shift_right_arithmetic3A_228, %dma_start3A_241] : memref<10x4096x4x32xf32, #tpu.memory_space<hbm>> -> memref<1x512x1x32xf32, #tpu.memory_space<hbm>>
        %dma_start3A_243 = tpu.memref_squeeze %dma_start3A_242 : memref<1x512x1x32xf32, #tpu.memory_space<hbm>> -> memref<512x32xf32, #tpu.memory_space<hbm>>
        %dma_start3A_244 = arith.constant 0 : i32
        %dma_start3A_245 = arith.constant 0 : i32
        %dma_start3A_246 = tpu.memref_slice %arg6[%run_scoped3A_231, %dma_start3A_244, %dma_start3A_245] : memref<2x512x32xf32, #tpu.memory_space<vmem>> -> memref<1x512x32xf32, #tpu.memory_space<vmem>>
        %dma_start3A_247 = tpu.memref_squeeze %dma_start3A_246 : memref<1x512x32xf32, #tpu.memory_space<vmem>> -> memref<512x32xf32, #tpu.memory_space<vmem>>
        tpu.enqueue_dma source(%dma_start3A_247 : memref<512x32xf32, #tpu.memory_space<vmem>>) target(%dma_start3A_243 : memref<512x32xf32, #tpu.memory_space<hbm>>) target_semaphore(%run_scoped3A_233 : memref<!tpu.dma_semaphore, #tpu.memory_space<semaphore_mem>>)
        %dma_wait3A_248 = arith.constant 0 : i32
        %dma_wait3A_249 = arith.constant 0 : i32
        %dma_wait3A_250 = tpu.memref_slice %arg6[%run_scoped3A_231, %dma_wait3A_248, %dma_wait3A_249] : memref<2x512x32xf32, #tpu.memory_space<vmem>> -> memref<1x512x32xf32, #tpu.memory_space<vmem>>
        %dma_wait3A_251 = tpu.memref_squeeze %dma_wait3A_250 : memref<1x512x32xf32, #tpu.memory_space<vmem>> -> memref<512x32xf32, #tpu.memory_space<vmem>>
        %dma_wait3A_252 = arith.constant 0 : i32
        %dma_wait3A_253 = tpu.memref_slice %arg4[%shift_right_arithmetic3A_224, %and3A_230, %shift_right_arithmetic3A_228, %dma_wait3A_252] : memref<10x4096x4x32xf32, #tpu.memory_space<hbm>> -> memref<1x512x1x32xf32, #tpu.memory_space<hbm>>
        %dma_wait3A_254 = tpu.memref_squeeze %dma_wait3A_253 : memref<1x512x1x32xf32, #tpu.memory_space<hbm>> -> memref<512x32xf32, #tpu.memory_space<hbm>>
        %dma_wait3A_255 = arith.constant 0 : i32
        %dma_wait3A_256 = tpu.memref_slice %arg4[%shift_right_arithmetic3A_224, %and3A_230, %shift_right_arithmetic3A_228, %dma_wait3A_255] : memref<10x4096x4x32xf32, #tpu.memory_space<hbm>> -> memref<1x512x1x32xf32, #tpu.memory_space<hbm>>
        %dma_wait3A_257 = tpu.memref_squeeze %dma_wait3A_256 : memref<1x512x1x32xf32, #tpu.memory_space<hbm>> -> memref<512x32xf32, #tpu.memory_space<hbm>>
        %dma_wait3A_258 = arith.constant 0 : i32
        %dma_wait3A_259 = arith.constant 0 : i32
        %dma_wait3A_260 = tpu.memref_slice %arg6[%run_scoped3A_231, %dma_wait3A_258, %dma_wait3A_259] : memref<2x512x32xf32, #tpu.memory_space<vmem>> -> memref<1x512x32xf32, #tpu.memory_space<vmem>>
        %dma_wait3A_261 = tpu.memref_squeeze %dma_wait3A_260 : memref<1x512x32xf32, #tpu.memory_space<vmem>> -> memref<512x32xf32, #tpu.memory_space<vmem>>
        tpu.wait_dma2 semaphore(%run_scoped3A_233 : memref<!tpu.dma_semaphore, #tpu.memory_space<semaphore_mem>>) src(%dma_wait3A_261 : memref<512x32xf32, #tpu.memory_space<vmem>>) dst(%dma_wait3A_257 : memref<512x32xf32, #tpu.memory_space<hbm>>)
        tpu.yield
      }) : () -> ()
      %scan3A_232 = arith.constant 0 : i32
      scf.yield %scan3A_232 : i32
    }
    %scan3A_56 = arith.constant 5 : i32
    return
  }
}

#map = affine_map<(d0, d1) -> (0, 0)>
#map1 = affine_map<(d0, d1) -> (0, 0, 0)>
#map2 = affine_map<(d0, d1) -> (0, 0, 0, 0)>
module attributes {stable_mosaic.version = 14 : i64} {
  func.func @_sc_body(%arg0: i32, %arg1: i32, %arg2: memref<1015808x32xf32, #tpu.memory_space<hbm>>, %arg3: memref<32x10x512xi32, #tpu.memory_space<hbm>>, %arg4: memref<10x4096x4x32xf32, #tpu.memory_space<hbm>>, %arg5: memref<2x512xi32, #tpu.memory_space<vmem>>, %arg6: memref<2x512x32xf32, #tpu.memory_space<vmem>>, %arg7: memref<!tpu.dma_semaphore, #tpu.memory_space<semaphore_mem>>, %arg8: memref<!tpu.dma_semaphore, #tpu.memory_space<semaphore_mem>>) attributes {dimension_semantics = [#tpu.dimension_semantics<core_parallel>, #tpu.dimension_semantics<subcore_parallel>], iteration_bounds = array<i64: 2, 16>, scalar_prefetch = 0 : i64, scratch_operands = 4 : i64, tpu.core_type = #tpu.core_type<sc_vector_subcore>, window_params = [{transform_indices = #map}, {transform_indices = #map1}, {transform_indices = #map2}]} {
    %mul3A = arith.constant 2 : i32
    %mul3A_0 = arith.muli %arg1, %mul3A : i32
    %add3A = arith.addi %mul3A_0, %arg0 : i32
    %mul3A_1 = arith.constant 5120 : i32
    %mul3A_2 = arith.muli %add3A, %mul3A_1 : i32
    %run_scoped3A = arith.constant 0 : i32
    %run_scoped3A_3 = arith.constant 0 : i32
    "tpu.region"() ({
      %run_scoped3A_57 = tpu.sem_alloc : memref<!tpu.dma_semaphore, #tpu.memory_space<semaphore_mem>>
      %dma_start3A_58 = arith.constant 0 : i32
      %dma_start3A_59 = tpu.memref_slice %arg5[%run_scoped3A_3, %dma_start3A_58] : memref<2x512xi32, #tpu.memory_space<vmem>> -> memref<1x512xi32, #tpu.memory_space<vmem>>
      %dma_start3A_60 = tpu.memref_squeeze %dma_start3A_59 : memref<1x512xi32, #tpu.memory_space<vmem>> -> memref<512xi32, #tpu.memory_space<vmem>>
      %dma_start3A_61 = arith.constant 0 : i32
      %dma_start3A_62 = tpu.memref_slice %arg3[%add3A, %run_scoped3A, %dma_start3A_61] : memref<32x10x512xi32, #tpu.memory_space<hbm>> -> memref<1x1x512xi32, #tpu.memory_space<hbm>>
      %dma_start3A_63 = tpu.memref_squeeze %dma_start3A_62 : memref<1x1x512xi32, #tpu.memory_space<hbm>> -> memref<512xi32, #tpu.memory_space<hbm>>
      %dma_start3A_64 = arith.constant 0 : i32
      %dma_start3A_65 = tpu.memref_slice %arg5[%run_scoped3A_3, %dma_start3A_64] : memref<2x512xi32, #tpu.memory_space<vmem>> -> memref<1x512xi32, #tpu.memory_space<vmem>>
      %dma_start3A_66 = tpu.memref_squeeze %dma_start3A_65 : memref<1x512xi32, #tpu.memory_space<vmem>> -> memref<512xi32, #tpu.memory_space<vmem>>
      %dma_start3A_67 = arith.constant 0 : i32
      %dma_start3A_68 = tpu.memref_slice %arg3[%add3A, %run_scoped3A, %dma_start3A_67] : memref<32x10x512xi32, #tpu.memory_space<hbm>> -> memref<1x1x512xi32, #tpu.memory_space<hbm>>
      %dma_start3A_69 = tpu.memref_squeeze %dma_start3A_68 : memref<1x1x512xi32, #tpu.memory_space<hbm>> -> memref<512xi32, #tpu.memory_space<hbm>>
      tpu.enqueue_dma source(%dma_start3A_69 : memref<512xi32, #tpu.memory_space<hbm>>) target(%dma_start3A_66 : memref<512xi32, #tpu.memory_space<vmem>>) target_semaphore(%run_scoped3A_57 : memref<!tpu.dma_semaphore, #tpu.memory_space<semaphore_mem>>)
      %dma_wait3A = arith.constant 0 : i32
      %dma_wait3A_70 = tpu.memref_slice %arg5[%run_scoped3A_3, %dma_wait3A] : memref<2x512xi32, #tpu.memory_space<vmem>> -> memref<1x512xi32, #tpu.memory_space<vmem>>
      %dma_wait3A_71 = tpu.memref_squeeze %dma_wait3A_70 : memref<1x512xi32, #tpu.memory_space<vmem>> -> memref<512xi32, #tpu.memory_space<vmem>>
      %dma_wait3A_72 = arith.constant 0 : i32
      %dma_wait3A_73 = tpu.memref_slice %arg3[%add3A, %run_scoped3A, %dma_wait3A_72] : memref<32x10x512xi32, #tpu.memory_space<hbm>> -> memref<1x1x512xi32, #tpu.memory_space<hbm>>
      %dma_wait3A_74 = tpu.memref_squeeze %dma_wait3A_73 : memref<1x1x512xi32, #tpu.memory_space<hbm>> -> memref<512xi32, #tpu.memory_space<hbm>>
      %dma_wait3A_75 = arith.constant 0 : i32
      %dma_wait3A_76 = tpu.memref_slice %arg5[%run_scoped3A_3, %dma_wait3A_75] : memref<2x512xi32, #tpu.memory_space<vmem>> -> memref<1x512xi32, #tpu.memory_space<vmem>>
      %dma_wait3A_77 = tpu.memref_squeeze %dma_wait3A_76 : memref<1x512xi32, #tpu.memory_space<vmem>> -> memref<512xi32, #tpu.memory_space<vmem>>
      %dma_wait3A_78 = arith.constant 0 : i32
      %dma_wait3A_79 = tpu.memref_slice %arg3[%add3A, %run_scoped3A, %dma_wait3A_78] : memref<32x10x512xi32, #tpu.memory_space<hbm>> -> memref<1x1x512xi32, #tpu.memory_space<hbm>>
      %dma_wait3A_80 = tpu.memref_squeeze %dma_wait3A_79 : memref<1x1x512xi32, #tpu.memory_space<hbm>> -> memref<512xi32, #tpu.memory_space<hbm>>
      tpu.wait_dma2 semaphore(%run_scoped3A_57 : memref<!tpu.dma_semaphore, #tpu.memory_space<semaphore_mem>>) src(%dma_wait3A_80 : memref<512xi32, #tpu.memory_space<hbm>>) dst(%dma_wait3A_77 : memref<512xi32, #tpu.memory_space<vmem>>)
      tpu.yield
    }) : () -> ()
    %dma_start3A = arith.constant 0 : i32
    %dma_start3A_4 = arith.constant 0 : i32
    %dma_start3A_5 = arith.constant 0 : i32
    %dma_start3A_6 = arith.constant 0 : i32
    %dma_start3A_7 = tpu.memref_slice %arg6[%dma_start3A_4, %dma_start3A_5, %dma_start3A_6] : memref<2x512x32xf32, #tpu.memory_space<vmem>> -> memref<1x128x32xf32, #tpu.memory_space<vmem>>
    %dma_start3A_8 = tpu.memref_squeeze %dma_start3A_7 : memref<1x128x32xf32, #tpu.memory_space<vmem>> -> memref<128x32xf32, #tpu.memory_space<vmem>>
    %dma_start3A_9 = arith.constant 0 : i32
    %dma_start3A_10 = tpu.memref_slice %arg5[%dma_start3A, %dma_start3A_9] : memref<2x512xi32, #tpu.memory_space<vmem>> -> memref<1x128xi32, #tpu.memory_space<vmem>>
    %dma_start3A_11 = tpu.memref_squeeze %dma_start3A_10 : memref<1x128xi32, #tpu.memory_space<vmem>> -> memref<128xi32, #tpu.memory_space<vmem>>
    %dma_start3A_12 = arith.constant 0 : i32
    %dma_start3A_13 = arith.constant 0 : i32
    %dma_start3A_14 = tpu.memref_slice %arg2[%dma_start3A_12, %dma_start3A_13] : memref<1015808x32xf32, #tpu.memory_space<hbm>> -> memref<1015808x32xf32, #tpu.memory_space<hbm>>
    tpu.enqueue_indirect_dma source(%dma_start3A_14 : memref<1015808x32xf32, #tpu.memory_space<hbm>>) target(%dma_start3A_8 : memref<128x32xf32, #tpu.memory_space<vmem>>) offsets(%dma_start3A_11 : memref<128xi32, #tpu.memory_space<vmem>>) semaphore(%arg7 : memref<!tpu.dma_semaphore, #tpu.memory_space<semaphore_mem>>)
    %dma_start3A_15 = arith.constant 0 : i32
    %dma_start3A_16 = arith.constant 0 : i32
    %dma_start3A_17 = arith.constant 128 : i32
    %dma_start3A_18 = arith.constant 0 : i32
    %dma_start3A_19 = tpu.memref_slice %arg6[%dma_start3A_16, %dma_start3A_17, %dma_start3A_18] : memref<2x512x32xf32, #tpu.memory_space<vmem>> -> memref<1x128x32xf32, #tpu.memory_space<vmem>>
    %dma_start3A_20 = tpu.memref_squeeze %dma_start3A_19 : memref<1x128x32xf32, #tpu.memory_space<vmem>> -> memref<128x32xf32, #tpu.memory_space<vmem>>
    %dma_start3A_21 = arith.constant 128 : i32
    %dma_start3A_22 = tpu.memref_slice %arg5[%dma_start3A_15, %dma_start3A_21] : memref<2x512xi32, #tpu.memory_space<vmem>> -> memref<1x128xi32, #tpu.memory_space<vmem>>
    %dma_start3A_23 = tpu.memref_squeeze %dma_start3A_22 : memref<1x128xi32, #tpu.memory_space<vmem>> -> memref<128xi32, #tpu.memory_space<vmem>>
    %dma_start3A_24 = arith.constant 0 : i32
    %dma_start3A_25 = arith.constant 0 : i32
    %dma_start3A_26 = tpu.memref_slice %arg2[%dma_start3A_24, %dma_start3A_25] : memref<1015808x32xf32, #tpu.memory_space<hbm>> -> memref<1015808x32xf32, #tpu.memory_space<hbm>>
    tpu.enqueue_indirect_dma source(%dma_start3A_26 : memref<1015808x32xf32, #tpu.memory_space<hbm>>) target(%dma_start3A_20 : memref<128x32xf32, #tpu.memory_space<vmem>>) offsets(%dma_start3A_23 : memref<128xi32, #tpu.memory_space<vmem>>) semaphore(%arg7 : memref<!tpu.dma_semaphore, #tpu.memory_space<semaphore_mem>>)
    %dma_start3A_27 = arith.constant 0 : i32
    %dma_start3A_28 = arith.constant 0 : i32
    %dma_start3A_29 = arith.constant 256 : i32
    %dma_start3A_30 = arith.constant 0 : i32
    %dma_start3A_31 = tpu.memref_slice %arg6[%dma_start3A_28, %dma_start3A_29, %dma_start3A_30] : memref<2x512x32xf32, #tpu.memory_space<vmem>> -> memref<1x128x32xf32, #tpu.memory_space<vmem>>
    %dma_start3A_32 = tpu.memref_squeeze %dma_start3A_31 : memref<1x128x32xf32, #tpu.memory_space<vmem>> -> memref<128x32xf32, #tpu.memory_space<vmem>>
    %dma_start3A_33 = arith.constant 256 : i32
    %dma_start3A_34 = tpu.memref_slice %arg5[%dma_start3A_27, %dma_start3A_33] : memref<2x512xi32, #tpu.memory_space<vmem>> -> memref<1x128xi32, #tpu.memory_space<vmem>>
    %dma_start3A_35 = tpu.memref_squeeze %dma_start3A_34 : memref<1x128xi32, #tpu.memory_space<vmem>> -> memref<128xi32, #tpu.memory_space<vmem>>
    %dma_start3A_36 = arith.constant 0 : i32
    %dma_start3A_37 = arith.constant 0 : i32
    %dma_start3A_38 = tpu.memref_slice %arg2[%dma_start3A_36, %dma_start3A_37] : memref<1015808x32xf32, #tpu.memory_space<hbm>> -> memref<1015808x32xf32, #tpu.memory_space<hbm>>
    tpu.enqueue_indirect_dma source(%dma_start3A_38 : memref<1015808x32xf32, #tpu.memory_space<hbm>>) target(%dma_start3A_32 : memref<128x32xf32, #tpu.memory_space<vmem>>) offsets(%dma_start3A_35 : memref<128xi32, #tpu.memory_space<vmem>>) semaphore(%arg7 : memref<!tpu.dma_semaphore, #tpu.memory_space<semaphore_mem>>)
    %dma_start3A_39 = arith.constant 0 : i32
    %dma_start3A_40 = arith.constant 0 : i32
    %dma_start3A_41 = arith.constant 384 : i32
    %dma_start3A_42 = arith.constant 0 : i32
    %dma_start3A_43 = tpu.memref_slice %arg6[%dma_start3A_40, %dma_start3A_41, %dma_start3A_42] : memref<2x512x32xf32, #tpu.memory_space<vmem>> -> memref<1x128x32xf32, #tpu.memory_space<vmem>>
    %dma_start3A_44 = tpu.memref_squeeze %dma_start3A_43 : memref<1x128x32xf32, #tpu.memory_space<vmem>> -> memref<128x32xf32, #tpu.memory_space<vmem>>
    %dma_start3A_45 = arith.constant 384 : i32
    %dma_start3A_46 = tpu.memref_slice %arg5[%dma_start3A_39, %dma_start3A_45] : memref<2x512xi32, #tpu.memory_space<vmem>> -> memref<1x128xi32, #tpu.memory_space<vmem>>
    %dma_start3A_47 = tpu.memref_squeeze %dma_start3A_46 : memref<1x128xi32, #tpu.memory_space<vmem>> -> memref<128xi32, #tpu.memory_space<vmem>>
    %dma_start3A_48 = arith.constant 0 : i32
    %dma_start3A_49 = arith.constant 0 : i32
    %dma_start3A_50 = tpu.memref_slice %arg2[%dma_start3A_48, %dma_start3A_49] : memref<1015808x32xf32, #tpu.memory_space<hbm>> -> memref<1015808x32xf32, #tpu.memory_space<hbm>>
    tpu.enqueue_indirect_dma source(%dma_start3A_50 : memref<1015808x32xf32, #tpu.memory_space<hbm>>) target(%dma_start3A_44 : memref<128x32xf32, #tpu.memory_space<vmem>>) offsets(%dma_start3A_47 : memref<128xi32, #tpu.memory_space<vmem>>) semaphore(%arg7 : memref<!tpu.dma_semaphore, #tpu.memory_space<semaphore_mem>>)
    %scan3A = arith.constant 0 : i32
    %scan3A_51 = arith.constant 0 : i32
    %scan3A_52 = arith.constant 5 : i32
    %scan3A_53 = arith.addi %scan3A_51, %scan3A_52 : i32
    %scan3A_54 = arith.constant 1 : i32
    %scan3A_55 = scf.for %scan3A_57 = %scan3A_51 to %scan3A_53 step %scan3A_54 iter_args(%scan3A_58 = %scan3A) -> (i32)  : i32 {
      %mul3A_59 = arith.constant 2 : i32
      %mul3A_60 = arith.muli %mul3A_59, %scan3A_57 : i32
      %add3A_61 = arith.constant 1 : i32
      %add3A_62 = arith.addi %mul3A_60, %add3A_61 : i32
      %run_scoped3A_63 = arith.constant 1 : i32
      "tpu.region"() ({
        %run_scoped3A_233 = tpu.sem_alloc : memref<!tpu.dma_semaphore, #tpu.memory_space<semaphore_mem>>
        %dma_start3A_234 = arith.constant 0 : i32
        %dma_start3A_235 = tpu.memref_slice %arg5[%run_scoped3A_63, %dma_start3A_234] : memref<2x512xi32, #tpu.memory_space<vmem>> -> memref<1x512xi32, #tpu.memory_space<vmem>>
        %dma_start3A_236 = tpu.memref_squeeze %dma_start3A_235 : memref<1x512xi32, #tpu.memory_space<vmem>> -> memref<512xi32, #tpu.memory_space<vmem>>
        %dma_start3A_237 = arith.constant 0 : i32
        %dma_start3A_238 = tpu.memref_slice %arg3[%add3A, %add3A_62, %dma_start3A_237] : memref<32x10x512xi32, #tpu.memory_space<hbm>> -> memref<1x1x512xi32, #tpu.memory_space<hbm>>
        %dma_start3A_239 = tpu.memref_squeeze %dma_start3A_238 : memref<1x1x512xi32, #tpu.memory_space<hbm>> -> memref<512xi32, #tpu.memory_space<hbm>>
        %dma_start3A_240 = arith.constant 0 : i32
        %dma_start3A_241 = tpu.memref_slice %arg5[%run_scoped3A_63, %dma_start3A_240] : memref<2x512xi32, #tpu.memory_space<vmem>> -> memref<1x512xi32, #tpu.memory_space<vmem>>
        %dma_start3A_242 = tpu.memref_squeeze %dma_start3A_241 : memref<1x512xi32, #tpu.memory_space<vmem>> -> memref<512xi32, #tpu.memory_space<vmem>>
        %dma_start3A_243 = arith.constant 0 : i32
        %dma_start3A_244 = tpu.memref_slice %arg3[%add3A, %add3A_62, %dma_start3A_243] : memref<32x10x512xi32, #tpu.memory_space<hbm>> -> memref<1x1x512xi32, #tpu.memory_space<hbm>>
        %dma_start3A_245 = tpu.memref_squeeze %dma_start3A_244 : memref<1x1x512xi32, #tpu.memory_space<hbm>> -> memref<512xi32, #tpu.memory_space<hbm>>
        tpu.enqueue_dma source(%dma_start3A_245 : memref<512xi32, #tpu.memory_space<hbm>>) target(%dma_start3A_242 : memref<512xi32, #tpu.memory_space<vmem>>) target_semaphore(%run_scoped3A_233 : memref<!tpu.dma_semaphore, #tpu.memory_space<semaphore_mem>>)
        %dma_wait3A_246 = arith.constant 0 : i32
        %dma_wait3A_247 = tpu.memref_slice %arg5[%run_scoped3A_63, %dma_wait3A_246] : memref<2x512xi32, #tpu.memory_space<vmem>> -> memref<1x512xi32, #tpu.memory_space<vmem>>
        %dma_wait3A_248 = tpu.memref_squeeze %dma_wait3A_247 : memref<1x512xi32, #tpu.memory_space<vmem>> -> memref<512xi32, #tpu.memory_space<vmem>>
        %dma_wait3A_249 = arith.constant 0 : i32
        %dma_wait3A_250 = tpu.memref_slice %arg3[%add3A, %add3A_62, %dma_wait3A_249] : memref<32x10x512xi32, #tpu.memory_space<hbm>> -> memref<1x1x512xi32, #tpu.memory_space<hbm>>
        %dma_wait3A_251 = tpu.memref_squeeze %dma_wait3A_250 : memref<1x1x512xi32, #tpu.memory_space<hbm>> -> memref<512xi32, #tpu.memory_space<hbm>>
        %dma_wait3A_252 = arith.constant 0 : i32
        %dma_wait3A_253 = tpu.memref_slice %arg5[%run_scoped3A_63, %dma_wait3A_252] : memref<2x512xi32, #tpu.memory_space<vmem>> -> memref<1x512xi32, #tpu.memory_space<vmem>>
        %dma_wait3A_254 = tpu.memref_squeeze %dma_wait3A_253 : memref<1x512xi32, #tpu.memory_space<vmem>> -> memref<512xi32, #tpu.memory_space<vmem>>
        %dma_wait3A_255 = arith.constant 0 : i32
        %dma_wait3A_256 = tpu.memref_slice %arg3[%add3A, %add3A_62, %dma_wait3A_255] : memref<32x10x512xi32, #tpu.memory_space<hbm>> -> memref<1x1x512xi32, #tpu.memory_space<hbm>>
        %dma_wait3A_257 = tpu.memref_squeeze %dma_wait3A_256 : memref<1x1x512xi32, #tpu.memory_space<hbm>> -> memref<512xi32, #tpu.memory_space<hbm>>
        tpu.wait_dma2 semaphore(%run_scoped3A_233 : memref<!tpu.dma_semaphore, #tpu.memory_space<semaphore_mem>>) src(%dma_wait3A_257 : memref<512xi32, #tpu.memory_space<hbm>>) dst(%dma_wait3A_254 : memref<512xi32, #tpu.memory_space<vmem>>)
        tpu.yield
      }) : () -> ()
      %dma_start3A_64 = arith.constant 1 : i32
      %dma_start3A_65 = arith.constant 1 : i32
      %dma_start3A_66 = arith.constant 0 : i32
      %dma_start3A_67 = arith.constant 0 : i32
      %dma_start3A_68 = tpu.memref_slice %arg6[%dma_start3A_65, %dma_start3A_66, %dma_start3A_67] : memref<2x512x32xf32, #tpu.memory_space<vmem>> -> memref<1x128x32xf32, #tpu.memory_space<vmem>>
      %dma_start3A_69 = tpu.memref_squeeze %dma_start3A_68 : memref<1x128x32xf32, #tpu.memory_space<vmem>> -> memref<128x32xf32, #tpu.memory_space<vmem>>
      %dma_start3A_70 = arith.constant 0 : i32
      %dma_start3A_71 = tpu.memref_slice %arg5[%dma_start3A_64, %dma_start3A_70] : memref<2x512xi32, #tpu.memory_space<vmem>> -> memref<1x128xi32, #tpu.memory_space<vmem>>
      %dma_start3A_72 = tpu.memref_squeeze %dma_start3A_71 : memref<1x128xi32, #tpu.memory_space<vmem>> -> memref<128xi32, #tpu.memory_space<vmem>>
      %dma_start3A_73 = arith.constant 0 : i32
      %dma_start3A_74 = arith.constant 0 : i32
      %dma_start3A_75 = tpu.memref_slice %arg2[%dma_start3A_73, %dma_start3A_74] : memref<1015808x32xf32, #tpu.memory_space<hbm>> -> memref<1015808x32xf32, #tpu.memory_space<hbm>>
      tpu.enqueue_indirect_dma source(%dma_start3A_75 : memref<1015808x32xf32, #tpu.memory_space<hbm>>) target(%dma_start3A_69 : memref<128x32xf32, #tpu.memory_space<vmem>>) offsets(%dma_start3A_72 : memref<128xi32, #tpu.memory_space<vmem>>) semaphore(%arg8 : memref<!tpu.dma_semaphore, #tpu.memory_space<semaphore_mem>>)
      %dma_start3A_76 = arith.constant 1 : i32
      %dma_start3A_77 = arith.constant 1 : i32
      %dma_start3A_78 = arith.constant 128 : i32
      %dma_start3A_79 = arith.constant 0 : i32
      %dma_start3A_80 = tpu.memref_slice %arg6[%dma_start3A_77, %dma_start3A_78, %dma_start3A_79] : memref<2x512x32xf32, #tpu.memory_space<vmem>> -> memref<1x128x32xf32, #tpu.memory_space<vmem>>
      %dma_start3A_81 = tpu.memref_squeeze %dma_start3A_80 : memref<1x128x32xf32, #tpu.memory_space<vmem>> -> memref<128x32xf32, #tpu.memory_space<vmem>>
      %dma_start3A_82 = arith.constant 128 : i32
      %dma_start3A_83 = tpu.memref_slice %arg5[%dma_start3A_76, %dma_start3A_82] : memref<2x512xi32, #tpu.memory_space<vmem>> -> memref<1x128xi32, #tpu.memory_space<vmem>>
      %dma_start3A_84 = tpu.memref_squeeze %dma_start3A_83 : memref<1x128xi32, #tpu.memory_space<vmem>> -> memref<128xi32, #tpu.memory_space<vmem>>
      %dma_start3A_85 = arith.constant 0 : i32
      %dma_start3A_86 = arith.constant 0 : i32
      %dma_start3A_87 = tpu.memref_slice %arg2[%dma_start3A_85, %dma_start3A_86] : memref<1015808x32xf32, #tpu.memory_space<hbm>> -> memref<1015808x32xf32, #tpu.memory_space<hbm>>
      tpu.enqueue_indirect_dma source(%dma_start3A_87 : memref<1015808x32xf32, #tpu.memory_space<hbm>>) target(%dma_start3A_81 : memref<128x32xf32, #tpu.memory_space<vmem>>) offsets(%dma_start3A_84 : memref<128xi32, #tpu.memory_space<vmem>>) semaphore(%arg8 : memref<!tpu.dma_semaphore, #tpu.memory_space<semaphore_mem>>)
      %dma_start3A_88 = arith.constant 1 : i32
      %dma_start3A_89 = arith.constant 1 : i32
      %dma_start3A_90 = arith.constant 256 : i32
      %dma_start3A_91 = arith.constant 0 : i32
      %dma_start3A_92 = tpu.memref_slice %arg6[%dma_start3A_89, %dma_start3A_90, %dma_start3A_91] : memref<2x512x32xf32, #tpu.memory_space<vmem>> -> memref<1x128x32xf32, #tpu.memory_space<vmem>>
      %dma_start3A_93 = tpu.memref_squeeze %dma_start3A_92 : memref<1x128x32xf32, #tpu.memory_space<vmem>> -> memref<128x32xf32, #tpu.memory_space<vmem>>
      %dma_start3A_94 = arith.constant 256 : i32
      %dma_start3A_95 = tpu.memref_slice %arg5[%dma_start3A_88, %dma_start3A_94] : memref<2x512xi32, #tpu.memory_space<vmem>> -> memref<1x128xi32, #tpu.memory_space<vmem>>
      %dma_start3A_96 = tpu.memref_squeeze %dma_start3A_95 : memref<1x128xi32, #tpu.memory_space<vmem>> -> memref<128xi32, #tpu.memory_space<vmem>>
      %dma_start3A_97 = arith.constant 0 : i32
      %dma_start3A_98 = arith.constant 0 : i32
      %dma_start3A_99 = tpu.memref_slice %arg2[%dma_start3A_97, %dma_start3A_98] : memref<1015808x32xf32, #tpu.memory_space<hbm>> -> memref<1015808x32xf32, #tpu.memory_space<hbm>>
      tpu.enqueue_indirect_dma source(%dma_start3A_99 : memref<1015808x32xf32, #tpu.memory_space<hbm>>) target(%dma_start3A_93 : memref<128x32xf32, #tpu.memory_space<vmem>>) offsets(%dma_start3A_96 : memref<128xi32, #tpu.memory_space<vmem>>) semaphore(%arg8 : memref<!tpu.dma_semaphore, #tpu.memory_space<semaphore_mem>>)
      %dma_start3A_100 = arith.constant 1 : i32
      %dma_start3A_101 = arith.constant 1 : i32
      %dma_start3A_102 = arith.constant 384 : i32
      %dma_start3A_103 = arith.constant 0 : i32
      %dma_start3A_104 = tpu.memref_slice %arg6[%dma_start3A_101, %dma_start3A_102, %dma_start3A_103] : memref<2x512x32xf32, #tpu.memory_space<vmem>> -> memref<1x128x32xf32, #tpu.memory_space<vmem>>
      %dma_start3A_105 = tpu.memref_squeeze %dma_start3A_104 : memref<1x128x32xf32, #tpu.memory_space<vmem>> -> memref<128x32xf32, #tpu.memory_space<vmem>>
      %dma_start3A_106 = arith.constant 384 : i32
      %dma_start3A_107 = tpu.memref_slice %arg5[%dma_start3A_100, %dma_start3A_106] : memref<2x512xi32, #tpu.memory_space<vmem>> -> memref<1x128xi32, #tpu.memory_space<vmem>>
      %dma_start3A_108 = tpu.memref_squeeze %dma_start3A_107 : memref<1x128xi32, #tpu.memory_space<vmem>> -> memref<128xi32, #tpu.memory_space<vmem>>
      %dma_start3A_109 = arith.constant 0 : i32
      %dma_start3A_110 = arith.constant 0 : i32
      %dma_start3A_111 = tpu.memref_slice %arg2[%dma_start3A_109, %dma_start3A_110] : memref<1015808x32xf32, #tpu.memory_space<hbm>> -> memref<1015808x32xf32, #tpu.memory_space<hbm>>
      tpu.enqueue_indirect_dma source(%dma_start3A_111 : memref<1015808x32xf32, #tpu.memory_space<hbm>>) target(%dma_start3A_105 : memref<128x32xf32, #tpu.memory_space<vmem>>) offsets(%dma_start3A_108 : memref<128xi32, #tpu.memory_space<vmem>>) semaphore(%arg8 : memref<!tpu.dma_semaphore, #tpu.memory_space<semaphore_mem>>)
      %dma_wait3A = arith.constant 0 : i32
      %dma_wait3A_112 = arith.constant 0 : i32
      %dma_wait3A_113 = arith.constant 0 : i32
      %dma_wait3A_114 = arith.constant 0 : i32
      %dma_wait3A_115 = tpu.memref_slice %arg6[%dma_wait3A_112, %dma_wait3A_113, %dma_wait3A_114] : memref<2x512x32xf32, #tpu.memory_space<vmem>> -> memref<1x128x32xf32, #tpu.memory_space<vmem>>
      %dma_wait3A_116 = tpu.memref_squeeze %dma_wait3A_115 : memref<1x128x32xf32, #tpu.memory_space<vmem>> -> memref<128x32xf32, #tpu.memory_space<vmem>>
      %dma_wait3A_117 = arith.constant 0 : i32
      %dma_wait3A_118 = tpu.memref_slice %arg5[%dma_wait3A, %dma_wait3A_117] : memref<2x512xi32, #tpu.memory_space<vmem>> -> memref<1x128xi32, #tpu.memory_space<vmem>>
      %dma_wait3A_119 = tpu.memref_squeeze %dma_wait3A_118 : memref<1x128xi32, #tpu.memory_space<vmem>> -> memref<128xi32, #tpu.memory_space<vmem>>
      %dma_wait3A_120 = arith.constant 0 : i32
      %dma_wait3A_121 = arith.constant 0 : i32
      %dma_wait3A_122 = tpu.memref_slice %arg2[%dma_wait3A_120, %dma_wait3A_121] : memref<1015808x32xf32, #tpu.memory_space<hbm>> -> memref<1015808x32xf32, #tpu.memory_space<hbm>>
      tpu.wait_indirect_dma semaphore(%arg7 : memref<!tpu.dma_semaphore, #tpu.memory_space<semaphore_mem>>) src(%dma_wait3A_122 : memref<1015808x32xf32, #tpu.memory_space<hbm>>) dst(%dma_wait3A_116 : memref<128x32xf32, #tpu.memory_space<vmem>>)
      %dma_wait3A_123 = arith.constant 0 : i32
      %dma_wait3A_124 = arith.constant 0 : i32
      %dma_wait3A_125 = arith.constant 128 : i32
      %dma_wait3A_126 = arith.constant 0 : i32
      %dma_wait3A_127 = tpu.memref_slice %arg6[%dma_wait3A_124, %dma_wait3A_125, %dma_wait3A_126] : memref<2x512x32xf32, #tpu.memory_space<vmem>> -> memref<1x128x32xf32, #tpu.memory_space<vmem>>
      %dma_wait3A_128 = tpu.memref_squeeze %dma_wait3A_127 : memref<1x128x32xf32, #tpu.memory_space<vmem>> -> memref<128x32xf32, #tpu.memory_space<vmem>>
      %dma_wait3A_129 = arith.constant 128 : i32
      %dma_wait3A_130 = tpu.memref_slice %arg5[%dma_wait3A_123, %dma_wait3A_129] : memref<2x512xi32, #tpu.memory_space<vmem>> -> memref<1x128xi32, #tpu.memory_space<vmem>>
      %dma_wait3A_131 = tpu.memref_squeeze %dma_wait3A_130 : memref<1x128xi32, #tpu.memory_space<vmem>> -> memref<128xi32, #tpu.memory_space<vmem>>
      %dma_wait3A_132 = arith.constant 0 : i32
      %dma_wait3A_133 = arith.constant 0 : i32
      %dma_wait3A_134 = tpu.memref_slice %arg2[%dma_wait3A_132, %dma_wait3A_133] : memref<1015808x32xf32, #tpu.memory_space<hbm>> -> memref<1015808x32xf32, #tpu.memory_space<hbm>>
      tpu.wait_indirect_dma semaphore(%arg7 : memref<!tpu.dma_semaphore, #tpu.memory_space<semaphore_mem>>) src(%dma_wait3A_134 : memref<1015808x32xf32, #tpu.memory_space<hbm>>) dst(%dma_wait3A_128 : memref<128x32xf32, #tpu.memory_space<vmem>>)
      %dma_wait3A_135 = arith.constant 0 : i32
      %dma_wait3A_136 = arith.constant 0 : i32
      %dma_wait3A_137 = arith.constant 256 : i32
      %dma_wait3A_138 = arith.constant 0 : i32
      %dma_wait3A_139 = tpu.memref_slice %arg6[%dma_wait3A_136, %dma_wait3A_137, %dma_wait3A_138] : memref<2x512x32xf32, #tpu.memory_space<vmem>> -> memref<1x128x32xf32, #tpu.memory_space<vmem>>
      %dma_wait3A_140 = tpu.memref_squeeze %dma_wait3A_139 : memref<1x128x32xf32, #tpu.memory_space<vmem>> -> memref<128x32xf32, #tpu.memory_space<vmem>>
      %dma_wait3A_141 = arith.constant 256 : i32
      %dma_wait3A_142 = tpu.memref_slice %arg5[%dma_wait3A_135, %dma_wait3A_141] : memref<2x512xi32, #tpu.memory_space<vmem>> -> memref<1x128xi32, #tpu.memory_space<vmem>>
      %dma_wait3A_143 = tpu.memref_squeeze %dma_wait3A_142 : memref<1x128xi32, #tpu.memory_space<vmem>> -> memref<128xi32, #tpu.memory_space<vmem>>
      %dma_wait3A_144 = arith.constant 0 : i32
      %dma_wait3A_145 = arith.constant 0 : i32
      %dma_wait3A_146 = tpu.memref_slice %arg2[%dma_wait3A_144, %dma_wait3A_145] : memref<1015808x32xf32, #tpu.memory_space<hbm>> -> memref<1015808x32xf32, #tpu.memory_space<hbm>>
      tpu.wait_indirect_dma semaphore(%arg7 : memref<!tpu.dma_semaphore, #tpu.memory_space<semaphore_mem>>) src(%dma_wait3A_146 : memref<1015808x32xf32, #tpu.memory_space<hbm>>) dst(%dma_wait3A_140 : memref<128x32xf32, #tpu.memory_space<vmem>>)
      %dma_wait3A_147 = arith.constant 0 : i32
      %dma_wait3A_148 = arith.constant 0 : i32
      %dma_wait3A_149 = arith.constant 384 : i32
      %dma_wait3A_150 = arith.constant 0 : i32
      %dma_wait3A_151 = tpu.memref_slice %arg6[%dma_wait3A_148, %dma_wait3A_149, %dma_wait3A_150] : memref<2x512x32xf32, #tpu.memory_space<vmem>> -> memref<1x128x32xf32, #tpu.memory_space<vmem>>
      %dma_wait3A_152 = tpu.memref_squeeze %dma_wait3A_151 : memref<1x128x32xf32, #tpu.memory_space<vmem>> -> memref<128x32xf32, #tpu.memory_space<vmem>>
      %dma_wait3A_153 = arith.constant 384 : i32
      %dma_wait3A_154 = tpu.memref_slice %arg5[%dma_wait3A_147, %dma_wait3A_153] : memref<2x512xi32, #tpu.memory_space<vmem>> -> memref<1x128xi32, #tpu.memory_space<vmem>>
      %dma_wait3A_155 = tpu.memref_squeeze %dma_wait3A_154 : memref<1x128xi32, #tpu.memory_space<vmem>> -> memref<128xi32, #tpu.memory_space<vmem>>
      %dma_wait3A_156 = arith.constant 0 : i32
      %dma_wait3A_157 = arith.constant 0 : i32
      %dma_wait3A_158 = tpu.memref_slice %arg2[%dma_wait3A_156, %dma_wait3A_157] : memref<1015808x32xf32, #tpu.memory_space<hbm>> -> memref<1015808x32xf32, #tpu.memory_space<hbm>>
      tpu.wait_indirect_dma semaphore(%arg7 : memref<!tpu.dma_semaphore, #tpu.memory_space<semaphore_mem>>) src(%dma_wait3A_158 : memref<1015808x32xf32, #tpu.memory_space<hbm>>) dst(%dma_wait3A_152 : memref<128x32xf32, #tpu.memory_space<vmem>>)
      %sub3A = arith.constant 1 : i32
      %sub3A_159 = arith.subi %add3A_62, %sub3A : i32
      %mul3A_160 = arith.constant 512 : i32
      %mul3A_161 = arith.muli %sub3A_159, %mul3A_160 : i32
      %add3A_162 = arith.addi %mul3A_2, %mul3A_161 : i32
      %shift_right_arithmetic3A = arith.constant 14 : i32
      %shift_right_arithmetic3A_163 = arith.shrsi %add3A_162, %shift_right_arithmetic3A : i32
      %and3A = arith.constant 16383 : i32
      %and3A_164 = arith.andi %add3A_162, %and3A : i32
      %shift_right_arithmetic3A_165 = arith.constant 12 : i32
      %shift_right_arithmetic3A_166 = arith.shrsi %and3A_164, %shift_right_arithmetic3A_165 : i32
      %and3A_167 = arith.constant 4095 : i32
      %and3A_168 = arith.andi %and3A_164, %and3A_167 : i32
      %run_scoped3A_169 = arith.constant 0 : i32
      "tpu.region"() ({
        %run_scoped3A_233 = tpu.sem_alloc : memref<!tpu.dma_semaphore, #tpu.memory_space<semaphore_mem>>
        %dma_start3A_234 = arith.constant 0 : i32
        %dma_start3A_235 = arith.constant 0 : i32
        %dma_start3A_236 = tpu.memref_slice %arg6[%run_scoped3A_169, %dma_start3A_234, %dma_start3A_235] : memref<2x512x32xf32, #tpu.memory_space<vmem>> -> memref<1x512x32xf32, #tpu.memory_space<vmem>>
        %dma_start3A_237 = tpu.memref_squeeze %dma_start3A_236 : memref<1x512x32xf32, #tpu.memory_space<vmem>> -> memref<512x32xf32, #tpu.memory_space<vmem>>
        %dma_start3A_238 = arith.constant 0 : i32
        %dma_start3A_239 = tpu.memref_slice %arg4[%shift_right_arithmetic3A_163, %and3A_168, %shift_right_arithmetic3A_166, %dma_start3A_238] : memref<10x4096x4x32xf32, #tpu.memory_space<hbm>> -> memref<1x512x1x32xf32, #tpu.memory_space<hbm>>
        %dma_start3A_240 = tpu.memref_squeeze %dma_start3A_239 : memref<1x512x1x32xf32, #tpu.memory_space<hbm>> -> memref<512x32xf32, #tpu.memory_space<hbm>>
        %dma_start3A_241 = arith.constant 0 : i32
        %dma_start3A_242 = tpu.memref_slice %arg4[%shift_right_arithmetic3A_163, %and3A_168, %shift_right_arithmetic3A_166, %dma_start3A_241] : memref<10x4096x4x32xf32, #tpu.memory_space<hbm>> -> memref<1x512x1x32xf32, #tpu.memory_space<hbm>>
        %dma_start3A_243 = tpu.memref_squeeze %dma_start3A_242 : memref<1x512x1x32xf32, #tpu.memory_space<hbm>> -> memref<512x32xf32, #tpu.memory_space<hbm>>
        %dma_start3A_244 = arith.constant 0 : i32
        %dma_start3A_245 = arith.constant 0 : i32
        %dma_start3A_246 = tpu.memref_slice %arg6[%run_scoped3A_169, %dma_start3A_244, %dma_start3A_245] : memref<2x512x32xf32, #tpu.memory_space<vmem>> -> memref<1x512x32xf32, #tpu.memory_space<vmem>>
        %dma_start3A_247 = tpu.memref_squeeze %dma_start3A_246 : memref<1x512x32xf32, #tpu.memory_space<vmem>> -> memref<512x32xf32, #tpu.memory_space<vmem>>
        tpu.enqueue_dma source(%dma_start3A_247 : memref<512x32xf32, #tpu.memory_space<vmem>>) target(%dma_start3A_243 : memref<512x32xf32, #tpu.memory_space<hbm>>) target_semaphore(%run_scoped3A_233 : memref<!tpu.dma_semaphore, #tpu.memory_space<semaphore_mem>>)
        %dma_wait3A_248 = arith.constant 0 : i32
        %dma_wait3A_249 = arith.constant 0 : i32
        %dma_wait3A_250 = tpu.memref_slice %arg6[%run_scoped3A_169, %dma_wait3A_248, %dma_wait3A_249] : memref<2x512x32xf32, #tpu.memory_space<vmem>> -> memref<1x512x32xf32, #tpu.memory_space<vmem>>
        %dma_wait3A_251 = tpu.memref_squeeze %dma_wait3A_250 : memref<1x512x32xf32, #tpu.memory_space<vmem>> -> memref<512x32xf32, #tpu.memory_space<vmem>>
        %dma_wait3A_252 = arith.constant 0 : i32
        %dma_wait3A_253 = tpu.memref_slice %arg4[%shift_right_arithmetic3A_163, %and3A_168, %shift_right_arithmetic3A_166, %dma_wait3A_252] : memref<10x4096x4x32xf32, #tpu.memory_space<hbm>> -> memref<1x512x1x32xf32, #tpu.memory_space<hbm>>
        %dma_wait3A_254 = tpu.memref_squeeze %dma_wait3A_253 : memref<1x512x1x32xf32, #tpu.memory_space<hbm>> -> memref<512x32xf32, #tpu.memory_space<hbm>>
        %dma_wait3A_255 = arith.constant 0 : i32
        %dma_wait3A_256 = tpu.memref_slice %arg4[%shift_right_arithmetic3A_163, %and3A_168, %shift_right_arithmetic3A_166, %dma_wait3A_255] : memref<10x4096x4x32xf32, #tpu.memory_space<hbm>> -> memref<1x512x1x32xf32, #tpu.memory_space<hbm>>
        %dma_wait3A_257 = tpu.memref_squeeze %dma_wait3A_256 : memref<1x512x1x32xf32, #tpu.memory_space<hbm>> -> memref<512x32xf32, #tpu.memory_space<hbm>>
        %dma_wait3A_258 = arith.constant 0 : i32
        %dma_wait3A_259 = arith.constant 0 : i32
        %dma_wait3A_260 = tpu.memref_slice %arg6[%run_scoped3A_169, %dma_wait3A_258, %dma_wait3A_259] : memref<2x512x32xf32, #tpu.memory_space<vmem>> -> memref<1x512x32xf32, #tpu.memory_space<vmem>>
        %dma_wait3A_261 = tpu.memref_squeeze %dma_wait3A_260 : memref<1x512x32xf32, #tpu.memory_space<vmem>> -> memref<512x32xf32, #tpu.memory_space<vmem>>
        tpu.wait_dma2 semaphore(%run_scoped3A_233 : memref<!tpu.dma_semaphore, #tpu.memory_space<semaphore_mem>>) src(%dma_wait3A_261 : memref<512x32xf32, #tpu.memory_space<vmem>>) dst(%dma_wait3A_257 : memref<512x32xf32, #tpu.memory_space<hbm>>)
        tpu.yield
      }) : () -> ()
      %lt3A = arith.constant 4 : i32
      %lt3A_170 = arith.cmpi slt, %scan3A_57, %lt3A : i32
      %convert_element_type3A = arith.extui %lt3A_170 : i1 to i32
      %cond3A = arith.constant 0 : i32
      %cond3A_171 = arith.cmpi ne, %convert_element_type3A, %cond3A : i32
      scf.if %cond3A_171 {
        %add3A_233 = arith.constant 1 : i32
        %add3A_234 = arith.addi %add3A_62, %add3A_233 : i32
        %run_scoped3A_235 = arith.constant 0 : i32
        "tpu.region"() ({
          %run_scoped3A_284 = tpu.sem_alloc : memref<!tpu.dma_semaphore, #tpu.memory_space<semaphore_mem>>
          %dma_start3A_285 = arith.constant 0 : i32
          %dma_start3A_286 = tpu.memref_slice %arg5[%run_scoped3A_235, %dma_start3A_285] : memref<2x512xi32, #tpu.memory_space<vmem>> -> memref<1x512xi32, #tpu.memory_space<vmem>>
          %dma_start3A_287 = tpu.memref_squeeze %dma_start3A_286 : memref<1x512xi32, #tpu.memory_space<vmem>> -> memref<512xi32, #tpu.memory_space<vmem>>
          %dma_start3A_288 = arith.constant 0 : i32
          %dma_start3A_289 = tpu.memref_slice %arg3[%add3A, %add3A_234, %dma_start3A_288] : memref<32x10x512xi32, #tpu.memory_space<hbm>> -> memref<1x1x512xi32, #tpu.memory_space<hbm>>
          %dma_start3A_290 = tpu.memref_squeeze %dma_start3A_289 : memref<1x1x512xi32, #tpu.memory_space<hbm>> -> memref<512xi32, #tpu.memory_space<hbm>>
          %dma_start3A_291 = arith.constant 0 : i32
          %dma_start3A_292 = tpu.memref_slice %arg5[%run_scoped3A_235, %dma_start3A_291] : memref<2x512xi32, #tpu.memory_space<vmem>> -> memref<1x512xi32, #tpu.memory_space<vmem>>
          %dma_start3A_293 = tpu.memref_squeeze %dma_start3A_292 : memref<1x512xi32, #tpu.memory_space<vmem>> -> memref<512xi32, #tpu.memory_space<vmem>>
          %dma_start3A_294 = arith.constant 0 : i32
          %dma_start3A_295 = tpu.memref_slice %arg3[%add3A, %add3A_234, %dma_start3A_294] : memref<32x10x512xi32, #tpu.memory_space<hbm>> -> memref<1x1x512xi32, #tpu.memory_space<hbm>>
          %dma_start3A_296 = tpu.memref_squeeze %dma_start3A_295 : memref<1x1x512xi32, #tpu.memory_space<hbm>> -> memref<512xi32, #tpu.memory_space<hbm>>
          tpu.enqueue_dma source(%dma_start3A_296 : memref<512xi32, #tpu.memory_space<hbm>>) target(%dma_start3A_293 : memref<512xi32, #tpu.memory_space<vmem>>) target_semaphore(%run_scoped3A_284 : memref<!tpu.dma_semaphore, #tpu.memory_space<semaphore_mem>>)
          %dma_wait3A_297 = arith.constant 0 : i32
          %dma_wait3A_298 = tpu.memref_slice %arg5[%run_scoped3A_235, %dma_wait3A_297] : memref<2x512xi32, #tpu.memory_space<vmem>> -> memref<1x512xi32, #tpu.memory_space<vmem>>
          %dma_wait3A_299 = tpu.memref_squeeze %dma_wait3A_298 : memref<1x512xi32, #tpu.memory_space<vmem>> -> memref<512xi32, #tpu.memory_space<vmem>>
          %dma_wait3A_300 = arith.constant 0 : i32
          %dma_wait3A_301 = tpu.memref_slice %arg3[%add3A, %add3A_234, %dma_wait3A_300] : memref<32x10x512xi32, #tpu.memory_space<hbm>> -> memref<1x1x512xi32, #tpu.memory_space<hbm>>
          %dma_wait3A_302 = tpu.memref_squeeze %dma_wait3A_301 : memref<1x1x512xi32, #tpu.memory_space<hbm>> -> memref<512xi32, #tpu.memory_space<hbm>>
          %dma_wait3A_303 = arith.constant 0 : i32
          %dma_wait3A_304 = tpu.memref_slice %arg5[%run_scoped3A_235, %dma_wait3A_303] : memref<2x512xi32, #tpu.memory_space<vmem>> -> memref<1x512xi32, #tpu.memory_space<vmem>>
          %dma_wait3A_305 = tpu.memref_squeeze %dma_wait3A_304 : memref<1x512xi32, #tpu.memory_space<vmem>> -> memref<512xi32, #tpu.memory_space<vmem>>
          %dma_wait3A_306 = arith.constant 0 : i32
          %dma_wait3A_307 = tpu.memref_slice %arg3[%add3A, %add3A_234, %dma_wait3A_306] : memref<32x10x512xi32, #tpu.memory_space<hbm>> -> memref<1x1x512xi32, #tpu.memory_space<hbm>>
          %dma_wait3A_308 = tpu.memref_squeeze %dma_wait3A_307 : memref<1x1x512xi32, #tpu.memory_space<hbm>> -> memref<512xi32, #tpu.memory_space<hbm>>
          tpu.wait_dma2 semaphore(%run_scoped3A_284 : memref<!tpu.dma_semaphore, #tpu.memory_space<semaphore_mem>>) src(%dma_wait3A_308 : memref<512xi32, #tpu.memory_space<hbm>>) dst(%dma_wait3A_305 : memref<512xi32, #tpu.memory_space<vmem>>)
          tpu.yield
        }) : () -> ()
        %dma_start3A_236 = arith.constant 0 : i32
        %dma_start3A_237 = arith.constant 0 : i32
        %dma_start3A_238 = arith.constant 0 : i32
        %dma_start3A_239 = arith.constant 0 : i32
        %dma_start3A_240 = tpu.memref_slice %arg6[%dma_start3A_237, %dma_start3A_238, %dma_start3A_239] : memref<2x512x32xf32, #tpu.memory_space<vmem>> -> memref<1x128x32xf32, #tpu.memory_space<vmem>>
        %dma_start3A_241 = tpu.memref_squeeze %dma_start3A_240 : memref<1x128x32xf32, #tpu.memory_space<vmem>> -> memref<128x32xf32, #tpu.memory_space<vmem>>
        %dma_start3A_242 = arith.constant 0 : i32
        %dma_start3A_243 = tpu.memref_slice %arg5[%dma_start3A_236, %dma_start3A_242] : memref<2x512xi32, #tpu.memory_space<vmem>> -> memref<1x128xi32, #tpu.memory_space<vmem>>
        %dma_start3A_244 = tpu.memref_squeeze %dma_start3A_243 : memref<1x128xi32, #tpu.memory_space<vmem>> -> memref<128xi32, #tpu.memory_space<vmem>>
        %dma_start3A_245 = arith.constant 0 : i32
        %dma_start3A_246 = arith.constant 0 : i32
        %dma_start3A_247 = tpu.memref_slice %arg2[%dma_start3A_245, %dma_start3A_246] : memref<1015808x32xf32, #tpu.memory_space<hbm>> -> memref<1015808x32xf32, #tpu.memory_space<hbm>>
        tpu.enqueue_indirect_dma source(%dma_start3A_247 : memref<1015808x32xf32, #tpu.memory_space<hbm>>) target(%dma_start3A_241 : memref<128x32xf32, #tpu.memory_space<vmem>>) offsets(%dma_start3A_244 : memref<128xi32, #tpu.memory_space<vmem>>) semaphore(%arg7 : memref<!tpu.dma_semaphore, #tpu.memory_space<semaphore_mem>>)
        %dma_start3A_248 = arith.constant 0 : i32
        %dma_start3A_249 = arith.constant 0 : i32
        %dma_start3A_250 = arith.constant 128 : i32
        %dma_start3A_251 = arith.constant 0 : i32
        %dma_start3A_252 = tpu.memref_slice %arg6[%dma_start3A_249, %dma_start3A_250, %dma_start3A_251] : memref<2x512x32xf32, #tpu.memory_space<vmem>> -> memref<1x128x32xf32, #tpu.memory_space<vmem>>
        %dma_start3A_253 = tpu.memref_squeeze %dma_start3A_252 : memref<1x128x32xf32, #tpu.memory_space<vmem>> -> memref<128x32xf32, #tpu.memory_space<vmem>>
        %dma_start3A_254 = arith.constant 128 : i32
        %dma_start3A_255 = tpu.memref_slice %arg5[%dma_start3A_248, %dma_start3A_254] : memref<2x512xi32, #tpu.memory_space<vmem>> -> memref<1x128xi32, #tpu.memory_space<vmem>>
        %dma_start3A_256 = tpu.memref_squeeze %dma_start3A_255 : memref<1x128xi32, #tpu.memory_space<vmem>> -> memref<128xi32, #tpu.memory_space<vmem>>
        %dma_start3A_257 = arith.constant 0 : i32
        %dma_start3A_258 = arith.constant 0 : i32
        %dma_start3A_259 = tpu.memref_slice %arg2[%dma_start3A_257, %dma_start3A_258] : memref<1015808x32xf32, #tpu.memory_space<hbm>> -> memref<1015808x32xf32, #tpu.memory_space<hbm>>
        tpu.enqueue_indirect_dma source(%dma_start3A_259 : memref<1015808x32xf32, #tpu.memory_space<hbm>>) target(%dma_start3A_253 : memref<128x32xf32, #tpu.memory_space<vmem>>) offsets(%dma_start3A_256 : memref<128xi32, #tpu.memory_space<vmem>>) semaphore(%arg7 : memref<!tpu.dma_semaphore, #tpu.memory_space<semaphore_mem>>)
        %dma_start3A_260 = arith.constant 0 : i32
        %dma_start3A_261 = arith.constant 0 : i32
        %dma_start3A_262 = arith.constant 256 : i32
        %dma_start3A_263 = arith.constant 0 : i32
        %dma_start3A_264 = tpu.memref_slice %arg6[%dma_start3A_261, %dma_start3A_262, %dma_start3A_263] : memref<2x512x32xf32, #tpu.memory_space<vmem>> -> memref<1x128x32xf32, #tpu.memory_space<vmem>>
        %dma_start3A_265 = tpu.memref_squeeze %dma_start3A_264 : memref<1x128x32xf32, #tpu.memory_space<vmem>> -> memref<128x32xf32, #tpu.memory_space<vmem>>
        %dma_start3A_266 = arith.constant 256 : i32
        %dma_start3A_267 = tpu.memref_slice %arg5[%dma_start3A_260, %dma_start3A_266] : memref<2x512xi32, #tpu.memory_space<vmem>> -> memref<1x128xi32, #tpu.memory_space<vmem>>
        %dma_start3A_268 = tpu.memref_squeeze %dma_start3A_267 : memref<1x128xi32, #tpu.memory_space<vmem>> -> memref<128xi32, #tpu.memory_space<vmem>>
        %dma_start3A_269 = arith.constant 0 : i32
        %dma_start3A_270 = arith.constant 0 : i32
        %dma_start3A_271 = tpu.memref_slice %arg2[%dma_start3A_269, %dma_start3A_270] : memref<1015808x32xf32, #tpu.memory_space<hbm>> -> memref<1015808x32xf32, #tpu.memory_space<hbm>>
        tpu.enqueue_indirect_dma source(%dma_start3A_271 : memref<1015808x32xf32, #tpu.memory_space<hbm>>) target(%dma_start3A_265 : memref<128x32xf32, #tpu.memory_space<vmem>>) offsets(%dma_start3A_268 : memref<128xi32, #tpu.memory_space<vmem>>) semaphore(%arg7 : memref<!tpu.dma_semaphore, #tpu.memory_space<semaphore_mem>>)
        %dma_start3A_272 = arith.constant 0 : i32
        %dma_start3A_273 = arith.constant 0 : i32
        %dma_start3A_274 = arith.constant 384 : i32
        %dma_start3A_275 = arith.constant 0 : i32
        %dma_start3A_276 = tpu.memref_slice %arg6[%dma_start3A_273, %dma_start3A_274, %dma_start3A_275] : memref<2x512x32xf32, #tpu.memory_space<vmem>> -> memref<1x128x32xf32, #tpu.memory_space<vmem>>
        %dma_start3A_277 = tpu.memref_squeeze %dma_start3A_276 : memref<1x128x32xf32, #tpu.memory_space<vmem>> -> memref<128x32xf32, #tpu.memory_space<vmem>>
        %dma_start3A_278 = arith.constant 384 : i32
        %dma_start3A_279 = tpu.memref_slice %arg5[%dma_start3A_272, %dma_start3A_278] : memref<2x512xi32, #tpu.memory_space<vmem>> -> memref<1x128xi32, #tpu.memory_space<vmem>>
        %dma_start3A_280 = tpu.memref_squeeze %dma_start3A_279 : memref<1x128xi32, #tpu.memory_space<vmem>> -> memref<128xi32, #tpu.memory_space<vmem>>
        %dma_start3A_281 = arith.constant 0 : i32
        %dma_start3A_282 = arith.constant 0 : i32
        %dma_start3A_283 = tpu.memref_slice %arg2[%dma_start3A_281, %dma_start3A_282] : memref<1015808x32xf32, #tpu.memory_space<hbm>> -> memref<1015808x32xf32, #tpu.memory_space<hbm>>
        tpu.enqueue_indirect_dma source(%dma_start3A_283 : memref<1015808x32xf32, #tpu.memory_space<hbm>>) target(%dma_start3A_277 : memref<128x32xf32, #tpu.memory_space<vmem>>) offsets(%dma_start3A_280 : memref<128xi32, #tpu.memory_space<vmem>>) semaphore(%arg7 : memref<!tpu.dma_semaphore, #tpu.memory_space<semaphore_mem>>)
      } else {
      }
      %dma_wait3A_172 = arith.constant 1 : i32
      %dma_wait3A_173 = arith.constant 1 : i32
      %dma_wait3A_174 = arith.constant 0 : i32
      %dma_wait3A_175 = arith.constant 0 : i32
      %dma_wait3A_176 = tpu.memref_slice %arg6[%dma_wait3A_173, %dma_wait3A_174, %dma_wait3A_175] : memref<2x512x32xf32, #tpu.memory_space<vmem>> -> memref<1x128x32xf32, #tpu.memory_space<vmem>>
      %dma_wait3A_177 = tpu.memref_squeeze %dma_wait3A_176 : memref<1x128x32xf32, #tpu.memory_space<vmem>> -> memref<128x32xf32, #tpu.memory_space<vmem>>
      %dma_wait3A_178 = arith.constant 0 : i32
      %dma_wait3A_179 = tpu.memref_slice %arg5[%dma_wait3A_172, %dma_wait3A_178] : memref<2x512xi32, #tpu.memory_space<vmem>> -> memref<1x128xi32, #tpu.memory_space<vmem>>
      %dma_wait3A_180 = tpu.memref_squeeze %dma_wait3A_179 : memref<1x128xi32, #tpu.memory_space<vmem>> -> memref<128xi32, #tpu.memory_space<vmem>>
      %dma_wait3A_181 = arith.constant 0 : i32
      %dma_wait3A_182 = arith.constant 0 : i32
      %dma_wait3A_183 = tpu.memref_slice %arg2[%dma_wait3A_181, %dma_wait3A_182] : memref<1015808x32xf32, #tpu.memory_space<hbm>> -> memref<1015808x32xf32, #tpu.memory_space<hbm>>
      tpu.wait_indirect_dma semaphore(%arg8 : memref<!tpu.dma_semaphore, #tpu.memory_space<semaphore_mem>>) src(%dma_wait3A_183 : memref<1015808x32xf32, #tpu.memory_space<hbm>>) dst(%dma_wait3A_177 : memref<128x32xf32, #tpu.memory_space<vmem>>)
      %dma_wait3A_184 = arith.constant 1 : i32
      %dma_wait3A_185 = arith.constant 1 : i32
      %dma_wait3A_186 = arith.constant 128 : i32
      %dma_wait3A_187 = arith.constant 0 : i32
      %dma_wait3A_188 = tpu.memref_slice %arg6[%dma_wait3A_185, %dma_wait3A_186, %dma_wait3A_187] : memref<2x512x32xf32, #tpu.memory_space<vmem>> -> memref<1x128x32xf32, #tpu.memory_space<vmem>>
      %dma_wait3A_189 = tpu.memref_squeeze %dma_wait3A_188 : memref<1x128x32xf32, #tpu.memory_space<vmem>> -> memref<128x32xf32, #tpu.memory_space<vmem>>
      %dma_wait3A_190 = arith.constant 128 : i32
      %dma_wait3A_191 = tpu.memref_slice %arg5[%dma_wait3A_184, %dma_wait3A_190] : memref<2x512xi32, #tpu.memory_space<vmem>> -> memref<1x128xi32, #tpu.memory_space<vmem>>
      %dma_wait3A_192 = tpu.memref_squeeze %dma_wait3A_191 : memref<1x128xi32, #tpu.memory_space<vmem>> -> memref<128xi32, #tpu.memory_space<vmem>>
      %dma_wait3A_193 = arith.constant 0 : i32
      %dma_wait3A_194 = arith.constant 0 : i32
      %dma_wait3A_195 = tpu.memref_slice %arg2[%dma_wait3A_193, %dma_wait3A_194] : memref<1015808x32xf32, #tpu.memory_space<hbm>> -> memref<1015808x32xf32, #tpu.memory_space<hbm>>
      tpu.wait_indirect_dma semaphore(%arg8 : memref<!tpu.dma_semaphore, #tpu.memory_space<semaphore_mem>>) src(%dma_wait3A_195 : memref<1015808x32xf32, #tpu.memory_space<hbm>>) dst(%dma_wait3A_189 : memref<128x32xf32, #tpu.memory_space<vmem>>)
      %dma_wait3A_196 = arith.constant 1 : i32
      %dma_wait3A_197 = arith.constant 1 : i32
      %dma_wait3A_198 = arith.constant 256 : i32
      %dma_wait3A_199 = arith.constant 0 : i32
      %dma_wait3A_200 = tpu.memref_slice %arg6[%dma_wait3A_197, %dma_wait3A_198, %dma_wait3A_199] : memref<2x512x32xf32, #tpu.memory_space<vmem>> -> memref<1x128x32xf32, #tpu.memory_space<vmem>>
      %dma_wait3A_201 = tpu.memref_squeeze %dma_wait3A_200 : memref<1x128x32xf32, #tpu.memory_space<vmem>> -> memref<128x32xf32, #tpu.memory_space<vmem>>
      %dma_wait3A_202 = arith.constant 256 : i32
      %dma_wait3A_203 = tpu.memref_slice %arg5[%dma_wait3A_196, %dma_wait3A_202] : memref<2x512xi32, #tpu.memory_space<vmem>> -> memref<1x128xi32, #tpu.memory_space<vmem>>
      %dma_wait3A_204 = tpu.memref_squeeze %dma_wait3A_203 : memref<1x128xi32, #tpu.memory_space<vmem>> -> memref<128xi32, #tpu.memory_space<vmem>>
      %dma_wait3A_205 = arith.constant 0 : i32
      %dma_wait3A_206 = arith.constant 0 : i32
      %dma_wait3A_207 = tpu.memref_slice %arg2[%dma_wait3A_205, %dma_wait3A_206] : memref<1015808x32xf32, #tpu.memory_space<hbm>> -> memref<1015808x32xf32, #tpu.memory_space<hbm>>
      tpu.wait_indirect_dma semaphore(%arg8 : memref<!tpu.dma_semaphore, #tpu.memory_space<semaphore_mem>>) src(%dma_wait3A_207 : memref<1015808x32xf32, #tpu.memory_space<hbm>>) dst(%dma_wait3A_201 : memref<128x32xf32, #tpu.memory_space<vmem>>)
      %dma_wait3A_208 = arith.constant 1 : i32
      %dma_wait3A_209 = arith.constant 1 : i32
      %dma_wait3A_210 = arith.constant 384 : i32
      %dma_wait3A_211 = arith.constant 0 : i32
      %dma_wait3A_212 = tpu.memref_slice %arg6[%dma_wait3A_209, %dma_wait3A_210, %dma_wait3A_211] : memref<2x512x32xf32, #tpu.memory_space<vmem>> -> memref<1x128x32xf32, #tpu.memory_space<vmem>>
      %dma_wait3A_213 = tpu.memref_squeeze %dma_wait3A_212 : memref<1x128x32xf32, #tpu.memory_space<vmem>> -> memref<128x32xf32, #tpu.memory_space<vmem>>
      %dma_wait3A_214 = arith.constant 384 : i32
      %dma_wait3A_215 = tpu.memref_slice %arg5[%dma_wait3A_208, %dma_wait3A_214] : memref<2x512xi32, #tpu.memory_space<vmem>> -> memref<1x128xi32, #tpu.memory_space<vmem>>
      %dma_wait3A_216 = tpu.memref_squeeze %dma_wait3A_215 : memref<1x128xi32, #tpu.memory_space<vmem>> -> memref<128xi32, #tpu.memory_space<vmem>>
      %dma_wait3A_217 = arith.constant 0 : i32
      %dma_wait3A_218 = arith.constant 0 : i32
      %dma_wait3A_219 = tpu.memref_slice %arg2[%dma_wait3A_217, %dma_wait3A_218] : memref<1015808x32xf32, #tpu.memory_space<hbm>> -> memref<1015808x32xf32, #tpu.memory_space<hbm>>
      tpu.wait_indirect_dma semaphore(%arg8 : memref<!tpu.dma_semaphore, #tpu.memory_space<semaphore_mem>>) src(%dma_wait3A_219 : memref<1015808x32xf32, #tpu.memory_space<hbm>>) dst(%dma_wait3A_213 : memref<128x32xf32, #tpu.memory_space<vmem>>)
      %mul3A_220 = arith.constant 512 : i32
      %mul3A_221 = arith.muli %add3A_62, %mul3A_220 : i32
      %add3A_222 = arith.addi %mul3A_2, %mul3A_221 : i32
      %shift_right_arithmetic3A_223 = arith.constant 14 : i32
      %shift_right_arithmetic3A_224 = arith.shrsi %add3A_222, %shift_right_arithmetic3A_223 : i32
      %and3A_225 = arith.constant 16383 : i32
      %and3A_226 = arith.andi %add3A_222, %and3A_225 : i32
      %shift_right_arithmetic3A_227 = arith.constant 12 : i32
      %shift_right_arithmetic3A_228 = arith.shrsi %and3A_226, %shift_right_arithmetic3A_227 : i32
      %and3A_229 = arith.constant 4095 : i32
      %and3A_230 = arith.andi %and3A_226, %and3A_229 : i32
      %run_scoped3A_231 = arith.constant 1 : i32
      "tpu.region"() ({
        %run_scoped3A_233 = tpu.sem_alloc : memref<!tpu.dma_semaphore, #tpu.memory_space<semaphore_mem>>
        %dma_start3A_234 = arith.constant 0 : i32
        %dma_start3A_235 = arith.constant 0 : i32
        %dma_start3A_236 = tpu.memref_slice %arg6[%run_scoped3A_231, %dma_start3A_234, %dma_start3A_235] : memref<2x512x32xf32, #tpu.memory_space<vmem>> -> memref<1x512x32xf32, #tpu.memory_space<vmem>>
        %dma_start3A_237 = tpu.memref_squeeze %dma_start3A_236 : memref<1x512x32xf32, #tpu.memory_space<vmem>> -> memref<512x32xf32, #tpu.memory_space<vmem>>
        %dma_start3A_238 = arith.constant 0 : i32
        %dma_start3A_239 = tpu.memref_slice %arg4[%shift_right_arithmetic3A_224, %and3A_230, %shift_right_arithmetic3A_228, %dma_start3A_238] : memref<10x4096x4x32xf32, #tpu.memory_space<hbm>> -> memref<1x512x1x32xf32, #tpu.memory_space<hbm>>
        %dma_start3A_240 = tpu.memref_squeeze %dma_start3A_239 : memref<1x512x1x32xf32, #tpu.memory_space<hbm>> -> memref<512x32xf32, #tpu.memory_space<hbm>>
        %dma_start3A_241 = arith.constant 0 : i32
        %dma_start3A_242 = tpu.memref_slice %arg4[%shift_right_arithmetic3A_224, %and3A_230, %shift_right_arithmetic3A_228, %dma_start3A_241] : memref<10x4096x4x32xf32, #tpu.memory_space<hbm>> -> memref<1x512x1x32xf32, #tpu.memory_space<hbm>>
        %dma_start3A_243 = tpu.memref_squeeze %dma_start3A_242 : memref<1x512x1x32xf32, #tpu.memory_space<hbm>> -> memref<512x32xf32, #tpu.memory_space<hbm>>
        %dma_start3A_244 = arith.constant 0 : i32
        %dma_start3A_245 = arith.constant 0 : i32
        %dma_start3A_246 = tpu.memref_slice %arg6[%run_scoped3A_231, %dma_start3A_244, %dma_start3A_245] : memref<2x512x32xf32, #tpu.memory_space<vmem>> -> memref<1x512x32xf32, #tpu.memory_space<vmem>>
        %dma_start3A_247 = tpu.memref_squeeze %dma_start3A_246 : memref<1x512x32xf32, #tpu.memory_space<vmem>> -> memref<512x32xf32, #tpu.memory_space<vmem>>
        tpu.enqueue_dma source(%dma_start3A_247 : memref<512x32xf32, #tpu.memory_space<vmem>>) target(%dma_start3A_243 : memref<512x32xf32, #tpu.memory_space<hbm>>) target_semaphore(%run_scoped3A_233 : memref<!tpu.dma_semaphore, #tpu.memory_space<semaphore_mem>>)
        %dma_wait3A_248 = arith.constant 0 : i32
        %dma_wait3A_249 = arith.constant 0 : i32
        %dma_wait3A_250 = tpu.memref_slice %arg6[%run_scoped3A_231, %dma_wait3A_248, %dma_wait3A_249] : memref<2x512x32xf32, #tpu.memory_space<vmem>> -> memref<1x512x32xf32, #tpu.memory_space<vmem>>
        %dma_wait3A_251 = tpu.memref_squeeze %dma_wait3A_250 : memref<1x512x32xf32, #tpu.memory_space<vmem>> -> memref<512x32xf32, #tpu.memory_space<vmem>>
        %dma_wait3A_252 = arith.constant 0 : i32
        %dma_wait3A_253 = tpu.memref_slice %arg4[%shift_right_arithmetic3A_224, %and3A_230, %shift_right_arithmetic3A_228, %dma_wait3A_252] : memref<10x4096x4x32xf32, #tpu.memory_space<hbm>> -> memref<1x512x1x32xf32, #tpu.memory_space<hbm>>
        %dma_wait3A_254 = tpu.memref_squeeze %dma_wait3A_253 : memref<1x512x1x32xf32, #tpu.memory_space<hbm>> -> memref<512x32xf32, #tpu.memory_space<hbm>>
        %dma_wait3A_255 = arith.constant 0 : i32
        %dma_wait3A_256 = tpu.memref_slice %arg4[%shift_right_arithmetic3A_224, %and3A_230, %shift_right_arithmetic3A_228, %dma_wait3A_255] : memref<10x4096x4x32xf32, #tpu.memory_space<hbm>> -> memref<1x512x1x32xf32, #tpu.memory_space<hbm>>
        %dma_wait3A_257 = tpu.memref_squeeze %dma_wait3A_256 : memref<1x512x1x32xf32, #tpu.memory_space<hbm>> -> memref<512x32xf32, #tpu.memory_space<hbm>>
        %dma_wait3A_258 = arith.constant 0 : i32
        %dma_wait3A_259 = arith.constant 0 : i32
        %dma_wait3A_260 = tpu.memref_slice %arg6[%run_scoped3A_231, %dma_wait3A_258, %dma_wait3A_259] : memref<2x512x32xf32, #tpu.memory_space<vmem>> -> memref<1x512x32xf32, #tpu.memory_space<vmem>>
        %dma_wait3A_261 = tpu.memref_squeeze %dma_wait3A_260 : memref<1x512x32xf32, #tpu.memory_space<vmem>> -> memref<512x32xf32, #tpu.memory_space<vmem>>
        tpu.wait_dma2 semaphore(%run_scoped3A_233 : memref<!tpu.dma_semaphore, #tpu.memory_space<semaphore_mem>>) src(%dma_wait3A_261 : memref<512x32xf32, #tpu.memory_space<vmem>>) dst(%dma_wait3A_257 : memref<512x32xf32, #tpu.memory_space<hbm>>)
        tpu.yield
      }) : () -> ()
      %scan3A_232 = arith.constant 0 : i32
      scf.yield %scan3A_232 : i32
    }
    %scan3A_56 = arith.constant 5 : i32
    return
  }
}

module attributes {stable_mosaic.version = 14 : i64} {
  func.func @_tc0_body(%arg0: i32, %arg1: memref<32x16384xf32, #tpu.memory_space<vmem>>, %arg2: memref<4096x128xf32, #tpu.memory_space<vmem>>, %arg3: memref<128x4096xf32, #tpu.memory_space<vmem>>) attributes {dimension_semantics = [#tpu.dimension_semantics<arbitrary>], iteration_bounds = array<i64: 62>, scalar_prefetch = 0 : i64, scratch_operands = 1 : i64, tpu.core_type = #tpu.core_type<tc>, window_params = [{transform_indices = @transform_0, window_bounds = array<i64: 32, 16384>}, {transform_indices = @transform_1, window_bounds = array<i64: 4096, 128>}]} {
    %get3A = arith.constant 0 : index
    %get3A_0 = arith.constant 0 : index
    %get3A_1 = vector.load %arg1[%get3A, %get3A_0] : memref<32x16384xf32, #tpu.memory_space<vmem>>, vector<32x16384xf32>
    %slice3A = vector.extract_strided_slice %get3A_1 {offsets = [0, 0], sizes = [32, 4096], strides = [1, 1]} : vector<32x16384xf32> to vector<32x4096xf32>
    %swap3A = arith.constant 0 : index
    %swap3A_2 = arith.constant 0 : index
    %swap3A_3 = vector.load %arg3[%swap3A, %swap3A_2] : memref<128x4096xf32, #tpu.memory_space<vmem>>, vector<32x4096xf32>
    tpu.vector_store %arg3[%swap3A, %swap3A_2], %slice3A {strides = array<i32>} : memref<128x4096xf32, #tpu.memory_space<vmem>>, vector<32x4096xf32>,
    %slice3A_4 = vector.extract_strided_slice %get3A_1 {offsets = [0, 4096], sizes = [32, 4096], strides = [1, 1]} : vector<32x16384xf32> to vector<32x4096xf32>
    %swap3A_5 = arith.constant 32 : index
    %swap3A_6 = arith.constant 0 : index
    %swap3A_7 = vector.load %arg3[%swap3A_5, %swap3A_6] : memref<128x4096xf32, #tpu.memory_space<vmem>>, vector<32x4096xf32>
    tpu.vector_store %arg3[%swap3A_5, %swap3A_6], %slice3A_4 {strides = array<i32>} : memref<128x4096xf32, #tpu.memory_space<vmem>>, vector<32x4096xf32>,
    %slice3A_8 = vector.extract_strided_slice %get3A_1 {offsets = [0, 8192], sizes = [32, 4096], strides = [1, 1]} : vector<32x16384xf32> to vector<32x4096xf32>
    %swap3A_9 = arith.constant 64 : index
    %swap3A_10 = arith.constant 0 : index
    %swap3A_11 = vector.load %arg3[%swap3A_9, %swap3A_10] : memref<128x4096xf32, #tpu.memory_space<vmem>>, vector<32x4096xf32>
    tpu.vector_store %arg3[%swap3A_9, %swap3A_10], %slice3A_8 {strides = array<i32>} : memref<128x4096xf32, #tpu.memory_space<vmem>>, vector<32x4096xf32>,
    %slice3A_12 = vector.extract_strided_slice %get3A_1 {offsets = [0, 12288], sizes = [32, 4096], strides = [1, 1]} : vector<32x16384xf32> to vector<32x4096xf32>
    %swap3A_13 = arith.constant 96 : index
    %swap3A_14 = arith.constant 0 : index
    %swap3A_15 = vector.load %arg3[%swap3A_13, %swap3A_14] : memref<128x4096xf32, #tpu.memory_space<vmem>>, vector<32x4096xf32>
    tpu.vector_store %arg3[%swap3A_13, %swap3A_14], %slice3A_12 {strides = array<i32>} : memref<128x4096xf32, #tpu.memory_space<vmem>>, vector<32x4096xf32>,
    %get3A_16 = arith.constant 0 : index
    %get3A_17 = arith.constant 0 : index
    %get3A_18 = vector.load %arg3[%get3A_16, %get3A_17] : memref<128x4096xf32, #tpu.memory_space<vmem>>, vector<128x4096xf32>
    %transpose3A = tpu.transpose %get3A_18, [1, 0] : vector<128x4096xf32> -> vector<4096x128xf32>
    %swap3A_19 = arith.constant 0 : index
    %swap3A_20 = arith.constant 0 : index
    %swap3A_21 = vector.load %arg2[%swap3A_19, %swap3A_20] : memref<4096x128xf32, #tpu.memory_space<vmem>>, vector<4096x128xf32>
    tpu.vector_store %arg2[%swap3A_19, %swap3A_20], %transpose3A {strides = array<i32>} : memref<4096x128xf32, #tpu.memory_space<vmem>>, vector<4096x128xf32>,
    return
  }
  func.func @transform_0(%arg0: i32) -> (i32, i32) {
    %c0_i32 = arith.constant 0 : i32
    %c0_i32_0 = arith.constant 0 : i32
    return %c0_i32, %arg0 : i32, i32
  }
  func.func @transform_1(%arg0: i32) -> (i32, i32) {
    %c0_i32 = arith.constant 0 : i32
    %c0_i32_0 = arith.constant 0 : i32
    return %arg0, %c0_i32 : i32, i32
  }
}

module attributes {stable_mosaic.version = 14 : i64} {
  func.func @body(%arg0: i32, %arg1: i32, %arg2: memref<4096x128xf32, #tpu.memory_space<vmem>>, %arg3: memref<1x32x16384xf32, #tpu.memory_space<vmem>>) attributes {dimension_semantics = [#tpu.dimension_semantics<arbitrary>, #tpu.dimension_semantics<arbitrary>], iteration_bounds = array<i64: 10, 1>, scalar_prefetch = 0 : i64, scratch_operands = 0 : i64, tpu.core_type = #tpu.core_type<tc>, window_params = [{transform_indices = @transform_0, window_bounds = array<i64: 4096, 128>}, {transform_indices = @transform_1, window_bounds = array<i64: 1, 32, 16384>}]} {
    %get3A = arith.constant 0 : index
    %get3A_0 = arith.constant 0 : index
    %get3A_1 = vector.load %arg2[%get3A, %get3A_0] : memref<4096x128xf32, #tpu.memory_space<vmem>>, vector<4096x128xf32>
    %tanh3A = math.tanh %get3A_1 : vector<4096x128xf32>
    %transpose3A = tpu.transpose %tanh3A, [1, 0] : vector<4096x128xf32> -> vector<128x4096xf32>
    %slice3A = vector.extract_strided_slice %transpose3A {offsets = [0, 0], sizes = [32, 4096], strides = [1, 1]} : vector<128x4096xf32> to vector<32x4096xf32>
    %swap3A = arith.constant 0 : index
    %swap3A_2 = arith.constant 0 : index
    %swap3A_3 = arith.constant 0 : index
    %swap3A_4 = vector.load %arg3[%swap3A, %swap3A_2, %swap3A_3] : memref<1x32x16384xf32, #tpu.memory_space<vmem>>, vector<1x32x4096xf32>
    %swap3A_5 = vector.shape_cast %swap3A_4 : vector<1x32x4096xf32> to vector<32x4096xf32>
    %swap3A_6 = vector.shape_cast %slice3A : vector<32x4096xf32> to vector<1x32x4096xf32>
    tpu.vector_store %arg3[%swap3A, %swap3A_2, %swap3A_3], %swap3A_6 {strides = array<i32>} : memref<1x32x16384xf32, #tpu.memory_space<vmem>>, vector<1x32x4096xf32>,
    %slice3A_7 = vector.extract_strided_slice %transpose3A {offsets = [32, 0], sizes = [32, 4096], strides = [1, 1]} : vector<128x4096xf32> to vector<32x4096xf32>
    %swap3A_8 = arith.constant 0 : index
    %swap3A_9 = arith.constant 0 : index
    %swap3A_10 = arith.constant 4096 : index
    %swap3A_11 = vector.load %arg3[%swap3A_8, %swap3A_9, %swap3A_10] : memref<1x32x16384xf32, #tpu.memory_space<vmem>>, vector<1x32x4096xf32>
    %swap3A_12 = vector.shape_cast %swap3A_11 : vector<1x32x4096xf32> to vector<32x4096xf32>
    %swap3A_13 = vector.shape_cast %slice3A_7 : vector<32x4096xf32> to vector<1x32x4096xf32>
    tpu.vector_store %arg3[%swap3A_8, %swap3A_9, %swap3A_10], %swap3A_13 {strides = array<i32>} : memref<1x32x16384xf32, #tpu.memory_space<vmem>>, vector<1x32x4096xf32>,
    %slice3A_14 = vector.extract_strided_slice %transpose3A {offsets = [64, 0], sizes = [32, 4096], strides = [1, 1]} : vector<128x4096xf32> to vector<32x4096xf32>
    %swap3A_15 = arith.constant 0 : index
    %swap3A_16 = arith.constant 0 : index
    %swap3A_17 = arith.constant 8192 : index
    %swap3A_18 = vector.load %arg3[%swap3A_15, %swap3A_16, %swap3A_17] : memref<1x32x16384xf32, #tpu.memory_space<vmem>>, vector<1x32x4096xf32>
    %swap3A_19 = vector.shape_cast %swap3A_18 : vector<1x32x4096xf32> to vector<32x4096xf32>
    %swap3A_20 = vector.shape_cast %slice3A_14 : vector<32x4096xf32> to vector<1x32x4096xf32>
    tpu.vector_store %arg3[%swap3A_15, %swap3A_16, %swap3A_17], %swap3A_20 {strides = array<i32>} : memref<1x32x16384xf32, #tpu.memory_space<vmem>>, vector<1x32x4096xf32>,
    %slice3A_21 = vector.extract_strided_slice %transpose3A {offsets = [96, 0], sizes = [32, 4096], strides = [1, 1]} : vector<128x4096xf32> to vector<32x4096xf32>
    %swap3A_22 = arith.constant 0 : index
    %swap3A_23 = arith.constant 0 : index
    %swap3A_24 = arith.constant 12288 : index
    %swap3A_25 = vector.load %arg3[%swap3A_22, %swap3A_23, %swap3A_24] : memref<1x32x16384xf32, #tpu.memory_space<vmem>>, vector<1x32x4096xf32>
    %swap3A_26 = vector.shape_cast %swap3A_25 : vector<1x32x4096xf32> to vector<32x4096xf32>
    %swap3A_27 = vector.shape_cast %slice3A_21 : vector<32x4096xf32> to vector<1x32x4096xf32>
    tpu.vector_store %arg3[%swap3A_22, %swap3A_23, %swap3A_24], %swap3A_27 {strides = array<i32>} : memref<1x32x16384xf32, #tpu.memory_space<vmem>>, vector<1x32x4096xf32>,
    return
  }
  func.func @transform_0(%arg0: i32, %arg1: i32) -> (i32, i32) {
    %mul3A = arith.constant 1 : i32
    %mul3A_0 = arith.muli %arg0, %mul3A : i32
    %add3A = arith.addi %mul3A_0, %arg1 : i32
    %c0_i32 = arith.constant 0 : i32
    %c0_i32_1 = arith.constant 0 : i32
    return %add3A, %c0_i32 : i32, i32
  }
  func.func @transform_1(%arg0: i32, %arg1: i32) -> (i32, i32, i32) {
    %add3A = arith.constant 0 : i32
    %add3A_0 = arith.addi %arg0, %add3A : i32
    %c0_i32 = arith.constant 0 : i32
    %c0_i32_1 = arith.constant 0 : i32
    return %add3A_0, %c0_i32, %arg1 : i32, i32, i32
  }
}

module attributes {stable_mosaic.version = 14 : i64} {
  func.func @body(%arg0: i32, %arg1: i32, %arg2: memref<4096x128xf32, #tpu.memory_space<vmem>>, %arg3: memref<50x32x16384xf32, #tpu.memory_space<any>>, %arg4: memref<1x32x16384xf32, #tpu.memory_space<vmem>>) attributes {dimension_semantics = [#tpu.dimension_semantics<arbitrary>, #tpu.dimension_semantics<arbitrary>], iteration_bounds = array<i64: 10, 1>, scalar_prefetch = 0 : i64, scratch_operands = 0 : i64, tpu.core_type = #tpu.core_type<tc>, window_params = [{transform_indices = @transform_0, window_bounds = array<i64: 4096, 128>}, {}, {transform_indices = @transform_2, window_bounds = array<i64: 1, 32, 16384>}]} {
    %get3A = arith.constant 0 : index
    %get3A_0 = arith.constant 0 : index
    %get3A_1 = vector.load %arg2[%get3A, %get3A_0] : memref<4096x128xf32, #tpu.memory_space<vmem>>, vector<4096x128xf32>
    %tanh3A = math.tanh %get3A_1 : vector<4096x128xf32>
    %transpose3A = tpu.transpose %tanh3A, [1, 0] : vector<4096x128xf32> -> vector<128x4096xf32>
    %slice3A = vector.extract_strided_slice %transpose3A {offsets = [0, 0], sizes = [32, 4096], strides = [1, 1]} : vector<128x4096xf32> to vector<32x4096xf32>
    %swap3A = arith.constant 0 : index
    %swap3A_2 = arith.constant 0 : index
    %swap3A_3 = arith.constant 0 : index
    %swap3A_4 = vector.load %arg4[%swap3A, %swap3A_2, %swap3A_3] : memref<1x32x16384xf32, #tpu.memory_space<vmem>>, vector<1x32x4096xf32>
    %swap3A_5 = vector.shape_cast %swap3A_4 : vector<1x32x4096xf32> to vector<32x4096xf32>
    %swap3A_6 = vector.shape_cast %slice3A : vector<32x4096xf32> to vector<1x32x4096xf32>
    tpu.vector_store %arg4[%swap3A, %swap3A_2, %swap3A_3], %swap3A_6 {strides = array<i32>} : memref<1x32x16384xf32, #tpu.memory_space<vmem>>, vector<1x32x4096xf32>,
    %slice3A_7 = vector.extract_strided_slice %transpose3A {offsets = [32, 0], sizes = [32, 4096], strides = [1, 1]} : vector<128x4096xf32> to vector<32x4096xf32>
    %swap3A_8 = arith.constant 0 : index
    %swap3A_9 = arith.constant 0 : index
    %swap3A_10 = arith.constant 4096 : index
    %swap3A_11 = vector.load %arg4[%swap3A_8, %swap3A_9, %swap3A_10] : memref<1x32x16384xf32, #tpu.memory_space<vmem>>, vector<1x32x4096xf32>
    %swap3A_12 = vector.shape_cast %swap3A_11 : vector<1x32x4096xf32> to vector<32x4096xf32>
    %swap3A_13 = vector.shape_cast %slice3A_7 : vector<32x4096xf32> to vector<1x32x4096xf32>
    tpu.vector_store %arg4[%swap3A_8, %swap3A_9, %swap3A_10], %swap3A_13 {strides = array<i32>} : memref<1x32x16384xf32, #tpu.memory_space<vmem>>, vector<1x32x4096xf32>,
    %slice3A_14 = vector.extract_strided_slice %transpose3A {offsets = [64, 0], sizes = [32, 4096], strides = [1, 1]} : vector<128x4096xf32> to vector<32x4096xf32>
    %swap3A_15 = arith.constant 0 : index
    %swap3A_16 = arith.constant 0 : index
    %swap3A_17 = arith.constant 8192 : index
    %swap3A_18 = vector.load %arg4[%swap3A_15, %swap3A_16, %swap3A_17] : memref<1x32x16384xf32, #tpu.memory_space<vmem>>, vector<1x32x4096xf32>
    %swap3A_19 = vector.shape_cast %swap3A_18 : vector<1x32x4096xf32> to vector<32x4096xf32>
    %swap3A_20 = vector.shape_cast %slice3A_14 : vector<32x4096xf32> to vector<1x32x4096xf32>
    tpu.vector_store %arg4[%swap3A_15, %swap3A_16, %swap3A_17], %swap3A_20 {strides = array<i32>} : memref<1x32x16384xf32, #tpu.memory_space<vmem>>, vector<1x32x4096xf32>,
    %slice3A_21 = vector.extract_strided_slice %transpose3A {offsets = [96, 0], sizes = [32, 4096], strides = [1, 1]} : vector<128x4096xf32> to vector<32x4096xf32>
    %swap3A_22 = arith.constant 0 : index
    %swap3A_23 = arith.constant 0 : index
    %swap3A_24 = arith.constant 12288 : index
    %swap3A_25 = vector.load %arg4[%swap3A_22, %swap3A_23, %swap3A_24] : memref<1x32x16384xf32, #tpu.memory_space<vmem>>, vector<1x32x4096xf32>
    %swap3A_26 = vector.shape_cast %swap3A_25 : vector<1x32x4096xf32> to vector<32x4096xf32>
    %swap3A_27 = vector.shape_cast %slice3A_21 : vector<32x4096xf32> to vector<1x32x4096xf32>
    tpu.vector_store %arg4[%swap3A_22, %swap3A_23, %swap3A_24], %swap3A_27 {strides = array<i32>} : memref<1x32x16384xf32, #tpu.memory_space<vmem>>, vector<1x32x4096xf32>,
    return
  }
  func.func @transform_0(%arg0: i32, %arg1: i32) -> (i32, i32) {
    %mul3A = arith.constant 1 : i32
    %mul3A_0 = arith.muli %arg0, %mul3A : i32
    %add3A = arith.addi %mul3A_0, %arg1 : i32
    %c0_i32 = arith.constant 0 : i32
    %c0_i32_1 = arith.constant 0 : i32
    return %add3A, %c0_i32 : i32, i32
  }
  func.func @transform_2(%arg0: i32, %arg1: i32) -> (i32, i32, i32) {
    %add3A = arith.constant 10 : i32
    %add3A_0 = arith.addi %arg0, %add3A : i32
    %c0_i32 = arith.constant 0 : i32
    %c0_i32_1 = arith.constant 0 : i32
    return %add3A_0, %c0_i32, %arg1 : i32, i32, i32
  }
}

module attributes {stable_mosaic.version = 14 : i64} {
  func.func @body(%arg0: i32, %arg1: i32, %arg2: memref<4096x128xf32, #tpu.memory_space<vmem>>, %arg3: memref<50x32x16384xf32, #tpu.memory_space<any>>, %arg4: memref<1x32x16384xf32, #tpu.memory_space<vmem>>) attributes {dimension_semantics = [#tpu.dimension_semantics<arbitrary>, #tpu.dimension_semantics<arbitrary>], iteration_bounds = array<i64: 10, 1>, scalar_prefetch = 0 : i64, scratch_operands = 0 : i64, tpu.core_type = #tpu.core_type<tc>, window_params = [{transform_indices = @transform_0, window_bounds = array<i64: 4096, 128>}, {}, {transform_indices = @transform_2, window_bounds = array<i64: 1, 32, 16384>}]} {
    %get3A = arith.constant 0 : index
    %get3A_0 = arith.constant 0 : index
    %get3A_1 = vector.load %arg2[%get3A, %get3A_0] : memref<4096x128xf32, #tpu.memory_space<vmem>>, vector<4096x128xf32>
    %tanh3A = math.tanh %get3A_1 : vector<4096x128xf32>
    %transpose3A = tpu.transpose %tanh3A, [1, 0] : vector<4096x128xf32> -> vector<128x4096xf32>
    %slice3A = vector.extract_strided_slice %transpose3A {offsets = [0, 0], sizes = [32, 4096], strides = [1, 1]} : vector<128x4096xf32> to vector<32x4096xf32>
    %swap3A = arith.constant 0 : index
    %swap3A_2 = arith.constant 0 : index
    %swap3A_3 = arith.constant 0 : index
    %swap3A_4 = vector.load %arg4[%swap3A, %swap3A_2, %swap3A_3] : memref<1x32x16384xf32, #tpu.memory_space<vmem>>, vector<1x32x4096xf32>
    %swap3A_5 = vector.shape_cast %swap3A_4 : vector<1x32x4096xf32> to vector<32x4096xf32>
    %swap3A_6 = vector.shape_cast %slice3A : vector<32x4096xf32> to vector<1x32x4096xf32>
    tpu.vector_store %arg4[%swap3A, %swap3A_2, %swap3A_3], %swap3A_6 {strides = array<i32>} : memref<1x32x16384xf32, #tpu.memory_space<vmem>>, vector<1x32x4096xf32>,
    %slice3A_7 = vector.extract_strided_slice %transpose3A {offsets = [32, 0], sizes = [32, 4096], strides = [1, 1]} : vector<128x4096xf32> to vector<32x4096xf32>
    %swap3A_8 = arith.constant 0 : index
    %swap3A_9 = arith.constant 0 : index
    %swap3A_10 = arith.constant 4096 : index
    %swap3A_11 = vector.load %arg4[%swap3A_8, %swap3A_9, %swap3A_10] : memref<1x32x16384xf32, #tpu.memory_space<vmem>>, vector<1x32x4096xf32>
    %swap3A_12 = vector.shape_cast %swap3A_11 : vector<1x32x4096xf32> to vector<32x4096xf32>
    %swap3A_13 = vector.shape_cast %slice3A_7 : vector<32x4096xf32> to vector<1x32x4096xf32>
    tpu.vector_store %arg4[%swap3A_8, %swap3A_9, %swap3A_10], %swap3A_13 {strides = array<i32>} : memref<1x32x16384xf32, #tpu.memory_space<vmem>>, vector<1x32x4096xf32>,
    %slice3A_14 = vector.extract_strided_slice %transpose3A {offsets = [64, 0], sizes = [32, 4096], strides = [1, 1]} : vector<128x4096xf32> to vector<32x4096xf32>
    %swap3A_15 = arith.constant 0 : index
    %swap3A_16 = arith.constant 0 : index
    %swap3A_17 = arith.constant 8192 : index
    %swap3A_18 = vector.load %arg4[%swap3A_15, %swap3A_16, %swap3A_17] : memref<1x32x16384xf32, #tpu.memory_space<vmem>>, vector<1x32x4096xf32>
    %swap3A_19 = vector.shape_cast %swap3A_18 : vector<1x32x4096xf32> to vector<32x4096xf32>
    %swap3A_20 = vector.shape_cast %slice3A_14 : vector<32x4096xf32> to vector<1x32x4096xf32>
    tpu.vector_store %arg4[%swap3A_15, %swap3A_16, %swap3A_17], %swap3A_20 {strides = array<i32>} : memref<1x32x16384xf32, #tpu.memory_space<vmem>>, vector<1x32x4096xf32>,
    %slice3A_21 = vector.extract_strided_slice %transpose3A {offsets = [96, 0], sizes = [32, 4096], strides = [1, 1]} : vector<128x4096xf32> to vector<32x4096xf32>
    %swap3A_22 = arith.constant 0 : index
    %swap3A_23 = arith.constant 0 : index
    %swap3A_24 = arith.constant 12288 : index
    %swap3A_25 = vector.load %arg4[%swap3A_22, %swap3A_23, %swap3A_24] : memref<1x32x16384xf32, #tpu.memory_space<vmem>>, vector<1x32x4096xf32>
    %swap3A_26 = vector.shape_cast %swap3A_25 : vector<1x32x4096xf32> to vector<32x4096xf32>
    %swap3A_27 = vector.shape_cast %slice3A_21 : vector<32x4096xf32> to vector<1x32x4096xf32>
    tpu.vector_store %arg4[%swap3A_22, %swap3A_23, %swap3A_24], %swap3A_27 {strides = array<i32>} : memref<1x32x16384xf32, #tpu.memory_space<vmem>>, vector<1x32x4096xf32>,
    return
  }
  func.func @transform_0(%arg0: i32, %arg1: i32) -> (i32, i32) {
    %mul3A = arith.constant 1 : i32
    %mul3A_0 = arith.muli %arg0, %mul3A : i32
    %add3A = arith.addi %mul3A_0, %arg1 : i32
    %c0_i32 = arith.constant 0 : i32
    %c0_i32_1 = arith.constant 0 : i32
    return %add3A, %c0_i32 : i32, i32
  }
  func.func @transform_2(%arg0: i32, %arg1: i32) -> (i32, i32, i32) {
    %add3A = arith.constant 20 : i32
    %add3A_0 = arith.addi %arg0, %add3A : i32
    %c0_i32 = arith.constant 0 : i32
    %c0_i32_1 = arith.constant 0 : i32
    return %add3A_0, %c0_i32, %arg1 : i32, i32, i32
  }
}

module attributes {stable_mosaic.version = 14 : i64} {
  func.func @body(%arg0: i32, %arg1: i32, %arg2: memref<4096x128xf32, #tpu.memory_space<vmem>>, %arg3: memref<50x32x16384xf32, #tpu.memory_space<any>>, %arg4: memref<1x32x16384xf32, #tpu.memory_space<vmem>>) attributes {dimension_semantics = [#tpu.dimension_semantics<arbitrary>, #tpu.dimension_semantics<arbitrary>], iteration_bounds = array<i64: 10, 1>, scalar_prefetch = 0 : i64, scratch_operands = 0 : i64, tpu.core_type = #tpu.core_type<tc>, window_params = [{transform_indices = @transform_0, window_bounds = array<i64: 4096, 128>}, {}, {transform_indices = @transform_2, window_bounds = array<i64: 1, 32, 16384>}]} {
    %get3A = arith.constant 0 : index
    %get3A_0 = arith.constant 0 : index
    %get3A_1 = vector.load %arg2[%get3A, %get3A_0] : memref<4096x128xf32, #tpu.memory_space<vmem>>, vector<4096x128xf32>
    %tanh3A = math.tanh %get3A_1 : vector<4096x128xf32>
    %transpose3A = tpu.transpose %tanh3A, [1, 0] : vector<4096x128xf32> -> vector<128x4096xf32>
    %slice3A = vector.extract_strided_slice %transpose3A {offsets = [0, 0], sizes = [32, 4096], strides = [1, 1]} : vector<128x4096xf32> to vector<32x4096xf32>
    %swap3A = arith.constant 0 : index
    %swap3A_2 = arith.constant 0 : index
    %swap3A_3 = arith.constant 0 : index
    %swap3A_4 = vector.load %arg4[%swap3A, %swap3A_2, %swap3A_3] : memref<1x32x16384xf32, #tpu.memory_space<vmem>>, vector<1x32x4096xf32>
    %swap3A_5 = vector.shape_cast %swap3A_4 : vector<1x32x4096xf32> to vector<32x4096xf32>
    %swap3A_6 = vector.shape_cast %slice3A : vector<32x4096xf32> to vector<1x32x4096xf32>
    tpu.vector_store %arg4[%swap3A, %swap3A_2, %swap3A_3], %swap3A_6 {strides = array<i32>} : memref<1x32x16384xf32, #tpu.memory_space<vmem>>, vector<1x32x4096xf32>,
    %slice3A_7 = vector.extract_strided_slice %transpose3A {offsets = [32, 0], sizes = [32, 4096], strides = [1, 1]} : vector<128x4096xf32> to vector<32x4096xf32>
    %swap3A_8 = arith.constant 0 : index
    %swap3A_9 = arith.constant 0 : index
    %swap3A_10 = arith.constant 4096 : index
    %swap3A_11 = vector.load %arg4[%swap3A_8, %swap3A_9, %swap3A_10] : memref<1x32x16384xf32, #tpu.memory_space<vmem>>, vector<1x32x4096xf32>
    %swap3A_12 = vector.shape_cast %swap3A_11 : vector<1x32x4096xf32> to vector<32x4096xf32>
    %swap3A_13 = vector.shape_cast %slice3A_7 : vector<32x4096xf32> to vector<1x32x4096xf32>
    tpu.vector_store %arg4[%swap3A_8, %swap3A_9, %swap3A_10], %swap3A_13 {strides = array<i32>} : memref<1x32x16384xf32, #tpu.memory_space<vmem>>, vector<1x32x4096xf32>,
    %slice3A_14 = vector.extract_strided_slice %transpose3A {offsets = [64, 0], sizes = [32, 4096], strides = [1, 1]} : vector<128x4096xf32> to vector<32x4096xf32>
    %swap3A_15 = arith.constant 0 : index
    %swap3A_16 = arith.constant 0 : index
    %swap3A_17 = arith.constant 8192 : index
    %swap3A_18 = vector.load %arg4[%swap3A_15, %swap3A_16, %swap3A_17] : memref<1x32x16384xf32, #tpu.memory_space<vmem>>, vector<1x32x4096xf32>
    %swap3A_19 = vector.shape_cast %swap3A_18 : vector<1x32x4096xf32> to vector<32x4096xf32>
    %swap3A_20 = vector.shape_cast %slice3A_14 : vector<32x4096xf32> to vector<1x32x4096xf32>
    tpu.vector_store %arg4[%swap3A_15, %swap3A_16, %swap3A_17], %swap3A_20 {strides = array<i32>} : memref<1x32x16384xf32, #tpu.memory_space<vmem>>, vector<1x32x4096xf32>,
    %slice3A_21 = vector.extract_strided_slice %transpose3A {offsets = [96, 0], sizes = [32, 4096], strides = [1, 1]} : vector<128x4096xf32> to vector<32x4096xf32>
    %swap3A_22 = arith.constant 0 : index
    %swap3A_23 = arith.constant 0 : index
    %swap3A_24 = arith.constant 12288 : index
    %swap3A_25 = vector.load %arg4[%swap3A_22, %swap3A_23, %swap3A_24] : memref<1x32x16384xf32, #tpu.memory_space<vmem>>, vector<1x32x4096xf32>
    %swap3A_26 = vector.shape_cast %swap3A_25 : vector<1x32x4096xf32> to vector<32x4096xf32>
    %swap3A_27 = vector.shape_cast %slice3A_21 : vector<32x4096xf32> to vector<1x32x4096xf32>
    tpu.vector_store %arg4[%swap3A_22, %swap3A_23, %swap3A_24], %swap3A_27 {strides = array<i32>} : memref<1x32x16384xf32, #tpu.memory_space<vmem>>, vector<1x32x4096xf32>,
    return
  }
  func.func @transform_0(%arg0: i32, %arg1: i32) -> (i32, i32) {
    %mul3A = arith.constant 1 : i32
    %mul3A_0 = arith.muli %arg0, %mul3A : i32
    %add3A = arith.addi %mul3A_0, %arg1 : i32
    %c0_i32 = arith.constant 0 : i32
    %c0_i32_1 = arith.constant 0 : i32
    return %add3A, %c0_i32 : i32, i32
  }
  func.func @transform_2(%arg0: i32, %arg1: i32) -> (i32, i32, i32) {
    %add3A = arith.constant 40 : i32
    %add3A_0 = arith.addi %arg0, %add3A : i32
    %c0_i32 = arith.constant 0 : i32
    %c0_i32_1 = arith.constant 0 : i32
    return %add3A_0, %c0_i32, %arg1 : i32, i32, i32
  }
}

module attributes {stable_mosaic.version = 14 : i64} {
  func.func @body(%arg0: i32, %arg1: i32, %arg2: memref<4096x128xf32, #tpu.memory_space<vmem>>, %arg3: memref<50x32x16384xf32, #tpu.memory_space<any>>, %arg4: memref<1x32x16384xf32, #tpu.memory_space<vmem>>) attributes {dimension_semantics = [#tpu.dimension_semantics<arbitrary>, #tpu.dimension_semantics<arbitrary>], iteration_bounds = array<i64: 10, 1>, scalar_prefetch = 0 : i64, scratch_operands = 0 : i64, tpu.core_type = #tpu.core_type<tc>, window_params = [{transform_indices = @transform_0, window_bounds = array<i64: 4096, 128>}, {}, {transform_indices = @transform_2, window_bounds = array<i64: 1, 32, 16384>}]} {
    %get3A = arith.constant 0 : index
    %get3A_0 = arith.constant 0 : index
    %get3A_1 = vector.load %arg2[%get3A, %get3A_0] : memref<4096x128xf32, #tpu.memory_space<vmem>>, vector<4096x128xf32>
    %tanh3A = math.tanh %get3A_1 : vector<4096x128xf32>
    %transpose3A = tpu.transpose %tanh3A, [1, 0] : vector<4096x128xf32> -> vector<128x4096xf32>
    %slice3A = vector.extract_strided_slice %transpose3A {offsets = [0, 0], sizes = [32, 4096], strides = [1, 1]} : vector<128x4096xf32> to vector<32x4096xf32>
    %swap3A = arith.constant 0 : index
    %swap3A_2 = arith.constant 0 : index
    %swap3A_3 = arith.constant 0 : index
    %swap3A_4 = vector.load %arg4[%swap3A, %swap3A_2, %swap3A_3] : memref<1x32x16384xf32, #tpu.memory_space<vmem>>, vector<1x32x4096xf32>
    %swap3A_5 = vector.shape_cast %swap3A_4 : vector<1x32x4096xf32> to vector<32x4096xf32>
    %swap3A_6 = vector.shape_cast %slice3A : vector<32x4096xf32> to vector<1x32x4096xf32>
    tpu.vector_store %arg4[%swap3A, %swap3A_2, %swap3A_3], %swap3A_6 {strides = array<i32>} : memref<1x32x16384xf32, #tpu.memory_space<vmem>>, vector<1x32x4096xf32>,
    %slice3A_7 = vector.extract_strided_slice %transpose3A {offsets = [32, 0], sizes = [32, 4096], strides = [1, 1]} : vector<128x4096xf32> to vector<32x4096xf32>
    %swap3A_8 = arith.constant 0 : index
    %swap3A_9 = arith.constant 0 : index
    %swap3A_10 = arith.constant 4096 : index
    %swap3A_11 = vector.load %arg4[%swap3A_8, %swap3A_9, %swap3A_10] : memref<1x32x16384xf32, #tpu.memory_space<vmem>>, vector<1x32x4096xf32>
    %swap3A_12 = vector.shape_cast %swap3A_11 : vector<1x32x4096xf32> to vector<32x4096xf32>
    %swap3A_13 = vector.shape_cast %slice3A_7 : vector<32x4096xf32> to vector<1x32x4096xf32>
    tpu.vector_store %arg4[%swap3A_8, %swap3A_9, %swap3A_10], %swap3A_13 {strides = array<i32>} : memref<1x32x16384xf32, #tpu.memory_space<vmem>>, vector<1x32x4096xf32>,
    %slice3A_14 = vector.extract_strided_slice %transpose3A {offsets = [64, 0], sizes = [32, 4096], strides = [1, 1]} : vector<128x4096xf32> to vector<32x4096xf32>
    %swap3A_15 = arith.constant 0 : index
    %swap3A_16 = arith.constant 0 : index
    %swap3A_17 = arith.constant 8192 : index
    %swap3A_18 = vector.load %arg4[%swap3A_15, %swap3A_16, %swap3A_17] : memref<1x32x16384xf32, #tpu.memory_space<vmem>>, vector<1x32x4096xf32>
    %swap3A_19 = vector.shape_cast %swap3A_18 : vector<1x32x4096xf32> to vector<32x4096xf32>
    %swap3A_20 = vector.shape_cast %slice3A_14 : vector<32x4096xf32> to vector<1x32x4096xf32>
    tpu.vector_store %arg4[%swap3A_15, %swap3A_16, %swap3A_17], %swap3A_20 {strides = array<i32>} : memref<1x32x16384xf32, #tpu.memory_space<vmem>>, vector<1x32x4096xf32>,
    %slice3A_21 = vector.extract_strided_slice %transpose3A {offsets = [96, 0], sizes = [32, 4096], strides = [1, 1]} : vector<128x4096xf32> to vector<32x4096xf32>
    %swap3A_22 = arith.constant 0 : index
    %swap3A_23 = arith.constant 0 : index
    %swap3A_24 = arith.constant 12288 : index
    %swap3A_25 = vector.load %arg4[%swap3A_22, %swap3A_23, %swap3A_24] : memref<1x32x16384xf32, #tpu.memory_space<vmem>>, vector<1x32x4096xf32>
    %swap3A_26 = vector.shape_cast %swap3A_25 : vector<1x32x4096xf32> to vector<32x4096xf32>
    %swap3A_27 = vector.shape_cast %slice3A_21 : vector<32x4096xf32> to vector<1x32x4096xf32>
    tpu.vector_store %arg4[%swap3A_22, %swap3A_23, %swap3A_24], %swap3A_27 {strides = array<i32>} : memref<1x32x16384xf32, #tpu.memory_space<vmem>>, vector<1x32x4096xf32>,
    return
  }
  func.func @transform_0(%arg0: i32, %arg1: i32) -> (i32, i32) {
    %mul3A = arith.constant 1 : i32
    %mul3A_0 = arith.muli %arg0, %mul3A : i32
    %add3A = arith.addi %mul3A_0, %arg1 : i32
    %c0_i32 = arith.constant 0 : i32
    %c0_i32_1 = arith.constant 0 : i32
    return %add3A, %c0_i32 : i32, i32
  }
  func.func @transform_2(%arg0: i32, %arg1: i32) -> (i32, i32, i32) {
    %add3A = arith.constant 30 : i32
    %add3A_0 = arith.addi %arg0, %add3A : i32
    %c0_i32 = arith.constant 0 : i32
    %c0_i32_1 = arith.constant 0 : i32
    return %add3A_0, %c0_i32, %arg1 : i32, i32, i32
  }
}

</mosaic_0001>

<sc_bundles>
// kernel: kernel.13.cloned.1.call-start
scs
__scs_entry_jumppad:
0x0: {  	(pc) =	sbr.rel $0x88, $3  }
0x1: {  	(tag) =	ssettag $0x0;
	lr =	simm.s32 $0x1  }
0x2: {  	[smem:$0x3F9F] =	sst lr;
	_ =	strace $0xD0000000  }
0x3: {  	_ = 	snop  }
0x4: {  	_ = 	snop  }
0x5: {  	_ = 	snop  }
0x6: {  	_ = 	snop  }
0x7: {  	_ = 	snop  }
__scs_overlays_trampoline_lowered:
0x8: {  	[smem:$0x3FAE] =	sst s0  }
0x9: {  	[smem:$0x3FAF] =	sst s1  }
0xa: {  	[smem:$0x3FB0] =	sst s2  }
0xb: {  	[smem:$0x3FB1] =	sst s3  }
0xc: {  	[smem:$0x3FB2] =	sst s4  }
0xd: {  	[smem:$0x3FB3] =	sst s5  }
0xe: {  	[smem:$0x3FB4] =	sst s6  }
0xf: {  	[smem:$0x3FB5] =	sst s7  }
0x10: {  	[smem:$0x3FB6] =	sst s8  }
0x11: {  	[smem:$0x3FB7] =	sst s9;
	s0 =	simm.s32 @!p0 $0x0  }
0x12: {  	s1 =	sld [smem:$0x3F9D];
	s0 =	simm.s32 @p0 $0x1  }
0x13: {  	[smem:$0x3FB8] =	sst s0;
	s0 =	simm.s32 @!p1 $0x0  }
0x14: {  	s2 =	sld [smem:$0x3F9C];
	s0 =	simm.s32 @p1 $0x1  }
0x15: {  	[smem:$0x3FB9] =	sst s0;
	s0 =	simm.s32 @!p2 $0x0  }
0x16: {  	s3 =	sld [smem:$0x3FDB];
	s0 =	simm.s32 @p2 $0x1  }
0x17: {  	s4 =	simm.s32 $0x1BF5;
	[smem:$0x3FBB] =	sst s0  }
0x18: {  	s0 =	sld [smem:$0x3F9E];
	_ =	swait.ge [sflag:s4], $0x0  }
0x19: {  	s7 =	sld [smem:$0x3F9F]  }
0x1a: {  	s8 =	sadd.s32 $0xFFFFE003, lr  }
0x1b: {  	s9 =	sadd.s32 $0xFFFFFEF7, lr;
	s5 =	simm.s32 $0xFFFFFFFF;
	p2 =	slt.u32 s8, $0xFFFFF086  }
0x1c: {  	p1 =	slt.u32 s9, $0xF7A;
	s5 =	simm.s32 @!p2 $0x0  }
0x1d: {  	s5 =	simm.s32 @p1 $0x1;
	p0 =	seq.s32 s7, s2  }
0x1e: {  	s7 =	smul.u32 @!p0 $0xF7A, s2;
	p2 =	seq.s32 @!p0 s5, $0x0  }
0x1f: {  	s9 =	smul.u32 $0xF7A, s1;
	s8 =	simm.s32 @!p0 $0x1BF5;
	p2 =	por !p2, p0  }
0x20: {  	[sflag:s8] =	ssyncset.s32 @!p0 $0xFFFFF086;
	s6 =	sadd.s32 @!p0 s3, s7;
	s7 =	simm.s32 @!p0 $0x108  }
0x21: {  	s3 =	sadd.s32 s3, s9;
	s6 =	sadd.s32 @!p0 $0x88, s6;
	s7 =	simm.s32 @p2 $0x1082  }
0x22: {  	[simem:s7], [sflag:s8] =	dma.local @!p0 [hbm:s6], $0xF7A  }
0x23: {  	s9 =	sor.u32 $0xD0000000, s2;
	s6 =	simm.s32 $0x108;
	_ =	swait.ge @!p0 [sflag:s8], $0x0  }
0x24: {  	s3 =	sadd.s32 $0x88, s3;
	s6 =	simm.s32 @!p1 $0x1082;
	[sflag:s4] =	ssyncset.s32 $0xFFFFF086  }
0x25: {  	[simem:s6], [sflag:s4] =	dma.local [hbm:s3], $0xF7A  }
0x26: {  	[smem:$0x3F9F] =	sst s1;
	(tag) =	ssettag s2;
	_ =	strace s9  }
0x27: {  	s1 =	sld [smem:$0x3FAF]  }
0x28: {  	s2 =	sld [smem:$0x3FB0]  }
0x29: {  	s4 =	sld [smem:$0x3FB2]  }
0x2a: {  	p0 =	seq.s32 s5, $0x0;
	s5 =	sld [smem:$0x3FB3]  }
0x2b: {  	s6 =	sld [smem:$0x3FB4]  }
0x2c: {  	s7 =	sld [smem:$0x3FB5]  }
0x2d: {  	s3 =	simm.s32 $0x108;
	s8 =	sld [smem:$0x3FB6]  }
0x2e: {  	s3 =	simm.s32 @!p0 $0x1082;
	s9 =	sld [smem:$0x3FB7]  }
0x2f: {  	lr =	sadd.s32 s0, s3;
	s0 =	sld [smem:$0x3FAE]  }
0x30: {  	s3 =	sld [smem:$0x3FB1]  }
0x31: {  	[smem:$0x3FBA] =	sst s10  }
0x32: {  	s10 =	sld [smem:$0x3FB8];
	_ =	sdelay $0x3  }
0x33: {  	p0 =	seq.s32 s10, $0x1;
	s10 =	sld [smem:$0x3FBA];
	_ =	sdelay $0x3  }
0x34: {  	[smem:$0x3FBA] =	sst s10  }
0x35: {  	s10 =	sld [smem:$0x3FB9];
	_ =	sdelay $0x3  }
0x36: {  	p1 =	seq.s32 s10, $0x1;
	s10 =	sld [smem:$0x3FBA];
	_ =	sdelay $0x3  }
0x37: {  	[smem:$0x3FBA] =	sst s10  }
0x38: {  	s10 =	sld [smem:$0x3FBB]  }
0x39: {  	_ = 	snop;
	(pc) =	sbr.ind lr, $3  }
0x3a: {  	_ = 	snop  }
0x3b: {  	_ = 	snop  }
0x3c: {  	p2 =	seq.s32 s10, $0x1;
	s10 =	sld [smem:$0x3FBA]  }
0x3d: {  	_ =	shalt  }
0x3e: {  	_ =	shalt  }
0x3f: {  	_ =	shalt  }
0x40: {  	_ =	shalt  }
0x41: {  	_ =	shalt  }
0x42: {  	_ =	shalt  }
0x43: {  	_ =	shalt  }
0x44: {  	_ =	shalt  }
0x45: {  	_ =	shalt  }
0x46: {  	_ =	shalt  }
0x47: {  	_ =	shalt  }
0x48: {  	_ =	shalt  }
0x49: {  	_ =	shalt  }
0x4a: {  	_ =	shalt  }
0x4b: {  	_ =	shalt  }
0x4c: {  	_ =	shalt  }
0x4d: {  	_ =	shalt  }
0x4e: {  	_ =	shalt  }
0x4f: {  	_ =	shalt  }
0x50: {  	_ =	shalt  }
0x51: {  	_ =	shalt  }
0x52: {  	_ =	shalt  }
0x53: {  	_ =	shalt  }
0x54: {  	_ =	shalt  }
0x55: {  	_ =	shalt  }
0x56: {  	_ =	shalt  }
0x57: {  	_ =	shalt  }
0x58: {  	_ =	shalt  }
0x59: {  	_ =	shalt  }
0x5a: {  	_ =	shalt  }
0x5b: {  	_ =	shalt  }
0x5c: {  	_ =	shalt  }
0x5d: {  	_ =	shalt  }
0x5e: {  	_ =	shalt  }
0x5f: {  	_ =	shalt  }
0x60: {  	_ =	shalt  }
0x61: {  	_ =	shalt  }
0x62: {  	_ =	shalt  }
0x63: {  	_ =	shalt  }
0x64: {  	_ =	shalt  }
0x65: {  	_ =	shalt  }
0x66: {  	_ =	shalt  }
0x67: {  	_ =	shalt  }
0x68: {  	_ =	shalt  }
0x69: {  	_ =	shalt  }
0x6a: {  	_ =	shalt  }
0x6b: {  	_ =	shalt  }
0x6c: {  	_ =	shalt  }
0x6d: {  	_ =	shalt  }
0x6e: {  	_ =	shalt  }
0x6f: {  	_ =	shalt  }
0x70: {  	_ =	shalt  }
0x71: {  	_ =	shalt  }
0x72: {  	_ =	shalt  }
0x73: {  	_ =	shalt  }
0x74: {  	_ =	shalt  }
0x75: {  	_ =	shalt  }
0x76: {  	_ =	shalt  }
0x77: {  	_ =	shalt  }
0x78: {  	_ =	shalt  }
0x79: {  	_ =	shalt  }
0x7a: {  	_ =	shalt  }
0x7b: {  	_ =	shalt  }
0x7c: {  	_ =	shalt  }
0x7d: {  	_ =	shalt  }
0x7e: {  	_ =	shalt  }
0x7f: {  	_ =	shalt  }
0x80: {  	_ =	shalt  }
0x81: {  	_ =	shalt  }
0x82: {  	_ =	shalt  }
0x83: {  	_ =	shalt  }
0x84: {  	_ =	shalt  }
0x85: {  	_ =	shalt  }
0x86: {  	_ =	shalt  }
0x87: {  	_ =	shalt  }
.Lfunc_end0:
.L_simem_size_0:
called_computation_lowered:
.L_overlay_start_0:
0x88: {  	s2 =	sld [smem:$0x3FD9]  }
0x89: {  	s3 =	sld [smem:$0x3FFE];
	_ =	sdelay $0x1  }
0x8a: {  	s1 =	srdreg.scid  }
0x8b: {  	s0 =	sand.u32 $0x1, s1  }
0x8c: {  	s17 =	sshll.u32 s0, $0xA;
	s2 =	sadd.s32 s3, s2  }
0x8d: {  	s2 =	sadd.s32 s2, s17  }
0x8e: {  	[smem:$0x3FC6] =	sst s2  }
0x8f: {  	_ = 	snop  }
0x90: {  	s2 =	sld [smem:$0x3FD0];
	(tm) =	ssettm $0x1  }
0x91: {  	s18 =	sld [smem:$0x3FFB];
	_ =	sdelay $0x3  }
0x92: {  	_ =	strace s18  }
0x93: {  	s3 =	sld [smem:$0x3FFC];
	_ =	sdelay $0x3  }
0x94: {  	_ =	strace s3  }
0x95: {  	s3 =	sld [smem:$0x3FFD];
	_ =	sdelay $0x3  }
0x96: {  	_ =	strace s3  }
0x97: {  	_ =	strace $0x8FFFFFFF  }
0x98: {  	s19 =	sld [smem:$0x3FDB];
	_ =	sdelay $0x1  }
0x99: {  	s4 =	simm.s32 $_scs_section_size  }
0x9a: {  	s5 =	simm.s32 $_size__tile_overlayer_lowered;
	s6 =	simm.s32 $_tile_overlayer_lowered  }
0x9b: {  	s22 =	simm.s32 $0x1BFF;
	s21 =	sshll.u32 s6, $0x1;
	s3 =	sadd.s32 s4, s19  }
0x9c: {  	s7 =	simm.s32 $0x0;
	s20 =	sshll.u32 s5, $0x1;
	s5 =	sadd.s32 s21, s3  }
0x9d: {  	[timem:s7], [sflag:s22] =	dma.local [hbm:s5], s20  }
0x9e: {  	_ =	swait.ge [sflag:s22], s20  }
0x9f: {  	s4 =	ssub.s32 $0x0, s20;
	[sflag:s22] =	ssyncset.done $0x0  }
0xa0: {  	[sflag:s22] =	ssyncadd.s32 s4;
	_ =	sdelay $0x1  }
0xa1: {  	s23 =	simm.s32 $0x1B8B  }
0xa2: {  	_ =	swait.ge [sflag:s23], $0x1  }
0xa3: {  	[sflag:s23] =	ssyncset.done $0x0  }
0xa4: {  	s25 =	simm.s32 $0x1B8E;
	s24 =	sld [smem:$0x3FFE];
	[sflag:s23] =	ssyncadd.s32 $0xFFFFFFFF  }
0xa5: {  	s26 =	simm.s32 $execute0_lowered;
	[smem:$0x3FD2] =	sst s25  }
0xa6: {  	s5 =	sshll.u32 s26, $0x1;
	_ =	strace $0x80000046;
	[dreg:$0x1] =	wrdreg $0xFFFFFFFF  }
0xa7: {  	s28 =	simm.s32 $_size_execute0_lowered;
	s3 =	sadd.s32 s3, s5;
	[dreg:$0x0] =	wrdreg $0x0  }
0xa8: {  	s5 =	sshll.u32 s28, $0x1;
	[dreg:$0x2] =	wrdreg s3  }
0xa9: {  	[dreg:$0x3] =	wrdreg s5  }
0xaa: {  	[dreg:$0x4] =	wrdreg $0xC0  }
0xab: {  	_ =	task [dreg:s7], $0x5FFFF  }
0xac: {  	[dreg:$0x1] =	wrdreg $0xFFFFFFFF  }
0xad: {  	[dreg:$0x0] =	wrdreg $0x60  }
0xae: {  	[dreg:$0x2] =	wrdreg s24  }
0xaf: {  	[dreg:$0x3] =	wrdreg s2  }
0xb0: {  	[dreg:$0x4] =	wrdreg $0x9  }
0xb1: {  	_ =	task.clear_ibuf [dreg:s7], $0x5FFFF;
	_ =	strace $0x90000046  }
0xb2: {  	s29 =	simm.s32 $0x9;
	_ =	strace $0x80000048  }
0xb3: {  	_ =	swait.ge [sflag:s29], $0x1  }
0xb4: {  	[sflag:s29] =	ssyncadd.s32 $0xFFFFFFFF  }
0xb5: {  	_ =	strace $0x90000048  }
0xb6: {  	_ =	sfence  }
0xb7: {  	s30 =	sld [smem:$0x0];
	_ =	sdelay $0x2  }
0xb8: {  	s31 =	sshll.u32 s1, $0xD;
	s1 =	sshrl.u32 s1, $0x2  }
0xb9: {  	s3 =	sand.u32 $0x4000, s31;
	s1 =	sadd.s32 s1, s30  }
0xba: {  	s0 =	sor.u32 s3, s0;
	s1 =	sshll.u32 s1, $0x11  }
0xbb: {  	s0 =	sor.u32 s1, s0  }
0xbc: {  	s0 =	sadd.s32 $0x8F2B, s0  }
0xbd: {  	[sflag:s0] =	ssyncadd.remote.s32 $0x1  }
0xbe: {  	_ =	sfence.sel $0xFFFF  }
0xbf: {  	[dreg:$0x0] =	wrdreg $0xFFFFFFFF;
	(pc) =	sbr.abs _section_cstart, $3  }
0xc0: {  	[dreg:$0x1] =	wrdreg $0xFFFFFFFF  }
0xc1: {  	_ =	task.clear_ibuf [dreg:s7], $0x2FFFF;
	_ =	strace $0x9FFFFFFF  }
0xc2: {  	(tm) =	ssettm $0x7FFFFFFF  }
0xc3: {  	_ =	shalt  }
tec
execute0_lowered:
.L_overlay_start_1:
0x0: {  	(tag) =	ssettag $0x1  }
0x1: {  	s0 =	rddreg [dreg:$0x0]  }
0x2: {  	s2 =	rddreg [dreg:$0x1]  }
0x3: {  	s4 =	srdreg.scid;
	s1 =	stileid.u32  }
0x4: {  	s3 =	simm.s32 $0x0;
	s25 =	simm.s32 $0x280;
	s26 =	simm.s32 $0x5400  }
0x5: {  	s28 =	simm.s32 $0x300;
	s29 =	simm.s32 $0x6400;
	s19 =	simm.s32 $0x3400  }
0x6: {  	s30 =	simm.s32 $0x380;
	s31 =	simm.s32 $0x7400;
	s9 =	sand.u32 $0x1, s4  }
0x7: {  	s20 =	sshll.u32 s1, $0x1;
	[smem:$0x7FF] =	sst s3;
	s8 =	smul.u32 $0x2800, s1  }
0x8: {  	s11 =	smul.u32 $0x140000, s1;
	_ =	strace $0x80000047;
	[dreg:$0x5] =	wrdreg s25  }
0x9: {  	s5 =	sadd.s32 $0x22800, s0;
	s22 =	smul.u32 $0x50000, s1;
	[dreg:$0x6] =	wrdreg s26  }
0xa: {  	s4 =	sor.u32 s9, s20;
	s10 =	smul.u32 $0x1400, s9;
	[dreg:$0x7] =	wrdreg s28  }
0xb: {  	s7 =	ssub.s32 $0x2, s9;
	s12 =	smul.u32 $0xA0000, s9;
	[dreg:$0x8] =	wrdreg s29  }
0xc: {  	s14 =	smul.u32 $0x28000, s9;
	s20 =	simm.s32 $0x200;
	[dreg:$0x9] =	wrdreg s30  }
0xd: {  	[dreg:$0xa] =	wrdreg s31;
	s25 =	simm.s32 $0x0;
	s21 =	sshrl.u32 s7, $0x1  }
0xe: {  	s6 =	smul.u32 $0x1400, s4;
	s4 =	sadd.s32 $0x27800, s0;
	s0 =	ssub.s32 s7, s21  }
0xf: {  	s10 =	sadd.s32 s10, s8;
	s9 =	sadd.s32 s12, s11;
	s12 =	simm.s32 $0x3  }
0x10: {  	s21 =	simm.s32 $0x4400;
	s6 =	sshrl.u32 s6, $0x3;
	s7 =	smax.u32 s0, $0x1  }
0x11: {  	s8 =	sadd.s32 $0x400, s10;
	s13 =	sshrl.u32 s10, $0x7;
	s15 =	sor.u32 $0x200, s10  }
0x12: {  	s10 =	sadd.s32 s14, s22;
	s14 =	simm.s32 $0x400;
	s22 =	simm.s32 $0x1  }
0x13: {  	s6 =	sadd.s32 s5, s6;
	[dreg:$0x3] =	wrdreg s13;
	s23 =	sshrl.u32 s15, $0x7  }
0x14: {  	s24 =	sshrl.u32 s15, $0x3;
	s13 =	simm.s32 $0x80;
	[dreg:$0x4] =	wrdreg s23  }
0x15: {  	s11 =	sadd.s32 s24, s5;
	s23 =	simm.s32 $0x20;
	s24 =	simm.s32 $0x2  }
.LBB2_1:
0x16: {  	[tilespmem:s3], [sflag:$0x3] =	stream.linear.gather [hbm4b:s6+s3], $0x200, $0x38;
	[tilespmem:$0x8400] =	vst v63  }
0x17: {  	_ =	swait.ge [sflag:s12], $0x200  }
0x18: {  	[sflag:s12] =	ssyncset.done $0x0  }
0x19: {  	[sflag:s12] =	ssyncadd.s32 $0xFFFFFE00  }
0x1a: {  	[tilespmem:s14], [sflag:$0x1] =	stream.indirect.gather [hbm4b:s4+s13], $0x20, s3, s13, $0xb8;
	[tilespmem:$0x8400] =	vst v63  }
0x1b: {  	s0 =	simm.s32 $0x1400  }
0x1c: {  	[tilespmem:s0], [sflag:$0x1] =	stream.indirect.gather [hbm4b:s4+s13], $0x20, s13, s13, $0xb8;
	[tilespmem:$0x8400] =	vst v63  }
0x1d: {  	s18 =	simm.s32 $0x100;
	s1 =	simm.s32 $0x2400  }
0x1e: {  	[tilespmem:s1], [sflag:$0x1] =	stream.indirect.gather [hbm4b:s4+s13], $0x20, s18, s13, $0xb8;
	[tilespmem:$0x8400] =	vst v63  }
0x1f: {  	s26 =	simm.s32 $0x180  }
0x20: {  	[tilespmem:s19], [sflag:$0x1] =	stream.indirect.gather [hbm4b:s4+s13], $0x20, s26, s13, $0xb8;
	[tilespmem:$0x8400] =	vst v63  }
0x21: {  	_ = 	snop  }
0x22: {  	[tilespmem:s20], [sflag:$0x3] =	stream.linear.gather [hbm4b:s11+s3], $0x200, $0x38;
	[tilespmem:$0x8400] =	vst v63  }
0x23: {  	_ =	swait.ge [sflag:s12], $0x200  }
0x24: {  	s1 =	rddreg [dreg:$0x9]  }
0x25: {  	s26 =	rddreg [dreg:$0x7];
	[sflag:s12] =	ssyncset.done $0x0  }
0x26: {  	s28 =	rddreg [dreg:$0x5];
	[sflag:s12] =	ssyncadd.s32 $0xFFFFFE00  }
0x27: {  	[tilespmem:s21], [sflag:$0x2] =	stream.indirect.gather [hbm4b:s4+s13], $0x20, s20, s13, $0xb8;
	[tilespmem:$0x8400] =	vst v63  }
0x28: {  	s29 =	rddreg [dreg:$0x6]  }
0x29: {  	[tilespmem:s29], [sflag:$0x2] =	stream.indirect.gather [hbm4b:s4+s13], $0x20, s28, s13, $0xb8;
	[tilespmem:$0x8400] =	vst v63  }
0x2a: {  	s30 =	rddreg [dreg:$0x8]  }
0x2b: {  	[tilespmem:s30], [sflag:$0x2] =	stream.indirect.gather [hbm4b:s4+s13], $0x20, s26, s13, $0xb8;
	[tilespmem:$0x8400] =	vst v63  }
0x2c: {  	s28 =	rddreg [dreg:$0xa]  }
0x2d: {  	[tilespmem:s28], [sflag:$0x2] =	stream.indirect.gather [hbm4b:s4+s13], $0x20, s1, s13, $0xb8;
	[tilespmem:$0x8400] =	vst v63  }
0x2e: {  	_ =	swait.ge [sflag:s22], $0x1000  }
0x2f: {  	[sflag:s22] =	ssyncset.done $0x0  }
0x30: {  	[sflag:s22] =	ssyncadd.s32 $0xFFFFF000  }
0x31: {  	_ =	swait.ge [sflag:s22], $0x1000  }
0x32: {  	[sflag:s22] =	ssyncset.done $0x0  }
0x33: {  	[sflag:s22] =	ssyncadd.s32 $0xFFFFF000  }
0x34: {  	_ =	swait.ge [sflag:s22], $0x1000  }
0x35: {  	[sflag:s22] =	ssyncset.done $0x0  }
0x36: {  	[sflag:s22] =	ssyncadd.s32 $0xFFFFF000  }
0x37: {  	_ =	swait.ge [sflag:s22], $0x1000  }
0x38: {  	s15 =	rddreg [dreg:$0x3]  }
0x39: {  	s16 =	sand.u32 $0x7FF80000, s10;
	s28 =	sand.u32 $0x60000, s9;
	s0 =	sadd.s32 $0x0, s15  }
0x3a: {  	s26 =	sor.u32 s28, s16;
	s0 =	sand.u32 $0x60, s0  }
0x3b: {  	s0 =	sor.u32 s0, s26  }
0x3c: {  	[sflag:s22] =	ssyncset.done $0x0;
	s0 =	sshrl.u32 s0, $0x3  }
0x3d: {  	[sflag:s22] =	ssyncadd.s32 $0xFFFFF000;
	s0 =	sadd.s32 s2, s0  }
0x3e: {  	[hbm4b:s0+s23] =	stream.strided.scatter [tilespmem:s14], [sflag:$0x3], $0x4000, s13, s23, $0x38;
	[tilespmem:$0x8400] =	vst v63  }
0x3f: {  	p0 =	por $0x0, $0x0;
	_ =	swait.ge [sflag:s12], $0x4000  }
0x40: {  	s28 =	simm.s32 @!p0 $0x0;
	s0 =	sshrl.u32 @!p0 s8, $0x3;
	[sflag:s12] =	ssyncset.done $0x0  }
0x41: {  	s26 =	simm.s32 @!p0 $0x3;
	s0 =	sadd.s32 @!p0 s5, s0;
	[sflag:s12] =	ssyncadd.s32 $0xFFFFC000  }
0x42: {  	[tilespmem:s28], [sflag:$0x3] =	stream.linear.gather @!p0 [hbm4b:s0+s28], $0x200, $0x38;
	[tilespmem:$0x8400] =	vst v63  }
0x43: {  	_ =	swait.ge @!p0 [sflag:s26], $0x200  }
0x44: {  	[sflag:s26] =	ssyncset.done @!p0 $0x0  }
0x45: {  	s0 =	simm.s32 @!p0 $0x80;
	[sflag:s26] =	ssyncadd.s32 @!p0 $0xFFFFFE00;
	s26 =	simm.s32 @!p0 $0x400  }
0x46: {  	[tilespmem:s26], [sflag:$0x1] =	stream.indirect.gather @!p0 [hbm4b:s4+s0], $0x20, s28, s0, $0xb8;
	[tilespmem:$0x8400] =	vst v63  }
0x47: {  	s26 =	simm.s32 @!p0 $0x1400  }
0x48: {  	[tilespmem:s26], [sflag:$0x1] =	stream.indirect.gather @!p0 [hbm4b:s4+s0], $0x20, s0, s0, $0xb8;
	[tilespmem:$0x8400] =	vst v63  }
0x49: {  	s28 =	simm.s32 @!p0 $0x2400;
	s26 =	simm.s32 @!p0 $0x100  }
0x4a: {  	[tilespmem:s28], [sflag:$0x1] =	stream.indirect.gather @!p0 [hbm4b:s4+s0], $0x20, s26, s0, $0xb8;
	[tilespmem:$0x8400] =	vst v63  }
0x4b: {  	s26 =	simm.s32 @!p0 $0x180;
	s28 =	simm.s32 @!p0 $0x3400  }
0x4c: {  	[tilespmem:s28], [sflag:$0x1] =	stream.indirect.gather @!p0 [hbm4b:s4+s0], $0x20, s26, s0, $0xb8;
	[tilespmem:$0x8400] =	vst v63  }
0x4d: {  	_ =	swait.ge [sflag:s24], $0x1000  }
0x4e: {  	[sflag:s24] =	ssyncset.done $0x0  }
0x4f: {  	[sflag:s24] =	ssyncadd.s32 $0xFFFFF000  }
0x50: {  	_ =	swait.ge [sflag:s24], $0x1000  }
0x51: {  	[sflag:s24] =	ssyncset.done $0x0  }
0x52: {  	[sflag:s24] =	ssyncadd.s32 $0xFFFFF000  }
0x53: {  	_ =	swait.ge [sflag:s24], $0x1000  }
0x54: {  	[sflag:s24] =	ssyncset.done $0x0  }
0x55: {  	[sflag:s24] =	ssyncadd.s32 $0xFFFFF000  }
0x56: {  	_ =	swait.ge [sflag:s24], $0x1000  }
0x57: {  	s18 =	sadd.s32 $0x4000, s10;
	s28 =	sadd.s32 $0x10000, s9;
	s17 =	rddreg [dreg:$0x4]  }
0x58: {  	s26 =	sand.u32 $0x7FF80000, s18;
	s28 =	sand.u32 $0x70000, s28;
	s0 =	sadd.s32 $0x0, s17  }
0x59: {  	s31 =	smov.u32 s8;
	s26 =	sor.u32 s28, s26;
	s0 =	sand.u32 $0x60, s0  }
0x5a: {  	s29 =	sadd.s32 $0x8000, s10;
	s30 =	sadd.s32 $0x20000, s9;
	s0 =	sor.u32 s0, s26  }
0x5b: {  	s28 =	sadd.s32 $0x80, s11;
	[sflag:s24] =	ssyncset.done $0x0;
	s0 =	sshrl.u32 s0, $0x3  }
0x5c: {  	[sflag:s24] =	ssyncadd.s32 $0xFFFFF000;
	s26 =	simm.s32 $0x8;
	s0 =	sadd.s32 s2, s0  }
0x5d: {  	[hbm4b:s0+s23] =	stream.strided.scatter [tilespmem:s21], [sflag:$0x3], $0x4000, s13, s23, $0x38;
	[tilespmem:$0x8400] =	vst v63  }
.LBB2_2:
0x5e: {  	_ =	swait.ge [sflag:s12], $0x4000  }
0x5f: {  	[sflag:s12] =	ssyncset.done $0x0  }
0x60: {  	[sflag:s12] =	ssyncadd.s32 $0xFFFFC000  }
0x61: {  	[tilespmem:s20], [sflag:$0x3] =	stream.linear.gather [hbm4b:s28+s3], $0x200, $0x38;
	[tilespmem:$0x8400] =	vst v63  }
0x62: {  	_ =	swait.ge [sflag:s12], $0x200  }
0x63: {  	s1 =	rddreg [dreg:$0x9]  }
0x64: {  	[sflag:s12] =	ssyncset.done $0x0;
	s15 =	rddreg [dreg:$0x7]  }
0x65: {  	s16 =	rddreg [dreg:$0x5];
	[sflag:s12] =	ssyncadd.s32 $0xFFFFFE00  }
0x66: {  	[tilespmem:s21], [sflag:$0x2] =	stream.indirect.gather [hbm4b:s4+s13], $0x20, s20, s13, $0xb8;
	[tilespmem:$0x8400] =	vst v63  }
0x67: {  	s17 =	rddreg [dreg:$0x6]  }
0x68: {  	[tilespmem:s17], [sflag:$0x2] =	stream.indirect.gather [hbm4b:s4+s13], $0x20, s16, s13, $0xb8;
	[tilespmem:$0x8400] =	vst v63  }
0x69: {  	s18 =	rddreg [dreg:$0x8]  }
0x6a: {  	[tilespmem:s18], [sflag:$0x2] =	stream.indirect.gather [hbm4b:s4+s13], $0x20, s15, s13, $0xb8;
	[tilespmem:$0x8400] =	vst v63  }
0x6b: {  	s17 =	rddreg [dreg:$0xa]  }
0x6c: {  	[tilespmem:s17], [sflag:$0x2] =	stream.indirect.gather [hbm4b:s4+s13], $0x20, s1, s13, $0xb8;
	[tilespmem:$0x8400] =	vst v63  }
0x6d: {  	_ =	swait.ge [sflag:s22], $0x1000  }
0x6e: {  	[sflag:s22] =	ssyncset.done $0x0  }
0x6f: {  	[sflag:s22] =	ssyncadd.s32 $0xFFFFF000  }
0x70: {  	_ =	swait.ge [sflag:s22], $0x1000  }
0x71: {  	[sflag:s22] =	ssyncset.done $0x0  }
0x72: {  	[sflag:s22] =	ssyncadd.s32 $0xFFFFF000  }
0x73: {  	_ =	swait.ge [sflag:s22], $0x1000  }
0x74: {  	[sflag:s22] =	ssyncset.done $0x0  }
0x75: {  	[sflag:s22] =	ssyncadd.s32 $0xFFFFF000  }
0x76: {  	_ =	swait.ge [sflag:s22], $0x1000  }
0x77: {  	s0 =	smov.u32 s26;
	s15 =	rddreg [dreg:$0x3]  }
0x78: {  	s16 =	sand.u32 $0x7FF80000, s29;
	s17 =	sand.u32 $0x60000, s30;
	s1 =	sadd.s32 s0, s15  }
0x79: {  	s15 =	sor.u32 s17, s16;
	s1 =	sand.u32 $0x60, s1  }
0x7a: {  	s1 =	sor.u32 s1, s15  }
0x7b: {  	[sflag:s22] =	ssyncset.done $0x0;
	s1 =	sshrl.u32 s1, $0x3  }
0x7c: {  	[sflag:s22] =	ssyncadd.s32 $0xFFFFF000;
	s1 =	sadd.s32 s2, s1  }
0x7d: {  	[hbm4b:s1+s23] =	stream.strided.scatter [tilespmem:s14], [sflag:$0x3], $0x4000, s13, s23, $0x38;
	[tilespmem:$0x8400] =	vst v63  }
0x7e: {  	s31 =	sadd.s32 $0x400, s31;
	p1 =	seq.s32 s0, $0x20;
	_ =	swait.ge [sflag:s12], $0x4000  }
0x7f: {  	s16 =	simm.s32 @!p1 $0x0;
	s1 =	sshrl.u32 @!p1 s31, $0x3;
	[sflag:s12] =	ssyncset.done $0x0  }
0x80: {  	s15 =	simm.s32 @!p1 $0x3;
	s1 =	sadd.s32 @!p1 s5, s1;
	[sflag:s12] =	ssyncadd.s32 $0xFFFFC000  }
0x81: {  	[tilespmem:s16], [sflag:$0x3] =	stream.linear.gather @!p1 [hbm4b:s1+s16], $0x200, $0x38;
	[tilespmem:$0x8400] =	vst v63  }
0x82: {  	_ =	swait.ge @!p1 [sflag:s15], $0x200  }
0x83: {  	[sflag:s15] =	ssyncset.done @!p1 $0x0  }
0x84: {  	s1 =	simm.s32 @!p1 $0x80;
	[sflag:s15] =	ssyncadd.s32 @!p1 $0xFFFFFE00;
	s15 =	simm.s32 @!p1 $0x400  }
0x85: {  	[tilespmem:s15], [sflag:$0x1] =	stream.indirect.gather @!p1 [hbm4b:s4+s1], $0x20, s16, s1, $0xb8;
	[tilespmem:$0x8400] =	vst v63  }
0x86: {  	s15 =	simm.s32 @!p1 $0x1400  }
0x87: {  	[tilespmem:s15], [sflag:$0x1] =	stream.indirect.gather @!p1 [hbm4b:s4+s1], $0x20, s1, s1, $0xb8;
	[tilespmem:$0x8400] =	vst v63  }
0x88: {  	s16 =	simm.s32 @!p1 $0x2400;
	s15 =	simm.s32 @!p1 $0x100  }
0x89: {  	[tilespmem:s16], [sflag:$0x1] =	stream.indirect.gather @!p1 [hbm4b:s4+s1], $0x20, s15, s1, $0xb8;
	[tilespmem:$0x8400] =	vst v63  }
0x8a: {  	s15 =	simm.s32 @!p1 $0x180;
	s16 =	simm.s32 @!p1 $0x3400  }
0x8b: {  	[tilespmem:s16], [sflag:$0x1] =	stream.indirect.gather @!p1 [hbm4b:s4+s1], $0x20, s15, s1, $0xb8;
	[tilespmem:$0x8400] =	vst v63  }
0x8c: {  	_ =	swait.ge [sflag:s24], $0x1000  }
0x8d: {  	[sflag:s24] =	ssyncset.done $0x0  }
0x8e: {  	[sflag:s24] =	ssyncadd.s32 $0xFFFFF000  }
0x8f: {  	_ =	swait.ge [sflag:s24], $0x1000  }
0x90: {  	[sflag:s24] =	ssyncset.done $0x0  }
0x91: {  	[sflag:s24] =	ssyncadd.s32 $0xFFFFF000  }
0x92: {  	_ =	swait.ge [sflag:s24], $0x1000  }
0x93: {  	[sflag:s24] =	ssyncset.done $0x0  }
0x94: {  	s26 =	sadd.s32 $0x8, s26;
	[sflag:s24] =	ssyncadd.s32 $0xFFFFF000  }
0x95: {  	p0 =	sne.s32 s26, $0x28;
	_ =	swait.ge [sflag:s24], $0x1000  }
0x96: {  	s17 =	sadd.s32 $0x10000, s30;
	s16 =	sadd.s32 $0x4000, s29;
	s18 =	rddreg [dreg:$0x4]  }
0x97: {  	s15 =	sand.u32 $0x7FF80000, s16;
	s16 =	sand.u32 $0x70000, s17;
	s0 =	sadd.s32 s0, s18  }
.Ltmp0:
0x98: {  	s18 =	sor.u32 s16, s15;
	s0 =	sand.u32 $0x60, s0;
	(pc) =	sbr.rel @p0 .LBB2_2-.Ltmp0, $4  }
0x99: {  	s28 =	sadd.s32 $0x80, s28;
	s0 =	sor.u32 s0, s18  }
0x9a: {  	s30 =	sadd.s32 $0x20000, s30;
	[sflag:s24] =	ssyncset.done $0x0;
	s0 =	sshrl.u32 s0, $0x3  }
0x9b: {  	s29 =	sadd.s32 $0x8000, s29;
	[sflag:s24] =	ssyncadd.s32 $0xFFFFF000;
	s0 =	sadd.s32 s2, s0  }
0x9c: {  	[hbm4b:s0+s23] =	stream.strided.scatter [tilespmem:s21], [sflag:$0x3], $0x4000, s13, s23, $0x38;
	[tilespmem:$0x8400] =	vst v63  }
0x9d: {  	s25 =	sadd.s32 $0x1, s25  }
0x9e: {  	p0 =	sne.s32 s25, s7  }
.Ltmp1:
0x9f: {  	_ = 	snop;
	(pc) =	sbr.rel @p0 .LBB2_1-.Ltmp1, $4  }
0xa0: {  	_ = 	snop  }
0xa1: {  	_ =	swait.ge [sflag:s12], $0x4000  }
0xa2: {  	[sflag:s12] =	ssyncset.done $0x0  }
0xa3: {  	[sflag:s12] =	ssyncadd.s32 $0xFFFFC000  }
0xa4: {  	_ =	sfence.sel $0x180000  }
0xa5: {  	[bflag:$0x0] =	sbarrier.arrive $0xFFFF  }
0xa6: {  	_ =	strace $0x90000047  }
0xa7: {  	s0 =	stileid.u32;
	[bflag:$0x2] =	sbarrier.arrive $0xFFFF  }
0xa8: {  	p0 =	sne.s32 s0, $0x0;
	s0 =	rddreg [dreg:$0x2]  }
0xa9: {  	s0 =	sadd.s32 @!p0 $0x100000, s0  }
0xaa: {  	[sflag:s0] =	ssyncadd.tile.s32 @!p0 $0x1;
	_ =	shalt  }
.Lfunc_end2:
_tile_overlayer_lowered:
.L_overlay_start_2:
0xab: {  	(tag) =	ssettag $0x2  }
0xac: {  	s0 =	rddreg [dreg:$0x0];
	s2 =	stileid.u32  }
0xad: {  	s1 =	rddreg [dreg:$0x1];
	p0 =	sne.s32 s2, $0x0  }
0xae: {  	s3 =	rddreg [dreg:$0x2];
	[bflag:$0x3] =	sbarrier.arrive $0xFFFF;
	s2 =	simm.s32 @!p0 $0x1C03  }
0xaf: {  	[timem:s3], [sflag:s2] =	dma.local @!p0 [hbm:s0], s1  }
0xb0: {  	s0 =	simm.s32 @!p0 $0x3  }
0xb1: {  	_ =	swait.ge @!p0 [sflag:s0], s1  }
0xb2: {  	s1 =	ssub.s32 @!p0 $0x0, s1;
	[sflag:s0] =	ssyncset.done @!p0 $0x0  }
0xb3: {  	[sflag:s0] =	ssyncadd.s32 @!p0 s1  }
0xb4: {  	[bflag:$0x3] =	sbarrier.arrive $0xFFFF  }
0xb5: {  	_ =	shalt  }

// kernel: kernel.16.cloned.1.call-start
scs
__scs_entry_jumppad:
0x0: {  	(pc) =	sbr.rel $0x88, $3  }
0x1: {  	(tag) =	ssettag $0x0;
	lr =	simm.s32 $0x1  }
0x2: {  	[smem:$0x3F9F] =	sst lr;
	_ =	strace $0xD0000000  }
0x3: {  	_ = 	snop  }
0x4: {  	_ = 	snop  }
0x5: {  	_ = 	snop  }
0x6: {  	_ = 	snop  }
0x7: {  	_ = 	snop  }
__scs_overlays_trampoline_lowered:
0x8: {  	[smem:$0x3FAE] =	sst s0  }
0x9: {  	[smem:$0x3FAF] =	sst s1  }
0xa: {  	[smem:$0x3FB0] =	sst s2  }
0xb: {  	[smem:$0x3FB1] =	sst s3  }
0xc: {  	[smem:$0x3FB2] =	sst s4  }
0xd: {  	[smem:$0x3FB3] =	sst s5  }
0xe: {  	[smem:$0x3FB4] =	sst s6  }
0xf: {  	[smem:$0x3FB5] =	sst s7  }
0x10: {  	[smem:$0x3FB6] =	sst s8  }
0x11: {  	[smem:$0x3FB7] =	sst s9;
	s0 =	simm.s32 @!p0 $0x0  }
0x12: {  	s1 =	sld [smem:$0x3F9D];
	s0 =	simm.s32 @p0 $0x1  }
0x13: {  	[smem:$0x3FB8] =	sst s0;
	s0 =	simm.s32 @!p1 $0x0  }
0x14: {  	s2 =	sld [smem:$0x3F9C];
	s0 =	simm.s32 @p1 $0x1  }
0x15: {  	[smem:$0x3FB9] =	sst s0;
	s0 =	simm.s32 @!p2 $0x0  }
0x16: {  	s3 =	sld [smem:$0x3FDB];
	s0 =	simm.s32 @p2 $0x1  }
0x17: {  	s4 =	simm.s32 $0x1BF5;
	[smem:$0x3FBB] =	sst s0  }
0x18: {  	s0 =	sld [smem:$0x3F9E];
	_ =	swait.ge [sflag:s4], $0x0  }
0x19: {  	s7 =	sld [smem:$0x3F9F]  }
0x1a: {  	s8 =	sadd.s32 $0xFFFFE003, lr  }
0x1b: {  	s9 =	sadd.s32 $0xFFFFFEF7, lr;
	s5 =	simm.s32 $0xFFFFFFFF;
	p2 =	slt.u32 s8, $0xFFFFF086  }
0x1c: {  	p1 =	slt.u32 s9, $0xF7A;
	s5 =	simm.s32 @!p2 $0x0  }
0x1d: {  	s5 =	simm.s32 @p1 $0x1;
	p0 =	seq.s32 s7, s2  }
0x1e: {  	s7 =	smul.u32 @!p0 $0xF7A, s2;
	p2 =	seq.s32 @!p0 s5, $0x0  }
0x1f: {  	s9 =	smul.u32 $0xF7A, s1;
	s8 =	simm.s32 @!p0 $0x1BF5;
	p2 =	por !p2, p0  }
0x20: {  	[sflag:s8] =	ssyncset.s32 @!p0 $0xFFFFF086;
	s6 =	sadd.s32 @!p0 s3, s7;
	s7 =	simm.s32 @!p0 $0x108  }
0x21: {  	s3 =	sadd.s32 s3, s9;
	s6 =	sadd.s32 @!p0 $0x88, s6;
	s7 =	simm.s32 @p2 $0x1082  }
0x22: {  	[simem:s7], [sflag:s8] =	dma.local @!p0 [hbm:s6], $0xF7A  }
0x23: {  	s9 =	sor.u32 $0xD0000000, s2;
	s6 =	simm.s32 $0x108;
	_ =	swait.ge @!p0 [sflag:s8], $0x0  }
0x24: {  	s3 =	sadd.s32 $0x88, s3;
	s6 =	simm.s32 @!p1 $0x1082;
	[sflag:s4] =	ssyncset.s32 $0xFFFFF086  }
0x25: {  	[simem:s6], [sflag:s4] =	dma.local [hbm:s3], $0xF7A  }
0x26: {  	[smem:$0x3F9F] =	sst s1;
	(tag) =	ssettag s2;
	_ =	strace s9  }
0x27: {  	s1 =	sld [smem:$0x3FAF]  }
0x28: {  	s2 =	sld [smem:$0x3FB0]  }
0x29: {  	s4 =	sld [smem:$0x3FB2]  }
0x2a: {  	p0 =	seq.s32 s5, $0x0;
	s5 =	sld [smem:$0x3FB3]  }
0x2b: {  	s6 =	sld [smem:$0x3FB4]  }
0x2c: {  	s7 =	sld [smem:$0x3FB5]  }
0x2d: {  	s3 =	simm.s32 $0x108;
	s8 =	sld [smem:$0x3FB6]  }
0x2e: {  	s3 =	simm.s32 @!p0 $0x1082;
	s9 =	sld [smem:$0x3FB7]  }
0x2f: {  	lr =	sadd.s32 s0, s3;
	s0 =	sld [smem:$0x3FAE]  }
0x30: {  	s3 =	sld [smem:$0x3FB1]  }
0x31: {  	[smem:$0x3FBA] =	sst s10  }
0x32: {  	s10 =	sld [smem:$0x3FB8];
	_ =	sdelay $0x3  }
0x33: {  	p0 =	seq.s32 s10, $0x1;
	s10 =	sld [smem:$0x3FBA];
	_ =	sdelay $0x3  }
0x34: {  	[smem:$0x3FBA] =	sst s10  }
0x35: {  	s10 =	sld [smem:$0x3FB9];
	_ =	sdelay $0x3  }
0x36: {  	p1 =	seq.s32 s10, $0x1;
	s10 =	sld [smem:$0x3FBA];
	_ =	sdelay $0x3  }
0x37: {  	[smem:$0x3FBA] =	sst s10  }
0x38: {  	s10 =	sld [smem:$0x3FBB]  }
0x39: {  	_ = 	snop;
	(pc) =	sbr.ind lr, $3  }
0x3a: {  	_ = 	snop  }
0x3b: {  	_ = 	snop  }
0x3c: {  	p2 =	seq.s32 s10, $0x1;
	s10 =	sld [smem:$0x3FBA]  }
0x3d: {  	_ =	shalt  }
0x3e: {  	_ =	shalt  }
0x3f: {  	_ =	shalt  }
0x40: {  	_ =	shalt  }
0x41: {  	_ =	shalt  }
0x42: {  	_ =	shalt  }
0x43: {  	_ =	shalt  }
0x44: {  	_ =	shalt  }
0x45: {  	_ =	shalt  }
0x46: {  	_ =	shalt  }
0x47: {  	_ =	shalt  }
0x48: {  	_ =	shalt  }
0x49: {  	_ =	shalt  }
0x4a: {  	_ =	shalt  }
0x4b: {  	_ =	shalt  }
0x4c: {  	_ =	shalt  }
0x4d: {  	_ =	shalt  }
0x4e: {  	_ =	shalt  }
0x4f: {  	_ =	shalt  }
0x50: {  	_ =	shalt  }
0x51: {  	_ =	shalt  }
0x52: {  	_ =	shalt  }
0x53: {  	_ =	shalt  }
0x54: {  	_ =	shalt  }
0x55: {  	_ =	shalt  }
0x56: {  	_ =	shalt  }
0x57: {  	_ =	shalt  }
0x58: {  	_ =	shalt  }
0x59: {  	_ =	shalt  }
0x5a: {  	_ =	shalt  }
0x5b: {  	_ =	shalt  }
0x5c: {  	_ =	shalt  }
0x5d: {  	_ =	shalt  }
0x5e: {  	_ =	shalt  }
0x5f: {  	_ =	shalt  }
0x60: {  	_ =	shalt  }
0x61: {  	_ =	shalt  }
0x62: {  	_ =	shalt  }
0x63: {  	_ =	shalt  }
0x64: {  	_ =	shalt  }
0x65: {  	_ =	shalt  }
0x66: {  	_ =	shalt  }
0x67: {  	_ =	shalt  }
0x68: {  	_ =	shalt  }
0x69: {  	_ =	shalt  }
0x6a: {  	_ =	shalt  }
0x6b: {  	_ =	shalt  }
0x6c: {  	_ =	shalt  }
0x6d: {  	_ =	shalt  }
0x6e: {  	_ =	shalt  }
0x6f: {  	_ =	shalt  }
0x70: {  	_ =	shalt  }
0x71: {  	_ =	shalt  }
0x72: {  	_ =	shalt  }
0x73: {  	_ =	shalt  }
0x74: {  	_ =	shalt  }
0x75: {  	_ =	shalt  }
0x76: {  	_ =	shalt  }
0x77: {  	_ =	shalt  }
0x78: {  	_ =	shalt  }
0x79: {  	_ =	shalt  }
0x7a: {  	_ =	shalt  }
0x7b: {  	_ =	shalt  }
0x7c: {  	_ =	shalt  }
0x7d: {  	_ =	shalt  }
0x7e: {  	_ =	shalt  }
0x7f: {  	_ =	shalt  }
0x80: {  	_ =	shalt  }
0x81: {  	_ =	shalt  }
0x82: {  	_ =	shalt  }
0x83: {  	_ =	shalt  }
0x84: {  	_ =	shalt  }
0x85: {  	_ =	shalt  }
0x86: {  	_ =	shalt  }
0x87: {  	_ =	shalt  }
.Lfunc_end0:
.L_simem_size_0:
called_computation.1_lowered:
.L_overlay_start_0:
0x88: {  	s2 =	sld [smem:$0x3FD9]  }
0x89: {  	s3 =	sld [smem:$0x3FFE];
	_ =	sdelay $0x1  }
0x8a: {  	s1 =	srdreg.scid  }
0x8b: {  	s0 =	sand.u32 $0x1, s1  }
0x8c: {  	s17 =	sshll.u32 s0, $0xA;
	s2 =	sadd.s32 s3, s2  }
0x8d: {  	s2 =	sadd.s32 s2, s17  }
0x8e: {  	[smem:$0x3FC6] =	sst s2  }
0x8f: {  	_ = 	snop  }
0x90: {  	(tm) =	ssettm $0x1  }
0x91: {  	s18 =	sld [smem:$0x3FFB];
	_ =	sdelay $0x3  }
0x92: {  	_ =	strace s18  }
0x93: {  	s2 =	sld [smem:$0x3FFC];
	_ =	sdelay $0x3  }
0x94: {  	_ =	strace s2  }
0x95: {  	s2 =	sld [smem:$0x3FFD];
	_ =	sdelay $0x3  }
0x96: {  	_ =	strace s2  }
0x97: {  	_ =	strace $0x8FFFFFFF  }
0x98: {  	s19 =	sld [smem:$0x3FDB];
	_ =	sdelay $0x1  }
0x99: {  	s20 =	simm.s32 $_scs_section_size  }
0x9a: {  	s4 =	simm.s32 $_size__tile_overlayer_lowered;
	s5 =	simm.s32 $_tile_overlayer_lowered  }
0x9b: {  	s6 =	simm.s32 $0x1BFF;
	s21 =	sshll.u32 s5, $0x1;
	s3 =	sadd.s32 s20, s19  }
0x9c: {  	s22 =	simm.s32 $0x0;
	s4 =	sshll.u32 s4, $0x1;
	s5 =	sadd.s32 s21, s3  }
0x9d: {  	[timem:s22], [sflag:s6] =	dma.local [hbm:s5], s4  }
0x9e: {  	_ =	swait.ge [sflag:s6], s4  }
0x9f: {  	s4 =	ssub.s32 $0x0, s4;
	[sflag:s6] =	ssyncset.done $0x0  }
0xa0: {  	[sflag:s6] =	ssyncadd.s32 s4;
	_ =	sdelay $0x1  }
0xa1: {  	s23 =	simm.s32 $0x1B8B  }
0xa2: {  	_ =	swait.ge [sflag:s23], $0x1  }
0xa3: {  	[sflag:s23] =	ssyncset.done $0x0  }
0xa4: {  	[sflag:s23] =	ssyncadd.s32 $0xFFFFFFFF  }
0xa5: {  	s4 =	sld [smem:$0x0]  }
0xa6: {  	s5 =	sand.u32 $0xFFFFFFFE, s1  }
0xa7: {  	p0 =	sne.s32 s1, s5  }
0xa8: {  	s5 =	sshll.u32 @p0 s5, $0xE  }
0xa9: {  	s5 =	sadd.s32 @p0 $0x11B8D, s5;
	s6 =	sshll.u32 @p0 s4, $0x11  }
0xaa: {  	s5 =	sor.u32 @p0 s6, s5  }
0xab: {  	[sflag:s5] =	ssyncadd.remote.s32 @p0 $0x1;
	_ =	sdelay $0x1  }
0xac: {  	s5 =	simm.s32 @p0 $0x1B8D  }
0xad: {  	_ =	swait.eq @p0 [sflag:s5], $0x1  }
0xae: {  	[sflag:s5] =	ssyncadd.s32 @p0 $0xFFFFFFFF  }
0xaf: {  	s6 =	sshll.u32 @!p0 s1, $0xE  }
0xb0: {  	s6 =	sor.u32 @!p0 $0x4000, s6;
	s5 =	simm.s32 @!p0 $0x1B8D  }
0xb1: {  	s4 =	sshll.u32 @!p0 s4, $0x11;
	s6 =	sadd.s32 @!p0 $0x11B8D, s6;
	_ =	swait.eq @!p0 [sflag:s5], $0x1  }
0xb2: {  	s4 =	sor.u32 @!p0 s4, s6;
	[sflag:s5] =	ssyncadd.s32 @!p0 $0xFFFFFFFF  }
0xb3: {  	s25 =	simm.s32 $0x1B8E;
	s24 =	sld [smem:$0x3FFE];
	[sflag:s4] =	ssyncadd.remote.s32 @!p0 $0x1  }
0xb4: {  	s26 =	simm.s32 $execute0_lowered;
	[smem:$0x3FD2] =	sst s25  }
0xb5: {  	s5 =	sshll.u32 s26, $0x1;
	_ =	strace $0x80000049;
	[dreg:$0x1] =	wrdreg $0xFFFFFFFF  }
0xb6: {  	s28 =	simm.s32 $_size_execute0_lowered;
	s3 =	sadd.s32 s3, s5;
	[dreg:$0x0] =	wrdreg $0x0  }
0xb7: {  	s5 =	sshll.u32 s28, $0x1;
	[dreg:$0x2] =	wrdreg s3  }
0xb8: {  	[dreg:$0x3] =	wrdreg s5  }
0xb9: {  	[dreg:$0x4] =	wrdreg $0xC0  }
0xba: {  	_ =	task [dreg:s22], $0x5FFFF  }
0xbb: {  	[dreg:$0x1] =	wrdreg $0xFFFFFFFF  }
0xbc: {  	[dreg:$0x0] =	wrdreg $0x60  }
0xbd: {  	[dreg:$0x2] =	wrdreg s24  }
0xbe: {  	[dreg:$0x3] =	wrdreg $0xA  }
0xbf: {  	_ =	task.clear_ibuf [dreg:s22], $0x4FFFF;
	_ =	strace $0x90000049  }
0xc0: {  	s29 =	simm.s32 $0xA;
	_ =	strace $0x8000004B  }
0xc1: {  	_ =	swait.ge [sflag:s29], $0x1  }
0xc2: {  	[sflag:s29] =	ssyncadd.s32 $0xFFFFFFFF  }
0xc3: {  	_ =	strace $0x9000004B  }
0xc4: {  	_ =	sfence  }
0xc5: {  	s30 =	sld [smem:$0x0];
	_ =	sdelay $0x2  }
0xc6: {  	s31 =	sshll.u32 s1, $0xD;
	s1 =	sshrl.u32 s1, $0x2  }
0xc7: {  	s4 =	sand.u32 $0x4000, s31;
	s1 =	sadd.s32 s1, s30  }
0xc8: {  	s0 =	sor.u32 s4, s0;
	s1 =	sshll.u32 s1, $0x11  }
0xc9: {  	s0 =	sor.u32 s1, s0  }
0xca: {  	s0 =	sadd.s32 $0x8F2B, s0  }
0xcb: {  	[sflag:s0] =	ssyncadd.remote.s32 $0x1  }
0xcc: {  	_ =	sfence.sel $0xFFFF  }
0xcd: {  	[dreg:$0x0] =	wrdreg $0xFFFFFFFF;
	(pc) =	sbr.abs _section_cstart, $3  }
0xce: {  	[dreg:$0x1] =	wrdreg $0xFFFFFFFF  }
0xcf: {  	_ =	task.clear_ibuf [dreg:s22], $0x2FFFF;
	_ =	strace $0x9FFFFFFF  }
0xd0: {  	(tm) =	ssettm $0x7FFFFFFF  }
0xd1: {  	_ =	shalt  }
tec
execute0_lowered:
.L_overlay_start_1:
0x0: {  	(tag) =	ssettag $0x1  }
0x1: {  	s0 =	rddreg [dreg:$0x0]  }
0x2: {  	s3 =	srdreg.scid;
	s1 =	stileid.u32;
	s2 =	simm.s32 $0x0  }
0x3: {  	s25 =	simm.s32 $0x280;
	s26 =	simm.s32 $0x5400;
	s28 =	simm.s32 $0x300  }
0x4: {  	s29 =	simm.s32 $0x6400;
	s19 =	simm.s32 $0x3400;
	s30 =	simm.s32 $0x380  }
0x5: {  	s31 =	simm.s32 $0x7400;
	s9 =	sand.u32 $0x1, s3;
	s20 =	sshll.u32 s1, $0x1  }
0x6: {  	[smem:$0x7FF] =	sst s2;
	s3 =	sadd.s32 $0x27800, s0;
	s8 =	smul.u32 $0x2800, s1  }
0x7: {  	s11 =	smul.u32 $0x140000, s1;
	_ =	strace $0x8000004A;
	[dreg:$0x4] =	wrdreg s25  }
0x8: {  	s5 =	sadd.s32 $0x407800, s0;
	s22 =	smul.u32 $0x50000, s1;
	[dreg:$0x5] =	wrdreg s26  }
0x9: {  	s4 =	sor.u32 s9, s20;
	s10 =	smul.u32 $0x1400, s9;
	[dreg:$0x6] =	wrdreg s28  }
0xa: {  	s7 =	ssub.s32 $0x2, s9;
	s12 =	smul.u32 $0xA0000, s9;
	[dreg:$0x7] =	wrdreg s29  }
0xb: {  	s14 =	smul.u32 $0x28000, s9;
	s20 =	simm.s32 $0x200;
	[dreg:$0x8] =	wrdreg s30  }
0xc: {  	[dreg:$0x9] =	wrdreg s31;
	s25 =	simm.s32 $0x0;
	s21 =	sshrl.u32 s7, $0x1  }
0xd: {  	s6 =	smul.u32 $0x1400, s4;
	s4 =	sadd.s32 $0x2800, s0;
	s0 =	ssub.s32 s7, s21  }
0xe: {  	s10 =	sadd.s32 s10, s8;
	s9 =	sadd.s32 s12, s11;
	s12 =	simm.s32 $0x3  }
0xf: {  	s21 =	simm.s32 $0x4400;
	s6 =	sshrl.u32 s6, $0x3;
	s7 =	smax.u32 s0, $0x1  }
0x10: {  	s8 =	sadd.s32 $0x400, s10;
	s13 =	sshrl.u32 s10, $0x7;
	s15 =	sor.u32 $0x200, s10  }
0x11: {  	s10 =	sadd.s32 s14, s22;
	s14 =	simm.s32 $0x400;
	s22 =	simm.s32 $0x1  }
0x12: {  	s6 =	sadd.s32 s4, s6;
	[dreg:$0x2] =	wrdreg s13;
	s23 =	sshrl.u32 s15, $0x7  }
0x13: {  	s24 =	sshrl.u32 s15, $0x3;
	s13 =	simm.s32 $0x80;
	[dreg:$0x3] =	wrdreg s23  }
0x14: {  	s11 =	sadd.s32 s24, s4;
	s23 =	simm.s32 $0x20;
	s24 =	simm.s32 $0x2  }
.LBB2_1:
0x15: {  	[tilespmem:s2], [sflag:$0x3] =	stream.linear.gather [hbm4b:s6+s2], $0x200, $0x38;
	[tilespmem:$0x8400] =	vst v63  }
0x16: {  	_ =	swait.ge [sflag:s12], $0x200  }
0x17: {  	[sflag:s12] =	ssyncset.done $0x0  }
0x18: {  	[sflag:s12] =	ssyncadd.s32 $0xFFFFFE00  }
0x19: {  	[tilespmem:s14], [sflag:$0x1] =	stream.indirect.gather [hbm4b:s3+s13], $0x20, s2, s13, $0xb8;
	[tilespmem:$0x8400] =	vst v63  }
0x1a: {  	s0 =	simm.s32 $0x1400  }
0x1b: {  	[tilespmem:s0], [sflag:$0x1] =	stream.indirect.gather [hbm4b:s3+s13], $0x20, s13, s13, $0xb8;
	[tilespmem:$0x8400] =	vst v63  }
0x1c: {  	s18 =	simm.s32 $0x100;
	s1 =	simm.s32 $0x2400  }
0x1d: {  	[tilespmem:s1], [sflag:$0x1] =	stream.indirect.gather [hbm4b:s3+s13], $0x20, s18, s13, $0xb8;
	[tilespmem:$0x8400] =	vst v63  }
0x1e: {  	s26 =	simm.s32 $0x180  }
0x1f: {  	[tilespmem:s19], [sflag:$0x1] =	stream.indirect.gather [hbm4b:s3+s13], $0x20, s26, s13, $0xb8;
	[tilespmem:$0x8400] =	vst v63  }
0x20: {  	_ = 	snop  }
0x21: {  	[tilespmem:s20], [sflag:$0x3] =	stream.linear.gather [hbm4b:s11+s2], $0x200, $0x38;
	[tilespmem:$0x8400] =	vst v63  }
0x22: {  	_ =	swait.ge [sflag:s12], $0x200  }
0x23: {  	s1 =	rddreg [dreg:$0x8]  }
0x24: {  	s26 =	rddreg [dreg:$0x6];
	[sflag:s12] =	ssyncset.done $0x0  }
0x25: {  	s28 =	rddreg [dreg:$0x4];
	[sflag:s12] =	ssyncadd.s32 $0xFFFFFE00  }
0x26: {  	[tilespmem:s21], [sflag:$0x2] =	stream.indirect.gather [hbm4b:s3+s13], $0x20, s20, s13, $0xb8;
	[tilespmem:$0x8400] =	vst v63  }
0x27: {  	s29 =	rddreg [dreg:$0x5]  }
0x28: {  	[tilespmem:s29], [sflag:$0x2] =	stream.indirect.gather [hbm4b:s3+s13], $0x20, s28, s13, $0xb8;
	[tilespmem:$0x8400] =	vst v63  }
0x29: {  	s30 =	rddreg [dreg:$0x7]  }
0x2a: {  	[tilespmem:s30], [sflag:$0x2] =	stream.indirect.gather [hbm4b:s3+s13], $0x20, s26, s13, $0xb8;
	[tilespmem:$0x8400] =	vst v63  }
0x2b: {  	s28 =	rddreg [dreg:$0x9]  }
0x2c: {  	[tilespmem:s28], [sflag:$0x2] =	stream.indirect.gather [hbm4b:s3+s13], $0x20, s1, s13, $0xb8;
	[tilespmem:$0x8400] =	vst v63  }
0x2d: {  	_ =	swait.ge [sflag:s22], $0x1000  }
0x2e: {  	[sflag:s22] =	ssyncset.done $0x0  }
0x2f: {  	[sflag:s22] =	ssyncadd.s32 $0xFFFFF000  }
0x30: {  	_ =	swait.ge [sflag:s22], $0x1000  }
0x31: {  	[sflag:s22] =	ssyncset.done $0x0  }
0x32: {  	[sflag:s22] =	ssyncadd.s32 $0xFFFFF000  }
0x33: {  	_ =	swait.ge [sflag:s22], $0x1000  }
0x34: {  	[sflag:s22] =	ssyncset.done $0x0  }
0x35: {  	[sflag:s22] =	ssyncadd.s32 $0xFFFFF000  }
0x36: {  	_ =	swait.ge [sflag:s22], $0x1000  }
0x37: {  	s15 =	rddreg [dreg:$0x2]  }
0x38: {  	s16 =	sand.u32 $0x7FF80000, s10;
	s28 =	sand.u32 $0x60000, s9;
	s0 =	sadd.s32 $0x0, s15  }
0x39: {  	s26 =	sor.u32 s28, s16;
	s0 =	sand.u32 $0x60, s0  }
0x3a: {  	s0 =	sor.u32 s0, s26  }
0x3b: {  	[sflag:s22] =	ssyncset.done $0x0;
	s0 =	sshrl.u32 s0, $0x3  }
0x3c: {  	[sflag:s22] =	ssyncadd.s32 $0xFFFFF000;
	s0 =	sadd.s32 s5, s0  }
0x3d: {  	[hbm4b:s0+s23] =	stream.strided.scatter [tilespmem:s14], [sflag:$0x3], $0x4000, s13, s23, $0x38;
	[tilespmem:$0x8400] =	vst v63  }
0x3e: {  	p0 =	por $0x0, $0x0;
	_ =	swait.ge [sflag:s12], $0x4000  }
0x3f: {  	s28 =	simm.s32 @!p0 $0x0;
	s0 =	sshrl.u32 @!p0 s8, $0x3;
	[sflag:s12] =	ssyncset.done $0x0  }
0x40: {  	s26 =	simm.s32 @!p0 $0x3;
	s0 =	sadd.s32 @!p0 s4, s0;
	[sflag:s12] =	ssyncadd.s32 $0xFFFFC000  }
0x41: {  	[tilespmem:s28], [sflag:$0x3] =	stream.linear.gather @!p0 [hbm4b:s0+s28], $0x200, $0x38;
	[tilespmem:$0x8400] =	vst v63  }
0x42: {  	_ =	swait.ge @!p0 [sflag:s26], $0x200  }
0x43: {  	[sflag:s26] =	ssyncset.done @!p0 $0x0  }
0x44: {  	s0 =	simm.s32 @!p0 $0x80;
	[sflag:s26] =	ssyncadd.s32 @!p0 $0xFFFFFE00;
	s26 =	simm.s32 @!p0 $0x400  }
0x45: {  	[tilespmem:s26], [sflag:$0x1] =	stream.indirect.gather @!p0 [hbm4b:s3+s0], $0x20, s28, s0, $0xb8;
	[tilespmem:$0x8400] =	vst v63  }
0x46: {  	s26 =	simm.s32 @!p0 $0x1400  }
0x47: {  	[tilespmem:s26], [sflag:$0x1] =	stream.indirect.gather @!p0 [hbm4b:s3+s0], $0x20, s0, s0, $0xb8;
	[tilespmem:$0x8400] =	vst v63  }
0x48: {  	s28 =	simm.s32 @!p0 $0x2400;
	s26 =	simm.s32 @!p0 $0x100  }
0x49: {  	[tilespmem:s28], [sflag:$0x1] =	stream.indirect.gather @!p0 [hbm4b:s3+s0], $0x20, s26, s0, $0xb8;
	[tilespmem:$0x8400] =	vst v63  }
0x4a: {  	s26 =	simm.s32 @!p0 $0x180;
	s28 =	simm.s32 @!p0 $0x3400  }
0x4b: {  	[tilespmem:s28], [sflag:$0x1] =	stream.indirect.gather @!p0 [hbm4b:s3+s0], $0x20, s26, s0, $0xb8;
	[tilespmem:$0x8400] =	vst v63  }
0x4c: {  	_ =	swait.ge [sflag:s24], $0x1000  }
0x4d: {  	[sflag:s24] =	ssyncset.done $0x0  }
0x4e: {  	[sflag:s24] =	ssyncadd.s32 $0xFFFFF000  }
0x4f: {  	_ =	swait.ge [sflag:s24], $0x1000  }
0x50: {  	[sflag:s24] =	ssyncset.done $0x0  }
0x51: {  	[sflag:s24] =	ssyncadd.s32 $0xFFFFF000  }
0x52: {  	_ =	swait.ge [sflag:s24], $0x1000  }
0x53: {  	[sflag:s24] =	ssyncset.done $0x0  }
0x54: {  	[sflag:s24] =	ssyncadd.s32 $0xFFFFF000  }
0x55: {  	_ =	swait.ge [sflag:s24], $0x1000  }
0x56: {  	s18 =	sadd.s32 $0x4000, s10;
	s28 =	sadd.s32 $0x10000, s9;
	s17 =	rddreg [dreg:$0x3]  }
0x57: {  	s26 =	sand.u32 $0x7FF80000, s18;
	s28 =	sand.u32 $0x70000, s28;
	s0 =	sadd.s32 $0x0, s17  }
0x58: {  	s31 =	smov.u32 s8;
	s26 =	sor.u32 s28, s26;
	s0 =	sand.u32 $0x60, s0  }
0x59: {  	s29 =	sadd.s32 $0x8000, s10;
	s30 =	sadd.s32 $0x20000, s9;
	s0 =	sor.u32 s0, s26  }
0x5a: {  	s28 =	sadd.s32 $0x80, s11;
	[sflag:s24] =	ssyncset.done $0x0;
	s0 =	sshrl.u32 s0, $0x3  }
0x5b: {  	[sflag:s24] =	ssyncadd.s32 $0xFFFFF000;
	s26 =	simm.s32 $0x8;
	s0 =	sadd.s32 s5, s0  }
0x5c: {  	[hbm4b:s0+s23] =	stream.strided.scatter [tilespmem:s21], [sflag:$0x3], $0x4000, s13, s23, $0x38;
	[tilespmem:$0x8400] =	vst v63  }
.LBB2_2:
0x5d: {  	_ =	swait.ge [sflag:s12], $0x4000  }
0x5e: {  	[sflag:s12] =	ssyncset.done $0x0  }
0x5f: {  	[sflag:s12] =	ssyncadd.s32 $0xFFFFC000  }
0x60: {  	[tilespmem:s20], [sflag:$0x3] =	stream.linear.gather [hbm4b:s28+s2], $0x200, $0x38;
	[tilespmem:$0x8400] =	vst v63  }
0x61: {  	_ =	swait.ge [sflag:s12], $0x200  }
0x62: {  	s1 =	rddreg [dreg:$0x8]  }
0x63: {  	[sflag:s12] =	ssyncset.done $0x0;
	s15 =	rddreg [dreg:$0x6]  }
0x64: {  	s16 =	rddreg [dreg:$0x4];
	[sflag:s12] =	ssyncadd.s32 $0xFFFFFE00  }
0x65: {  	[tilespmem:s21], [sflag:$0x2] =	stream.indirect.gather [hbm4b:s3+s13], $0x20, s20, s13, $0xb8;
	[tilespmem:$0x8400] =	vst v63  }
0x66: {  	s17 =	rddreg [dreg:$0x5]  }
0x67: {  	[tilespmem:s17], [sflag:$0x2] =	stream.indirect.gather [hbm4b:s3+s13], $0x20, s16, s13, $0xb8;
	[tilespmem:$0x8400] =	vst v63  }
0x68: {  	s18 =	rddreg [dreg:$0x7]  }
0x69: {  	[tilespmem:s18], [sflag:$0x2] =	stream.indirect.gather [hbm4b:s3+s13], $0x20, s15, s13, $0xb8;
	[tilespmem:$0x8400] =	vst v63  }
0x6a: {  	s17 =	rddreg [dreg:$0x9]  }
0x6b: {  	[tilespmem:s17], [sflag:$0x2] =	stream.indirect.gather [hbm4b:s3+s13], $0x20, s1, s13, $0xb8;
	[tilespmem:$0x8400] =	vst v63  }
0x6c: {  	_ =	swait.ge [sflag:s22], $0x1000  }
0x6d: {  	[sflag:s22] =	ssyncset.done $0x0  }
0x6e: {  	[sflag:s22] =	ssyncadd.s32 $0xFFFFF000  }
0x6f: {  	_ =	swait.ge [sflag:s22], $0x1000  }
0x70: {  	[sflag:s22] =	ssyncset.done $0x0  }
0x71: {  	[sflag:s22] =	ssyncadd.s32 $0xFFFFF000  }
0x72: {  	_ =	swait.ge [sflag:s22], $0x1000  }
0x73: {  	[sflag:s22] =	ssyncset.done $0x0  }
0x74: {  	[sflag:s22] =	ssyncadd.s32 $0xFFFFF000  }
0x75: {  	_ =	swait.ge [sflag:s22], $0x1000  }
0x76: {  	s0 =	smov.u32 s26;
	s15 =	rddreg [dreg:$0x2]  }
0x77: {  	s16 =	sand.u32 $0x7FF80000, s29;
	s17 =	sand.u32 $0x60000, s30;
	s1 =	sadd.s32 s0, s15  }
0x78: {  	s15 =	sor.u32 s17, s16;
	s1 =	sand.u32 $0x60, s1  }
0x79: {  	s1 =	sor.u32 s1, s15  }
0x7a: {  	[sflag:s22] =	ssyncset.done $0x0;
	s1 =	sshrl.u32 s1, $0x3  }
0x7b: {  	[sflag:s22] =	ssyncadd.s32 $0xFFFFF000;
	s1 =	sadd.s32 s5, s1  }
0x7c: {  	[hbm4b:s1+s23] =	stream.strided.scatter [tilespmem:s14], [sflag:$0x3], $0x4000, s13, s23, $0x38;
	[tilespmem:$0x8400] =	vst v63  }
0x7d: {  	s31 =	sadd.s32 $0x400, s31;
	p1 =	seq.s32 s0, $0x20;
	_ =	swait.ge [sflag:s12], $0x4000  }
0x7e: {  	s16 =	simm.s32 @!p1 $0x0;
	s1 =	sshrl.u32 @!p1 s31, $0x3;
	[sflag:s12] =	ssyncset.done $0x0  }
0x7f: {  	s15 =	simm.s32 @!p1 $0x3;
	s1 =	sadd.s32 @!p1 s4, s1;
	[sflag:s12] =	ssyncadd.s32 $0xFFFFC000  }
0x80: {  	[tilespmem:s16], [sflag:$0x3] =	stream.linear.gather @!p1 [hbm4b:s1+s16], $0x200, $0x38;
	[tilespmem:$0x8400] =	vst v63  }
0x81: {  	_ =	swait.ge @!p1 [sflag:s15], $0x200  }
0x82: {  	[sflag:s15] =	ssyncset.done @!p1 $0x0  }
0x83: {  	s1 =	simm.s32 @!p1 $0x80;
	[sflag:s15] =	ssyncadd.s32 @!p1 $0xFFFFFE00;
	s15 =	simm.s32 @!p1 $0x400  }
0x84: {  	[tilespmem:s15], [sflag:$0x1] =	stream.indirect.gather @!p1 [hbm4b:s3+s1], $0x20, s16, s1, $0xb8;
	[tilespmem:$0x8400] =	vst v63  }
0x85: {  	s15 =	simm.s32 @!p1 $0x1400  }
0x86: {  	[tilespmem:s15], [sflag:$0x1] =	stream.indirect.gather @!p1 [hbm4b:s3+s1], $0x20, s1, s1, $0xb8;
	[tilespmem:$0x8400] =	vst v63  }
0x87: {  	s16 =	simm.s32 @!p1 $0x2400;
	s15 =	simm.s32 @!p1 $0x100  }
0x88: {  	[tilespmem:s16], [sflag:$0x1] =	stream.indirect.gather @!p1 [hbm4b:s3+s1], $0x20, s15, s1, $0xb8;
	[tilespmem:$0x8400] =	vst v63  }
0x89: {  	s15 =	simm.s32 @!p1 $0x180;
	s16 =	simm.s32 @!p1 $0x3400  }
0x8a: {  	[tilespmem:s16], [sflag:$0x1] =	stream.indirect.gather @!p1 [hbm4b:s3+s1], $0x20, s15, s1, $0xb8;
	[tilespmem:$0x8400] =	vst v63  }
0x8b: {  	_ =	swait.ge [sflag:s24], $0x1000  }
0x8c: {  	[sflag:s24] =	ssyncset.done $0x0  }
0x8d: {  	[sflag:s24] =	ssyncadd.s32 $0xFFFFF000  }
0x8e: {  	_ =	swait.ge [sflag:s24], $0x1000  }
0x8f: {  	[sflag:s24] =	ssyncset.done $0x0  }
0x90: {  	[sflag:s24] =	ssyncadd.s32 $0xFFFFF000  }
0x91: {  	_ =	swait.ge [sflag:s24], $0x1000  }
0x92: {  	[sflag:s24] =	ssyncset.done $0x0  }
0x93: {  	s26 =	sadd.s32 $0x8, s26;
	[sflag:s24] =	ssyncadd.s32 $0xFFFFF000  }
0x94: {  	p0 =	sne.s32 s26, $0x28;
	_ =	swait.ge [sflag:s24], $0x1000  }
0x95: {  	s17 =	sadd.s32 $0x10000, s30;
	s16 =	sadd.s32 $0x4000, s29;
	s18 =	rddreg [dreg:$0x3]  }
0x96: {  	s15 =	sand.u32 $0x7FF80000, s16;
	s16 =	sand.u32 $0x70000, s17;
	s0 =	sadd.s32 s0, s18  }
.Ltmp0:
0x97: {  	s18 =	sor.u32 s16, s15;
	s0 =	sand.u32 $0x60, s0;
	(pc) =	sbr.rel @p0 .LBB2_2-.Ltmp0, $4  }
0x98: {  	s28 =	sadd.s32 $0x80, s28;
	s0 =	sor.u32 s0, s18  }
0x99: {  	s30 =	sadd.s32 $0x20000, s30;
	[sflag:s24] =	ssyncset.done $0x0;
	s0 =	sshrl.u32 s0, $0x3  }
0x9a: {  	s29 =	sadd.s32 $0x8000, s29;
	[sflag:s24] =	ssyncadd.s32 $0xFFFFF000;
	s0 =	sadd.s32 s5, s0  }
0x9b: {  	[hbm4b:s0+s23] =	stream.strided.scatter [tilespmem:s21], [sflag:$0x3], $0x4000, s13, s23, $0x38;
	[tilespmem:$0x8400] =	vst v63  }
0x9c: {  	s25 =	sadd.s32 $0x1, s25  }
0x9d: {  	p0 =	sne.s32 s25, s7  }
.Ltmp1:
0x9e: {  	_ = 	snop;
	(pc) =	sbr.rel @p0 .LBB2_1-.Ltmp1, $4  }
0x9f: {  	_ = 	snop  }
0xa0: {  	_ =	swait.ge [sflag:s12], $0x4000  }
0xa1: {  	[sflag:s12] =	ssyncset.done $0x0  }
0xa2: {  	[sflag:s12] =	ssyncadd.s32 $0xFFFFC000  }
0xa3: {  	_ =	sfence.sel $0x180000  }
0xa4: {  	[bflag:$0x0] =	sbarrier.arrive $0xFFFF  }
0xa5: {  	_ =	strace $0x9000004A  }
0xa6: {  	s0 =	stileid.u32;
	[bflag:$0x2] =	sbarrier.arrive $0xFFFF  }
0xa7: {  	p0 =	sne.s32 s0, $0x0;
	s0 =	rddreg [dreg:$0x1]  }
0xa8: {  	s0 =	sadd.s32 @!p0 $0x100000, s0  }
0xa9: {  	[sflag:s0] =	ssyncadd.tile.s32 @!p0 $0x1;
	_ =	shalt  }
.Lfunc_end2:
_tile_overlayer_lowered:
.L_overlay_start_2:
0xaa: {  	(tag) =	ssettag $0x2  }
0xab: {  	s0 =	rddreg [dreg:$0x0];
	s2 =	stileid.u32  }
0xac: {  	s1 =	rddreg [dreg:$0x1];
	p0 =	sne.s32 s2, $0x0  }
0xad: {  	s3 =	rddreg [dreg:$0x2];
	[bflag:$0x3] =	sbarrier.arrive $0xFFFF;
	s2 =	simm.s32 @!p0 $0x1C03  }
0xae: {  	[timem:s3], [sflag:s2] =	dma.local @!p0 [hbm:s0], s1  }
0xaf: {  	s0 =	simm.s32 @!p0 $0x3  }
0xb0: {  	_ =	swait.ge @!p0 [sflag:s0], s1  }
0xb1: {  	s1 =	ssub.s32 @!p0 $0x0, s1;
	[sflag:s0] =	ssyncset.done @!p0 $0x0  }
0xb2: {  	[sflag:s0] =	ssyncadd.s32 @!p0 s1  }
0xb3: {  	[bflag:$0x3] =	sbarrier.arrive $0xFFFF  }
0xb4: {  	_ =	shalt  }

// kernel: kernel.19.cloned.1.call-start
scs
__scs_entry_jumppad:
0x0: {  	(pc) =	sbr.rel $0x88, $3  }
0x1: {  	(tag) =	ssettag $0x0;
	lr =	simm.s32 $0x1  }
0x2: {  	[smem:$0x3F9F] =	sst lr;
	_ =	strace $0xD0000000  }
0x3: {  	_ = 	snop  }
0x4: {  	_ = 	snop  }
0x5: {  	_ = 	snop  }
0x6: {  	_ = 	snop  }
0x7: {  	_ = 	snop  }
__scs_overlays_trampoline_lowered:
0x8: {  	[smem:$0x3FAE] =	sst s0  }
0x9: {  	[smem:$0x3FAF] =	sst s1  }
0xa: {  	[smem:$0x3FB0] =	sst s2  }
0xb: {  	[smem:$0x3FB1] =	sst s3  }
0xc: {  	[smem:$0x3FB2] =	sst s4  }
0xd: {  	[smem:$0x3FB3] =	sst s5  }
0xe: {  	[smem:$0x3FB4] =	sst s6  }
0xf: {  	[smem:$0x3FB5] =	sst s7  }
0x10: {  	[smem:$0x3FB6] =	sst s8  }
0x11: {  	[smem:$0x3FB7] =	sst s9;
	s0 =	simm.s32 @!p0 $0x0  }
0x12: {  	s1 =	sld [smem:$0x3F9D];
	s0 =	simm.s32 @p0 $0x1  }
0x13: {  	[smem:$0x3FB8] =	sst s0;
	s0 =	simm.s32 @!p1 $0x0  }
0x14: {  	s2 =	sld [smem:$0x3F9C];
	s0 =	simm.s32 @p1 $0x1  }
0x15: {  	[smem:$0x3FB9] =	sst s0;
	s0 =	simm.s32 @!p2 $0x0  }
0x16: {  	s3 =	sld [smem:$0x3FDB];
	s0 =	simm.s32 @p2 $0x1  }
0x17: {  	s4 =	simm.s32 $0x1BF5;
	[smem:$0x3FBB] =	sst s0  }
0x18: {  	s0 =	sld [smem:$0x3F9E];
	_ =	swait.ge [sflag:s4], $0x0  }
0x19: {  	s7 =	sld [smem:$0x3F9F]  }
0x1a: {  	s8 =	sadd.s32 $0xFFFFE003, lr  }
0x1b: {  	s9 =	sadd.s32 $0xFFFFFEF7, lr;
	s5 =	simm.s32 $0xFFFFFFFF;
	p2 =	slt.u32 s8, $0xFFFFF086  }
0x1c: {  	p1 =	slt.u32 s9, $0xF7A;
	s5 =	simm.s32 @!p2 $0x0  }
0x1d: {  	s5 =	simm.s32 @p1 $0x1;
	p0 =	seq.s32 s7, s2  }
0x1e: {  	s7 =	smul.u32 @!p0 $0xF7A, s2;
	p2 =	seq.s32 @!p0 s5, $0x0  }
0x1f: {  	s9 =	smul.u32 $0xF7A, s1;
	s8 =	simm.s32 @!p0 $0x1BF5;
	p2 =	por !p2, p0  }
0x20: {  	[sflag:s8] =	ssyncset.s32 @!p0 $0xFFFFF086;
	s6 =	sadd.s32 @!p0 s3, s7;
	s7 =	simm.s32 @!p0 $0x108  }
0x21: {  	s3 =	sadd.s32 s3, s9;
	s6 =	sadd.s32 @!p0 $0x88, s6;
	s7 =	simm.s32 @p2 $0x1082  }
0x22: {  	[simem:s7], [sflag:s8] =	dma.local @!p0 [hbm:s6], $0xF7A  }
0x23: {  	s9 =	sor.u32 $0xD0000000, s2;
	s6 =	simm.s32 $0x108;
	_ =	swait.ge @!p0 [sflag:s8], $0x0  }
0x24: {  	s3 =	sadd.s32 $0x88, s3;
	s6 =	simm.s32 @!p1 $0x1082;
	[sflag:s4] =	ssyncset.s32 $0xFFFFF086  }
0x25: {  	[simem:s6], [sflag:s4] =	dma.local [hbm:s3], $0xF7A  }
0x26: {  	[smem:$0x3F9F] =	sst s1;
	(tag) =	ssettag s2;
	_ =	strace s9  }
0x27: {  	s1 =	sld [smem:$0x3FAF]  }
0x28: {  	s2 =	sld [smem:$0x3FB0]  }
0x29: {  	s4 =	sld [smem:$0x3FB2]  }
0x2a: {  	p0 =	seq.s32 s5, $0x0;
	s5 =	sld [smem:$0x3FB3]  }
0x2b: {  	s6 =	sld [smem:$0x3FB4]  }
0x2c: {  	s7 =	sld [smem:$0x3FB5]  }
0x2d: {  	s3 =	simm.s32 $0x108;
	s8 =	sld [smem:$0x3FB6]  }
0x2e: {  	s3 =	simm.s32 @!p0 $0x1082;
	s9 =	sld [smem:$0x3FB7]  }
0x2f: {  	lr =	sadd.s32 s0, s3;
	s0 =	sld [smem:$0x3FAE]  }
0x30: {  	s3 =	sld [smem:$0x3FB1]  }
0x31: {  	[smem:$0x3FBA] =	sst s10  }
0x32: {  	s10 =	sld [smem:$0x3FB8];
	_ =	sdelay $0x3  }
0x33: {  	p0 =	seq.s32 s10, $0x1;
	s10 =	sld [smem:$0x3FBA];
	_ =	sdelay $0x3  }
0x34: {  	[smem:$0x3FBA] =	sst s10  }
0x35: {  	s10 =	sld [smem:$0x3FB9];
	_ =	sdelay $0x3  }
0x36: {  	p1 =	seq.s32 s10, $0x1;
	s10 =	sld [smem:$0x3FBA];
	_ =	sdelay $0x3  }
0x37: {  	[smem:$0x3FBA] =	sst s10  }
0x38: {  	s10 =	sld [smem:$0x3FBB]  }
0x39: {  	_ = 	snop;
	(pc) =	sbr.ind lr, $3  }
0x3a: {  	_ = 	snop  }
0x3b: {  	_ = 	snop  }
0x3c: {  	p2 =	seq.s32 s10, $0x1;
	s10 =	sld [smem:$0x3FBA]  }
0x3d: {  	_ =	shalt  }
0x3e: {  	_ =	shalt  }
0x3f: {  	_ =	shalt  }
0x40: {  	_ =	shalt  }
0x41: {  	_ =	shalt  }
0x42: {  	_ =	shalt  }
0x43: {  	_ =	shalt  }
0x44: {  	_ =	shalt  }
0x45: {  	_ =	shalt  }
0x46: {  	_ =	shalt  }
0x47: {  	_ =	shalt  }
0x48: {  	_ =	shalt  }
0x49: {  	_ =	shalt  }
0x4a: {  	_ =	shalt  }
0x4b: {  	_ =	shalt  }
0x4c: {  	_ =	shalt  }
0x4d: {  	_ =	shalt  }
0x4e: {  	_ =	shalt  }
0x4f: {  	_ =	shalt  }
0x50: {  	_ =	shalt  }
0x51: {  	_ =	shalt  }
0x52: {  	_ =	shalt  }
0x53: {  	_ =	shalt  }
0x54: {  	_ =	shalt  }
0x55: {  	_ =	shalt  }
0x56: {  	_ =	shalt  }
0x57: {  	_ =	shalt  }
0x58: {  	_ =	shalt  }
0x59: {  	_ =	shalt  }
0x5a: {  	_ =	shalt  }
0x5b: {  	_ =	shalt  }
0x5c: {  	_ =	shalt  }
0x5d: {  	_ =	shalt  }
0x5e: {  	_ =	shalt  }
0x5f: {  	_ =	shalt  }
0x60: {  	_ =	shalt  }
0x61: {  	_ =	shalt  }
0x62: {  	_ =	shalt  }
0x63: {  	_ =	shalt  }
0x64: {  	_ =	shalt  }
0x65: {  	_ =	shalt  }
0x66: {  	_ =	shalt  }
0x67: {  	_ =	shalt  }
0x68: {  	_ =	shalt  }
0x69: {  	_ =	shalt  }
0x6a: {  	_ =	shalt  }
0x6b: {  	_ =	shalt  }
0x6c: {  	_ =	shalt  }
0x6d: {  	_ =	shalt  }
0x6e: {  	_ =	shalt  }
0x6f: {  	_ =	shalt  }
0x70: {  	_ =	shalt  }
0x71: {  	_ =	shalt  }
0x72: {  	_ =	shalt  }
0x73: {  	_ =	shalt  }
0x74: {  	_ =	shalt  }
0x75: {  	_ =	shalt  }
0x76: {  	_ =	shalt  }
0x77: {  	_ =	shalt  }
0x78: {  	_ =	shalt  }
0x79: {  	_ =	shalt  }
0x7a: {  	_ =	shalt  }
0x7b: {  	_ =	shalt  }
0x7c: {  	_ =	shalt  }
0x7d: {  	_ =	shalt  }
0x7e: {  	_ =	shalt  }
0x7f: {  	_ =	shalt  }
0x80: {  	_ =	shalt  }
0x81: {  	_ =	shalt  }
0x82: {  	_ =	shalt  }
0x83: {  	_ =	shalt  }
0x84: {  	_ =	shalt  }
0x85: {  	_ =	shalt  }
0x86: {  	_ =	shalt  }
0x87: {  	_ =	shalt  }
.Lfunc_end0:
.L_simem_size_0:
called_computation.2_lowered:
.L_overlay_start_0:
0x88: {  	s2 =	sld [smem:$0x3FD9]  }
0x89: {  	s3 =	sld [smem:$0x3FFE];
	_ =	sdelay $0x1  }
0x8a: {  	s1 =	srdreg.scid  }
0x8b: {  	s0 =	sand.u32 $0x1, s1  }
0x8c: {  	s17 =	sshll.u32 s0, $0xA;
	s2 =	sadd.s32 s3, s2  }
0x8d: {  	s2 =	sadd.s32 s2, s17  }
0x8e: {  	[smem:$0x3FC6] =	sst s2  }
0x8f: {  	_ = 	snop  }
0x90: {  	(tm) =	ssettm $0x1  }
0x91: {  	s18 =	sld [smem:$0x3FFB];
	_ =	sdelay $0x3  }
0x92: {  	_ =	strace s18  }
0x93: {  	s2 =	sld [smem:$0x3FFC];
	_ =	sdelay $0x3  }
0x94: {  	_ =	strace s2  }
0x95: {  	s2 =	sld [smem:$0x3FFD];
	_ =	sdelay $0x3  }
0x96: {  	_ =	strace s2  }
0x97: {  	_ =	strace $0x8FFFFFFF  }
0x98: {  	s19 =	sld [smem:$0x3FDB];
	_ =	sdelay $0x1  }
0x99: {  	s20 =	simm.s32 $_scs_section_size  }
0x9a: {  	s4 =	simm.s32 $_size__tile_overlayer_lowered;
	s5 =	simm.s32 $_tile_overlayer_lowered  }
0x9b: {  	s6 =	simm.s32 $0x1BFF;
	s21 =	sshll.u32 s5, $0x1;
	s3 =	sadd.s32 s20, s19  }
0x9c: {  	s22 =	simm.s32 $0x0;
	s4 =	sshll.u32 s4, $0x1;
	s5 =	sadd.s32 s21, s3  }
0x9d: {  	[timem:s22], [sflag:s6] =	dma.local [hbm:s5], s4  }
0x9e: {  	_ =	swait.ge [sflag:s6], s4  }
0x9f: {  	s4 =	ssub.s32 $0x0, s4;
	[sflag:s6] =	ssyncset.done $0x0  }
0xa0: {  	[sflag:s6] =	ssyncadd.s32 s4;
	_ =	sdelay $0x1  }
0xa1: {  	s23 =	simm.s32 $0x1B8B  }
0xa2: {  	_ =	swait.ge [sflag:s23], $0x1  }
0xa3: {  	[sflag:s23] =	ssyncset.done $0x0  }
0xa4: {  	[sflag:s23] =	ssyncadd.s32 $0xFFFFFFFF  }
0xa5: {  	s4 =	sld [smem:$0x0]  }
0xa6: {  	s5 =	sand.u32 $0xFFFFFFFE, s1  }
0xa7: {  	p0 =	sne.s32 s1, s5  }
0xa8: {  	s5 =	sshll.u32 @p0 s5, $0xE  }
0xa9: {  	s5 =	sadd.s32 @p0 $0x11B8D, s5;
	s6 =	sshll.u32 @p0 s4, $0x11  }
0xaa: {  	s5 =	sor.u32 @p0 s6, s5  }
0xab: {  	[sflag:s5] =	ssyncadd.remote.s32 @p0 $0x1;
	_ =	sdelay $0x1  }
0xac: {  	s5 =	simm.s32 @p0 $0x1B8D  }
0xad: {  	_ =	swait.eq @p0 [sflag:s5], $0x1  }
0xae: {  	[sflag:s5] =	ssyncadd.s32 @p0 $0xFFFFFFFF  }
0xaf: {  	s6 =	sshll.u32 @!p0 s1, $0xE  }
0xb0: {  	s6 =	sor.u32 @!p0 $0x4000, s6;
	s5 =	simm.s32 @!p0 $0x1B8D  }
0xb1: {  	s4 =	sshll.u32 @!p0 s4, $0x11;
	s6 =	sadd.s32 @!p0 $0x11B8D, s6;
	_ =	swait.eq @!p0 [sflag:s5], $0x1  }
0xb2: {  	s4 =	sor.u32 @!p0 s4, s6;
	[sflag:s5] =	ssyncadd.s32 @!p0 $0xFFFFFFFF  }
0xb3: {  	s25 =	simm.s32 $0x1B8E;
	s24 =	sld [smem:$0x3FFE];
	[sflag:s4] =	ssyncadd.remote.s32 @!p0 $0x1  }
0xb4: {  	s26 =	simm.s32 $execute0_lowered;
	[smem:$0x3FD2] =	sst s25  }
0xb5: {  	s5 =	sshll.u32 s26, $0x1;
	_ =	strace $0x8000004C;
	[dreg:$0x1] =	wrdreg $0xFFFFFFFF  }
0xb6: {  	s28 =	simm.s32 $_size_execute0_lowered;
	s3 =	sadd.s32 s3, s5;
	[dreg:$0x0] =	wrdreg $0x0  }
0xb7: {  	s5 =	sshll.u32 s28, $0x1;
	[dreg:$0x2] =	wrdreg s3  }
0xb8: {  	[dreg:$0x3] =	wrdreg s5  }
0xb9: {  	[dreg:$0x4] =	wrdreg $0xC0  }
0xba: {  	_ =	task [dreg:s22], $0x5FFFF  }
0xbb: {  	[dreg:$0x1] =	wrdreg $0xFFFFFFFF  }
0xbc: {  	[dreg:$0x0] =	wrdreg $0x60  }
0xbd: {  	[dreg:$0x2] =	wrdreg s24  }
0xbe: {  	[dreg:$0x3] =	wrdreg $0xB  }
0xbf: {  	_ =	task.clear_ibuf [dreg:s22], $0x4FFFF;
	_ =	strace $0x9000004C  }
0xc0: {  	s29 =	simm.s32 $0xB;
	_ =	strace $0x8000004E  }
0xc1: {  	_ =	swait.ge [sflag:s29], $0x1  }
0xc2: {  	[sflag:s29] =	ssyncadd.s32 $0xFFFFFFFF  }
0xc3: {  	_ =	strace $0x9000004E  }
0xc4: {  	_ =	sfence  }
0xc5: {  	s30 =	sld [smem:$0x0];
	_ =	sdelay $0x2  }
0xc6: {  	s31 =	sshll.u32 s1, $0xD;
	s1 =	sshrl.u32 s1, $0x2  }
0xc7: {  	s4 =	sand.u32 $0x4000, s31;
	s1 =	sadd.s32 s1, s30  }
0xc8: {  	s0 =	sor.u32 s4, s0;
	s1 =	sshll.u32 s1, $0x11  }
0xc9: {  	s0 =	sor.u32 s1, s0  }
0xca: {  	s0 =	sadd.s32 $0x8F2B, s0  }
0xcb: {  	[sflag:s0] =	ssyncadd.remote.s32 $0x1  }
0xcc: {  	_ =	sfence.sel $0xFFFF  }
0xcd: {  	[dreg:$0x0] =	wrdreg $0xFFFFFFFF;
	(pc) =	sbr.abs _section_cstart, $3  }
0xce: {  	[dreg:$0x1] =	wrdreg $0xFFFFFFFF  }
0xcf: {  	_ =	task.clear_ibuf [dreg:s22], $0x2FFFF;
	_ =	strace $0x9FFFFFFF  }
0xd0: {  	(tm) =	ssettm $0x7FFFFFFF  }
0xd1: {  	_ =	shalt  }
tec
execute0_lowered:
.L_overlay_start_1:
0x0: {  	(tag) =	ssettag $0x1  }
0x1: {  	s0 =	rddreg [dreg:$0x0]  }
0x2: {  	s3 =	srdreg.scid;
	s1 =	stileid.u32;
	s2 =	simm.s32 $0x0  }
0x3: {  	s25 =	simm.s32 $0x280;
	s26 =	simm.s32 $0x5400;
	s28 =	simm.s32 $0x300  }
0x4: {  	s29 =	simm.s32 $0x6400;
	s19 =	simm.s32 $0x3400;
	s30 =	simm.s32 $0x380  }
0x5: {  	s31 =	simm.s32 $0x7400;
	s9 =	sand.u32 $0x1, s3;
	s20 =	sshll.u32 s1, $0x1  }
0x6: {  	[smem:$0x7FF] =	sst s2;
	s3 =	sadd.s32 $0x27800, s0;
	s8 =	smul.u32 $0x2800, s1  }
0x7: {  	s11 =	smul.u32 $0x140000, s1;
	_ =	strace $0x8000004D;
	[dreg:$0x4] =	wrdreg s25  }
0x8: {  	s5 =	sadd.s32 $0x4A7800, s0;
	s22 =	smul.u32 $0x50000, s1;
	[dreg:$0x5] =	wrdreg s26  }
0x9: {  	s4 =	sor.u32 s9, s20;
	s10 =	smul.u32 $0x1400, s9;
	[dreg:$0x6] =	wrdreg s28  }
0xa: {  	s7 =	ssub.s32 $0x2, s9;
	s12 =	smul.u32 $0xA0000, s9;
	[dreg:$0x7] =	wrdreg s29  }
0xb: {  	s14 =	smul.u32 $0x28000, s9;
	s20 =	simm.s32 $0x200;
	[dreg:$0x8] =	wrdreg s30  }
0xc: {  	[dreg:$0x9] =	wrdreg s31;
	s25 =	simm.s32 $0x0;
	s21 =	sshrl.u32 s7, $0x1  }
0xd: {  	s6 =	smul.u32 $0x1400, s4;
	s4 =	sadd.s32 $0x7800, s0;
	s0 =	ssub.s32 s7, s21  }
0xe: {  	s10 =	sadd.s32 s10, s8;
	s9 =	sadd.s32 s12, s11;
	s12 =	simm.s32 $0x3  }
0xf: {  	s21 =	simm.s32 $0x4400;
	s6 =	sshrl.u32 s6, $0x3;
	s7 =	smax.u32 s0, $0x1  }
0x10: {  	s8 =	sadd.s32 $0x400, s10;
	s13 =	sshrl.u32 s10, $0x7;
	s15 =	sor.u32 $0x200, s10  }
0x11: {  	s10 =	sadd.s32 s14, s22;
	s14 =	simm.s32 $0x400;
	s22 =	simm.s32 $0x1  }
0x12: {  	s6 =	sadd.s32 s4, s6;
	[dreg:$0x2] =	wrdreg s13;
	s23 =	sshrl.u32 s15, $0x7  }
0x13: {  	s24 =	sshrl.u32 s15, $0x3;
	s13 =	simm.s32 $0x80;
	[dreg:$0x3] =	wrdreg s23  }
0x14: {  	s11 =	sadd.s32 s24, s4;
	s23 =	simm.s32 $0x20;
	s24 =	simm.s32 $0x2  }
.LBB2_1:
0x15: {  	[tilespmem:s2], [sflag:$0x3] =	stream.linear.gather [hbm4b:s6+s2], $0x200, $0x38;
	[tilespmem:$0x8400] =	vst v63  }
0x16: {  	_ =	swait.ge [sflag:s12], $0x200  }
0x17: {  	[sflag:s12] =	ssyncset.done $0x0  }
0x18: {  	[sflag:s12] =	ssyncadd.s32 $0xFFFFFE00  }
0x19: {  	[tilespmem:s14], [sflag:$0x1] =	stream.indirect.gather [hbm4b:s3+s13], $0x20, s2, s13, $0xb8;
	[tilespmem:$0x8400] =	vst v63  }
0x1a: {  	s0 =	simm.s32 $0x1400  }
0x1b: {  	[tilespmem:s0], [sflag:$0x1] =	stream.indirect.gather [hbm4b:s3+s13], $0x20, s13, s13, $0xb8;
	[tilespmem:$0x8400] =	vst v63  }
0x1c: {  	s18 =	simm.s32 $0x100;
	s1 =	simm.s32 $0x2400  }
0x1d: {  	[tilespmem:s1], [sflag:$0x1] =	stream.indirect.gather [hbm4b:s3+s13], $0x20, s18, s13, $0xb8;
	[tilespmem:$0x8400] =	vst v63  }
0x1e: {  	s26 =	simm.s32 $0x180  }
0x1f: {  	[tilespmem:s19], [sflag:$0x1] =	stream.indirect.gather [hbm4b:s3+s13], $0x20, s26, s13, $0xb8;
	[tilespmem:$0x8400] =	vst v63  }
0x20: {  	_ = 	snop  }
0x21: {  	[tilespmem:s20], [sflag:$0x3] =	stream.linear.gather [hbm4b:s11+s2], $0x200, $0x38;
	[tilespmem:$0x8400] =	vst v63  }
0x22: {  	_ =	swait.ge [sflag:s12], $0x200  }
0x23: {  	s1 =	rddreg [dreg:$0x8]  }
0x24: {  	s26 =	rddreg [dreg:$0x6];
	[sflag:s12] =	ssyncset.done $0x0  }
0x25: {  	s28 =	rddreg [dreg:$0x4];
	[sflag:s12] =	ssyncadd.s32 $0xFFFFFE00  }
0x26: {  	[tilespmem:s21], [sflag:$0x2] =	stream.indirect.gather [hbm4b:s3+s13], $0x20, s20, s13, $0xb8;
	[tilespmem:$0x8400] =	vst v63  }
0x27: {  	s29 =	rddreg [dreg:$0x5]  }
0x28: {  	[tilespmem:s29], [sflag:$0x2] =	stream.indirect.gather [hbm4b:s3+s13], $0x20, s28, s13, $0xb8;
	[tilespmem:$0x8400] =	vst v63  }
0x29: {  	s30 =	rddreg [dreg:$0x7]  }
0x2a: {  	[tilespmem:s30], [sflag:$0x2] =	stream.indirect.gather [hbm4b:s3+s13], $0x20, s26, s13, $0xb8;
	[tilespmem:$0x8400] =	vst v63  }
0x2b: {  	s28 =	rddreg [dreg:$0x9]  }
0x2c: {  	[tilespmem:s28], [sflag:$0x2] =	stream.indirect.gather [hbm4b:s3+s13], $0x20, s1, s13, $0xb8;
	[tilespmem:$0x8400] =	vst v63  }
0x2d: {  	_ =	swait.ge [sflag:s22], $0x1000  }
0x2e: {  	[sflag:s22] =	ssyncset.done $0x0  }
0x2f: {  	[sflag:s22] =	ssyncadd.s32 $0xFFFFF000  }
0x30: {  	_ =	swait.ge [sflag:s22], $0x1000  }
0x31: {  	[sflag:s22] =	ssyncset.done $0x0  }
0x32: {  	[sflag:s22] =	ssyncadd.s32 $0xFFFFF000  }
0x33: {  	_ =	swait.ge [sflag:s22], $0x1000  }
0x34: {  	[sflag:s22] =	ssyncset.done $0x0  }
0x35: {  	[sflag:s22] =	ssyncadd.s32 $0xFFFFF000  }
0x36: {  	_ =	swait.ge [sflag:s22], $0x1000  }
0x37: {  	s15 =	rddreg [dreg:$0x2]  }
0x38: {  	s16 =	sand.u32 $0x7FF80000, s10;
	s28 =	sand.u32 $0x60000, s9;
	s0 =	sadd.s32 $0x0, s15  }
0x39: {  	s26 =	sor.u32 s28, s16;
	s0 =	sand.u32 $0x60, s0  }
0x3a: {  	s0 =	sor.u32 s0, s26  }
0x3b: {  	[sflag:s22] =	ssyncset.done $0x0;
	s0 =	sshrl.u32 s0, $0x3  }
0x3c: {  	[sflag:s22] =	ssyncadd.s32 $0xFFFFF000;
	s0 =	sadd.s32 s5, s0  }
0x3d: {  	[hbm4b:s0+s23] =	stream.strided.scatter [tilespmem:s14], [sflag:$0x3], $0x4000, s13, s23, $0x38;
	[tilespmem:$0x8400] =	vst v63  }
0x3e: {  	p0 =	por $0x0, $0x0;
	_ =	swait.ge [sflag:s12], $0x4000  }
0x3f: {  	s28 =	simm.s32 @!p0 $0x0;
	s0 =	sshrl.u32 @!p0 s8, $0x3;
	[sflag:s12] =	ssyncset.done $0x0  }
0x40: {  	s26 =	simm.s32 @!p0 $0x3;
	s0 =	sadd.s32 @!p0 s4, s0;
	[sflag:s12] =	ssyncadd.s32 $0xFFFFC000  }
0x41: {  	[tilespmem:s28], [sflag:$0x3] =	stream.linear.gather @!p0 [hbm4b:s0+s28], $0x200, $0x38;
	[tilespmem:$0x8400] =	vst v63  }
0x42: {  	_ =	swait.ge @!p0 [sflag:s26], $0x200  }
0x43: {  	[sflag:s26] =	ssyncset.done @!p0 $0x0  }
0x44: {  	s0 =	simm.s32 @!p0 $0x80;
	[sflag:s26] =	ssyncadd.s32 @!p0 $0xFFFFFE00;
	s26 =	simm.s32 @!p0 $0x400  }
0x45: {  	[tilespmem:s26], [sflag:$0x1] =	stream.indirect.gather @!p0 [hbm4b:s3+s0], $0x20, s28, s0, $0xb8;
	[tilespmem:$0x8400] =	vst v63  }
0x46: {  	s26 =	simm.s32 @!p0 $0x1400  }
0x47: {  	[tilespmem:s26], [sflag:$0x1] =	stream.indirect.gather @!p0 [hbm4b:s3+s0], $0x20, s0, s0, $0xb8;
	[tilespmem:$0x8400] =	vst v63  }
0x48: {  	s28 =	simm.s32 @!p0 $0x2400;
	s26 =	simm.s32 @!p0 $0x100  }
0x49: {  	[tilespmem:s28], [sflag:$0x1] =	stream.indirect.gather @!p0 [hbm4b:s3+s0], $0x20, s26, s0, $0xb8;
	[tilespmem:$0x8400] =	vst v63  }
0x4a: {  	s26 =	simm.s32 @!p0 $0x180;
	s28 =	simm.s32 @!p0 $0x3400  }
0x4b: {  	[tilespmem:s28], [sflag:$0x1] =	stream.indirect.gather @!p0 [hbm4b:s3+s0], $0x20, s26, s0, $0xb8;
	[tilespmem:$0x8400] =	vst v63  }
0x4c: {  	_ =	swait.ge [sflag:s24], $0x1000  }
0x4d: {  	[sflag:s24] =	ssyncset.done $0x0  }
0x4e: {  	[sflag:s24] =	ssyncadd.s32 $0xFFFFF000  }
0x4f: {  	_ =	swait.ge [sflag:s24], $0x1000  }
0x50: {  	[sflag:s24] =	ssyncset.done $0x0  }
0x51: {  	[sflag:s24] =	ssyncadd.s32 $0xFFFFF000  }
0x52: {  	_ =	swait.ge [sflag:s24], $0x1000  }
0x53: {  	[sflag:s24] =	ssyncset.done $0x0  }
0x54: {  	[sflag:s24] =	ssyncadd.s32 $0xFFFFF000  }
0x55: {  	_ =	swait.ge [sflag:s24], $0x1000  }
0x56: {  	s18 =	sadd.s32 $0x4000, s10;
	s28 =	sadd.s32 $0x10000, s9;
	s17 =	rddreg [dreg:$0x3]  }
0x57: {  	s26 =	sand.u32 $0x7FF80000, s18;
	s28 =	sand.u32 $0x70000, s28;
	s0 =	sadd.s32 $0x0, s17  }
0x58: {  	s31 =	smov.u32 s8;
	s26 =	sor.u32 s28, s26;
	s0 =	sand.u32 $0x60, s0  }
0x59: {  	s29 =	sadd.s32 $0x8000, s10;
	s30 =	sadd.s32 $0x20000, s9;
	s0 =	sor.u32 s0, s26  }
0x5a: {  	s28 =	sadd.s32 $0x80, s11;
	[sflag:s24] =	ssyncset.done $0x0;
	s0 =	sshrl.u32 s0, $0x3  }
0x5b: {  	[sflag:s24] =	ssyncadd.s32 $0xFFFFF000;
	s26 =	simm.s32 $0x8;
	s0 =	sadd.s32 s5, s0  }
0x5c: {  	[hbm4b:s0+s23] =	stream.strided.scatter [tilespmem:s21], [sflag:$0x3], $0x4000, s13, s23, $0x38;
	[tilespmem:$0x8400] =	vst v63  }
.LBB2_2:
0x5d: {  	_ =	swait.ge [sflag:s12], $0x4000  }
0x5e: {  	[sflag:s12] =	ssyncset.done $0x0  }
0x5f: {  	[sflag:s12] =	ssyncadd.s32 $0xFFFFC000  }
0x60: {  	[tilespmem:s20], [sflag:$0x3] =	stream.linear.gather [hbm4b:s28+s2], $0x200, $0x38;
	[tilespmem:$0x8400] =	vst v63  }
0x61: {  	_ =	swait.ge [sflag:s12], $0x200  }
0x62: {  	s1 =	rddreg [dreg:$0x8]  }
0x63: {  	[sflag:s12] =	ssyncset.done $0x0;
	s15 =	rddreg [dreg:$0x6]  }
0x64: {  	s16 =	rddreg [dreg:$0x4];
	[sflag:s12] =	ssyncadd.s32 $0xFFFFFE00  }
0x65: {  	[tilespmem:s21], [sflag:$0x2] =	stream.indirect.gather [hbm4b:s3+s13], $0x20, s20, s13, $0xb8;
	[tilespmem:$0x8400] =	vst v63  }
0x66: {  	s17 =	rddreg [dreg:$0x5]  }
0x67: {  	[tilespmem:s17], [sflag:$0x2] =	stream.indirect.gather [hbm4b:s3+s13], $0x20, s16, s13, $0xb8;
	[tilespmem:$0x8400] =	vst v63  }
0x68: {  	s18 =	rddreg [dreg:$0x7]  }
0x69: {  	[tilespmem:s18], [sflag:$0x2] =	stream.indirect.gather [hbm4b:s3+s13], $0x20, s15, s13, $0xb8;
	[tilespmem:$0x8400] =	vst v63  }
0x6a: {  	s17 =	rddreg [dreg:$0x9]  }
0x6b: {  	[tilespmem:s17], [sflag:$0x2] =	stream.indirect.gather [hbm4b:s3+s13], $0x20, s1, s13, $0xb8;
	[tilespmem:$0x8400] =	vst v63  }
0x6c: {  	_ =	swait.ge [sflag:s22], $0x1000  }
0x6d: {  	[sflag:s22] =	ssyncset.done $0x0  }
0x6e: {  	[sflag:s22] =	ssyncadd.s32 $0xFFFFF000  }
0x6f: {  	_ =	swait.ge [sflag:s22], $0x1000  }
0x70: {  	[sflag:s22] =	ssyncset.done $0x0  }
0x71: {  	[sflag:s22] =	ssyncadd.s32 $0xFFFFF000  }
0x72: {  	_ =	swait.ge [sflag:s22], $0x1000  }
0x73: {  	[sflag:s22] =	ssyncset.done $0x0  }
0x74: {  	[sflag:s22] =	ssyncadd.s32 $0xFFFFF000  }
0x75: {  	_ =	swait.ge [sflag:s22], $0x1000  }
0x76: {  	s0 =	smov.u32 s26;
	s15 =	rddreg [dreg:$0x2]  }
0x77: {  	s16 =	sand.u32 $0x7FF80000, s29;
	s17 =	sand.u32 $0x60000, s30;
	s1 =	sadd.s32 s0, s15  }
0x78: {  	s15 =	sor.u32 s17, s16;
	s1 =	sand.u32 $0x60, s1  }
0x79: {  	s1 =	sor.u32 s1, s15  }
0x7a: {  	[sflag:s22] =	ssyncset.done $0x0;
	s1 =	sshrl.u32 s1, $0x3  }
0x7b: {  	[sflag:s22] =	ssyncadd.s32 $0xFFFFF000;
	s1 =	sadd.s32 s5, s1  }
0x7c: {  	[hbm4b:s1+s23] =	stream.strided.scatter [tilespmem:s14], [sflag:$0x3], $0x4000, s13, s23, $0x38;
	[tilespmem:$0x8400] =	vst v63  }
0x7d: {  	s31 =	sadd.s32 $0x400, s31;
	p1 =	seq.s32 s0, $0x20;
	_ =	swait.ge [sflag:s12], $0x4000  }
0x7e: {  	s16 =	simm.s32 @!p1 $0x0;
	s1 =	sshrl.u32 @!p1 s31, $0x3;
	[sflag:s12] =	ssyncset.done $0x0  }
0x7f: {  	s15 =	simm.s32 @!p1 $0x3;
	s1 =	sadd.s32 @!p1 s4, s1;
	[sflag:s12] =	ssyncadd.s32 $0xFFFFC000  }
0x80: {  	[tilespmem:s16], [sflag:$0x3] =	stream.linear.gather @!p1 [hbm4b:s1+s16], $0x200, $0x38;
	[tilespmem:$0x8400] =	vst v63  }
0x81: {  	_ =	swait.ge @!p1 [sflag:s15], $0x200  }
0x82: {  	[sflag:s15] =	ssyncset.done @!p1 $0x0  }
0x83: {  	s1 =	simm.s32 @!p1 $0x80;
	[sflag:s15] =	ssyncadd.s32 @!p1 $0xFFFFFE00;
	s15 =	simm.s32 @!p1 $0x400  }
0x84: {  	[tilespmem:s15], [sflag:$0x1] =	stream.indirect.gather @!p1 [hbm4b:s3+s1], $0x20, s16, s1, $0xb8;
	[tilespmem:$0x8400] =	vst v63  }
0x85: {  	s15 =	simm.s32 @!p1 $0x1400  }
0x86: {  	[tilespmem:s15], [sflag:$0x1] =	stream.indirect.gather @!p1 [hbm4b:s3+s1], $0x20, s1, s1, $0xb8;
	[tilespmem:$0x8400] =	vst v63  }
0x87: {  	s16 =	simm.s32 @!p1 $0x2400;
	s15 =	simm.s32 @!p1 $0x100  }
0x88: {  	[tilespmem:s16], [sflag:$0x1] =	stream.indirect.gather @!p1 [hbm4b:s3+s1], $0x20, s15, s1, $0xb8;
	[tilespmem:$0x8400] =	vst v63  }
0x89: {  	s15 =	simm.s32 @!p1 $0x180;
	s16 =	simm.s32 @!p1 $0x3400  }
0x8a: {  	[tilespmem:s16], [sflag:$0x1] =	stream.indirect.gather @!p1 [hbm4b:s3+s1], $0x20, s15, s1, $0xb8;
	[tilespmem:$0x8400] =	vst v63  }
0x8b: {  	_ =	swait.ge [sflag:s24], $0x1000  }
0x8c: {  	[sflag:s24] =	ssyncset.done $0x0  }
0x8d: {  	[sflag:s24] =	ssyncadd.s32 $0xFFFFF000  }
0x8e: {  	_ =	swait.ge [sflag:s24], $0x1000  }
0x8f: {  	[sflag:s24] =	ssyncset.done $0x0  }
0x90: {  	[sflag:s24] =	ssyncadd.s32 $0xFFFFF000  }
0x91: {  	_ =	swait.ge [sflag:s24], $0x1000  }
0x92: {  	[sflag:s24] =	ssyncset.done $0x0  }
0x93: {  	s26 =	sadd.s32 $0x8, s26;
	[sflag:s24] =	ssyncadd.s32 $0xFFFFF000  }
0x94: {  	p0 =	sne.s32 s26, $0x28;
	_ =	swait.ge [sflag:s24], $0x1000  }
0x95: {  	s17 =	sadd.s32 $0x10000, s30;
	s16 =	sadd.s32 $0x4000, s29;
	s18 =	rddreg [dreg:$0x3]  }
0x96: {  	s15 =	sand.u32 $0x7FF80000, s16;
	s16 =	sand.u32 $0x70000, s17;
	s0 =	sadd.s32 s0, s18  }
.Ltmp0:
0x97: {  	s18 =	sor.u32 s16, s15;
	s0 =	sand.u32 $0x60, s0;
	(pc) =	sbr.rel @p0 .LBB2_2-.Ltmp0, $4  }
0x98: {  	s28 =	sadd.s32 $0x80, s28;
	s0 =	sor.u32 s0, s18  }
0x99: {  	s30 =	sadd.s32 $0x20000, s30;
	[sflag:s24] =	ssyncset.done $0x0;
	s0 =	sshrl.u32 s0, $0x3  }
0x9a: {  	s29 =	sadd.s32 $0x8000, s29;
	[sflag:s24] =	ssyncadd.s32 $0xFFFFF000;
	s0 =	sadd.s32 s5, s0  }
0x9b: {  	[hbm4b:s0+s23] =	stream.strided.scatter [tilespmem:s21], [sflag:$0x3], $0x4000, s13, s23, $0x38;
	[tilespmem:$0x8400] =	vst v63  }
0x9c: {  	s25 =	sadd.s32 $0x1, s25  }
0x9d: {  	p0 =	sne.s32 s25, s7  }
.Ltmp1:
0x9e: {  	_ = 	snop;
	(pc) =	sbr.rel @p0 .LBB2_1-.Ltmp1, $4  }
0x9f: {  	_ = 	snop  }
0xa0: {  	_ =	swait.ge [sflag:s12], $0x4000  }
0xa1: {  	[sflag:s12] =	ssyncset.done $0x0  }
0xa2: {  	[sflag:s12] =	ssyncadd.s32 $0xFFFFC000  }
0xa3: {  	_ =	sfence.sel $0x180000  }
0xa4: {  	[bflag:$0x0] =	sbarrier.arrive $0xFFFF  }
0xa5: {  	_ =	strace $0x9000004D  }
0xa6: {  	s0 =	stileid.u32;
	[bflag:$0x2] =	sbarrier.arrive $0xFFFF  }
0xa7: {  	p0 =	sne.s32 s0, $0x0;
	s0 =	rddreg [dreg:$0x1]  }
0xa8: {  	s0 =	sadd.s32 @!p0 $0x100000, s0  }
0xa9: {  	[sflag:s0] =	ssyncadd.tile.s32 @!p0 $0x1;
	_ =	shalt  }
.Lfunc_end2:
_tile_overlayer_lowered:
.L_overlay_start_2:
0xaa: {  	(tag) =	ssettag $0x2  }
0xab: {  	s0 =	rddreg [dreg:$0x0];
	s2 =	stileid.u32  }
0xac: {  	s1 =	rddreg [dreg:$0x1];
	p0 =	sne.s32 s2, $0x0  }
0xad: {  	s3 =	rddreg [dreg:$0x2];
	[bflag:$0x3] =	sbarrier.arrive $0xFFFF;
	s2 =	simm.s32 @!p0 $0x1C03  }
0xae: {  	[timem:s3], [sflag:s2] =	dma.local @!p0 [hbm:s0], s1  }
0xaf: {  	s0 =	simm.s32 @!p0 $0x3  }
0xb0: {  	_ =	swait.ge @!p0 [sflag:s0], s1  }
0xb1: {  	s1 =	ssub.s32 @!p0 $0x0, s1;
	[sflag:s0] =	ssyncset.done @!p0 $0x0  }
0xb2: {  	[sflag:s0] =	ssyncadd.s32 @!p0 s1  }
0xb3: {  	[bflag:$0x3] =	sbarrier.arrive $0xFFFF  }
0xb4: {  	_ =	shalt  }

// kernel: kernel.22.cloned.1.call-start
scs
__scs_entry_jumppad:
0x0: {  	(pc) =	sbr.rel $0x88, $3  }
0x1: {  	(tag) =	ssettag $0x0;
	lr =	simm.s32 $0x1  }
0x2: {  	[smem:$0x3F9F] =	sst lr;
	_ =	strace $0xD0000000  }
0x3: {  	_ = 	snop  }
0x4: {  	_ = 	snop  }
0x5: {  	_ = 	snop  }
0x6: {  	_ = 	snop  }
0x7: {  	_ = 	snop  }
__scs_overlays_trampoline_lowered:
0x8: {  	[smem:$0x3FAE] =	sst s0  }
0x9: {  	[smem:$0x3FAF] =	sst s1  }
0xa: {  	[smem:$0x3FB0] =	sst s2  }
0xb: {  	[smem:$0x3FB1] =	sst s3  }
0xc: {  	[smem:$0x3FB2] =	sst s4  }
0xd: {  	[smem:$0x3FB3] =	sst s5  }
0xe: {  	[smem:$0x3FB4] =	sst s6  }
0xf: {  	[smem:$0x3FB5] =	sst s7  }
0x10: {  	[smem:$0x3FB6] =	sst s8  }
0x11: {  	[smem:$0x3FB7] =	sst s9;
	s0 =	simm.s32 @!p0 $0x0  }
0x12: {  	s1 =	sld [smem:$0x3F9D];
	s0 =	simm.s32 @p0 $0x1  }
0x13: {  	[smem:$0x3FB8] =	sst s0;
	s0 =	simm.s32 @!p1 $0x0  }
0x14: {  	s2 =	sld [smem:$0x3F9C];
	s0 =	simm.s32 @p1 $0x1  }
0x15: {  	[smem:$0x3FB9] =	sst s0;
	s0 =	simm.s32 @!p2 $0x0  }
0x16: {  	s3 =	sld [smem:$0x3FDB];
	s0 =	simm.s32 @p2 $0x1  }
0x17: {  	s4 =	simm.s32 $0x1BF5;
	[smem:$0x3FBB] =	sst s0  }
0x18: {  	s0 =	sld [smem:$0x3F9E];
	_ =	swait.ge [sflag:s4], $0x0  }
0x19: {  	s7 =	sld [smem:$0x3F9F]  }
0x1a: {  	s8 =	sadd.s32 $0xFFFFE003, lr  }
0x1b: {  	s9 =	sadd.s32 $0xFFFFFEF7, lr;
	s5 =	simm.s32 $0xFFFFFFFF;
	p2 =	slt.u32 s8, $0xFFFFF086  }
0x1c: {  	p1 =	slt.u32 s9, $0xF7A;
	s5 =	simm.s32 @!p2 $0x0  }
0x1d: {  	s5 =	simm.s32 @p1 $0x1;
	p0 =	seq.s32 s7, s2  }
0x1e: {  	s7 =	smul.u32 @!p0 $0xF7A, s2;
	p2 =	seq.s32 @!p0 s5, $0x0  }
0x1f: {  	s9 =	smul.u32 $0xF7A, s1;
	s8 =	simm.s32 @!p0 $0x1BF5;
	p2 =	por !p2, p0  }
0x20: {  	[sflag:s8] =	ssyncset.s32 @!p0 $0xFFFFF086;
	s6 =	sadd.s32 @!p0 s3, s7;
	s7 =	simm.s32 @!p0 $0x108  }
0x21: {  	s3 =	sadd.s32 s3, s9;
	s6 =	sadd.s32 @!p0 $0x88, s6;
	s7 =	simm.s32 @p2 $0x1082  }
0x22: {  	[simem:s7], [sflag:s8] =	dma.local @!p0 [hbm:s6], $0xF7A  }
0x23: {  	s9 =	sor.u32 $0xD0000000, s2;
	s6 =	simm.s32 $0x108;
	_ =	swait.ge @!p0 [sflag:s8], $0x0  }
0x24: {  	s3 =	sadd.s32 $0x88, s3;
	s6 =	simm.s32 @!p1 $0x1082;
	[sflag:s4] =	ssyncset.s32 $0xFFFFF086  }
0x25: {  	[simem:s6], [sflag:s4] =	dma.local [hbm:s3], $0xF7A  }
0x26: {  	[smem:$0x3F9F] =	sst s1;
	(tag) =	ssettag s2;
	_ =	strace s9  }
0x27: {  	s1 =	sld [smem:$0x3FAF]  }
0x28: {  	s2 =	sld [smem:$0x3FB0]  }
0x29: {  	s4 =	sld [smem:$0x3FB2]  }
0x2a: {  	p0 =	seq.s32 s5, $0x0;
	s5 =	sld [smem:$0x3FB3]  }
0x2b: {  	s6 =	sld [smem:$0x3FB4]  }
0x2c: {  	s7 =	sld [smem:$0x3FB5]  }
0x2d: {  	s3 =	simm.s32 $0x108;
	s8 =	sld [smem:$0x3FB6]  }
0x2e: {  	s3 =	simm.s32 @!p0 $0x1082;
	s9 =	sld [smem:$0x3FB7]  }
0x2f: {  	lr =	sadd.s32 s0, s3;
	s0 =	sld [smem:$0x3FAE]  }
0x30: {  	s3 =	sld [smem:$0x3FB1]  }
0x31: {  	[smem:$0x3FBA] =	sst s10  }
0x32: {  	s10 =	sld [smem:$0x3FB8];
	_ =	sdelay $0x3  }
0x33: {  	p0 =	seq.s32 s10, $0x1;
	s10 =	sld [smem:$0x3FBA];
	_ =	sdelay $0x3  }
0x34: {  	[smem:$0x3FBA] =	sst s10  }
0x35: {  	s10 =	sld [smem:$0x3FB9];
	_ =	sdelay $0x3  }
0x36: {  	p1 =	seq.s32 s10, $0x1;
	s10 =	sld [smem:$0x3FBA];
	_ =	sdelay $0x3  }
0x37: {  	[smem:$0x3FBA] =	sst s10  }
0x38: {  	s10 =	sld [smem:$0x3FBB]  }
0x39: {  	_ = 	snop;
	(pc) =	sbr.ind lr, $3  }
0x3a: {  	_ = 	snop  }
0x3b: {  	_ = 	snop  }
0x3c: {  	p2 =	seq.s32 s10, $0x1;
	s10 =	sld [smem:$0x3FBA]  }
0x3d: {  	_ =	shalt  }
0x3e: {  	_ =	shalt  }
0x3f: {  	_ =	shalt  }
0x40: {  	_ =	shalt  }
0x41: {  	_ =	shalt  }
0x42: {  	_ =	shalt  }
0x43: {  	_ =	shalt  }
0x44: {  	_ =	shalt  }
0x45: {  	_ =	shalt  }
0x46: {  	_ =	shalt  }
0x47: {  	_ =	shalt  }
0x48: {  	_ =	shalt  }
0x49: {  	_ =	shalt  }
0x4a: {  	_ =	shalt  }
0x4b: {  	_ =	shalt  }
0x4c: {  	_ =	shalt  }
0x4d: {  	_ =	shalt  }
0x4e: {  	_ =	shalt  }
0x4f: {  	_ =	shalt  }
0x50: {  	_ =	shalt  }
0x51: {  	_ =	shalt  }
0x52: {  	_ =	shalt  }
0x53: {  	_ =	shalt  }
0x54: {  	_ =	shalt  }
0x55: {  	_ =	shalt  }
0x56: {  	_ =	shalt  }
0x57: {  	_ =	shalt  }
0x58: {  	_ =	shalt  }
0x59: {  	_ =	shalt  }
0x5a: {  	_ =	shalt  }
0x5b: {  	_ =	shalt  }
0x5c: {  	_ =	shalt  }
0x5d: {  	_ =	shalt  }
0x5e: {  	_ =	shalt  }
0x5f: {  	_ =	shalt  }
0x60: {  	_ =	shalt  }
0x61: {  	_ =	shalt  }
0x62: {  	_ =	shalt  }
0x63: {  	_ =	shalt  }
0x64: {  	_ =	shalt  }
0x65: {  	_ =	shalt  }
0x66: {  	_ =	shalt  }
0x67: {  	_ =	shalt  }
0x68: {  	_ =	shalt  }
0x69: {  	_ =	shalt  }
0x6a: {  	_ =	shalt  }
0x6b: {  	_ =	shalt  }
0x6c: {  	_ =	shalt  }
0x6d: {  	_ =	shalt  }
0x6e: {  	_ =	shalt  }
0x6f: {  	_ =	shalt  }
0x70: {  	_ =	shalt  }
0x71: {  	_ =	shalt  }
0x72: {  	_ =	shalt  }
0x73: {  	_ =	shalt  }
0x74: {  	_ =	shalt  }
0x75: {  	_ =	shalt  }
0x76: {  	_ =	shalt  }
0x77: {  	_ =	shalt  }
0x78: {  	_ =	shalt  }
0x79: {  	_ =	shalt  }
0x7a: {  	_ =	shalt  }
0x7b: {  	_ =	shalt  }
0x7c: {  	_ =	shalt  }
0x7d: {  	_ =	shalt  }
0x7e: {  	_ =	shalt  }
0x7f: {  	_ =	shalt  }
0x80: {  	_ =	shalt  }
0x81: {  	_ =	shalt  }
0x82: {  	_ =	shalt  }
0x83: {  	_ =	shalt  }
0x84: {  	_ =	shalt  }
0x85: {  	_ =	shalt  }
0x86: {  	_ =	shalt  }
0x87: {  	_ =	shalt  }
.Lfunc_end0:
.L_simem_size_0:
called_computation.3_lowered:
.L_overlay_start_0:
0x88: {  	s2 =	sld [smem:$0x3FD9]  }
0x89: {  	s3 =	sld [smem:$0x3FFE];
	_ =	sdelay $0x1  }
0x8a: {  	s1 =	srdreg.scid  }
0x8b: {  	s0 =	sand.u32 $0x1, s1  }
0x8c: {  	s17 =	sshll.u32 s0, $0xA;
	s2 =	sadd.s32 s3, s2  }
0x8d: {  	s2 =	sadd.s32 s2, s17  }
0x8e: {  	[smem:$0x3FC6] =	sst s2  }
0x8f: {  	_ = 	snop  }
0x90: {  	(tm) =	ssettm $0x1  }
0x91: {  	s18 =	sld [smem:$0x3FFB];
	_ =	sdelay $0x3  }
0x92: {  	_ =	strace s18  }
0x93: {  	s2 =	sld [smem:$0x3FFC];
	_ =	sdelay $0x3  }
0x94: {  	_ =	strace s2  }
0x95: {  	s2 =	sld [smem:$0x3FFD];
	_ =	sdelay $0x3  }
0x96: {  	_ =	strace s2  }
0x97: {  	_ =	strace $0x8FFFFFFF  }
0x98: {  	s19 =	sld [smem:$0x3FDB];
	_ =	sdelay $0x1  }
0x99: {  	s20 =	simm.s32 $_scs_section_size  }
0x9a: {  	s4 =	simm.s32 $_size__tile_overlayer_lowered;
	s5 =	simm.s32 $_tile_overlayer_lowered  }
0x9b: {  	s6 =	simm.s32 $0x1BFF;
	s21 =	sshll.u32 s5, $0x1;
	s3 =	sadd.s32 s20, s19  }
0x9c: {  	s22 =	simm.s32 $0x0;
	s4 =	sshll.u32 s4, $0x1;
	s5 =	sadd.s32 s21, s3  }
0x9d: {  	[timem:s22], [sflag:s6] =	dma.local [hbm:s5], s4  }
0x9e: {  	_ =	swait.ge [sflag:s6], s4  }
0x9f: {  	s4 =	ssub.s32 $0x0, s4;
	[sflag:s6] =	ssyncset.done $0x0  }
0xa0: {  	[sflag:s6] =	ssyncadd.s32 s4;
	_ =	sdelay $0x1  }
0xa1: {  	s23 =	simm.s32 $0x1B8B  }
0xa2: {  	_ =	swait.ge [sflag:s23], $0x1  }
0xa3: {  	[sflag:s23] =	ssyncset.done $0x0  }
0xa4: {  	[sflag:s23] =	ssyncadd.s32 $0xFFFFFFFF  }
0xa5: {  	s4 =	sld [smem:$0x0]  }
0xa6: {  	s5 =	sand.u32 $0xFFFFFFFE, s1  }
0xa7: {  	p0 =	sne.s32 s1, s5  }
0xa8: {  	s5 =	sshll.u32 @p0 s5, $0xE  }
0xa9: {  	s5 =	sadd.s32 @p0 $0x11B8D, s5;
	s6 =	sshll.u32 @p0 s4, $0x11  }
0xaa: {  	s5 =	sor.u32 @p0 s6, s5  }
0xab: {  	[sflag:s5] =	ssyncadd.remote.s32 @p0 $0x1;
	_ =	sdelay $0x1  }
0xac: {  	s5 =	simm.s32 @p0 $0x1B8D  }
0xad: {  	_ =	swait.eq @p0 [sflag:s5], $0x1  }
0xae: {  	[sflag:s5] =	ssyncadd.s32 @p0 $0xFFFFFFFF  }
0xaf: {  	s6 =	sshll.u32 @!p0 s1, $0xE  }
0xb0: {  	s6 =	sor.u32 @!p0 $0x4000, s6;
	s5 =	simm.s32 @!p0 $0x1B8D  }
0xb1: {  	s4 =	sshll.u32 @!p0 s4, $0x11;
	s6 =	sadd.s32 @!p0 $0x11B8D, s6;
	_ =	swait.eq @!p0 [sflag:s5], $0x1  }
0xb2: {  	s4 =	sor.u32 @!p0 s4, s6;
	[sflag:s5] =	ssyncadd.s32 @!p0 $0xFFFFFFFF  }
0xb3: {  	s25 =	simm.s32 $0x1B8E;
	s24 =	sld [smem:$0x3FFE];
	[sflag:s4] =	ssyncadd.remote.s32 @!p0 $0x1  }
0xb4: {  	s26 =	simm.s32 $execute0_lowered;
	[smem:$0x3FD2] =	sst s25  }
0xb5: {  	s5 =	sshll.u32 s26, $0x1;
	_ =	strace $0x8000004F;
	[dreg:$0x1] =	wrdreg $0xFFFFFFFF  }
0xb6: {  	s28 =	simm.s32 $_size_execute0_lowered;
	s3 =	sadd.s32 s3, s5;
	[dreg:$0x0] =	wrdreg $0x0  }
0xb7: {  	s5 =	sshll.u32 s28, $0x1;
	[dreg:$0x2] =	wrdreg s3  }
0xb8: {  	[dreg:$0x3] =	wrdreg s5  }
0xb9: {  	[dreg:$0x4] =	wrdreg $0xC0  }
0xba: {  	_ =	task [dreg:s22], $0x5FFFF  }
0xbb: {  	[dreg:$0x1] =	wrdreg $0xFFFFFFFF  }
0xbc: {  	[dreg:$0x0] =	wrdreg $0x60  }
0xbd: {  	[dreg:$0x2] =	wrdreg s24  }
0xbe: {  	[dreg:$0x3] =	wrdreg $0xC  }
0xbf: {  	_ =	task.clear_ibuf [dreg:s22], $0x4FFFF;
	_ =	strace $0x9000004F  }
0xc0: {  	s29 =	simm.s32 $0xC;
	_ =	strace $0x80000051  }
0xc1: {  	_ =	swait.ge [sflag:s29], $0x1  }
0xc2: {  	[sflag:s29] =	ssyncadd.s32 $0xFFFFFFFF  }
0xc3: {  	_ =	strace $0x90000051  }
0xc4: {  	_ =	sfence  }
0xc5: {  	s30 =	sld [smem:$0x0];
	_ =	sdelay $0x2  }
0xc6: {  	s31 =	sshll.u32 s1, $0xD;
	s1 =	sshrl.u32 s1, $0x2  }
0xc7: {  	s4 =	sand.u32 $0x4000, s31;
	s1 =	sadd.s32 s1, s30  }
0xc8: {  	s0 =	sor.u32 s4, s0;
	s1 =	sshll.u32 s1, $0x11  }
0xc9: {  	s0 =	sor.u32 s1, s0  }
0xca: {  	s0 =	sadd.s32 $0x8F2B, s0  }
0xcb: {  	[sflag:s0] =	ssyncadd.remote.s32 $0x1  }
0xcc: {  	_ =	sfence.sel $0xFFFF  }
0xcd: {  	[dreg:$0x0] =	wrdreg $0xFFFFFFFF;
	(pc) =	sbr.abs _section_cstart, $3  }
0xce: {  	[dreg:$0x1] =	wrdreg $0xFFFFFFFF  }
0xcf: {  	_ =	task.clear_ibuf [dreg:s22], $0x2FFFF;
	_ =	strace $0x9FFFFFFF  }
0xd0: {  	(tm) =	ssettm $0x7FFFFFFF  }
0xd1: {  	_ =	shalt  }
tec
execute0_lowered:
.L_overlay_start_1:
0x0: {  	(tag) =	ssettag $0x1  }
0x1: {  	s0 =	rddreg [dreg:$0x0]  }
0x2: {  	s3 =	srdreg.scid;
	s1 =	stileid.u32;
	s2 =	simm.s32 $0x0  }
0x3: {  	s25 =	simm.s32 $0x280;
	s26 =	simm.s32 $0x5400;
	s28 =	simm.s32 $0x300  }
0x4: {  	s29 =	simm.s32 $0x6400;
	s19 =	simm.s32 $0x3400;
	s30 =	simm.s32 $0x380  }
0x5: {  	s31 =	simm.s32 $0x7400;
	s9 =	sand.u32 $0x1, s3;
	s20 =	sshll.u32 s1, $0x1  }
0x6: {  	[smem:$0x7FF] =	sst s2;
	s3 =	sadd.s32 $0x27800, s0;
	s8 =	smul.u32 $0x2800, s1  }
0x7: {  	s11 =	smul.u32 $0x140000, s1;
	_ =	strace $0x80000050;
	[dreg:$0x4] =	wrdreg s25  }
0x8: {  	s5 =	sadd.s32 $0x547800, s0;
	s22 =	smul.u32 $0x50000, s1;
	[dreg:$0x5] =	wrdreg s26  }
0x9: {  	s4 =	sor.u32 s9, s20;
	s10 =	smul.u32 $0x1400, s9;
	[dreg:$0x6] =	wrdreg s28  }
0xa: {  	s7 =	ssub.s32 $0x2, s9;
	s12 =	smul.u32 $0xA0000, s9;
	[dreg:$0x7] =	wrdreg s29  }
0xb: {  	s14 =	smul.u32 $0x28000, s9;
	s20 =	simm.s32 $0x200;
	[dreg:$0x8] =	wrdreg s30  }
0xc: {  	[dreg:$0x9] =	wrdreg s31;
	s25 =	simm.s32 $0x0;
	s21 =	sshrl.u32 s7, $0x1  }
0xd: {  	s6 =	smul.u32 $0x1400, s4;
	s4 =	sadd.s32 $0xC800, s0;
	s0 =	ssub.s32 s7, s21  }
0xe: {  	s10 =	sadd.s32 s10, s8;
	s9 =	sadd.s32 s12, s11;
	s12 =	simm.s32 $0x3  }
0xf: {  	s21 =	simm.s32 $0x4400;
	s6 =	sshrl.u32 s6, $0x3;
	s7 =	smax.u32 s0, $0x1  }
0x10: {  	s8 =	sadd.s32 $0x400, s10;
	s13 =	sshrl.u32 s10, $0x7;
	s15 =	sor.u32 $0x200, s10  }
0x11: {  	s10 =	sadd.s32 s14, s22;
	s14 =	simm.s32 $0x400;
	s22 =	simm.s32 $0x1  }
0x12: {  	s6 =	sadd.s32 s4, s6;
	[dreg:$0x2] =	wrdreg s13;
	s23 =	sshrl.u32 s15, $0x7  }
0x13: {  	s24 =	sshrl.u32 s15, $0x3;
	s13 =	simm.s32 $0x80;
	[dreg:$0x3] =	wrdreg s23  }
0x14: {  	s11 =	sadd.s32 s24, s4;
	s23 =	simm.s32 $0x20;
	s24 =	simm.s32 $0x2  }
.LBB2_1:
0x15: {  	[tilespmem:s2], [sflag:$0x3] =	stream.linear.gather [hbm4b:s6+s2], $0x200, $0x38;
	[tilespmem:$0x8400] =	vst v63  }
0x16: {  	_ =	swait.ge [sflag:s12], $0x200  }
0x17: {  	[sflag:s12] =	ssyncset.done $0x0  }
0x18: {  	[sflag:s12] =	ssyncadd.s32 $0xFFFFFE00  }
0x19: {  	[tilespmem:s14], [sflag:$0x1] =	stream.indirect.gather [hbm4b:s3+s13], $0x20, s2, s13, $0xb8;
	[tilespmem:$0x8400] =	vst v63  }
0x1a: {  	s0 =	simm.s32 $0x1400  }
0x1b: {  	[tilespmem:s0], [sflag:$0x1] =	stream.indirect.gather [hbm4b:s3+s13], $0x20, s13, s13, $0xb8;
	[tilespmem:$0x8400] =	vst v63  }
0x1c: {  	s18 =	simm.s32 $0x100;
	s1 =	simm.s32 $0x2400  }
0x1d: {  	[tilespmem:s1], [sflag:$0x1] =	stream.indirect.gather [hbm4b:s3+s13], $0x20, s18, s13, $0xb8;
	[tilespmem:$0x8400] =	vst v63  }
0x1e: {  	s26 =	simm.s32 $0x180  }
0x1f: {  	[tilespmem:s19], [sflag:$0x1] =	stream.indirect.gather [hbm4b:s3+s13], $0x20, s26, s13, $0xb8;
	[tilespmem:$0x8400] =	vst v63  }
0x20: {  	_ = 	snop  }
0x21: {  	[tilespmem:s20], [sflag:$0x3] =	stream.linear.gather [hbm4b:s11+s2], $0x200, $0x38;
	[tilespmem:$0x8400] =	vst v63  }
0x22: {  	_ =	swait.ge [sflag:s12], $0x200  }
0x23: {  	s1 =	rddreg [dreg:$0x8]  }
0x24: {  	s26 =	rddreg [dreg:$0x6];
	[sflag:s12] =	ssyncset.done $0x0  }
0x25: {  	s28 =	rddreg [dreg:$0x4];
	[sflag:s12] =	ssyncadd.s32 $0xFFFFFE00  }
0x26: {  	[tilespmem:s21], [sflag:$0x2] =	stream.indirect.gather [hbm4b:s3+s13], $0x20, s20, s13, $0xb8;
	[tilespmem:$0x8400] =	vst v63  }
0x27: {  	s29 =	rddreg [dreg:$0x5]  }
0x28: {  	[tilespmem:s29], [sflag:$0x2] =	stream.indirect.gather [hbm4b:s3+s13], $0x20, s28, s13, $0xb8;
	[tilespmem:$0x8400] =	vst v63  }
0x29: {  	s30 =	rddreg [dreg:$0x7]  }
0x2a: {  	[tilespmem:s30], [sflag:$0x2] =	stream.indirect.gather [hbm4b:s3+s13], $0x20, s26, s13, $0xb8;
	[tilespmem:$0x8400] =	vst v63  }
0x2b: {  	s28 =	rddreg [dreg:$0x9]  }
0x2c: {  	[tilespmem:s28], [sflag:$0x2] =	stream.indirect.gather [hbm4b:s3+s13], $0x20, s1, s13, $0xb8;
	[tilespmem:$0x8400] =	vst v63  }
0x2d: {  	_ =	swait.ge [sflag:s22], $0x1000  }
0x2e: {  	[sflag:s22] =	ssyncset.done $0x0  }
0x2f: {  	[sflag:s22] =	ssyncadd.s32 $0xFFFFF000  }
0x30: {  	_ =	swait.ge [sflag:s22], $0x1000  }
0x31: {  	[sflag:s22] =	ssyncset.done $0x0  }
0x32: {  	[sflag:s22] =	ssyncadd.s32 $0xFFFFF000  }
0x33: {  	_ =	swait.ge [sflag:s22], $0x1000  }
0x34: {  	[sflag:s22] =	ssyncset.done $0x0  }
0x35: {  	[sflag:s22] =	ssyncadd.s32 $0xFFFFF000  }
0x36: {  	_ =	swait.ge [sflag:s22], $0x1000  }
0x37: {  	s15 =	rddreg [dreg:$0x2]  }
0x38: {  	s16 =	sand.u32 $0x7FF80000, s10;
	s28 =	sand.u32 $0x60000, s9;
	s0 =	sadd.s32 $0x0, s15  }
0x39: {  	s26 =	sor.u32 s28, s16;
	s0 =	sand.u32 $0x60, s0  }
0x3a: {  	s0 =	sor.u32 s0, s26  }
0x3b: {  	[sflag:s22] =	ssyncset.done $0x0;
	s0 =	sshrl.u32 s0, $0x3  }
0x3c: {  	[sflag:s22] =	ssyncadd.s32 $0xFFFFF000;
	s0 =	sadd.s32 s5, s0  }
0x3d: {  	[hbm4b:s0+s23] =	stream.strided.scatter [tilespmem:s14], [sflag:$0x3], $0x4000, s13, s23, $0x38;
	[tilespmem:$0x8400] =	vst v63  }
0x3e: {  	p0 =	por $0x0, $0x0;
	_ =	swait.ge [sflag:s12], $0x4000  }
0x3f: {  	s28 =	simm.s32 @!p0 $0x0;
	s0 =	sshrl.u32 @!p0 s8, $0x3;
	[sflag:s12] =	ssyncset.done $0x0  }
0x40: {  	s26 =	simm.s32 @!p0 $0x3;
	s0 =	sadd.s32 @!p0 s4, s0;
	[sflag:s12] =	ssyncadd.s32 $0xFFFFC000  }
0x41: {  	[tilespmem:s28], [sflag:$0x3] =	stream.linear.gather @!p0 [hbm4b:s0+s28], $0x200, $0x38;
	[tilespmem:$0x8400] =	vst v63  }
0x42: {  	_ =	swait.ge @!p0 [sflag:s26], $0x200  }
0x43: {  	[sflag:s26] =	ssyncset.done @!p0 $0x0  }
0x44: {  	s0 =	simm.s32 @!p0 $0x80;
	[sflag:s26] =	ssyncadd.s32 @!p0 $0xFFFFFE00;
	s26 =	simm.s32 @!p0 $0x400  }
0x45: {  	[tilespmem:s26], [sflag:$0x1] =	stream.indirect.gather @!p0 [hbm4b:s3+s0], $0x20, s28, s0, $0xb8;
	[tilespmem:$0x8400] =	vst v63  }
0x46: {  	s26 =	simm.s32 @!p0 $0x1400  }
0x47: {  	[tilespmem:s26], [sflag:$0x1] =	stream.indirect.gather @!p0 [hbm4b:s3+s0], $0x20, s0, s0, $0xb8;
	[tilespmem:$0x8400] =	vst v63  }
0x48: {  	s28 =	simm.s32 @!p0 $0x2400;
	s26 =	simm.s32 @!p0 $0x100  }
0x49: {  	[tilespmem:s28], [sflag:$0x1] =	stream.indirect.gather @!p0 [hbm4b:s3+s0], $0x20, s26, s0, $0xb8;
	[tilespmem:$0x8400] =	vst v63  }
0x4a: {  	s26 =	simm.s32 @!p0 $0x180;
	s28 =	simm.s32 @!p0 $0x3400  }
0x4b: {  	[tilespmem:s28], [sflag:$0x1] =	stream.indirect.gather @!p0 [hbm4b:s3+s0], $0x20, s26, s0, $0xb8;
	[tilespmem:$0x8400] =	vst v63  }
0x4c: {  	_ =	swait.ge [sflag:s24], $0x1000  }
0x4d: {  	[sflag:s24] =	ssyncset.done $0x0  }
0x4e: {  	[sflag:s24] =	ssyncadd.s32 $0xFFFFF000  }
0x4f: {  	_ =	swait.ge [sflag:s24], $0x1000  }
0x50: {  	[sflag:s24] =	ssyncset.done $0x0  }
0x51: {  	[sflag:s24] =	ssyncadd.s32 $0xFFFFF000  }
0x52: {  	_ =	swait.ge [sflag:s24], $0x1000  }
0x53: {  	[sflag:s24] =	ssyncset.done $0x0  }
0x54: {  	[sflag:s24] =	ssyncadd.s32 $0xFFFFF000  }
0x55: {  	_ =	swait.ge [sflag:s24], $0x1000  }
0x56: {  	s18 =	sadd.s32 $0x4000, s10;
	s28 =	sadd.s32 $0x10000, s9;
	s17 =	rddreg [dreg:$0x3]  }
0x57: {  	s26 =	sand.u32 $0x7FF80000, s18;
	s28 =	sand.u32 $0x70000, s28;
	s0 =	sadd.s32 $0x0, s17  }
0x58: {  	s31 =	smov.u32 s8;
	s26 =	sor.u32 s28, s26;
	s0 =	sand.u32 $0x60, s0  }
0x59: {  	s29 =	sadd.s32 $0x8000, s10;
	s30 =	sadd.s32 $0x20000, s9;
	s0 =	sor.u32 s0, s26  }
0x5a: {  	s28 =	sadd.s32 $0x80, s11;
	[sflag:s24] =	ssyncset.done $0x0;
	s0 =	sshrl.u32 s0, $0x3  }
0x5b: {  	[sflag:s24] =	ssyncadd.s32 $0xFFFFF000;
	s26 =	simm.s32 $0x8;
	s0 =	sadd.s32 s5, s0  }
0x5c: {  	[hbm4b:s0+s23] =	stream.strided.scatter [tilespmem:s21], [sflag:$0x3], $0x4000, s13, s23, $0x38;
	[tilespmem:$0x8400] =	vst v63  }
.LBB2_2:
0x5d: {  	_ =	swait.ge [sflag:s12], $0x4000  }
0x5e: {  	[sflag:s12] =	ssyncset.done $0x0  }
0x5f: {  	[sflag:s12] =	ssyncadd.s32 $0xFFFFC000  }
0x60: {  	[tilespmem:s20], [sflag:$0x3] =	stream.linear.gather [hbm4b:s28+s2], $0x200, $0x38;
	[tilespmem:$0x8400] =	vst v63  }
0x61: {  	_ =	swait.ge [sflag:s12], $0x200  }
0x62: {  	s1 =	rddreg [dreg:$0x8]  }
0x63: {  	[sflag:s12] =	ssyncset.done $0x0;
	s15 =	rddreg [dreg:$0x6]  }
0x64: {  	s16 =	rddreg [dreg:$0x4];
	[sflag:s12] =	ssyncadd.s32 $0xFFFFFE00  }
0x65: {  	[tilespmem:s21], [sflag:$0x2] =	stream.indirect.gather [hbm4b:s3+s13], $0x20, s20, s13, $0xb8;
	[tilespmem:$0x8400] =	vst v63  }
0x66: {  	s17 =	rddreg [dreg:$0x5]  }
0x67: {  	[tilespmem:s17], [sflag:$0x2] =	stream.indirect.gather [hbm4b:s3+s13], $0x20, s16, s13, $0xb8;
	[tilespmem:$0x8400] =	vst v63  }
0x68: {  	s18 =	rddreg [dreg:$0x7]  }
0x69: {  	[tilespmem:s18], [sflag:$0x2] =	stream.indirect.gather [hbm4b:s3+s13], $0x20, s15, s13, $0xb8;
	[tilespmem:$0x8400] =	vst v63  }
0x6a: {  	s17 =	rddreg [dreg:$0x9]  }
0x6b: {  	[tilespmem:s17], [sflag:$0x2] =	stream.indirect.gather [hbm4b:s3+s13], $0x20, s1, s13, $0xb8;
	[tilespmem:$0x8400] =	vst v63  }
0x6c: {  	_ =	swait.ge [sflag:s22], $0x1000  }
0x6d: {  	[sflag:s22] =	ssyncset.done $0x0  }
0x6e: {  	[sflag:s22] =	ssyncadd.s32 $0xFFFFF000  }
0x6f: {  	_ =	swait.ge [sflag:s22], $0x1000  }
0x70: {  	[sflag:s22] =	ssyncset.done $0x0  }
0x71: {  	[sflag:s22] =	ssyncadd.s32 $0xFFFFF000  }
0x72: {  	_ =	swait.ge [sflag:s22], $0x1000  }
0x73: {  	[sflag:s22] =	ssyncset.done $0x0  }
0x74: {  	[sflag:s22] =	ssyncadd.s32 $0xFFFFF000  }
0x75: {  	_ =	swait.ge [sflag:s22], $0x1000  }
0x76: {  	s0 =	smov.u32 s26;
	s15 =	rddreg [dreg:$0x2]  }
0x77: {  	s16 =	sand.u32 $0x7FF80000, s29;
	s17 =	sand.u32 $0x60000, s30;
	s1 =	sadd.s32 s0, s15  }
0x78: {  	s15 =	sor.u32 s17, s16;
	s1 =	sand.u32 $0x60, s1  }
0x79: {  	s1 =	sor.u32 s1, s15  }
0x7a: {  	[sflag:s22] =	ssyncset.done $0x0;
	s1 =	sshrl.u32 s1, $0x3  }
0x7b: {  	[sflag:s22] =	ssyncadd.s32 $0xFFFFF000;
	s1 =	sadd.s32 s5, s1  }
0x7c: {  	[hbm4b:s1+s23] =	stream.strided.scatter [tilespmem:s14], [sflag:$0x3], $0x4000, s13, s23, $0x38;
	[tilespmem:$0x8400] =	vst v63  }
0x7d: {  	s31 =	sadd.s32 $0x400, s31;
	p1 =	seq.s32 s0, $0x20;
	_ =	swait.ge [sflag:s12], $0x4000  }
0x7e: {  	s16 =	simm.s32 @!p1 $0x0;
	s1 =	sshrl.u32 @!p1 s31, $0x3;
	[sflag:s12] =	ssyncset.done $0x0  }
0x7f: {  	s15 =	simm.s32 @!p1 $0x3;
	s1 =	sadd.s32 @!p1 s4, s1;
	[sflag:s12] =	ssyncadd.s32 $0xFFFFC000  }
0x80: {  	[tilespmem:s16], [sflag:$0x3] =	stream.linear.gather @!p1 [hbm4b:s1+s16], $0x200, $0x38;
	[tilespmem:$0x8400] =	vst v63  }
0x81: {  	_ =	swait.ge @!p1 [sflag:s15], $0x200  }
0x82: {  	[sflag:s15] =	ssyncset.done @!p1 $0x0  }
0x83: {  	s1 =	simm.s32 @!p1 $0x80;
	[sflag:s15] =	ssyncadd.s32 @!p1 $0xFFFFFE00;
	s15 =	simm.s32 @!p1 $0x400  }
0x84: {  	[tilespmem:s15], [sflag:$0x1] =	stream.indirect.gather @!p1 [hbm4b:s3+s1], $0x20, s16, s1, $0xb8;
	[tilespmem:$0x8400] =	vst v63  }
0x85: {  	s15 =	simm.s32 @!p1 $0x1400  }
0x86: {  	[tilespmem:s15], [sflag:$0x1] =	stream.indirect.gather @!p1 [hbm4b:s3+s1], $0x20, s1, s1, $0xb8;
	[tilespmem:$0x8400] =	vst v63  }
0x87: {  	s16 =	simm.s32 @!p1 $0x2400;
	s15 =	simm.s32 @!p1 $0x100  }
0x88: {  	[tilespmem:s16], [sflag:$0x1] =	stream.indirect.gather @!p1 [hbm4b:s3+s1], $0x20, s15, s1, $0xb8;
	[tilespmem:$0x8400] =	vst v63  }
0x89: {  	s15 =	simm.s32 @!p1 $0x180;
	s16 =	simm.s32 @!p1 $0x3400  }
0x8a: {  	[tilespmem:s16], [sflag:$0x1] =	stream.indirect.gather @!p1 [hbm4b:s3+s1], $0x20, s15, s1, $0xb8;
	[tilespmem:$0x8400] =	vst v63  }
0x8b: {  	_ =	swait.ge [sflag:s24], $0x1000  }
0x8c: {  	[sflag:s24] =	ssyncset.done $0x0  }
0x8d: {  	[sflag:s24] =	ssyncadd.s32 $0xFFFFF000  }
0x8e: {  	_ =	swait.ge [sflag:s24], $0x1000  }
0x8f: {  	[sflag:s24] =	ssyncset.done $0x0  }
0x90: {  	[sflag:s24] =	ssyncadd.s32 $0xFFFFF000  }
0x91: {  	_ =	swait.ge [sflag:s24], $0x1000  }
0x92: {  	[sflag:s24] =	ssyncset.done $0x0  }
0x93: {  	s26 =	sadd.s32 $0x8, s26;
	[sflag:s24] =	ssyncadd.s32 $0xFFFFF000  }
0x94: {  	p0 =	sne.s32 s26, $0x28;
	_ =	swait.ge [sflag:s24], $0x1000  }
0x95: {  	s17 =	sadd.s32 $0x10000, s30;
	s16 =	sadd.s32 $0x4000, s29;
	s18 =	rddreg [dreg:$0x3]  }
0x96: {  	s15 =	sand.u32 $0x7FF80000, s16;
	s16 =	sand.u32 $0x70000, s17;
	s0 =	sadd.s32 s0, s18  }
.Ltmp0:
0x97: {  	s18 =	sor.u32 s16, s15;
	s0 =	sand.u32 $0x60, s0;
	(pc) =	sbr.rel @p0 .LBB2_2-.Ltmp0, $4  }
0x98: {  	s28 =	sadd.s32 $0x80, s28;
	s0 =	sor.u32 s0, s18  }
0x99: {  	s30 =	sadd.s32 $0x20000, s30;
	[sflag:s24] =	ssyncset.done $0x0;
	s0 =	sshrl.u32 s0, $0x3  }
0x9a: {  	s29 =	sadd.s32 $0x8000, s29;
	[sflag:s24] =	ssyncadd.s32 $0xFFFFF000;
	s0 =	sadd.s32 s5, s0  }
0x9b: {  	[hbm4b:s0+s23] =	stream.strided.scatter [tilespmem:s21], [sflag:$0x3], $0x4000, s13, s23, $0x38;
	[tilespmem:$0x8400] =	vst v63  }
0x9c: {  	s25 =	sadd.s32 $0x1, s25  }
0x9d: {  	p0 =	sne.s32 s25, s7  }
.Ltmp1:
0x9e: {  	_ = 	snop;
	(pc) =	sbr.rel @p0 .LBB2_1-.Ltmp1, $4  }
0x9f: {  	_ = 	snop  }
0xa0: {  	_ =	swait.ge [sflag:s12], $0x4000  }
0xa1: {  	[sflag:s12] =	ssyncset.done $0x0  }
0xa2: {  	[sflag:s12] =	ssyncadd.s32 $0xFFFFC000  }
0xa3: {  	_ =	sfence.sel $0x180000  }
0xa4: {  	[bflag:$0x0] =	sbarrier.arrive $0xFFFF  }
0xa5: {  	_ =	strace $0x90000050  }
0xa6: {  	s0 =	stileid.u32;
	[bflag:$0x2] =	sbarrier.arrive $0xFFFF  }
0xa7: {  	p0 =	sne.s32 s0, $0x0;
	s0 =	rddreg [dreg:$0x1]  }
0xa8: {  	s0 =	sadd.s32 @!p0 $0x100000, s0  }
0xa9: {  	[sflag:s0] =	ssyncadd.tile.s32 @!p0 $0x1;
	_ =	shalt  }
.Lfunc_end2:
_tile_overlayer_lowered:
.L_overlay_start_2:
0xaa: {  	(tag) =	ssettag $0x2  }
0xab: {  	s0 =	rddreg [dreg:$0x0];
	s2 =	stileid.u32  }
0xac: {  	s1 =	rddreg [dreg:$0x1];
	p0 =	sne.s32 s2, $0x0  }
0xad: {  	s3 =	rddreg [dreg:$0x2];
	[bflag:$0x3] =	sbarrier.arrive $0xFFFF;
	s2 =	simm.s32 @!p0 $0x1C03  }
0xae: {  	[timem:s3], [sflag:s2] =	dma.local @!p0 [hbm:s0], s1  }
0xaf: {  	s0 =	simm.s32 @!p0 $0x3  }
0xb0: {  	_ =	swait.ge @!p0 [sflag:s0], s1  }
0xb1: {  	s1 =	ssub.s32 @!p0 $0x0, s1;
	[sflag:s0] =	ssyncset.done @!p0 $0x0  }
0xb2: {  	[sflag:s0] =	ssyncadd.s32 @!p0 s1  }
0xb3: {  	[bflag:$0x3] =	sbarrier.arrive $0xFFFF  }
0xb4: {  	_ =	shalt  }

// kernel: kernel.25.cloned.1.call-start
scs
__scs_entry_jumppad:
0x0: {  	(pc) =	sbr.rel $0x88, $3  }
0x1: {  	(tag) =	ssettag $0x0;
	lr =	simm.s32 $0x1  }
0x2: {  	[smem:$0x3F9F] =	sst lr;
	_ =	strace $0xD0000000  }
0x3: {  	_ = 	snop  }
0x4: {  	_ = 	snop  }
0x5: {  	_ = 	snop  }
0x6: {  	_ = 	snop  }
0x7: {  	_ = 	snop  }
__scs_overlays_trampoline_lowered:
0x8: {  	[smem:$0x3FAE] =	sst s0  }
0x9: {  	[smem:$0x3FAF] =	sst s1  }
0xa: {  	[smem:$0x3FB0] =	sst s2  }
0xb: {  	[smem:$0x3FB1] =	sst s3  }
0xc: {  	[smem:$0x3FB2] =	sst s4  }
0xd: {  	[smem:$0x3FB3] =	sst s5  }
0xe: {  	[smem:$0x3FB4] =	sst s6  }
0xf: {  	[smem:$0x3FB5] =	sst s7  }
0x10: {  	[smem:$0x3FB6] =	sst s8  }
0x11: {  	[smem:$0x3FB7] =	sst s9;
	s0 =	simm.s32 @!p0 $0x0  }
0x12: {  	s1 =	sld [smem:$0x3F9D];
	s0 =	simm.s32 @p0 $0x1  }
0x13: {  	[smem:$0x3FB8] =	sst s0;
	s0 =	simm.s32 @!p1 $0x0  }
0x14: {  	s2 =	sld [smem:$0x3F9C];
	s0 =	simm.s32 @p1 $0x1  }
0x15: {  	[smem:$0x3FB9] =	sst s0;
	s0 =	simm.s32 @!p2 $0x0  }
0x16: {  	s3 =	sld [smem:$0x3FDB];
	s0 =	simm.s32 @p2 $0x1  }
0x17: {  	s4 =	simm.s32 $0x1BF5;
	[smem:$0x3FBB] =	sst s0  }
0x18: {  	s0 =	sld [smem:$0x3F9E];
	_ =	swait.ge [sflag:s4], $0x0  }
0x19: {  	s7 =	sld [smem:$0x3F9F]  }
0x1a: {  	s8 =	sadd.s32 $0xFFFFE003, lr  }
0x1b: {  	s9 =	sadd.s32 $0xFFFFFEF7, lr;
	s5 =	simm.s32 $0xFFFFFFFF;
	p2 =	slt.u32 s8, $0xFFFFF086  }
0x1c: {  	p1 =	slt.u32 s9, $0xF7A;
	s5 =	simm.s32 @!p2 $0x0  }
0x1d: {  	s5 =	simm.s32 @p1 $0x1;
	p0 =	seq.s32 s7, s2  }
0x1e: {  	s7 =	smul.u32 @!p0 $0xF7A, s2;
	p2 =	seq.s32 @!p0 s5, $0x0  }
0x1f: {  	s9 =	smul.u32 $0xF7A, s1;
	s8 =	simm.s32 @!p0 $0x1BF5;
	p2 =	por !p2, p0  }
0x20: {  	[sflag:s8] =	ssyncset.s32 @!p0 $0xFFFFF086;
	s6 =	sadd.s32 @!p0 s3, s7;
	s7 =	simm.s32 @!p0 $0x108  }
0x21: {  	s3 =	sadd.s32 s3, s9;
	s6 =	sadd.s32 @!p0 $0x88, s6;
	s7 =	simm.s32 @p2 $0x1082  }
0x22: {  	[simem:s7], [sflag:s8] =	dma.local @!p0 [hbm:s6], $0xF7A  }
0x23: {  	s9 =	sor.u32 $0xD0000000, s2;
	s6 =	simm.s32 $0x108;
	_ =	swait.ge @!p0 [sflag:s8], $0x0  }
0x24: {  	s3 =	sadd.s32 $0x88, s3;
	s6 =	simm.s32 @!p1 $0x1082;
	[sflag:s4] =	ssyncset.s32 $0xFFFFF086  }
0x25: {  	[simem:s6], [sflag:s4] =	dma.local [hbm:s3], $0xF7A  }
0x26: {  	[smem:$0x3F9F] =	sst s1;
	(tag) =	ssettag s2;
	_ =	strace s9  }
0x27: {  	s1 =	sld [smem:$0x3FAF]  }
0x28: {  	s2 =	sld [smem:$0x3FB0]  }
0x29: {  	s4 =	sld [smem:$0x3FB2]  }
0x2a: {  	p0 =	seq.s32 s5, $0x0;
	s5 =	sld [smem:$0x3FB3]  }
0x2b: {  	s6 =	sld [smem:$0x3FB4]  }
0x2c: {  	s7 =	sld [smem:$0x3FB5]  }
0x2d: {  	s3 =	simm.s32 $0x108;
	s8 =	sld [smem:$0x3FB6]  }
0x2e: {  	s3 =	simm.s32 @!p0 $0x1082;
	s9 =	sld [smem:$0x3FB7]  }
0x2f: {  	lr =	sadd.s32 s0, s3;
	s0 =	sld [smem:$0x3FAE]  }
0x30: {  	s3 =	sld [smem:$0x3FB1]  }
0x31: {  	[smem:$0x3FBA] =	sst s10  }
0x32: {  	s10 =	sld [smem:$0x3FB8];
	_ =	sdelay $0x3  }
0x33: {  	p0 =	seq.s32 s10, $0x1;
	s10 =	sld [smem:$0x3FBA];
	_ =	sdelay $0x3  }
0x34: {  	[smem:$0x3FBA] =	sst s10  }
0x35: {  	s10 =	sld [smem:$0x3FB9];
	_ =	sdelay $0x3  }
0x36: {  	p1 =	seq.s32 s10, $0x1;
	s10 =	sld [smem:$0x3FBA];
	_ =	sdelay $0x3  }
0x37: {  	[smem:$0x3FBA] =	sst s10  }
0x38: {  	s10 =	sld [smem:$0x3FBB]  }
0x39: {  	_ = 	snop;
	(pc) =	sbr.ind lr, $3  }
0x3a: {  	_ = 	snop  }
0x3b: {  	_ = 	snop  }
0x3c: {  	p2 =	seq.s32 s10, $0x1;
	s10 =	sld [smem:$0x3FBA]  }
0x3d: {  	_ =	shalt  }
0x3e: {  	_ =	shalt  }
0x3f: {  	_ =	shalt  }
0x40: {  	_ =	shalt  }
0x41: {  	_ =	shalt  }
0x42: {  	_ =	shalt  }
0x43: {  	_ =	shalt  }
0x44: {  	_ =	shalt  }
0x45: {  	_ =	shalt  }
0x46: {  	_ =	shalt  }
0x47: {  	_ =	shalt  }
0x48: {  	_ =	shalt  }
0x49: {  	_ =	shalt  }
0x4a: {  	_ =	shalt  }
0x4b: {  	_ =	shalt  }
0x4c: {  	_ =	shalt  }
0x4d: {  	_ =	shalt  }
0x4e: {  	_ =	shalt  }
0x4f: {  	_ =	shalt  }
0x50: {  	_ =	shalt  }
0x51: {  	_ =	shalt  }
0x52: {  	_ =	shalt  }
0x53: {  	_ =	shalt  }
0x54: {  	_ =	shalt  }
0x55: {  	_ =	shalt  }
0x56: {  	_ =	shalt  }
0x57: {  	_ =	shalt  }
0x58: {  	_ =	shalt  }
0x59: {  	_ =	shalt  }
0x5a: {  	_ =	shalt  }
0x5b: {  	_ =	shalt  }
0x5c: {  	_ =	shalt  }
0x5d: {  	_ =	shalt  }
0x5e: {  	_ =	shalt  }
0x5f: {  	_ =	shalt  }
0x60: {  	_ =	shalt  }
0x61: {  	_ =	shalt  }
0x62: {  	_ =	shalt  }
0x63: {  	_ =	shalt  }
0x64: {  	_ =	shalt  }
0x65: {  	_ =	shalt  }
0x66: {  	_ =	shalt  }
0x67: {  	_ =	shalt  }
0x68: {  	_ =	shalt  }
0x69: {  	_ =	shalt  }
0x6a: {  	_ =	shalt  }
0x6b: {  	_ =	shalt  }
0x6c: {  	_ =	shalt  }
0x6d: {  	_ =	shalt  }
0x6e: {  	_ =	shalt  }
0x6f: {  	_ =	shalt  }
0x70: {  	_ =	shalt  }
0x71: {  	_ =	shalt  }
0x72: {  	_ =	shalt  }
0x73: {  	_ =	shalt  }
0x74: {  	_ =	shalt  }
0x75: {  	_ =	shalt  }
0x76: {  	_ =	shalt  }
0x77: {  	_ =	shalt  }
0x78: {  	_ =	shalt  }
0x79: {  	_ =	shalt  }
0x7a: {  	_ =	shalt  }
0x7b: {  	_ =	shalt  }
0x7c: {  	_ =	shalt  }
0x7d: {  	_ =	shalt  }
0x7e: {  	_ =	shalt  }
0x7f: {  	_ =	shalt  }
0x80: {  	_ =	shalt  }
0x81: {  	_ =	shalt  }
0x82: {  	_ =	shalt  }
0x83: {  	_ =	shalt  }
0x84: {  	_ =	shalt  }
0x85: {  	_ =	shalt  }
0x86: {  	_ =	shalt  }
0x87: {  	_ =	shalt  }
.Lfunc_end0:
.L_simem_size_0:
called_computation.4_lowered:
.L_overlay_start_0:
0x88: {  	s2 =	sld [smem:$0x3FD9]  }
0x89: {  	s3 =	sld [smem:$0x3FFE];
	_ =	sdelay $0x1  }
0x8a: {  	s1 =	srdreg.scid  }
0x8b: {  	s0 =	sand.u32 $0x1, s1  }
0x8c: {  	s17 =	sshll.u32 s0, $0xA;
	s2 =	sadd.s32 s3, s2  }
0x8d: {  	s2 =	sadd.s32 s2, s17  }
0x8e: {  	[smem:$0x3FC6] =	sst s2  }
0x8f: {  	_ = 	snop  }
0x90: {  	(tm) =	ssettm $0x1  }
0x91: {  	s18 =	sld [smem:$0x3FFB];
	_ =	sdelay $0x3  }
0x92: {  	_ =	strace s18  }
0x93: {  	s2 =	sld [smem:$0x3FFC];
	_ =	sdelay $0x3  }
0x94: {  	_ =	strace s2  }
0x95: {  	s2 =	sld [smem:$0x3FFD];
	_ =	sdelay $0x3  }
0x96: {  	_ =	strace s2  }
0x97: {  	_ =	strace $0x8FFFFFFF  }
0x98: {  	s19 =	sld [smem:$0x3FDB];
	_ =	sdelay $0x1  }
0x99: {  	s20 =	simm.s32 $_scs_section_size  }
0x9a: {  	s4 =	simm.s32 $_size__tile_overlayer_lowered;
	s5 =	simm.s32 $_tile_overlayer_lowered  }
0x9b: {  	s6 =	simm.s32 $0x1BFF;
	s21 =	sshll.u32 s5, $0x1;
	s3 =	sadd.s32 s20, s19  }
0x9c: {  	s22 =	simm.s32 $0x0;
	s4 =	sshll.u32 s4, $0x1;
	s5 =	sadd.s32 s21, s3  }
0x9d: {  	[timem:s22], [sflag:s6] =	dma.local [hbm:s5], s4  }
0x9e: {  	_ =	swait.ge [sflag:s6], s4  }
0x9f: {  	s4 =	ssub.s32 $0x0, s4;
	[sflag:s6] =	ssyncset.done $0x0  }
0xa0: {  	[sflag:s6] =	ssyncadd.s32 s4;
	_ =	sdelay $0x1  }
0xa1: {  	s23 =	simm.s32 $0x1B8B  }
0xa2: {  	_ =	swait.ge [sflag:s23], $0x1  }
0xa3: {  	[sflag:s23] =	ssyncset.done $0x0  }
0xa4: {  	[sflag:s23] =	ssyncadd.s32 $0xFFFFFFFF  }
0xa5: {  	s4 =	sld [smem:$0x0]  }
0xa6: {  	s5 =	sand.u32 $0xFFFFFFFE, s1  }
0xa7: {  	p0 =	sne.s32 s1, s5  }
0xa8: {  	s5 =	sshll.u32 @p0 s5, $0xE  }
0xa9: {  	s5 =	sadd.s32 @p0 $0x11B8D, s5;
	s6 =	sshll.u32 @p0 s4, $0x11  }
0xaa: {  	s5 =	sor.u32 @p0 s6, s5  }
0xab: {  	[sflag:s5] =	ssyncadd.remote.s32 @p0 $0x1;
	_ =	sdelay $0x1  }
0xac: {  	s5 =	simm.s32 @p0 $0x1B8D  }
0xad: {  	_ =	swait.eq @p0 [sflag:s5], $0x1  }
0xae: {  	[sflag:s5] =	ssyncadd.s32 @p0 $0xFFFFFFFF  }
0xaf: {  	s6 =	sshll.u32 @!p0 s1, $0xE  }
0xb0: {  	s6 =	sor.u32 @!p0 $0x4000, s6;
	s5 =	simm.s32 @!p0 $0x1B8D  }
0xb1: {  	s4 =	sshll.u32 @!p0 s4, $0x11;
	s6 =	sadd.s32 @!p0 $0x11B8D, s6;
	_ =	swait.eq @!p0 [sflag:s5], $0x1  }
0xb2: {  	s4 =	sor.u32 @!p0 s4, s6;
	[sflag:s5] =	ssyncadd.s32 @!p0 $0xFFFFFFFF  }
0xb3: {  	s25 =	simm.s32 $0x1B8E;
	s24 =	sld [smem:$0x3FFE];
	[sflag:s4] =	ssyncadd.remote.s32 @!p0 $0x1  }
0xb4: {  	s26 =	simm.s32 $execute0_lowered;
	[smem:$0x3FD2] =	sst s25  }
0xb5: {  	s5 =	sshll.u32 s26, $0x1;
	_ =	strace $0x80000052;
	[dreg:$0x1] =	wrdreg $0xFFFFFFFF  }
0xb6: {  	s28 =	simm.s32 $_size_execute0_lowered;
	s3 =	sadd.s32 s3, s5;
	[dreg:$0x0] =	wrdreg $0x0  }
0xb7: {  	s5 =	sshll.u32 s28, $0x1;
	[dreg:$0x2] =	wrdreg s3  }
0xb8: {  	[dreg:$0x3] =	wrdreg s5  }
0xb9: {  	[dreg:$0x4] =	wrdreg $0xC0  }
0xba: {  	_ =	task [dreg:s22], $0x5FFFF  }
0xbb: {  	[dreg:$0x1] =	wrdreg $0xFFFFFFFF  }
0xbc: {  	[dreg:$0x0] =	wrdreg $0x60  }
0xbd: {  	[dreg:$0x2] =	wrdreg s24  }
0xbe: {  	[dreg:$0x3] =	wrdreg $0xD  }
0xbf: {  	_ =	task.clear_ibuf [dreg:s22], $0x4FFFF;
	_ =	strace $0x90000052  }
0xc0: {  	s29 =	simm.s32 $0xD;
	_ =	strace $0x80000054  }
0xc1: {  	_ =	swait.ge [sflag:s29], $0x1  }
0xc2: {  	[sflag:s29] =	ssyncadd.s32 $0xFFFFFFFF  }
0xc3: {  	_ =	strace $0x90000054  }
0xc4: {  	_ =	sfence  }
0xc5: {  	s30 =	sld [smem:$0x0];
	_ =	sdelay $0x2  }
0xc6: {  	s31 =	sshll.u32 s1, $0xD;
	s1 =	sshrl.u32 s1, $0x2  }
0xc7: {  	s4 =	sand.u32 $0x4000, s31;
	s1 =	sadd.s32 s1, s30  }
0xc8: {  	s0 =	sor.u32 s4, s0;
	s1 =	sshll.u32 s1, $0x11  }
0xc9: {  	s0 =	sor.u32 s1, s0  }
0xca: {  	s0 =	sadd.s32 $0x8F2B, s0  }
0xcb: {  	[sflag:s0] =	ssyncadd.remote.s32 $0x1  }
0xcc: {  	_ =	sfence.sel $0xFFFF  }
0xcd: {  	[dreg:$0x0] =	wrdreg $0xFFFFFFFF;
	(pc) =	sbr.abs _section_cstart, $3  }
0xce: {  	[dreg:$0x1] =	wrdreg $0xFFFFFFFF  }
0xcf: {  	_ =	task.clear_ibuf [dreg:s22], $0x2FFFF;
	_ =	strace $0x9FFFFFFF  }
0xd0: {  	(tm) =	ssettm $0x7FFFFFFF  }
0xd1: {  	_ =	shalt  }
tec
execute0_lowered:
.L_overlay_start_1:
0x0: {  	(tag) =	ssettag $0x1  }
0x1: {  	s0 =	rddreg [dreg:$0x0]  }
0x2: {  	s3 =	srdreg.scid;
	s1 =	stileid.u32;
	s2 =	simm.s32 $0x0  }
0x3: {  	s25 =	simm.s32 $0x280;
	s26 =	simm.s32 $0x5400;
	s28 =	simm.s32 $0x300  }
0x4: {  	s29 =	simm.s32 $0x6400;
	s19 =	simm.s32 $0x3400;
	s30 =	simm.s32 $0x380  }
0x5: {  	s31 =	simm.s32 $0x7400;
	s9 =	sand.u32 $0x1, s3;
	s20 =	sshll.u32 s1, $0x1  }
0x6: {  	[smem:$0x7FF] =	sst s2;
	s3 =	sadd.s32 $0x27800, s0;
	s8 =	smul.u32 $0x2800, s1  }
0x7: {  	s11 =	smul.u32 $0x140000, s1;
	_ =	strace $0x80000053;
	[dreg:$0x4] =	wrdreg s25  }
0x8: {  	s5 =	sadd.s32 $0x5E7800, s0;
	s22 =	smul.u32 $0x50000, s1;
	[dreg:$0x5] =	wrdreg s26  }
0x9: {  	s4 =	sor.u32 s9, s20;
	s10 =	smul.u32 $0x1400, s9;
	[dreg:$0x6] =	wrdreg s28  }
0xa: {  	s7 =	ssub.s32 $0x2, s9;
	s12 =	smul.u32 $0xA0000, s9;
	[dreg:$0x7] =	wrdreg s29  }
0xb: {  	s14 =	smul.u32 $0x28000, s9;
	s20 =	simm.s32 $0x200;
	[dreg:$0x8] =	wrdreg s30  }
0xc: {  	[dreg:$0x9] =	wrdreg s31;
	s25 =	simm.s32 $0x0;
	s21 =	sshrl.u32 s7, $0x1  }
0xd: {  	s6 =	smul.u32 $0x1400, s4;
	s4 =	sadd.s32 $0x11800, s0;
	s0 =	ssub.s32 s7, s21  }
0xe: {  	s10 =	sadd.s32 s10, s8;
	s9 =	sadd.s32 s12, s11;
	s12 =	simm.s32 $0x3  }
0xf: {  	s21 =	simm.s32 $0x4400;
	s6 =	sshrl.u32 s6, $0x3;
	s7 =	smax.u32 s0, $0x1  }
0x10: {  	s8 =	sadd.s32 $0x400, s10;
	s13 =	sshrl.u32 s10, $0x7;
	s15 =	sor.u32 $0x200, s10  }
0x11: {  	s10 =	sadd.s32 s14, s22;
	s14 =	simm.s32 $0x400;
	s22 =	simm.s32 $0x1  }
0x12: {  	s6 =	sadd.s32 s4, s6;
	[dreg:$0x2] =	wrdreg s13;
	s23 =	sshrl.u32 s15, $0x7  }
0x13: {  	s24 =	sshrl.u32 s15, $0x3;
	s13 =	simm.s32 $0x80;
	[dreg:$0x3] =	wrdreg s23  }
0x14: {  	s11 =	sadd.s32 s24, s4;
	s23 =	simm.s32 $0x20;
	s24 =	simm.s32 $0x2  }
.LBB2_1:
0x15: {  	[tilespmem:s2], [sflag:$0x3] =	stream.linear.gather [hbm4b:s6+s2], $0x200, $0x38;
	[tilespmem:$0x8400] =	vst v63  }
0x16: {  	_ =	swait.ge [sflag:s12], $0x200  }
0x17: {  	[sflag:s12] =	ssyncset.done $0x0  }
0x18: {  	[sflag:s12] =	ssyncadd.s32 $0xFFFFFE00  }
0x19: {  	[tilespmem:s14], [sflag:$0x1] =	stream.indirect.gather [hbm4b:s3+s13], $0x20, s2, s13, $0xb8;
	[tilespmem:$0x8400] =	vst v63  }
0x1a: {  	s0 =	simm.s32 $0x1400  }
0x1b: {  	[tilespmem:s0], [sflag:$0x1] =	stream.indirect.gather [hbm4b:s3+s13], $0x20, s13, s13, $0xb8;
	[tilespmem:$0x8400] =	vst v63  }
0x1c: {  	s18 =	simm.s32 $0x100;
	s1 =	simm.s32 $0x2400  }
0x1d: {  	[tilespmem:s1], [sflag:$0x1] =	stream.indirect.gather [hbm4b:s3+s13], $0x20, s18, s13, $0xb8;
	[tilespmem:$0x8400] =	vst v63  }
0x1e: {  	s26 =	simm.s32 $0x180  }
0x1f: {  	[tilespmem:s19], [sflag:$0x1] =	stream.indirect.gather [hbm4b:s3+s13], $0x20, s26, s13, $0xb8;
	[tilespmem:$0x8400] =	vst v63  }
0x20: {  	_ = 	snop  }
0x21: {  	[tilespmem:s20], [sflag:$0x3] =	stream.linear.gather [hbm4b:s11+s2], $0x200, $0x38;
	[tilespmem:$0x8400] =	vst v63  }
0x22: {  	_ =	swait.ge [sflag:s12], $0x200  }
0x23: {  	s1 =	rddreg [dreg:$0x8]  }
0x24: {  	s26 =	rddreg [dreg:$0x6];
	[sflag:s12] =	ssyncset.done $0x0  }
0x25: {  	s28 =	rddreg [dreg:$0x4];
	[sflag:s12] =	ssyncadd.s32 $0xFFFFFE00  }
0x26: {  	[tilespmem:s21], [sflag:$0x2] =	stream.indirect.gather [hbm4b:s3+s13], $0x20, s20, s13, $0xb8;
	[tilespmem:$0x8400] =	vst v63  }
0x27: {  	s29 =	rddreg [dreg:$0x5]  }
0x28: {  	[tilespmem:s29], [sflag:$0x2] =	stream.indirect.gather [hbm4b:s3+s13], $0x20, s28, s13, $0xb8;
	[tilespmem:$0x8400] =	vst v63  }
0x29: {  	s30 =	rddreg [dreg:$0x7]  }
0x2a: {  	[tilespmem:s30], [sflag:$0x2] =	stream.indirect.gather [hbm4b:s3+s13], $0x20, s26, s13, $0xb8;
	[tilespmem:$0x8400] =	vst v63  }
0x2b: {  	s28 =	rddreg [dreg:$0x9]  }
0x2c: {  	[tilespmem:s28], [sflag:$0x2] =	stream.indirect.gather [hbm4b:s3+s13], $0x20, s1, s13, $0xb8;
	[tilespmem:$0x8400] =	vst v63  }
0x2d: {  	_ =	swait.ge [sflag:s22], $0x1000  }
0x2e: {  	[sflag:s22] =	ssyncset.done $0x0  }
0x2f: {  	[sflag:s22] =	ssyncadd.s32 $0xFFFFF000  }
0x30: {  	_ =	swait.ge [sflag:s22], $0x1000  }
0x31: {  	[sflag:s22] =	ssyncset.done $0x0  }
0x32: {  	[sflag:s22] =	ssyncadd.s32 $0xFFFFF000  }
0x33: {  	_ =	swait.ge [sflag:s22], $0x1000  }
0x34: {  	[sflag:s22] =	ssyncset.done $0x0  }
0x35: {  	[sflag:s22] =	ssyncadd.s32 $0xFFFFF000  }
0x36: {  	_ =	swait.ge [sflag:s22], $0x1000  }
0x37: {  	s15 =	rddreg [dreg:$0x2]  }
0x38: {  	s16 =	sand.u32 $0x7FF80000, s10;
	s28 =	sand.u32 $0x60000, s9;
	s0 =	sadd.s32 $0x0, s15  }
0x39: {  	s26 =	sor.u32 s28, s16;
	s0 =	sand.u32 $0x60, s0  }
0x3a: {  	s0 =	sor.u32 s0, s26  }
0x3b: {  	[sflag:s22] =	ssyncset.done $0x0;
	s0 =	sshrl.u32 s0, $0x3  }
0x3c: {  	[sflag:s22] =	ssyncadd.s32 $0xFFFFF000;
	s0 =	sadd.s32 s5, s0  }
0x3d: {  	[hbm4b:s0+s23] =	stream.strided.scatter [tilespmem:s14], [sflag:$0x3], $0x4000, s13, s23, $0x38;
	[tilespmem:$0x8400] =	vst v63  }
0x3e: {  	p0 =	por $0x0, $0x0;
	_ =	swait.ge [sflag:s12], $0x4000  }
0x3f: {  	s28 =	simm.s32 @!p0 $0x0;
	s0 =	sshrl.u32 @!p0 s8, $0x3;
	[sflag:s12] =	ssyncset.done $0x0  }
0x40: {  	s26 =	simm.s32 @!p0 $0x3;
	s0 =	sadd.s32 @!p0 s4, s0;
	[sflag:s12] =	ssyncadd.s32 $0xFFFFC000  }
0x41: {  	[tilespmem:s28], [sflag:$0x3] =	stream.linear.gather @!p0 [hbm4b:s0+s28], $0x200, $0x38;
	[tilespmem:$0x8400] =	vst v63  }
0x42: {  	_ =	swait.ge @!p0 [sflag:s26], $0x200  }
0x43: {  	[sflag:s26] =	ssyncset.done @!p0 $0x0  }
0x44: {  	s0 =	simm.s32 @!p0 $0x80;
	[sflag:s26] =	ssyncadd.s32 @!p0 $0xFFFFFE00;
	s26 =	simm.s32 @!p0 $0x400  }
0x45: {  	[tilespmem:s26], [sflag:$0x1] =	stream.indirect.gather @!p0 [hbm4b:s3+s0], $0x20, s28, s0, $0xb8;
	[tilespmem:$0x8400] =	vst v63  }
0x46: {  	s26 =	simm.s32 @!p0 $0x1400  }
0x47: {  	[tilespmem:s26], [sflag:$0x1] =	stream.indirect.gather @!p0 [hbm4b:s3+s0], $0x20, s0, s0, $0xb8;
	[tilespmem:$0x8400] =	vst v63  }
0x48: {  	s28 =	simm.s32 @!p0 $0x2400;
	s26 =	simm.s32 @!p0 $0x100  }
0x49: {  	[tilespmem:s28], [sflag:$0x1] =	stream.indirect.gather @!p0 [hbm4b:s3+s0], $0x20, s26, s0, $0xb8;
	[tilespmem:$0x8400] =	vst v63  }
0x4a: {  	s26 =	simm.s32 @!p0 $0x180;
	s28 =	simm.s32 @!p0 $0x3400  }
0x4b: {  	[tilespmem:s28], [sflag:$0x1] =	stream.indirect.gather @!p0 [hbm4b:s3+s0], $0x20, s26, s0, $0xb8;
	[tilespmem:$0x8400] =	vst v63  }
0x4c: {  	_ =	swait.ge [sflag:s24], $0x1000  }
0x4d: {  	[sflag:s24] =	ssyncset.done $0x0  }
0x4e: {  	[sflag:s24] =	ssyncadd.s32 $0xFFFFF000  }
0x4f: {  	_ =	swait.ge [sflag:s24], $0x1000  }
0x50: {  	[sflag:s24] =	ssyncset.done $0x0  }
0x51: {  	[sflag:s24] =	ssyncadd.s32 $0xFFFFF000  }
0x52: {  	_ =	swait.ge [sflag:s24], $0x1000  }
0x53: {  	[sflag:s24] =	ssyncset.done $0x0  }
0x54: {  	[sflag:s24] =	ssyncadd.s32 $0xFFFFF000  }
0x55: {  	_ =	swait.ge [sflag:s24], $0x1000  }
0x56: {  	s18 =	sadd.s32 $0x4000, s10;
	s28 =	sadd.s32 $0x10000, s9;
	s17 =	rddreg [dreg:$0x3]  }
0x57: {  	s26 =	sand.u32 $0x7FF80000, s18;
	s28 =	sand.u32 $0x70000, s28;
	s0 =	sadd.s32 $0x0, s17  }
0x58: {  	s31 =	smov.u32 s8;
	s26 =	sor.u32 s28, s26;
	s0 =	sand.u32 $0x60, s0  }
0x59: {  	s29 =	sadd.s32 $0x8000, s10;
	s30 =	sadd.s32 $0x20000, s9;
	s0 =	sor.u32 s0, s26  }
0x5a: {  	s28 =	sadd.s32 $0x80, s11;
	[sflag:s24] =	ssyncset.done $0x0;
	s0 =	sshrl.u32 s0, $0x3  }
0x5b: {  	[sflag:s24] =	ssyncadd.s32 $0xFFFFF000;
	s26 =	simm.s32 $0x8;
	s0 =	sadd.s32 s5, s0  }
0x5c: {  	[hbm4b:s0+s23] =	stream.strided.scatter [tilespmem:s21], [sflag:$0x3], $0x4000, s13, s23, $0x38;
	[tilespmem:$0x8400] =	vst v63  }
.LBB2_2:
0x5d: {  	_ =	swait.ge [sflag:s12], $0x4000  }
0x5e: {  	[sflag:s12] =	ssyncset.done $0x0  }
0x5f: {  	[sflag:s12] =	ssyncadd.s32 $0xFFFFC000  }
0x60: {  	[tilespmem:s20], [sflag:$0x3] =	stream.linear.gather [hbm4b:s28+s2], $0x200, $0x38;
	[tilespmem:$0x8400] =	vst v63  }
0x61: {  	_ =	swait.ge [sflag:s12], $0x200  }
0x62: {  	s1 =	rddreg [dreg:$0x8]  }
0x63: {  	[sflag:s12] =	ssyncset.done $0x0;
	s15 =	rddreg [dreg:$0x6]  }
0x64: {  	s16 =	rddreg [dreg:$0x4];
	[sflag:s12] =	ssyncadd.s32 $0xFFFFFE00  }
0x65: {  	[tilespmem:s21], [sflag:$0x2] =	stream.indirect.gather [hbm4b:s3+s13], $0x20, s20, s13, $0xb8;
	[tilespmem:$0x8400] =	vst v63  }
0x66: {  	s17 =	rddreg [dreg:$0x5]  }
0x67: {  	[tilespmem:s17], [sflag:$0x2] =	stream.indirect.gather [hbm4b:s3+s13], $0x20, s16, s13, $0xb8;
	[tilespmem:$0x8400] =	vst v63  }
0x68: {  	s18 =	rddreg [dreg:$0x7]  }
0x69: {  	[tilespmem:s18], [sflag:$0x2] =	stream.indirect.gather [hbm4b:s3+s13], $0x20, s15, s13, $0xb8;
	[tilespmem:$0x8400] =	vst v63  }
0x6a: {  	s17 =	rddreg [dreg:$0x9]  }
0x6b: {  	[tilespmem:s17], [sflag:$0x2] =	stream.indirect.gather [hbm4b:s3+s13], $0x20, s1, s13, $0xb8;
	[tilespmem:$0x8400] =	vst v63  }
0x6c: {  	_ =	swait.ge [sflag:s22], $0x1000  }
0x6d: {  	[sflag:s22] =	ssyncset.done $0x0  }
0x6e: {  	[sflag:s22] =	ssyncadd.s32 $0xFFFFF000  }
0x6f: {  	_ =	swait.ge [sflag:s22], $0x1000  }
0x70: {  	[sflag:s22] =	ssyncset.done $0x0  }
0x71: {  	[sflag:s22] =	ssyncadd.s32 $0xFFFFF000  }
0x72: {  	_ =	swait.ge [sflag:s22], $0x1000  }
0x73: {  	[sflag:s22] =	ssyncset.done $0x0  }
0x74: {  	[sflag:s22] =	ssyncadd.s32 $0xFFFFF000  }
0x75: {  	_ =	swait.ge [sflag:s22], $0x1000  }
0x76: {  	s0 =	smov.u32 s26;
	s15 =	rddreg [dreg:$0x2]  }
0x77: {  	s16 =	sand.u32 $0x7FF80000, s29;
	s17 =	sand.u32 $0x60000, s30;
	s1 =	sadd.s32 s0, s15  }
0x78: {  	s15 =	sor.u32 s17, s16;
	s1 =	sand.u32 $0x60, s1  }
0x79: {  	s1 =	sor.u32 s1, s15  }
0x7a: {  	[sflag:s22] =	ssyncset.done $0x0;
	s1 =	sshrl.u32 s1, $0x3  }
0x7b: {  	[sflag:s22] =	ssyncadd.s32 $0xFFFFF000;
	s1 =	sadd.s32 s5, s1  }
0x7c: {  	[hbm4b:s1+s23] =	stream.strided.scatter [tilespmem:s14], [sflag:$0x3], $0x4000, s13, s23, $0x38;
	[tilespmem:$0x8400] =	vst v63  }
0x7d: {  	s31 =	sadd.s32 $0x400, s31;
	p1 =	seq.s32 s0, $0x20;
	_ =	swait.ge [sflag:s12], $0x4000  }
0x7e: {  	s16 =	simm.s32 @!p1 $0x0;
	s1 =	sshrl.u32 @!p1 s31, $0x3;
	[sflag:s12] =	ssyncset.done $0x0  }
0x7f: {  	s15 =	simm.s32 @!p1 $0x3;
	s1 =	sadd.s32 @!p1 s4, s1;
	[sflag:s12] =	ssyncadd.s32 $0xFFFFC000  }
0x80: {  	[tilespmem:s16], [sflag:$0x3] =	stream.linear.gather @!p1 [hbm4b:s1+s16], $0x200, $0x38;
	[tilespmem:$0x8400] =	vst v63  }
0x81: {  	_ =	swait.ge @!p1 [sflag:s15], $0x200  }
0x82: {  	[sflag:s15] =	ssyncset.done @!p1 $0x0  }
0x83: {  	s1 =	simm.s32 @!p1 $0x80;
	[sflag:s15] =	ssyncadd.s32 @!p1 $0xFFFFFE00;
	s15 =	simm.s32 @!p1 $0x400  }
0x84: {  	[tilespmem:s15], [sflag:$0x1] =	stream.indirect.gather @!p1 [hbm4b:s3+s1], $0x20, s16, s1, $0xb8;
	[tilespmem:$0x8400] =	vst v63  }
0x85: {  	s15 =	simm.s32 @!p1 $0x1400  }
0x86: {  	[tilespmem:s15], [sflag:$0x1] =	stream.indirect.gather @!p1 [hbm4b:s3+s1], $0x20, s1, s1, $0xb8;
	[tilespmem:$0x8400] =	vst v63  }
0x87: {  	s16 =	simm.s32 @!p1 $0x2400;
	s15 =	simm.s32 @!p1 $0x100  }
0x88: {  	[tilespmem:s16], [sflag:$0x1] =	stream.indirect.gather @!p1 [hbm4b:s3+s1], $0x20, s15, s1, $0xb8;
	[tilespmem:$0x8400] =	vst v63  }
0x89: {  	s15 =	simm.s32 @!p1 $0x180;
	s16 =	simm.s32 @!p1 $0x3400  }
0x8a: {  	[tilespmem:s16], [sflag:$0x1] =	stream.indirect.gather @!p1 [hbm4b:s3+s1], $0x20, s15, s1, $0xb8;
	[tilespmem:$0x8400] =	vst v63  }
0x8b: {  	_ =	swait.ge [sflag:s24], $0x1000  }
0x8c: {  	[sflag:s24] =	ssyncset.done $0x0  }
0x8d: {  	[sflag:s24] =	ssyncadd.s32 $0xFFFFF000  }
0x8e: {  	_ =	swait.ge [sflag:s24], $0x1000  }
0x8f: {  	[sflag:s24] =	ssyncset.done $0x0  }
0x90: {  	[sflag:s24] =	ssyncadd.s32 $0xFFFFF000  }
0x91: {  	_ =	swait.ge [sflag:s24], $0x1000  }
0x92: {  	[sflag:s24] =	ssyncset.done $0x0  }
0x93: {  	s26 =	sadd.s32 $0x8, s26;
	[sflag:s24] =	ssyncadd.s32 $0xFFFFF000  }
0x94: {  	p0 =	sne.s32 s26, $0x28;
	_ =	swait.ge [sflag:s24], $0x1000  }
0x95: {  	s17 =	sadd.s32 $0x10000, s30;
	s16 =	sadd.s32 $0x4000, s29;
	s18 =	rddreg [dreg:$0x3]  }
0x96: {  	s15 =	sand.u32 $0x7FF80000, s16;
	s16 =	sand.u32 $0x70000, s17;
	s0 =	sadd.s32 s0, s18  }
.Ltmp0:
0x97: {  	s18 =	sor.u32 s16, s15;
	s0 =	sand.u32 $0x60, s0;
	(pc) =	sbr.rel @p0 .LBB2_2-.Ltmp0, $4  }
0x98: {  	s28 =	sadd.s32 $0x80, s28;
	s0 =	sor.u32 s0, s18  }
0x99: {  	s30 =	sadd.s32 $0x20000, s30;
	[sflag:s24] =	ssyncset.done $0x0;
	s0 =	sshrl.u32 s0, $0x3  }
0x9a: {  	s29 =	sadd.s32 $0x8000, s29;
	[sflag:s24] =	ssyncadd.s32 $0xFFFFF000;
	s0 =	sadd.s32 s5, s0  }
0x9b: {  	[hbm4b:s0+s23] =	stream.strided.scatter [tilespmem:s21], [sflag:$0x3], $0x4000, s13, s23, $0x38;
	[tilespmem:$0x8400] =	vst v63  }
0x9c: {  	s25 =	sadd.s32 $0x1, s25  }
0x9d: {  	p0 =	sne.s32 s25, s7  }
.Ltmp1:
0x9e: {  	_ = 	snop;
	(pc) =	sbr.rel @p0 .LBB2_1-.Ltmp1, $4  }
0x9f: {  	_ = 	snop  }
0xa0: {  	_ =	swait.ge [sflag:s12], $0x4000  }
0xa1: {  	[sflag:s12] =	ssyncset.done $0x0  }
0xa2: {  	[sflag:s12] =	ssyncadd.s32 $0xFFFFC000  }
0xa3: {  	_ =	sfence.sel $0x180000  }
0xa4: {  	[bflag:$0x0] =	sbarrier.arrive $0xFFFF  }
0xa5: {  	_ =	strace $0x90000053  }
0xa6: {  	s0 =	stileid.u32;
	[bflag:$0x2] =	sbarrier.arrive $0xFFFF  }
0xa7: {  	p0 =	sne.s32 s0, $0x0;
	s0 =	rddreg [dreg:$0x1]  }
0xa8: {  	s0 =	sadd.s32 @!p0 $0x100000, s0  }
0xa9: {  	[sflag:s0] =	ssyncadd.tile.s32 @!p0 $0x1;
	_ =	shalt  }
.Lfunc_end2:
_tile_overlayer_lowered:
.L_overlay_start_2:
0xaa: {  	(tag) =	ssettag $0x2  }
0xab: {  	s0 =	rddreg [dreg:$0x0];
	s2 =	stileid.u32  }
0xac: {  	s1 =	rddreg [dreg:$0x1];
	p0 =	sne.s32 s2, $0x0  }
0xad: {  	s3 =	rddreg [dreg:$0x2];
	[bflag:$0x3] =	sbarrier.arrive $0xFFFF;
	s2 =	simm.s32 @!p0 $0x1C03  }
0xae: {  	[timem:s3], [sflag:s2] =	dma.local @!p0 [hbm:s0], s1  }
0xaf: {  	s0 =	simm.s32 @!p0 $0x3  }
0xb0: {  	_ =	swait.ge @!p0 [sflag:s0], s1  }
0xb1: {  	s1 =	ssub.s32 @!p0 $0x0, s1;
	[sflag:s0] =	ssyncset.done @!p0 $0x0  }
0xb2: {  	[sflag:s0] =	ssyncadd.s32 @!p0 s1  }
0xb3: {  	[bflag:$0x3] =	sbarrier.arrive $0xFFFF  }
0xb4: {  	_ =	shalt  }

</sc_bundles>
